<compile_context>
chip_gen: v7x
topology: tpu7x:2x2x1
jax: 0.10.2.dev20260603
libtpu: 0.0.44.dev20260713+nightly
codegen_flags: <defaults>
</compile_context>

<pallas_src>
import jax
import jax.numpy as jnp
from jax import lax
from jax.experimental import pallas as pl
from jax.experimental.pallas import tpu as pltpu
from jax.experimental.pallas import tpu_sc as plsc

f32 = jnp.float32
i32 = jnp.int32

N = 10000
E = 320000
F = 128
TW = 16
NC, NS = 2, 16
NW = NC * NS
EPW = E // NW
BB = 80
NB = EPW // BB
NPAD = 10240
ZROWS_PT = NPAD // NS

_MESH = plsc.VectorSubcoreMesh(
    core_axis_name="c", subcore_axis_name="s", num_cores=NC, num_subcores=NS)
_SC_PARAMS = pltpu.CompilerParams(
    needs_layout_passes=False, use_tc_tiling_on_sc=False)



def _blk(shape, imap):
    return pl.BlockSpec(shape, imap)


def _tc_prep(xin, W, Asrc, Adst):
    def body(x_r, w_r, as_r, ad_r, h_r, s_r, d_r):
        h = jnp.dot(x_r[...], w_r[...], preferred_element_type=f32)
        h_r[...] = h
        s_r[...] = jnp.dot(h, as_r[...], preferred_element_type=f32, precision=lax.Precision.HIGHEST)
        d_r[...] = jnp.dot(h, ad_r[...], preferred_element_type=f32, precision=lax.Precision.HIGHEST)
    nb = 10
    bn = N // nb
    return pl.pallas_call(
        body,
        grid=(nb,),
        in_specs=[_blk((bn, F), lambda i: (i, 0)),
                  _blk((F, F), lambda i: (0, 0)),
                  _blk((F, TW), lambda i: (0, 0)),
                  _blk((F, TW), lambda i: (0, 0))],
        out_specs=[_blk((bn, F), lambda i: (i, 0)),
                   _blk((bn, TW), lambda i: (i, 0)),
                   _blk((bn, TW), lambda i: (i, 0))],
        out_shape=[jax.ShapeDtypeStruct((N, F), f32),
                   jax.ShapeDtypeStruct((N, TW), f32),
                   jax.ShapeDtypeStruct((N, TW), f32)],
    )(xin, W, Asrc, Adst)


def _tc_mid(oparts, dparts, b1, W2, Asrc, Adst):
    nb = 10
    bn = N // nb

    def body(p_r, dp_r, b_r, w_r, as_r, ad_r, h2_r, s_r, d_r):
        raw = p_r[0] + p_r[1]
        den = dp_r[0] + dp_r[1]
        rd = 1.0 / (den[:, 0:8] + 1e-16)
        rde = jnp.reshape(
            jnp.broadcast_to(rd[:, :, None], (bn, 8, 16)), (bn, F))
        h = jax.nn.relu(raw * rde + b_r[...])
        h2 = jnp.dot(h, w_r[...], preferred_element_type=f32)
        h2_r[...] = h2
        s_r[...] = jnp.dot(h2, as_r[...], preferred_element_type=f32, precision=lax.Precision.HIGHEST)
        d_r[...] = jnp.dot(h2, ad_r[...], preferred_element_type=f32, precision=lax.Precision.HIGHEST)

    return pl.pallas_call(
        body,
        grid=(nb,),
        in_specs=[_blk((NC, bn, F), lambda i: (0, i, 0)),
                  _blk((NC, bn, TW), lambda i: (0, i, 0)),
                  _blk((1, F), lambda i: (0, 0)),
                  _blk((F, F), lambda i: (0, 0)),
                  _blk((F, TW), lambda i: (0, 0)),
                  _blk((F, TW), lambda i: (0, 0))],
        out_specs=[_blk((bn, F), lambda i: (i, 0)),
                   _blk((bn, TW), lambda i: (i, 0)),
                   _blk((bn, TW), lambda i: (i, 0))],
        out_shape=[jax.ShapeDtypeStruct((N, F), f32),
                   jax.ShapeDtypeStruct((N, TW), f32),
                   jax.ShapeDtypeStruct((N, TW), f32)],
    )(oparts, dparts, b1, W2, Asrc, Adst)


def _tc_final(oparts, dparts, b2, Wc1, bc1, Wc2p, bc2p):
    nb = 10
    bn = N // nb

    def body(p_r, dp_r, b_r, w1_r, b1_r, w2_r, b2_r, emb_r, lg_r):
        raw = p_r[0] + p_r[1]
        den = dp_r[0] + dp_r[1]
        rd = 1.0 / (den[:, 0:1] + 1e-16)
        emb = raw * jnp.broadcast_to(rd, (bn, F)) + b_r[...]
        emb_r[...] = emb
        hc = jax.nn.relu(jnp.dot(emb, w1_r[...], preferred_element_type=f32)
                         + b1_r[...])
        lg_r[...] = jnp.dot(hc, w2_r[...], preferred_element_type=f32) + b2_r[...]

    return pl.pallas_call(
        body,
        grid=(nb,),
        in_specs=[_blk((NC, bn, F), lambda i: (0, i, 0)),
                  _blk((NC, bn, TW), lambda i: (0, i, 0)),
                  _blk((1, F), lambda i: (0, 0)),
                  _blk((F, F), lambda i: (0, 0)),
                  _blk((1, F), lambda i: (0, 0)),
                  _blk((F, F), lambda i: (0, 0)),
                  _blk((1, F), lambda i: (0, 0))],
        out_specs=[_blk((bn, F), lambda i: (i, 0)),
                   _blk((bn, F), lambda i: (i, 0))],
        out_shape=[jax.ShapeDtypeStruct((N, F), f32),
                   jax.ShapeDtypeStruct((N, F), f32)],
    )(oparts, dparts, b2, Wc1, bc1, Wc2p, bc2p)



def _sc_edge(src, dst, S, D, h, Z8, Z128, hs):

    def body(src_r, dst_r, s_r, d_r, h_r, z8_r, z128_r, dp_r, op_r,
             si0, di0, dw0, sg0, dg0, ex0, hb0,
             si1, di1, dw1, sg1, dg1, ex1, hb1,
             is0, is1, i2s0, i2s1, gs0, gs1, ws0, ws1, dsh, osh):
        tid = lax.axis_index("s")
        cid = lax.axis_index("c")
        wid = cid * NS + tid
        ebase = wid * EPW
        sets = ((si0, di0, dw0, sg0, dg0, ex0, hb0, is0, i2s0, gs0, ws0),
                (si1, di1, dw1, sg1, dg1, ex1, hb1, is1, i2s1, gs1, ws1))

        def zinit(c, carry):
            r0 = tid * ZROWS_PT + c * BB
            pltpu.sync_copy(z8_r.at[pl.ds(r0, BB)], ex0)
            pltpu.sync_copy(ex0, dsh.at[pl.ds(r0, BB)])
            pltpu.sync_copy(z128_r.at[pl.ds(r0, BB)], hb0)
            pltpu.sync_copy(hb0, osh.at[pl.ds(r0, BB)])
            return carry

        lax.fori_loop(0, ZROWS_PT // BB, zinit, 0)
        pltpu.sync_copy(z8_r.at[pl.ds(0, BB)], ex0)
        pltpu.sync_copy(z8_r.at[pl.ds(0, BB)], ex1)
        plsc.subcore_barrier()

        rowpat = lax.iota(i32, 16) >> 3
        cols8 = lax.iota(i32, 16) & 7
        zeros16 = jnp.zeros((16,), i32)
        hcols = cols8 if hs == 1 else zeros16

        def i1_cps(b, s):
            base = ebase + b * BB
            return (pltpu.make_async_copy(src_r.at[pl.ds(base, BB)], s[0], s[7]),
                    pltpu.make_async_copy(dst_r.at[pl.ds(base, BB)], s[1], s[7]))

        def i2_cps(b, s):
            base = ebase + b * BB
            return (pltpu.make_async_copy(dst_r.at[pl.ds(base, BB)], s[2], s[8]),)

        def g_cps(s):
            return (pltpu.make_async_copy(s_r.at[s[0]], s[3], s[9]),
                    pltpu.make_async_copy(d_r.at[s[1]], s[4], s[9]),
                    pltpu.make_async_copy(h_r.at[s[0]], s[6], s[9]))

        def w_start(s):
            pltpu.async_copy(s[5], dsh.at[s[2]], s[10], add=True)
            pltpu.async_copy(s[6], osh.at[s[2]], s[10], add=True)

        def w_wait(s):
            pltpu.make_async_copy(s[5], dsh.at[s[2]], s[10]).wait()
            pltpu.make_async_copy(s[6], osh.at[s[2]], s[10]).wait()

        def start(cps):
            for c in cps:
                c.start()

        def wait(cps):
            for c in cps:
                c.wait()

        def compute(s):
            sg, dg, exb, hb = s[3], s[4], s[5], s[6]

            def pair(k, c2):
                rows = rowpat + 2 * k
                a = (plsc.load_gather(sg, [rows, cols8])
                     + plsc.load_gather(dg, [rows, cols8]))
                a = jnp.where(a > 0, a, 0.2 * a)
                plsc.store_scatter(exb, [rows, cols8], jnp.exp(a))
                return c2

            lax.fori_loop(0, BB // 2, pair, 0, unroll=4)

            def edge(e, c2):
                esplat = zeros16 + e
                wrow = plsc.load_gather(exb, [esplat, hcols])
                for j in range(8):
                    if hs == 1:
                        wj = jnp.take_along_axis(wrow, zeros16 + j, axis=0,
                                                 mode="promise_in_bounds")
                    else:
                        wj = wrow
                    hb[e, pl.ds(j * 16, 16)] = hb[e, pl.ds(j * 16, 16)] * wj
                return c2

            lax.fori_loop(0, BB, edge, 0, unroll=2)

        for b, s in ((0, sets[0]), (1, sets[1])):
            start(i1_cps(b, s))
            start(i2_cps(b, s))
        for b, s in ((0, sets[0]), (1, sets[1])):
            wait(i1_cps(b, s))
            start(g_cps(s))

        def iter_pair(t, carry):
            a = 2 * t
            for off in (0, 1):
                s = sets[off]
                b = a + off
                nxt = b + 2
                wait(g_cps(s))

                @pl.when(nxt < NB)
                def _():
                    start(i1_cps(nxt, s))

                compute(s)
                wait(i2_cps(b, s))
                w_start(s)
            for off in (0, 1):
                s = sets[off]
                b = a + off
                nxt = b + 2
                w_wait(s)

                @pl.when(nxt < NB)
                def _():
                    start(i2_cps(nxt, s))
                    wait(i1_cps(nxt, s))
                    start(g_cps(s))

            return carry

        lax.fori_loop(0, NB // 2, iter_pair, 0)

        sA = sets[0]
        wait(g_cps(sA))
        compute(sA)
        wait(i2_cps(NB - 1, sA))
        w_start(sA)
        w_wait(sA)
        plsc.subcore_barrier()

        def export(c, carry):
            r0 = tid * ZROWS_PT + c * BB
            pltpu.sync_copy(dsh.at[pl.ds(r0, BB)], ex0)
            pltpu.sync_copy(ex0, dp_r.at[cid, pl.ds(r0, BB)])
            pltpu.sync_copy(osh.at[pl.ds(r0, BB)], hb0)
            pltpu.sync_copy(hb0, op_r.at[cid, pl.ds(r0, BB)])
            return carry

        lax.fori_loop(0, ZROWS_PT // BB, export, 0)

    call = pl.kernel(
        body,
        out_type=(jax.ShapeDtypeStruct((NC, NPAD, TW), f32),
                  jax.ShapeDtypeStruct((NC, NPAD, F), f32)),
        mesh=_MESH,
        compiler_params=_SC_PARAMS,
        scratch_types=[
            pltpu.VMEM((BB,), i32), pltpu.VMEM((BB,), i32),
            pltpu.VMEM((BB,), i32),
            pltpu.VMEM((BB, TW), f32), pltpu.VMEM((BB, TW), f32),
            pltpu.VMEM((BB, TW), f32), pltpu.VMEM((BB, F), f32),
            pltpu.VMEM((BB,), i32), pltpu.VMEM((BB,), i32),
            pltpu.VMEM((BB,), i32),
            pltpu.VMEM((BB, TW), f32), pltpu.VMEM((BB, TW), f32),
            pltpu.VMEM((BB, TW), f32), pltpu.VMEM((BB, F), f32),
            pltpu.SemaphoreType.DMA, pltpu.SemaphoreType.DMA,
            pltpu.SemaphoreType.DMA, pltpu.SemaphoreType.DMA,
            pltpu.SemaphoreType.DMA, pltpu.SemaphoreType.DMA,
            pltpu.SemaphoreType.DMA, pltpu.SemaphoreType.DMA,
            pltpu.VMEM_SHARED((NPAD, TW), f32),
            pltpu.VMEM_SHARED((NPAD, F), f32),
        ],
    )
    return call(src, dst, S, D, h, Z8, Z128)



def kernel(x, edge_index, W1, att_src1, att_dst1, b1,
           W2, att_src2, att_dst2, b2, Wc1, bc1, Wc2, bc2):
    src = edge_index[0]
    dst = edge_index[1]

    a1s = att_src1.reshape(8, 16)
    a1d = att_dst1.reshape(8, 16)
    eye8 = jnp.eye(8, dtype=f32)
    As1 = jnp.pad(jnp.einsum("hc,hg->hcg", a1s, eye8).reshape(F, 8),
                  ((0, 0), (0, TW - 8)))
    Ad1 = jnp.pad(jnp.einsum("hc,hg->hcg", a1d, eye8).reshape(F, 8),
                  ((0, 0), (0, TW - 8)))
    As2 = jnp.pad(att_src2.reshape(F, 1), ((0, 0), (0, TW - 1)))
    Ad2 = jnp.pad(att_dst2.reshape(F, 1), ((0, 0), (0, TW - 1)))

    Z8 = jnp.zeros((NPAD, TW), f32)
    Z128 = jnp.zeros((NPAD, F), f32)
    b1r = b1.reshape(1, F)
    b2r = b2.reshape(1, F)
    bc1r = bc1.reshape(1, F)
    Wc2p = jnp.pad(Wc2, ((0, 0), (0, F - 2)))
    bc2p = jnp.pad(bc2, (0, F - 2)).reshape(1, F)

    h1, S1, D1 = _tc_prep(x, W1, As1, Ad1)
    dp1, op1 = _sc_edge(src, dst, S1, D1, h1, Z8, Z128, hs=1)
    h2, S2, D2 = _tc_mid(op1, dp1, b1r, W2, As2, Ad2)
    dp2, op2 = _sc_edge(src, dst, S2, D2, h2, Z8, Z128, hs=0)
    emb, logitsp = _tc_final(op2, dp2, b2r, Wc1, bc1r, Wc2p, bc2p)
    return emb, logitsp[:, :2]

# --- scband reference (transcript-rebuilt; emitter-appended) ---
"""Pipeline reference for scband-temporal-graph-network-9663676416704 (READ-ONLY COPY).

The authoritative reference and input builder live on the scoring server;
editing this copy changes nothing except your own understanding.
"""

import jax, jax.numpy as jnp
import numpy as np

N = 10000
E = 320000
IN = 128
HID = 128
OUT = 128
HEADS = 8
C1 = HID // HEADS  # 16


def gat_conv(x, src, dst, W, att_src, att_dst, bias, heads, out_ch, concat):
    # PyG-style GATConv (v1), flow src->dst, softmax over incoming edges per dst
    n = x.shape[0]
    h = (x @ W).reshape(n, heads, out_ch)
    a_src = (h * att_src).sum(-1)  # [N, H]
    a_dst = (h * att_dst).sum(-1)  # [N, H]
    alpha = a_src[src] + a_dst[dst]  # [E, H]
    alpha = jax.nn.leaky_relu(alpha, 0.2)
    amax = jax.ops.segment_max(alpha, dst, num_segments=n)
    amax = jnp.where(jnp.isfinite(amax), amax, 0.0)
    ex = jnp.exp(alpha - amax[dst])
    denom = jax.ops.segment_sum(ex, dst, num_segments=n)
    w = ex / (denom[dst] + 1e-16)  # [E, H]
    msg = h[src] * w[..., None]  # [E, H, C]
    out = jax.ops.segment_sum(msg, dst, num_segments=n)  # [N, H, C]
    if concat:
        out = out.reshape(n, heads * out_ch)
    else:
        out = out.mean(axis=1)
    return out + bias


def setup_inputs(seed: int = 0) -> dict:
    key = jax.random.key(seed)
    ks = jax.random.split(key, 16)
    inp = {}
    inp["x"] = jax.random.normal(ks[0], (N, IN), dtype=jnp.float32)
    inp["edge_index"] = jax.random.randint(ks[1], (2, E), 0, N)
    # GAT layer 1: in=128 -> heads=8 x 16 (concat -> 128)
    inp["W1"] = jax.random.normal(ks[2], (IN, HEADS * C1), dtype=jnp.float32) / np.sqrt(IN)
    inp["att_src1"] = jax.random.normal(ks[3], (1, HEADS, C1), dtype=jnp.float32) / np.sqrt(C1)
    inp["att_dst1"] = jax.random.normal(ks[4], (1, HEADS, C1), dtype=jnp.float32) / np.sqrt(C1)
    inp["b1"] = jnp.zeros((HEADS * C1,), dtype=jnp.float32)
    # GAT layer 2: hid=128 -> heads=1 x 128 (no concat)
    inp["W2"] = jax.random.normal(ks[5], (HID, OUT), dtype=jnp.float32) / np.sqrt(HID)
    inp["att_src2"] = jax.random.normal(ks[6], (1, 1, OUT), dtype=jnp.float32) / np.sqrt(OUT)
    inp["att_dst2"] = jax.random.normal(ks[7], (1, 1, OUT), dtype=jnp.float32) / np.sqrt(OUT)
    inp["b2"] = jnp.zeros((OUT,), dtype=jnp.float32)
    # classifier: Linear(OUT, HID) -> ReLU -> Linear(HID, 2)
    inp["Wc1"] = jax.random.normal(ks[8], (OUT, HID), dtype=jnp.float32) / np.sqrt(OUT)
    inp["bc1"] = jnp.zeros((HID,), dtype=jnp.float32)
    inp["Wc2"] = jax.random.normal(ks[9], (HID, 2), dtype=jnp.float32) / np.sqrt(HID)
    inp["bc2"] = jnp.zeros((2,), dtype=jnp.float32)
    return inp


def reference(x, edge_index, W1, att_src1, att_dst1, b1, W2, att_src2, att_dst2, b2, Wc1, bc1, Wc2, bc2):
    src = edge_index[0]
    dst = edge_index[1]
    # timestamps=None path; dropout inactive (eval); edge features disabled
    h = gat_conv(x, src, dst, W1, att_src1, att_dst1, b1, HEADS, C1, True)
    h = jax.nn.relu(h)
    emb = gat_conv(h, src, dst, W2, att_src2, att_dst2, b2, 1, OUT, False)
    hc = jax.nn.relu(emb @ Wc1 + bc1)
    logits = hc @ Wc2 + bc2
    return emb, logits

if __name__ == "__main__":
    import jax
    _d = setup_inputs()
    print(jax.jit(kernel)(*tuple(_d.values())))

</pallas_src>

<mosaic_0001>
#map = affine_map<(d0, d1) -> (0)>
#map1 = affine_map<(d0, d1) -> (0, 0)>
#map2 = affine_map<(d0, d1) -> (0, 0, 0)>
module attributes {stable_mosaic.version = 14 : i64} {
  func.func @body(%arg0: i32, %arg1: i32, %arg2: memref<320000xi32, #tpu.memory_space<hbm>>, %arg3: memref<320000xi32, #tpu.memory_space<hbm>>, %arg4: memref<10000x16xf32, #tpu.memory_space<hbm>>, %arg5: memref<10000x16xf32, #tpu.memory_space<hbm>>, %arg6: memref<10000x128xf32, #tpu.memory_space<hbm>>, %arg7: memref<10240x16xf32, #tpu.memory_space<hbm>>, %arg8: memref<10240x128xf32, #tpu.memory_space<hbm>>, %arg9: memref<2x10240x16xf32, #tpu.memory_space<hbm>>, %arg10: memref<2x10240x128xf32, #tpu.memory_space<hbm>>, %arg11: memref<80xi32, #tpu.memory_space<vmem>>, %arg12: memref<80xi32, #tpu.memory_space<vmem>>, %arg13: memref<80xi32, #tpu.memory_space<vmem>>, %arg14: memref<80x16xf32, #tpu.memory_space<vmem>>, %arg15: memref<80x16xf32, #tpu.memory_space<vmem>>, %arg16: memref<80x16xf32, #tpu.memory_space<vmem>>, %arg17: memref<80x128xf32, #tpu.memory_space<vmem>>, %arg18: memref<80xi32, #tpu.memory_space<vmem>>, %arg19: memref<80xi32, #tpu.memory_space<vmem>>, %arg20: memref<80xi32, #tpu.memory_space<vmem>>, %arg21: memref<80x16xf32, #tpu.memory_space<vmem>>, %arg22: memref<80x16xf32, #tpu.memory_space<vmem>>, %arg23: memref<80x16xf32, #tpu.memory_space<vmem>>, %arg24: memref<80x128xf32, #tpu.memory_space<vmem>>, %arg25: memref<!tpu.dma_semaphore, #tpu.memory_space<semaphore_mem>>, %arg26: memref<!tpu.dma_semaphore, #tpu.memory_space<semaphore_mem>>, %arg27: memref<!tpu.dma_semaphore, #tpu.memory_space<semaphore_mem>>, %arg28: memref<!tpu.dma_semaphore, #tpu.memory_space<semaphore_mem>>, %arg29: memref<!tpu.dma_semaphore, #tpu.memory_space<semaphore_mem>>, %arg30: memref<!tpu.dma_semaphore, #tpu.memory_space<semaphore_mem>>, %arg31: memref<!tpu.dma_semaphore, #tpu.memory_space<semaphore_mem>>, %arg32: memref<!tpu.dma_semaphore, #tpu.memory_space<semaphore_mem>>, %arg33: memref<10240x16xf32, #tpu.memory_space<vmem_shared>>, %arg34: memref<10240x128xf32, #tpu.memory_space<vmem_shared>>) attributes {dimension_semantics = [#tpu.dimension_semantics<core_parallel>, #tpu.dimension_semantics<subcore_parallel>], iteration_bounds = array<i64: 2, 16>, scalar_prefetch = 0 : i64, scratch_operands = 24 : i64, tpu.core_type = #tpu.core_type<sc_vector_subcore>, window_params = [{transform_indices = #map}, {transform_indices = #map}, {transform_indices = #map1}, {transform_indices = #map1}, {transform_indices = #map1}, {transform_indices = #map1}, {transform_indices = #map1}, {transform_indices = #map2}, {transform_indices = #map2}]} {
    %mul3A = arith.constant 16 : i32
    %mul3A_0 = arith.muli %arg0, %mul3A : i32
    %add3A = arith.addi %mul3A_0, %arg1 : i32
    %mul3A_1 = arith.constant 10000 : i32
    %mul3A_2 = arith.muli %add3A, %mul3A_1 : i32
    %scan3A = arith.constant 0 : i32
    %scan3A_3 = arith.constant 0 : i32
    %scan3A_4 = arith.constant 8 : i32
    %scan3A_5 = arith.addi %scan3A_3, %scan3A_4 : i32
    %scan3A_6 = arith.constant 1 : i32
    scf.for %scan3A_112 = %scan3A_3 to %scan3A_5 step %scan3A_6  : i32 {
      %mul3A_113 = arith.constant 640 : i32
      %mul3A_114 = arith.muli %arg1, %mul3A_113 : i32
      %mul3A_115 = arith.constant 80 : i32
      %mul3A_116 = arith.muli %scan3A_112, %mul3A_115 : i32
      %add3A_117 = arith.addi %mul3A_114, %mul3A_116 : i32
      "tpu.region"() ({
        %run_scoped3A = tpu.sem_alloc : memref<!tpu.dma_semaphore, #tpu.memory_space<semaphore_mem>>
        %dma_start3A_118 = arith.constant 0 : i32
        %dma_start3A_119 = tpu.memref_slice %arg7[%add3A_117, %dma_start3A_118] : memref<10240x16xf32, #tpu.memory_space<hbm>> -> memref<80x16xf32, #tpu.memory_space<hbm>>
        %dma_start3A_120 = arith.constant 0 : i32
        %dma_start3A_121 = tpu.memref_slice %arg7[%add3A_117, %dma_start3A_120] : memref<10240x16xf32, #tpu.memory_space<hbm>> -> memref<80x16xf32, #tpu.memory_space<hbm>>
        tpu.enqueue_dma source(%dma_start3A_121 : memref<80x16xf32, #tpu.memory_space<hbm>>) target(%arg16 : memref<80x16xf32, #tpu.memory_space<vmem>>) target_semaphore(%run_scoped3A : memref<!tpu.dma_semaphore, #tpu.memory_space<semaphore_mem>>)
        %dma_wait3A_122 = arith.constant 0 : i32
        %dma_wait3A_123 = tpu.memref_slice %arg7[%add3A_117, %dma_wait3A_122] : memref<10240x16xf32, #tpu.memory_space<hbm>> -> memref<80x16xf32, #tpu.memory_space<hbm>>
        %dma_wait3A_124 = arith.constant 0 : i32
        %dma_wait3A_125 = tpu.memref_slice %arg7[%add3A_117, %dma_wait3A_124] : memref<10240x16xf32, #tpu.memory_space<hbm>> -> memref<80x16xf32, #tpu.memory_space<hbm>>
        tpu.wait_dma2 semaphore(%run_scoped3A : memref<!tpu.dma_semaphore, #tpu.memory_space<semaphore_mem>>) src(%dma_wait3A_125 : memref<80x16xf32, #tpu.memory_space<hbm>>) dst(%arg16 : memref<80x16xf32, #tpu.memory_space<vmem>>)
        tpu.yield
      }) : () -> ()
      "tpu.region"() ({
        %run_scoped3A = tpu.sem_alloc : memref<!tpu.dma_semaphore, #tpu.memory_space<semaphore_mem>>
        %dma_start3A_118 = arith.constant 0 : i32
        %dma_start3A_119 = tpu.memref_slice %arg33[%add3A_117, %dma_start3A_118] : memref<10240x16xf32, #tpu.memory_space<vmem_shared>> -> memref<80x16xf32, #tpu.memory_space<vmem_shared>>
        %dma_start3A_120 = arith.constant 0 : i32
        %dma_start3A_121 = tpu.memref_slice %arg33[%add3A_117, %dma_start3A_120] : memref<10240x16xf32, #tpu.memory_space<vmem_shared>> -> memref<80x16xf32, #tpu.memory_space<vmem_shared>>
        tpu.enqueue_dma source(%arg16 : memref<80x16xf32, #tpu.memory_space<vmem>>) target(%dma_start3A_121 : memref<80x16xf32, #tpu.memory_space<vmem_shared>>) target_semaphore(%run_scoped3A : memref<!tpu.dma_semaphore, #tpu.memory_space<semaphore_mem>>)
        %dma_wait3A_122 = arith.constant 0 : i32
        %dma_wait3A_123 = tpu.memref_slice %arg33[%add3A_117, %dma_wait3A_122] : memref<10240x16xf32, #tpu.memory_space<vmem_shared>> -> memref<80x16xf32, #tpu.memory_space<vmem_shared>>
        %dma_wait3A_124 = arith.constant 0 : i32
        %dma_wait3A_125 = tpu.memref_slice %arg33[%add3A_117, %dma_wait3A_124] : memref<10240x16xf32, #tpu.memory_space<vmem_shared>> -> memref<80x16xf32, #tpu.memory_space<vmem_shared>>
        tpu.wait_dma2 semaphore(%run_scoped3A : memref<!tpu.dma_semaphore, #tpu.memory_space<semaphore_mem>>) src(%arg16 : memref<80x16xf32, #tpu.memory_space<vmem>>) dst(%dma_wait3A_125 : memref<80x16xf32, #tpu.memory_space<vmem_shared>>)
        tpu.yield
      }) : () -> ()
      "tpu.region"() ({
        %run_scoped3A = tpu.sem_alloc : memref<!tpu.dma_semaphore, #tpu.memory_space<semaphore_mem>>
        %dma_start3A_118 = arith.constant 0 : i32
        %dma_start3A_119 = tpu.memref_slice %arg8[%add3A_117, %dma_start3A_118] : memref<10240x128xf32, #tpu.memory_space<hbm>> -> memref<80x128xf32, #tpu.memory_space<hbm>>
        %dma_start3A_120 = arith.constant 0 : i32
        %dma_start3A_121 = tpu.memref_slice %arg8[%add3A_117, %dma_start3A_120] : memref<10240x128xf32, #tpu.memory_space<hbm>> -> memref<80x128xf32, #tpu.memory_space<hbm>>
        tpu.enqueue_dma source(%dma_start3A_121 : memref<80x128xf32, #tpu.memory_space<hbm>>) target(%arg17 : memref<80x128xf32, #tpu.memory_space<vmem>>) target_semaphore(%run_scoped3A : memref<!tpu.dma_semaphore, #tpu.memory_space<semaphore_mem>>)
        %dma_wait3A_122 = arith.constant 0 : i32
        %dma_wait3A_123 = tpu.memref_slice %arg8[%add3A_117, %dma_wait3A_122] : memref<10240x128xf32, #tpu.memory_space<hbm>> -> memref<80x128xf32, #tpu.memory_space<hbm>>
        %dma_wait3A_124 = arith.constant 0 : i32
        %dma_wait3A_125 = tpu.memref_slice %arg8[%add3A_117, %dma_wait3A_124] : memref<10240x128xf32, #tpu.memory_space<hbm>> -> memref<80x128xf32, #tpu.memory_space<hbm>>
        tpu.wait_dma2 semaphore(%run_scoped3A : memref<!tpu.dma_semaphore, #tpu.memory_space<semaphore_mem>>) src(%dma_wait3A_125 : memref<80x128xf32, #tpu.memory_space<hbm>>) dst(%arg17 : memref<80x128xf32, #tpu.memory_space<vmem>>)
        tpu.yield
      }) : () -> ()
      "tpu.region"() ({
        %run_scoped3A = tpu.sem_alloc : memref<!tpu.dma_semaphore, #tpu.memory_space<semaphore_mem>>
        %dma_start3A_118 = arith.constant 0 : i32
        %dma_start3A_119 = tpu.memref_slice %arg34[%add3A_117, %dma_start3A_118] : memref<10240x128xf32, #tpu.memory_space<vmem_shared>> -> memref<80x128xf32, #tpu.memory_space<vmem_shared>>
        %dma_start3A_120 = arith.constant 0 : i32
        %dma_start3A_121 = tpu.memref_slice %arg34[%add3A_117, %dma_start3A_120] : memref<10240x128xf32, #tpu.memory_space<vmem_shared>> -> memref<80x128xf32, #tpu.memory_space<vmem_shared>>
        tpu.enqueue_dma source(%arg17 : memref<80x128xf32, #tpu.memory_space<vmem>>) target(%dma_start3A_121 : memref<80x128xf32, #tpu.memory_space<vmem_shared>>) target_semaphore(%run_scoped3A : memref<!tpu.dma_semaphore, #tpu.memory_space<semaphore_mem>>)
        %dma_wait3A_122 = arith.constant 0 : i32
        %dma_wait3A_123 = tpu.memref_slice %arg34[%add3A_117, %dma_wait3A_122] : memref<10240x128xf32, #tpu.memory_space<vmem_shared>> -> memref<80x128xf32, #tpu.memory_space<vmem_shared>>
        %dma_wait3A_124 = arith.constant 0 : i32
        %dma_wait3A_125 = tpu.memref_slice %arg34[%add3A_117, %dma_wait3A_124] : memref<10240x128xf32, #tpu.memory_space<vmem_shared>> -> memref<80x128xf32, #tpu.memory_space<vmem_shared>>
        tpu.wait_dma2 semaphore(%run_scoped3A : memref<!tpu.dma_semaphore, #tpu.memory_space<semaphore_mem>>) src(%arg17 : memref<80x128xf32, #tpu.memory_space<vmem>>) dst(%dma_wait3A_125 : memref<80x128xf32, #tpu.memory_space<vmem_shared>>)
        tpu.yield
      }) : () -> ()
    }
    %scan3A_7 = arith.constant 8 : i32
    "tpu.region"() ({
      %run_scoped3A = tpu.sem_alloc : memref<!tpu.dma_semaphore, #tpu.memory_space<semaphore_mem>>
      %dma_start3A_112 = arith.constant 0 : i32
      %dma_start3A_113 = arith.constant 0 : i32
      %dma_start3A_114 = tpu.memref_slice %arg7[%dma_start3A_112, %dma_start3A_113] : memref<10240x16xf32, #tpu.memory_space<hbm>> -> memref<80x16xf32, #tpu.memory_space<hbm>>
      %dma_start3A_115 = arith.constant 0 : i32
      %dma_start3A_116 = arith.constant 0 : i32
      %dma_start3A_117 = tpu.memref_slice %arg7[%dma_start3A_115, %dma_start3A_116] : memref<10240x16xf32, #tpu.memory_space<hbm>> -> memref<80x16xf32, #tpu.memory_space<hbm>>
      tpu.enqueue_dma source(%dma_start3A_117 : memref<80x16xf32, #tpu.memory_space<hbm>>) target(%arg16 : memref<80x16xf32, #tpu.memory_space<vmem>>) target_semaphore(%run_scoped3A : memref<!tpu.dma_semaphore, #tpu.memory_space<semaphore_mem>>)
      %dma_wait3A_118 = arith.constant 0 : i32
      %dma_wait3A_119 = arith.constant 0 : i32
      %dma_wait3A_120 = tpu.memref_slice %arg7[%dma_wait3A_118, %dma_wait3A_119] : memref<10240x16xf32, #tpu.memory_space<hbm>> -> memref<80x16xf32, #tpu.memory_space<hbm>>
      %dma_wait3A_121 = arith.constant 0 : i32
      %dma_wait3A_122 = arith.constant 0 : i32
      %dma_wait3A_123 = tpu.memref_slice %arg7[%dma_wait3A_121, %dma_wait3A_122] : memref<10240x16xf32, #tpu.memory_space<hbm>> -> memref<80x16xf32, #tpu.memory_space<hbm>>
      tpu.wait_dma2 semaphore(%run_scoped3A : memref<!tpu.dma_semaphore, #tpu.memory_space<semaphore_mem>>) src(%dma_wait3A_123 : memref<80x16xf32, #tpu.memory_space<hbm>>) dst(%arg16 : memref<80x16xf32, #tpu.memory_space<vmem>>)
      tpu.yield
    }) : () -> ()
    "tpu.region"() ({
      %run_scoped3A = tpu.sem_alloc : memref<!tpu.dma_semaphore, #tpu.memory_space<semaphore_mem>>
      %dma_start3A_112 = arith.constant 0 : i32
      %dma_start3A_113 = arith.constant 0 : i32
      %dma_start3A_114 = tpu.memref_slice %arg7[%dma_start3A_112, %dma_start3A_113] : memref<10240x16xf32, #tpu.memory_space<hbm>> -> memref<80x16xf32, #tpu.memory_space<hbm>>
      %dma_start3A_115 = arith.constant 0 : i32
      %dma_start3A_116 = arith.constant 0 : i32
      %dma_start3A_117 = tpu.memref_slice %arg7[%dma_start3A_115, %dma_start3A_116] : memref<10240x16xf32, #tpu.memory_space<hbm>> -> memref<80x16xf32, #tpu.memory_space<hbm>>
      tpu.enqueue_dma source(%dma_start3A_117 : memref<80x16xf32, #tpu.memory_space<hbm>>) target(%arg23 : memref<80x16xf32, #tpu.memory_space<vmem>>) target_semaphore(%run_scoped3A : memref<!tpu.dma_semaphore, #tpu.memory_space<semaphore_mem>>)
      %dma_wait3A_118 = arith.constant 0 : i32
      %dma_wait3A_119 = arith.constant 0 : i32
      %dma_wait3A_120 = tpu.memref_slice %arg7[%dma_wait3A_118, %dma_wait3A_119] : memref<10240x16xf32, #tpu.memory_space<hbm>> -> memref<80x16xf32, #tpu.memory_space<hbm>>
      %dma_wait3A_121 = arith.constant 0 : i32
      %dma_wait3A_122 = arith.constant 0 : i32
      %dma_wait3A_123 = tpu.memref_slice %arg7[%dma_wait3A_121, %dma_wait3A_122] : memref<10240x16xf32, #tpu.memory_space<hbm>> -> memref<80x16xf32, #tpu.memory_space<hbm>>
      tpu.wait_dma2 semaphore(%run_scoped3A : memref<!tpu.dma_semaphore, #tpu.memory_space<semaphore_mem>>) src(%dma_wait3A_123 : memref<80x16xf32, #tpu.memory_space<hbm>>) dst(%arg23 : memref<80x16xf32, #tpu.memory_space<vmem>>)
      tpu.yield
    }) : () -> ()
    %barrier3A = arith.constant 0 : index
    tpu.barrier barrier_id(%barrier3A)
    %iota3A = tpu.iota {dimensions = array<i32: 0>} : vector<16xi32>
    %shift_right_arithmetic3A = arith.constant 3 : i32
    %shift_right_arithmetic3A_8 = vector.broadcast %shift_right_arithmetic3A : i32 to vector<16xi32>
    %shift_right_arithmetic3A_9 = arith.shrsi %iota3A, %shift_right_arithmetic3A_8 : vector<16xi32>
    %iota3A_10 = tpu.iota {dimensions = array<i32: 0>} : vector<16xi32>
    %and3A = arith.constant 7 : i32
    %and3A_11 = vector.broadcast %and3A : i32 to vector<16xi32>
    %and3A_12 = arith.andi %iota3A_10, %and3A_11 : vector<16xi32>
    %broadcast_in_dim3A = arith.constant 0 : i32
    %broadcast_in_dim3A_13 = vector.broadcast %broadcast_in_dim3A : i32 to vector<16xi32>
    %add3A_14 = arith.constant 0 : i32
    %add3A_15 = arith.addi %mul3A_2, %add3A_14 : i32
    %dma_start3A = tpu.memref_slice %arg2[%add3A_15] : memref<320000xi32, #tpu.memory_space<hbm>> -> memref<80xi32, #tpu.memory_space<hbm>>
    %dma_start3A_16 = tpu.memref_slice %arg2[%add3A_15] : memref<320000xi32, #tpu.memory_space<hbm>> -> memref<80xi32, #tpu.memory_space<hbm>>
    tpu.enqueue_dma source(%dma_start3A_16 : memref<80xi32, #tpu.memory_space<hbm>>) target(%arg11 : memref<80xi32, #tpu.memory_space<vmem>>) target_semaphore(%arg25 : memref<!tpu.dma_semaphore, #tpu.memory_space<semaphore_mem>>)
    %dma_start3A_17 = tpu.memref_slice %arg3[%add3A_15] : memref<320000xi32, #tpu.memory_space<hbm>> -> memref<80xi32, #tpu.memory_space<hbm>>
    %dma_start3A_18 = tpu.memref_slice %arg3[%add3A_15] : memref<320000xi32, #tpu.memory_space<hbm>> -> memref<80xi32, #tpu.memory_space<hbm>>
    tpu.enqueue_dma source(%dma_start3A_18 : memref<80xi32, #tpu.memory_space<hbm>>) target(%arg12 : memref<80xi32, #tpu.memory_space<vmem>>) target_semaphore(%arg25 : memref<!tpu.dma_semaphore, #tpu.memory_space<semaphore_mem>>)
    %add3A_19 = arith.constant 0 : i32
    %add3A_20 = arith.addi %mul3A_2, %add3A_19 : i32
    %dma_start3A_21 = tpu.memref_slice %arg3[%add3A_20] : memref<320000xi32, #tpu.memory_space<hbm>> -> memref<80xi32, #tpu.memory_space<hbm>>
    %dma_start3A_22 = tpu.memref_slice %arg3[%add3A_20] : memref<320000xi32, #tpu.memory_space<hbm>> -> memref<80xi32, #tpu.memory_space<hbm>>
    tpu.enqueue_dma source(%dma_start3A_22 : memref<80xi32, #tpu.memory_space<hbm>>) target(%arg13 : memref<80xi32, #tpu.memory_space<vmem>>) target_semaphore(%arg27 : memref<!tpu.dma_semaphore, #tpu.memory_space<semaphore_mem>>)
    %add3A_23 = arith.constant 80 : i32
    %add3A_24 = arith.addi %mul3A_2, %add3A_23 : i32
    %dma_start3A_25 = tpu.memref_slice %arg2[%add3A_24] : memref<320000xi32, #tpu.memory_space<hbm>> -> memref<80xi32, #tpu.memory_space<hbm>>
    %dma_start3A_26 = tpu.memref_slice %arg2[%add3A_24] : memref<320000xi32, #tpu.memory_space<hbm>> -> memref<80xi32, #tpu.memory_space<hbm>>
    tpu.enqueue_dma source(%dma_start3A_26 : memref<80xi32, #tpu.memory_space<hbm>>) target(%arg18 : memref<80xi32, #tpu.memory_space<vmem>>) target_semaphore(%arg26 : memref<!tpu.dma_semaphore, #tpu.memory_space<semaphore_mem>>)
    %dma_start3A_27 = tpu.memref_slice %arg3[%add3A_24] : memref<320000xi32, #tpu.memory_space<hbm>> -> memref<80xi32, #tpu.memory_space<hbm>>
    %dma_start3A_28 = tpu.memref_slice %arg3[%add3A_24] : memref<320000xi32, #tpu.memory_space<hbm>> -> memref<80xi32, #tpu.memory_space<hbm>>
    tpu.enqueue_dma source(%dma_start3A_28 : memref<80xi32, #tpu.memory_space<hbm>>) target(%arg19 : memref<80xi32, #tpu.memory_space<vmem>>) target_semaphore(%arg26 : memref<!tpu.dma_semaphore, #tpu.memory_space<semaphore_mem>>)
    %add3A_29 = arith.constant 80 : i32
    %add3A_30 = arith.addi %mul3A_2, %add3A_29 : i32
    %dma_start3A_31 = tpu.memref_slice %arg3[%add3A_30] : memref<320000xi32, #tpu.memory_space<hbm>> -> memref<80xi32, #tpu.memory_space<hbm>>
    %dma_start3A_32 = tpu.memref_slice %arg3[%add3A_30] : memref<320000xi32, #tpu.memory_space<hbm>> -> memref<80xi32, #tpu.memory_space<hbm>>
    tpu.enqueue_dma source(%dma_start3A_32 : memref<80xi32, #tpu.memory_space<hbm>>) target(%arg20 : memref<80xi32, #tpu.memory_space<vmem>>) target_semaphore(%arg28 : memref<!tpu.dma_semaphore, #tpu.memory_space<semaphore_mem>>)
    %add3A_33 = arith.constant 0 : i32
    %add3A_34 = arith.addi %mul3A_2, %add3A_33 : i32
    %dma_wait3A = tpu.memref_slice %arg2[%add3A_34] : memref<320000xi32, #tpu.memory_space<hbm>> -> memref<80xi32, #tpu.memory_space<hbm>>
    %dma_wait3A_35 = tpu.memref_slice %arg2[%add3A_34] : memref<320000xi32, #tpu.memory_space<hbm>> -> memref<80xi32, #tpu.memory_space<hbm>>
    tpu.wait_dma2 semaphore(%arg25 : memref<!tpu.dma_semaphore, #tpu.memory_space<semaphore_mem>>) src(%dma_wait3A_35 : memref<80xi32, #tpu.memory_space<hbm>>) dst(%arg11 : memref<80xi32, #tpu.memory_space<vmem>>)
    %dma_wait3A_36 = tpu.memref_slice %arg3[%add3A_34] : memref<320000xi32, #tpu.memory_space<hbm>> -> memref<80xi32, #tpu.memory_space<hbm>>
    %dma_wait3A_37 = tpu.memref_slice %arg3[%add3A_34] : memref<320000xi32, #tpu.memory_space<hbm>> -> memref<80xi32, #tpu.memory_space<hbm>>
    tpu.wait_dma2 semaphore(%arg25 : memref<!tpu.dma_semaphore, #tpu.memory_space<semaphore_mem>>) src(%dma_wait3A_37 : memref<80xi32, #tpu.memory_space<hbm>>) dst(%arg12 : memref<80xi32, #tpu.memory_space<vmem>>)
    %dma_start3A_38 = arith.constant 0 : i32
    %dma_start3A_39 = arith.constant 0 : i32
    %dma_start3A_40 = tpu.memref_slice %arg4[%dma_start3A_38, %dma_start3A_39] : memref<10000x16xf32, #tpu.memory_space<hbm>> -> memref<10000x16xf32, #tpu.memory_space<hbm>>
    tpu.enqueue_indirect_dma source(%dma_start3A_40 : memref<10000x16xf32, #tpu.memory_space<hbm>>) target(%arg14 : memref<80x16xf32, #tpu.memory_space<vmem>>) offsets(%arg11 : memref<80xi32, #tpu.memory_space<vmem>>) semaphore(%arg29 : memref<!tpu.dma_semaphore, #tpu.memory_space<semaphore_mem>>)
    %dma_start3A_41 = arith.constant 0 : i32
    %dma_start3A_42 = arith.constant 0 : i32
    %dma_start3A_43 = tpu.memref_slice %arg5[%dma_start3A_41, %dma_start3A_42] : memref<10000x16xf32, #tpu.memory_space<hbm>> -> memref<10000x16xf32, #tpu.memory_space<hbm>>
    tpu.enqueue_indirect_dma source(%dma_start3A_43 : memref<10000x16xf32, #tpu.memory_space<hbm>>) target(%arg15 : memref<80x16xf32, #tpu.memory_space<vmem>>) offsets(%arg12 : memref<80xi32, #tpu.memory_space<vmem>>) semaphore(%arg29 : memref<!tpu.dma_semaphore, #tpu.memory_space<semaphore_mem>>)
    %dma_start3A_44 = arith.constant 0 : i32
    %dma_start3A_45 = arith.constant 0 : i32
    %dma_start3A_46 = tpu.memref_slice %arg6[%dma_start3A_44, %dma_start3A_45] : memref<10000x128xf32, #tpu.memory_space<hbm>> -> memref<10000x128xf32, #tpu.memory_space<hbm>>
    tpu.enqueue_indirect_dma source(%dma_start3A_46 : memref<10000x128xf32, #tpu.memory_space<hbm>>) target(%arg17 : memref<80x128xf32, #tpu.memory_space<vmem>>) offsets(%arg11 : memref<80xi32, #tpu.memory_space<vmem>>) semaphore(%arg29 : memref<!tpu.dma_semaphore, #tpu.memory_space<semaphore_mem>>)
    %add3A_47 = arith.constant 80 : i32
    %add3A_48 = arith.addi %mul3A_2, %add3A_47 : i32
    %dma_wait3A_49 = tpu.memref_slice %arg2[%add3A_48] : memref<320000xi32, #tpu.memory_space<hbm>> -> memref<80xi32, #tpu.memory_space<hbm>>
    %dma_wait3A_50 = tpu.memref_slice %arg2[%add3A_48] : memref<320000xi32, #tpu.memory_space<hbm>> -> memref<80xi32, #tpu.memory_space<hbm>>
    tpu.wait_dma2 semaphore(%arg26 : memref<!tpu.dma_semaphore, #tpu.memory_space<semaphore_mem>>) src(%dma_wait3A_50 : memref<80xi32, #tpu.memory_space<hbm>>) dst(%arg18 : memref<80xi32, #tpu.memory_space<vmem>>)
    %dma_wait3A_51 = tpu.memref_slice %arg3[%add3A_48] : memref<320000xi32, #tpu.memory_space<hbm>> -> memref<80xi32, #tpu.memory_space<hbm>>
    %dma_wait3A_52 = tpu.memref_slice %arg3[%add3A_48] : memref<320000xi32, #tpu.memory_space<hbm>> -> memref<80xi32, #tpu.memory_space<hbm>>
    tpu.wait_dma2 semaphore(%arg26 : memref<!tpu.dma_semaphore, #tpu.memory_space<semaphore_mem>>) src(%dma_wait3A_52 : memref<80xi32, #tpu.memory_space<hbm>>) dst(%arg19 : memref<80xi32, #tpu.memory_space<vmem>>)
    %dma_start3A_53 = arith.constant 0 : i32
    %dma_start3A_54 = arith.constant 0 : i32
    %dma_start3A_55 = tpu.memref_slice %arg4[%dma_start3A_53, %dma_start3A_54] : memref<10000x16xf32, #tpu.memory_space<hbm>> -> memref<10000x16xf32, #tpu.memory_space<hbm>>
    tpu.enqueue_indirect_dma source(%dma_start3A_55 : memref<10000x16xf32, #tpu.memory_space<hbm>>) target(%arg21 : memref<80x16xf32, #tpu.memory_space<vmem>>) offsets(%arg18 : memref<80xi32, #tpu.memory_space<vmem>>) semaphore(%arg30 : memref<!tpu.dma_semaphore, #tpu.memory_space<semaphore_mem>>)
    %dma_start3A_56 = arith.constant 0 : i32
    %dma_start3A_57 = arith.constant 0 : i32
    %dma_start3A_58 = tpu.memref_slice %arg5[%dma_start3A_56, %dma_start3A_57] : memref<10000x16xf32, #tpu.memory_space<hbm>> -> memref<10000x16xf32, #tpu.memory_space<hbm>>
    tpu.enqueue_indirect_dma source(%dma_start3A_58 : memref<10000x16xf32, #tpu.memory_space<hbm>>) target(%arg22 : memref<80x16xf32, #tpu.memory_space<vmem>>) offsets(%arg19 : memref<80xi32, #tpu.memory_space<vmem>>) semaphore(%arg30 : memref<!tpu.dma_semaphore, #tpu.memory_space<semaphore_mem>>)
    %dma_start3A_59 = arith.constant 0 : i32
    %dma_start3A_60 = arith.constant 0 : i32
    %dma_start3A_61 = tpu.memref_slice %arg6[%dma_start3A_59, %dma_start3A_60] : memref<10000x128xf32, #tpu.memory_space<hbm>> -> memref<10000x128xf32, #tpu.memory_space<hbm>>
    tpu.enqueue_indirect_dma source(%dma_start3A_61 : memref<10000x128xf32, #tpu.memory_space<hbm>>) target(%arg24 : memref<80x128xf32, #tpu.memory_space<vmem>>) offsets(%arg18 : memref<80xi32, #tpu.memory_space<vmem>>) semaphore(%arg30 : memref<!tpu.dma_semaphore, #tpu.memory_space<semaphore_mem>>)
    %scan3A_62 = arith.constant 0 : i32
    %scan3A_63 = arith.constant 0 : i32
    %scan3A_64 = arith.constant 62 : i32
    %scan3A_65 = arith.addi %scan3A_63, %scan3A_64 : i32
    %scan3A_66 = arith.constant 1 : i32
    scf.for %scan3A_112 = %scan3A_63 to %scan3A_65 step %scan3A_66  : i32 {
      %mul3A_113 = arith.constant 2 : i32
      %mul3A_114 = arith.muli %mul3A_113, %scan3A_112 : i32
      %add3A_115 = arith.constant 0 : i32
      %add3A_116 = arith.addi %mul3A_114, %add3A_115 : i32
      %add3A_117 = arith.constant 2 : i32
      %add3A_118 = arith.addi %add3A_116, %add3A_117 : i32
      %dma_wait3A_119 = arith.constant 0 : i32
      %dma_wait3A_120 = arith.constant 0 : i32
      %dma_wait3A_121 = tpu.memref_slice %arg4[%dma_wait3A_119, %dma_wait3A_120] : memref<10000x16xf32, #tpu.memory_space<hbm>> -> memref<10000x16xf32, #tpu.memory_space<hbm>>
      tpu.wait_indirect_dma semaphore(%arg29 : memref<!tpu.dma_semaphore, #tpu.memory_space<semaphore_mem>>) src(%dma_wait3A_121 : memref<10000x16xf32, #tpu.memory_space<hbm>>) dst(%arg14 : memref<80x16xf32, #tpu.memory_space<vmem>>)
      %dma_wait3A_122 = arith.constant 0 : i32
      %dma_wait3A_123 = arith.constant 0 : i32
      %dma_wait3A_124 = tpu.memref_slice %arg5[%dma_wait3A_122, %dma_wait3A_123] : memref<10000x16xf32, #tpu.memory_space<hbm>> -> memref<10000x16xf32, #tpu.memory_space<hbm>>
      tpu.wait_indirect_dma semaphore(%arg29 : memref<!tpu.dma_semaphore, #tpu.memory_space<semaphore_mem>>) src(%dma_wait3A_124 : memref<10000x16xf32, #tpu.memory_space<hbm>>) dst(%arg15 : memref<80x16xf32, #tpu.memory_space<vmem>>)
      %dma_wait3A_125 = arith.constant 0 : i32
      %dma_wait3A_126 = arith.constant 0 : i32
      %dma_wait3A_127 = tpu.memref_slice %arg6[%dma_wait3A_125, %dma_wait3A_126] : memref<10000x128xf32, #tpu.memory_space<hbm>> -> memref<10000x128xf32, #tpu.memory_space<hbm>>
      tpu.wait_indirect_dma semaphore(%arg29 : memref<!tpu.dma_semaphore, #tpu.memory_space<semaphore_mem>>) src(%dma_wait3A_127 : memref<10000x128xf32, #tpu.memory_space<hbm>>) dst(%arg17 : memref<80x128xf32, #tpu.memory_space<vmem>>)
      %lt3A = arith.constant 125 : i32
      %lt3A_128 = arith.cmpi slt, %add3A_118, %lt3A : i32
      %convert_element_type3A = arith.extui %lt3A_128 : i1 to i32
      %cond3A = arith.constant 0 : i32
      %cond3A_129 = arith.cmpi ne, %convert_element_type3A, %cond3A : i32
      scf.if %cond3A_129 {
        %mul3A_224 = arith.constant 80 : i32
        %mul3A_225 = arith.muli %add3A_118, %mul3A_224 : i32
        %add3A_226 = arith.addi %mul3A_2, %mul3A_225 : i32
        %dma_start3A_227 = tpu.memref_slice %arg2[%add3A_226] : memref<320000xi32, #tpu.memory_space<hbm>> -> memref<80xi32, #tpu.memory_space<hbm>>
        %dma_start3A_228 = tpu.memref_slice %arg2[%add3A_226] : memref<320000xi32, #tpu.memory_space<hbm>> -> memref<80xi32, #tpu.memory_space<hbm>>
        tpu.enqueue_dma source(%dma_start3A_228 : memref<80xi32, #tpu.memory_space<hbm>>) target(%arg11 : memref<80xi32, #tpu.memory_space<vmem>>) target_semaphore(%arg25 : memref<!tpu.dma_semaphore, #tpu.memory_space<semaphore_mem>>)
        %dma_start3A_229 = tpu.memref_slice %arg3[%add3A_226] : memref<320000xi32, #tpu.memory_space<hbm>> -> memref<80xi32, #tpu.memory_space<hbm>>
        %dma_start3A_230 = tpu.memref_slice %arg3[%add3A_226] : memref<320000xi32, #tpu.memory_space<hbm>> -> memref<80xi32, #tpu.memory_space<hbm>>
        tpu.enqueue_dma source(%dma_start3A_230 : memref<80xi32, #tpu.memory_space<hbm>>) target(%arg12 : memref<80xi32, #tpu.memory_space<vmem>>) target_semaphore(%arg25 : memref<!tpu.dma_semaphore, #tpu.memory_space<semaphore_mem>>)
      } else {
      }
      %scan3A_130 = arith.constant 0 : i32
      %scan3A_131 = arith.constant 0 : i32
      %scan3A_132 = arith.constant 40 : i32
      %scan3A_133 = arith.addi %scan3A_131, %scan3A_132 : i32
      %scan3A_134 = arith.constant 4 : i32
      scf.for %scan3A_224 = %scan3A_131 to %scan3A_133 step %scan3A_134  : i32 {
        %mul3A_225 = arith.constant 2 : i32
        %mul3A_226 = arith.muli %mul3A_225, %scan3A_224 : i32
        %add3A_227 = vector.broadcast %mul3A_226 : i32 to vector<16xi32>
        %add3A_228 = arith.addi %shift_right_arithmetic3A_9, %add3A_227 : vector<16xi32>
        %gather3A = tpu.vector_load_idx %arg14[%add3A_228, %and3A_12] : memref<80x16xf32, #tpu.memory_space<vmem>>[vector<16xi32>, vector<16xi32>], vector<16xf32>,
        %gather3A_229 = tpu.vector_load_idx %arg15[%add3A_228, %and3A_12] : memref<80x16xf32, #tpu.memory_space<vmem>>[vector<16xi32>, vector<16xi32>], vector<16xf32>,
        %add3A_230 = arith.addf %gather3A, %gather3A_229 : vector<16xf32>
        %gt3A = arith.constant 0.000000e+00 : f32
        %gt3A_231 = vector.broadcast %gt3A : f32 to vector<16xf32>
        %gt3A_232 = arith.cmpf ogt, %add3A_230, %gt3A_231 : vector<16xf32>
        %mul3A_233 = arith.constant 2.000000e-01 : f32
        %mul3A_234 = vector.broadcast %mul3A_233 : f32 to vector<16xf32>
        %mul3A_235 = arith.mulf %mul3A_234, %add3A_230 : vector<16xf32>
        %select_n3A = arith.select %gt3A_232, %add3A_230, %mul3A_235 : vector<16xi1>, vector<16xf32>
        %exp3A = math.exp %select_n3A : vector<16xf32>
        tpu.vector_store_idx %arg16[%add3A_228, %and3A_12], %exp3A : memref<80x16xf32, #tpu.memory_space<vmem>>[vector<16xi32>, vector<16xi32>], vector<16xf32>,
        %scan3A_236 = arith.constant 1 : i32
        %scan3A_237 = arith.addi %scan3A_224, %scan3A_236 : i32
        %mul3A_238 = arith.constant 2 : i32
        %mul3A_239 = arith.muli %mul3A_238, %scan3A_237 : i32
        %add3A_240 = vector.broadcast %mul3A_239 : i32 to vector<16xi32>
        %add3A_241 = arith.addi %shift_right_arithmetic3A_9, %add3A_240 : vector<16xi32>
        %gather3A_242 = tpu.vector_load_idx %arg14[%add3A_241, %and3A_12] : memref<80x16xf32, #tpu.memory_space<vmem>>[vector<16xi32>, vector<16xi32>], vector<16xf32>,
        %gather3A_243 = tpu.vector_load_idx %arg15[%add3A_241, %and3A_12] : memref<80x16xf32, #tpu.memory_space<vmem>>[vector<16xi32>, vector<16xi32>], vector<16xf32>,
        %add3A_244 = arith.addf %gather3A_242, %gather3A_243 : vector<16xf32>
        %gt3A_245 = arith.constant 0.000000e+00 : f32
        %gt3A_246 = vector.broadcast %gt3A_245 : f32 to vector<16xf32>
        %gt3A_247 = arith.cmpf ogt, %add3A_244, %gt3A_246 : vector<16xf32>
        %mul3A_248 = arith.constant 2.000000e-01 : f32
        %mul3A_249 = vector.broadcast %mul3A_248 : f32 to vector<16xf32>
        %mul3A_250 = arith.mulf %mul3A_249, %add3A_244 : vector<16xf32>
        %select_n3A_251 = arith.select %gt3A_247, %add3A_244, %mul3A_250 : vector<16xi1>, vector<16xf32>
        %exp3A_252 = math.exp %select_n3A_251 : vector<16xf32>
        tpu.vector_store_idx %arg16[%add3A_241, %and3A_12], %exp3A_252 : memref<80x16xf32, #tpu.memory_space<vmem>>[vector<16xi32>, vector<16xi32>], vector<16xf32>,
        %scan3A_253 = arith.constant 2 : i32
        %scan3A_254 = arith.addi %scan3A_224, %scan3A_253 : i32
        %mul3A_255 = arith.constant 2 : i32
        %mul3A_256 = arith.muli %mul3A_255, %scan3A_254 : i32
        %add3A_257 = vector.broadcast %mul3A_256 : i32 to vector<16xi32>
        %add3A_258 = arith.addi %shift_right_arithmetic3A_9, %add3A_257 : vector<16xi32>
        %gather3A_259 = tpu.vector_load_idx %arg14[%add3A_258, %and3A_12] : memref<80x16xf32, #tpu.memory_space<vmem>>[vector<16xi32>, vector<16xi32>], vector<16xf32>,
        %gather3A_260 = tpu.vector_load_idx %arg15[%add3A_258, %and3A_12] : memref<80x16xf32, #tpu.memory_space<vmem>>[vector<16xi32>, vector<16xi32>], vector<16xf32>,
        %add3A_261 = arith.addf %gather3A_259, %gather3A_260 : vector<16xf32>
        %gt3A_262 = arith.constant 0.000000e+00 : f32
        %gt3A_263 = vector.broadcast %gt3A_262 : f32 to vector<16xf32>
        %gt3A_264 = arith.cmpf ogt, %add3A_261, %gt3A_263 : vector<16xf32>
        %mul3A_265 = arith.constant 2.000000e-01 : f32
        %mul3A_266 = vector.broadcast %mul3A_265 : f32 to vector<16xf32>
        %mul3A_267 = arith.mulf %mul3A_266, %add3A_261 : vector<16xf32>
        %select_n3A_268 = arith.select %gt3A_264, %add3A_261, %mul3A_267 : vector<16xi1>, vector<16xf32>
        %exp3A_269 = math.exp %select_n3A_268 : vector<16xf32>
        tpu.vector_store_idx %arg16[%add3A_258, %and3A_12], %exp3A_269 : memref<80x16xf32, #tpu.memory_space<vmem>>[vector<16xi32>, vector<16xi32>], vector<16xf32>,
        %scan3A_270 = arith.constant 3 : i32
        %scan3A_271 = arith.addi %scan3A_224, %scan3A_270 : i32
        %mul3A_272 = arith.constant 2 : i32
        %mul3A_273 = arith.muli %mul3A_272, %scan3A_271 : i32
        %add3A_274 = vector.broadcast %mul3A_273 : i32 to vector<16xi32>
        %add3A_275 = arith.addi %shift_right_arithmetic3A_9, %add3A_274 : vector<16xi32>
        %gather3A_276 = tpu.vector_load_idx %arg14[%add3A_275, %and3A_12] : memref<80x16xf32, #tpu.memory_space<vmem>>[vector<16xi32>, vector<16xi32>], vector<16xf32>,
        %gather3A_277 = tpu.vector_load_idx %arg15[%add3A_275, %and3A_12] : memref<80x16xf32, #tpu.memory_space<vmem>>[vector<16xi32>, vector<16xi32>], vector<16xf32>,
        %add3A_278 = arith.addf %gather3A_276, %gather3A_277 : vector<16xf32>
        %gt3A_279 = arith.constant 0.000000e+00 : f32
        %gt3A_280 = vector.broadcast %gt3A_279 : f32 to vector<16xf32>
        %gt3A_281 = arith.cmpf ogt, %add3A_278, %gt3A_280 : vector<16xf32>
        %mul3A_282 = arith.constant 2.000000e-01 : f32
        %mul3A_283 = vector.broadcast %mul3A_282 : f32 to vector<16xf32>
        %mul3A_284 = arith.mulf %mul3A_283, %add3A_278 : vector<16xf32>
        %select_n3A_285 = arith.select %gt3A_281, %add3A_278, %mul3A_284 : vector<16xi1>, vector<16xf32>
        %exp3A_286 = math.exp %select_n3A_285 : vector<16xf32>
        tpu.vector_store_idx %arg16[%add3A_275, %and3A_12], %exp3A_286 : memref<80x16xf32, #tpu.memory_space<vmem>>[vector<16xi32>, vector<16xi32>], vector<16xf32>,
      }
      %scan3A_135 = arith.constant 40 : i32
      %scan3A_136 = arith.constant 0 : i32
      %scan3A_137 = arith.constant 0 : i32
      %scan3A_138 = arith.constant 80 : i32
      %scan3A_139 = arith.addi %scan3A_137, %scan3A_138 : i32
      %scan3A_140 = arith.constant 2 : i32
      scf.for %scan3A_224 = %scan3A_137 to %scan3A_139 step %scan3A_140  : i32 {
        %add3A_225 = vector.broadcast %scan3A_224 : i32 to vector<16xi32>
        %add3A_226 = arith.addi %broadcast_in_dim3A_13, %add3A_225 : vector<16xi32>
        %gather3A = tpu.vector_load_idx %arg16[%add3A_226, %broadcast_in_dim3A_13] : memref<80x16xf32, #tpu.memory_space<vmem>>[vector<16xi32>, vector<16xi32>], vector<16xf32>,
        %get3A = arith.index_cast %scan3A_224 : i32 to index
        %get3A_227 = arith.constant 0 : index
        %get3A_228 = tpu.vector_load %arg17[%get3A, %get3A_227] {strides = array<i32>} : memref<80x128xf32, #tpu.memory_space<vmem>>, vector<16xf32>,
        %mul3A_229 = arith.mulf %get3A_228, %gather3A : vector<16xf32>
        %swap3A = arith.index_cast %scan3A_224 : i32 to index
        %swap3A_230 = arith.constant 0 : index
        %swap3A_231 = tpu.vector_load %arg17[%swap3A, %swap3A_230] {strides = array<i32>} : memref<80x128xf32, #tpu.memory_space<vmem>>, vector<16xf32>,
        tpu.vector_store %arg17[%swap3A, %swap3A_230], %mul3A_229 {strides = array<i32>} : memref<80x128xf32, #tpu.memory_space<vmem>>, vector<16xf32>,
        %get3A_232 = arith.index_cast %scan3A_224 : i32 to index
        %get3A_233 = arith.constant 16 : index
        %get3A_234 = tpu.vector_load %arg17[%get3A_232, %get3A_233] {strides = array<i32>} : memref<80x128xf32, #tpu.memory_space<vmem>>, vector<16xf32>,
        %mul3A_235 = arith.mulf %get3A_234, %gather3A : vector<16xf32>
        %swap3A_236 = arith.index_cast %scan3A_224 : i32 to index
        %swap3A_237 = arith.constant 16 : index
        %swap3A_238 = tpu.vector_load %arg17[%swap3A_236, %swap3A_237] {strides = array<i32>} : memref<80x128xf32, #tpu.memory_space<vmem>>, vector<16xf32>,
        tpu.vector_store %arg17[%swap3A_236, %swap3A_237], %mul3A_235 {strides = array<i32>} : memref<80x128xf32, #tpu.memory_space<vmem>>, vector<16xf32>,
        %get3A_239 = arith.index_cast %scan3A_224 : i32 to index
        %get3A_240 = arith.constant 32 : index
        %get3A_241 = tpu.vector_load %arg17[%get3A_239, %get3A_240] {strides = array<i32>} : memref<80x128xf32, #tpu.memory_space<vmem>>, vector<16xf32>,
        %mul3A_242 = arith.mulf %get3A_241, %gather3A : vector<16xf32>
        %swap3A_243 = arith.index_cast %scan3A_224 : i32 to index
        %swap3A_244 = arith.constant 32 : index
        %swap3A_245 = tpu.vector_load %arg17[%swap3A_243, %swap3A_244] {strides = array<i32>} : memref<80x128xf32, #tpu.memory_space<vmem>>, vector<16xf32>,
        tpu.vector_store %arg17[%swap3A_243, %swap3A_244], %mul3A_242 {strides = array<i32>} : memref<80x128xf32, #tpu.memory_space<vmem>>, vector<16xf32>,
        %get3A_246 = arith.index_cast %scan3A_224 : i32 to index
        %get3A_247 = arith.constant 48 : index
        %get3A_248 = tpu.vector_load %arg17[%get3A_246, %get3A_247] {strides = array<i32>} : memref<80x128xf32, #tpu.memory_space<vmem>>, vector<16xf32>,
        %mul3A_249 = arith.mulf %get3A_248, %gather3A : vector<16xf32>
        %swap3A_250 = arith.index_cast %scan3A_224 : i32 to index
        %swap3A_251 = arith.constant 48 : index
        %swap3A_252 = tpu.vector_load %arg17[%swap3A_250, %swap3A_251] {strides = array<i32>} : memref<80x128xf32, #tpu.memory_space<vmem>>, vector<16xf32>,
        tpu.vector_store %arg17[%swap3A_250, %swap3A_251], %mul3A_249 {strides = array<i32>} : memref<80x128xf32, #tpu.memory_space<vmem>>, vector<16xf32>,
        %get3A_253 = arith.index_cast %scan3A_224 : i32 to index
        %get3A_254 = arith.constant 64 : index
        %get3A_255 = tpu.vector_load %arg17[%get3A_253, %get3A_254] {strides = array<i32>} : memref<80x128xf32, #tpu.memory_space<vmem>>, vector<16xf32>,
        %mul3A_256 = arith.mulf %get3A_255, %gather3A : vector<16xf32>
        %swap3A_257 = arith.index_cast %scan3A_224 : i32 to index
        %swap3A_258 = arith.constant 64 : index
        %swap3A_259 = tpu.vector_load %arg17[%swap3A_257, %swap3A_258] {strides = array<i32>} : memref<80x128xf32, #tpu.memory_space<vmem>>, vector<16xf32>,
        tpu.vector_store %arg17[%swap3A_257, %swap3A_258], %mul3A_256 {strides = array<i32>} : memref<80x128xf32, #tpu.memory_space<vmem>>, vector<16xf32>,
        %get3A_260 = arith.index_cast %scan3A_224 : i32 to index
        %get3A_261 = arith.constant 80 : index
        %get3A_262 = tpu.vector_load %arg17[%get3A_260, %get3A_261] {strides = array<i32>} : memref<80x128xf32, #tpu.memory_space<vmem>>, vector<16xf32>,
        %mul3A_263 = arith.mulf %get3A_262, %gather3A : vector<16xf32>
        %swap3A_264 = arith.index_cast %scan3A_224 : i32 to index
        %swap3A_265 = arith.constant 80 : index
        %swap3A_266 = tpu.vector_load %arg17[%swap3A_264, %swap3A_265] {strides = array<i32>} : memref<80x128xf32, #tpu.memory_space<vmem>>, vector<16xf32>,
        tpu.vector_store %arg17[%swap3A_264, %swap3A_265], %mul3A_263 {strides = array<i32>} : memref<80x128xf32, #tpu.memory_space<vmem>>, vector<16xf32>,
        %get3A_267 = arith.index_cast %scan3A_224 : i32 to index
        %get3A_268 = arith.constant 96 : index
        %get3A_269 = tpu.vector_load %arg17[%get3A_267, %get3A_268] {strides = array<i32>} : memref<80x128xf32, #tpu.memory_space<vmem>>, vector<16xf32>,
        %mul3A_270 = arith.mulf %get3A_269, %gather3A : vector<16xf32>
        %swap3A_271 = arith.index_cast %scan3A_224 : i32 to index
        %swap3A_272 = arith.constant 96 : index
        %swap3A_273 = tpu.vector_load %arg17[%swap3A_271, %swap3A_272] {strides = array<i32>} : memref<80x128xf32, #tpu.memory_space<vmem>>, vector<16xf32>,
        tpu.vector_store %arg17[%swap3A_271, %swap3A_272], %mul3A_270 {strides = array<i32>} : memref<80x128xf32, #tpu.memory_space<vmem>>, vector<16xf32>,
        %get3A_274 = arith.index_cast %scan3A_224 : i32 to index
        %get3A_275 = arith.constant 112 : index
        %get3A_276 = tpu.vector_load %arg17[%get3A_274, %get3A_275] {strides = array<i32>} : memref<80x128xf32, #tpu.memory_space<vmem>>, vector<16xf32>,
        %mul3A_277 = arith.mulf %get3A_276, %gather3A : vector<16xf32>
        %swap3A_278 = arith.index_cast %scan3A_224 : i32 to index
        %swap3A_279 = arith.constant 112 : index
        %swap3A_280 = tpu.vector_load %arg17[%swap3A_278, %swap3A_279] {strides = array<i32>} : memref<80x128xf32, #tpu.memory_space<vmem>>, vector<16xf32>,
        tpu.vector_store %arg17[%swap3A_278, %swap3A_279], %mul3A_277 {strides = array<i32>} : memref<80x128xf32, #tpu.memory_space<vmem>>, vector<16xf32>,
        %scan3A_281 = arith.constant 1 : i32
        %scan3A_282 = arith.addi %scan3A_224, %scan3A_281 : i32
        %add3A_283 = vector.broadcast %scan3A_282 : i32 to vector<16xi32>
        %add3A_284 = arith.addi %broadcast_in_dim3A_13, %add3A_283 : vector<16xi32>
        %gather3A_285 = tpu.vector_load_idx %arg16[%add3A_284, %broadcast_in_dim3A_13] : memref<80x16xf32, #tpu.memory_space<vmem>>[vector<16xi32>, vector<16xi32>], vector<16xf32>,
        %get3A_286 = arith.index_cast %scan3A_282 : i32 to index
        %get3A_287 = arith.constant 0 : index
        %get3A_288 = tpu.vector_load %arg17[%get3A_286, %get3A_287] {strides = array<i32>} : memref<80x128xf32, #tpu.memory_space<vmem>>, vector<16xf32>,
        %mul3A_289 = arith.mulf %get3A_288, %gather3A_285 : vector<16xf32>
        %swap3A_290 = arith.index_cast %scan3A_282 : i32 to index
        %swap3A_291 = arith.constant 0 : index
        %swap3A_292 = tpu.vector_load %arg17[%swap3A_290, %swap3A_291] {strides = array<i32>} : memref<80x128xf32, #tpu.memory_space<vmem>>, vector<16xf32>,
        tpu.vector_store %arg17[%swap3A_290, %swap3A_291], %mul3A_289 {strides = array<i32>} : memref<80x128xf32, #tpu.memory_space<vmem>>, vector<16xf32>,
        %get3A_293 = arith.index_cast %scan3A_282 : i32 to index
        %get3A_294 = arith.constant 16 : index
        %get3A_295 = tpu.vector_load %arg17[%get3A_293, %get3A_294] {strides = array<i32>} : memref<80x128xf32, #tpu.memory_space<vmem>>, vector<16xf32>,
        %mul3A_296 = arith.mulf %get3A_295, %gather3A_285 : vector<16xf32>
        %swap3A_297 = arith.index_cast %scan3A_282 : i32 to index
        %swap3A_298 = arith.constant 16 : index
        %swap3A_299 = tpu.vector_load %arg17[%swap3A_297, %swap3A_298] {strides = array<i32>} : memref<80x128xf32, #tpu.memory_space<vmem>>, vector<16xf32>,
        tpu.vector_store %arg17[%swap3A_297, %swap3A_298], %mul3A_296 {strides = array<i32>} : memref<80x128xf32, #tpu.memory_space<vmem>>, vector<16xf32>,
        %get3A_300 = arith.index_cast %scan3A_282 : i32 to index
        %get3A_301 = arith.constant 32 : index
        %get3A_302 = tpu.vector_load %arg17[%get3A_300, %get3A_301] {strides = array<i32>} : memref<80x128xf32, #tpu.memory_space<vmem>>, vector<16xf32>,
        %mul3A_303 = arith.mulf %get3A_302, %gather3A_285 : vector<16xf32>
        %swap3A_304 = arith.index_cast %scan3A_282 : i32 to index
        %swap3A_305 = arith.constant 32 : index
        %swap3A_306 = tpu.vector_load %arg17[%swap3A_304, %swap3A_305] {strides = array<i32>} : memref<80x128xf32, #tpu.memory_space<vmem>>, vector<16xf32>,
        tpu.vector_store %arg17[%swap3A_304, %swap3A_305], %mul3A_303 {strides = array<i32>} : memref<80x128xf32, #tpu.memory_space<vmem>>, vector<16xf32>,
        %get3A_307 = arith.index_cast %scan3A_282 : i32 to index
        %get3A_308 = arith.constant 48 : index
        %get3A_309 = tpu.vector_load %arg17[%get3A_307, %get3A_308] {strides = array<i32>} : memref<80x128xf32, #tpu.memory_space<vmem>>, vector<16xf32>,
        %mul3A_310 = arith.mulf %get3A_309, %gather3A_285 : vector<16xf32>
        %swap3A_311 = arith.index_cast %scan3A_282 : i32 to index
        %swap3A_312 = arith.constant 48 : index
        %swap3A_313 = tpu.vector_load %arg17[%swap3A_311, %swap3A_312] {strides = array<i32>} : memref<80x128xf32, #tpu.memory_space<vmem>>, vector<16xf32>,
        tpu.vector_store %arg17[%swap3A_311, %swap3A_312], %mul3A_310 {strides = array<i32>} : memref<80x128xf32, #tpu.memory_space<vmem>>, vector<16xf32>,
        %get3A_314 = arith.index_cast %scan3A_282 : i32 to index
        %get3A_315 = arith.constant 64 : index
        %get3A_316 = tpu.vector_load %arg17[%get3A_314, %get3A_315] {strides = array<i32>} : memref<80x128xf32, #tpu.memory_space<vmem>>, vector<16xf32>,
        %mul3A_317 = arith.mulf %get3A_316, %gather3A_285 : vector<16xf32>
        %swap3A_318 = arith.index_cast %scan3A_282 : i32 to index
        %swap3A_319 = arith.constant 64 : index
        %swap3A_320 = tpu.vector_load %arg17[%swap3A_318, %swap3A_319] {strides = array<i32>} : memref<80x128xf32, #tpu.memory_space<vmem>>, vector<16xf32>,
        tpu.vector_store %arg17[%swap3A_318, %swap3A_319], %mul3A_317 {strides = array<i32>} : memref<80x128xf32, #tpu.memory_space<vmem>>, vector<16xf32>,
        %get3A_321 = arith.index_cast %scan3A_282 : i32 to index
        %get3A_322 = arith.constant 80 : index
        %get3A_323 = tpu.vector_load %arg17[%get3A_321, %get3A_322] {strides = array<i32>} : memref<80x128xf32, #tpu.memory_space<vmem>>, vector<16xf32>,
        %mul3A_324 = arith.mulf %get3A_323, %gather3A_285 : vector<16xf32>
        %swap3A_325 = arith.index_cast %scan3A_282 : i32 to index
        %swap3A_326 = arith.constant 80 : index
        %swap3A_327 = tpu.vector_load %arg17[%swap3A_325, %swap3A_326] {strides = array<i32>} : memref<80x128xf32, #tpu.memory_space<vmem>>, vector<16xf32>,
        tpu.vector_store %arg17[%swap3A_325, %swap3A_326], %mul3A_324 {strides = array<i32>} : memref<80x128xf32, #tpu.memory_space<vmem>>, vector<16xf32>,
        %get3A_328 = arith.index_cast %scan3A_282 : i32 to index
        %get3A_329 = arith.constant 96 : index
        %get3A_330 = tpu.vector_load %arg17[%get3A_328, %get3A_329] {strides = array<i32>} : memref<80x128xf32, #tpu.memory_space<vmem>>, vector<16xf32>,
        %mul3A_331 = arith.mulf %get3A_330, %gather3A_285 : vector<16xf32>
        %swap3A_332 = arith.index_cast %scan3A_282 : i32 to index
        %swap3A_333 = arith.constant 96 : index
        %swap3A_334 = tpu.vector_load %arg17[%swap3A_332, %swap3A_333] {strides = array<i32>} : memref<80x128xf32, #tpu.memory_space<vmem>>, vector<16xf32>,
        tpu.vector_store %arg17[%swap3A_332, %swap3A_333], %mul3A_331 {strides = array<i32>} : memref<80x128xf32, #tpu.memory_space<vmem>>, vector<16xf32>,
        %get3A_335 = arith.index_cast %scan3A_282 : i32 to index
        %get3A_336 = arith.constant 112 : index
        %get3A_337 = tpu.vector_load %arg17[%get3A_335, %get3A_336] {strides = array<i32>} : memref<80x128xf32, #tpu.memory_space<vmem>>, vector<16xf32>,
        %mul3A_338 = arith.mulf %get3A_337, %gather3A_285 : vector<16xf32>
        %swap3A_339 = arith.index_cast %scan3A_282 : i32 to index
        %swap3A_340 = arith.constant 112 : index
        %swap3A_341 = tpu.vector_load %arg17[%swap3A_339, %swap3A_340] {strides = array<i32>} : memref<80x128xf32, #tpu.memory_space<vmem>>, vector<16xf32>,
        tpu.vector_store %arg17[%swap3A_339, %swap3A_340], %mul3A_338 {strides = array<i32>} : memref<80x128xf32, #tpu.memory_space<vmem>>, vector<16xf32>,
      }
      %scan3A_141 = arith.constant 80 : i32
      %mul3A_142 = arith.constant 80 : i32
      %mul3A_143 = arith.muli %add3A_116, %mul3A_142 : i32
      %add3A_144 = arith.addi %mul3A_2, %mul3A_143 : i32
      %dma_wait3A_145 = tpu.memref_slice %arg3[%add3A_144] : memref<320000xi32, #tpu.memory_space<hbm>> -> memref<80xi32, #tpu.memory_space<hbm>>
      %dma_wait3A_146 = tpu.memref_slice %arg3[%add3A_144] : memref<320000xi32, #tpu.memory_space<hbm>> -> memref<80xi32, #tpu.memory_space<hbm>>
      tpu.wait_dma2 semaphore(%arg27 : memref<!tpu.dma_semaphore, #tpu.memory_space<semaphore_mem>>) src(%dma_wait3A_146 : memref<80xi32, #tpu.memory_space<hbm>>) dst(%arg13 : memref<80xi32, #tpu.memory_space<vmem>>)
      %dma_start3A_147 = arith.constant 0 : i32
      %dma_start3A_148 = arith.constant 0 : i32
      %dma_start3A_149 = tpu.memref_slice %arg33[%dma_start3A_147, %dma_start3A_148] : memref<10240x16xf32, #tpu.memory_space<vmem_shared>> -> memref<10240x16xf32, #tpu.memory_space<vmem_shared>>
      tpu.enqueue_indirect_dma source(%arg16 : memref<80x16xf32, #tpu.memory_space<vmem>>) target(%dma_start3A_149 : memref<10240x16xf32, #tpu.memory_space<vmem_shared>>) offsets(%arg13 : memref<80xi32, #tpu.memory_space<vmem>>) semaphore(%arg31 : memref<!tpu.dma_semaphore, #tpu.memory_space<semaphore_mem>>) {add = true}
      %dma_start3A_150 = arith.constant 0 : i32
      %dma_start3A_151 = arith.constant 0 : i32
      %dma_start3A_152 = tpu.memref_slice %arg34[%dma_start3A_150, %dma_start3A_151] : memref<10240x128xf32, #tpu.memory_space<vmem_shared>> -> memref<10240x128xf32, #tpu.memory_space<vmem_shared>>
      tpu.enqueue_indirect_dma source(%arg17 : memref<80x128xf32, #tpu.memory_space<vmem>>) target(%dma_start3A_152 : memref<10240x128xf32, #tpu.memory_space<vmem_shared>>) offsets(%arg13 : memref<80xi32, #tpu.memory_space<vmem>>) semaphore(%arg31 : memref<!tpu.dma_semaphore, #tpu.memory_space<semaphore_mem>>) {add = true}
      %add3A_153 = arith.constant 1 : i32
      %add3A_154 = arith.addi %mul3A_114, %add3A_153 : i32
      %add3A_155 = arith.constant 2 : i32
      %add3A_156 = arith.addi %add3A_154, %add3A_155 : i32
      %dma_wait3A_157 = arith.constant 0 : i32
      %dma_wait3A_158 = arith.constant 0 : i32
      %dma_wait3A_159 = tpu.memref_slice %arg4[%dma_wait3A_157, %dma_wait3A_158] : memref<10000x16xf32, #tpu.memory_space<hbm>> -> memref<10000x16xf32, #tpu.memory_space<hbm>>
      tpu.wait_indirect_dma semaphore(%arg30 : memref<!tpu.dma_semaphore, #tpu.memory_space<semaphore_mem>>) src(%dma_wait3A_159 : memref<10000x16xf32, #tpu.memory_space<hbm>>) dst(%arg21 : memref<80x16xf32, #tpu.memory_space<vmem>>)
      %dma_wait3A_160 = arith.constant 0 : i32
      %dma_wait3A_161 = arith.constant 0 : i32
      %dma_wait3A_162 = tpu.memref_slice %arg5[%dma_wait3A_160, %dma_wait3A_161] : memref<10000x16xf32, #tpu.memory_space<hbm>> -> memref<10000x16xf32, #tpu.memory_space<hbm>>
      tpu.wait_indirect_dma semaphore(%arg30 : memref<!tpu.dma_semaphore, #tpu.memory_space<semaphore_mem>>) src(%dma_wait3A_162 : memref<10000x16xf32, #tpu.memory_space<hbm>>) dst(%arg22 : memref<80x16xf32, #tpu.memory_space<vmem>>)
      %dma_wait3A_163 = arith.constant 0 : i32
      %dma_wait3A_164 = arith.constant 0 : i32
      %dma_wait3A_165 = tpu.memref_slice %arg6[%dma_wait3A_163, %dma_wait3A_164] : memref<10000x128xf32, #tpu.memory_space<hbm>> -> memref<10000x128xf32, #tpu.memory_space<hbm>>
      tpu.wait_indirect_dma semaphore(%arg30 : memref<!tpu.dma_semaphore, #tpu.memory_space<semaphore_mem>>) src(%dma_wait3A_165 : memref<10000x128xf32, #tpu.memory_space<hbm>>) dst(%arg24 : memref<80x128xf32, #tpu.memory_space<vmem>>)
      %lt3A_166 = arith.constant 125 : i32
      %lt3A_167 = arith.cmpi slt, %add3A_156, %lt3A_166 : i32
      %convert_element_type3A_168 = arith.extui %lt3A_167 : i1 to i32
      %cond3A_169 = arith.constant 0 : i32
      %cond3A_170 = arith.cmpi ne, %convert_element_type3A_168, %cond3A_169 : i32
      scf.if %cond3A_170 {
        %mul3A_224 = arith.constant 80 : i32
        %mul3A_225 = arith.muli %add3A_156, %mul3A_224 : i32
        %add3A_226 = arith.addi %mul3A_2, %mul3A_225 : i32
        %dma_start3A_227 = tpu.memref_slice %arg2[%add3A_226] : memref<320000xi32, #tpu.memory_space<hbm>> -> memref<80xi32, #tpu.memory_space<hbm>>
        %dma_start3A_228 = tpu.memref_slice %arg2[%add3A_226] : memref<320000xi32, #tpu.memory_space<hbm>> -> memref<80xi32, #tpu.memory_space<hbm>>
        tpu.enqueue_dma source(%dma_start3A_228 : memref<80xi32, #tpu.memory_space<hbm>>) target(%arg18 : memref<80xi32, #tpu.memory_space<vmem>>) target_semaphore(%arg26 : memref<!tpu.dma_semaphore, #tpu.memory_space<semaphore_mem>>)
        %dma_start3A_229 = tpu.memref_slice %arg3[%add3A_226] : memref<320000xi32, #tpu.memory_space<hbm>> -> memref<80xi32, #tpu.memory_space<hbm>>
        %dma_start3A_230 = tpu.memref_slice %arg3[%add3A_226] : memref<320000xi32, #tpu.memory_space<hbm>> -> memref<80xi32, #tpu.memory_space<hbm>>
        tpu.enqueue_dma source(%dma_start3A_230 : memref<80xi32, #tpu.memory_space<hbm>>) target(%arg19 : memref<80xi32, #tpu.memory_space<vmem>>) target_semaphore(%arg26 : memref<!tpu.dma_semaphore, #tpu.memory_space<semaphore_mem>>)
      } else {
      }
      %scan3A_171 = arith.constant 0 : i32
      %scan3A_172 = arith.constant 0 : i32
      %scan3A_173 = arith.constant 40 : i32
      %scan3A_174 = arith.addi %scan3A_172, %scan3A_173 : i32
      %scan3A_175 = arith.constant 4 : i32
      scf.for %scan3A_224 = %scan3A_172 to %scan3A_174 step %scan3A_175  : i32 {
        %mul3A_225 = arith.constant 2 : i32
        %mul3A_226 = arith.muli %mul3A_225, %scan3A_224 : i32
        %add3A_227 = vector.broadcast %mul3A_226 : i32 to vector<16xi32>
        %add3A_228 = arith.addi %shift_right_arithmetic3A_9, %add3A_227 : vector<16xi32>
        %gather3A = tpu.vector_load_idx %arg21[%add3A_228, %and3A_12] : memref<80x16xf32, #tpu.memory_space<vmem>>[vector<16xi32>, vector<16xi32>], vector<16xf32>,
        %gather3A_229 = tpu.vector_load_idx %arg22[%add3A_228, %and3A_12] : memref<80x16xf32, #tpu.memory_space<vmem>>[vector<16xi32>, vector<16xi32>], vector<16xf32>,
        %add3A_230 = arith.addf %gather3A, %gather3A_229 : vector<16xf32>
        %gt3A = arith.constant 0.000000e+00 : f32
        %gt3A_231 = vector.broadcast %gt3A : f32 to vector<16xf32>
        %gt3A_232 = arith.cmpf ogt, %add3A_230, %gt3A_231 : vector<16xf32>
        %mul3A_233 = arith.constant 2.000000e-01 : f32
        %mul3A_234 = vector.broadcast %mul3A_233 : f32 to vector<16xf32>
        %mul3A_235 = arith.mulf %mul3A_234, %add3A_230 : vector<16xf32>
        %select_n3A = arith.select %gt3A_232, %add3A_230, %mul3A_235 : vector<16xi1>, vector<16xf32>
        %exp3A = math.exp %select_n3A : vector<16xf32>
        tpu.vector_store_idx %arg23[%add3A_228, %and3A_12], %exp3A : memref<80x16xf32, #tpu.memory_space<vmem>>[vector<16xi32>, vector<16xi32>], vector<16xf32>,
        %scan3A_236 = arith.constant 1 : i32
        %scan3A_237 = arith.addi %scan3A_224, %scan3A_236 : i32
        %mul3A_238 = arith.constant 2 : i32
        %mul3A_239 = arith.muli %mul3A_238, %scan3A_237 : i32
        %add3A_240 = vector.broadcast %mul3A_239 : i32 to vector<16xi32>
        %add3A_241 = arith.addi %shift_right_arithmetic3A_9, %add3A_240 : vector<16xi32>
        %gather3A_242 = tpu.vector_load_idx %arg21[%add3A_241, %and3A_12] : memref<80x16xf32, #tpu.memory_space<vmem>>[vector<16xi32>, vector<16xi32>], vector<16xf32>,
        %gather3A_243 = tpu.vector_load_idx %arg22[%add3A_241, %and3A_12] : memref<80x16xf32, #tpu.memory_space<vmem>>[vector<16xi32>, vector<16xi32>], vector<16xf32>,
        %add3A_244 = arith.addf %gather3A_242, %gather3A_243 : vector<16xf32>
        %gt3A_245 = arith.constant 0.000000e+00 : f32
        %gt3A_246 = vector.broadcast %gt3A_245 : f32 to vector<16xf32>
        %gt3A_247 = arith.cmpf ogt, %add3A_244, %gt3A_246 : vector<16xf32>
        %mul3A_248 = arith.constant 2.000000e-01 : f32
        %mul3A_249 = vector.broadcast %mul3A_248 : f32 to vector<16xf32>
        %mul3A_250 = arith.mulf %mul3A_249, %add3A_244 : vector<16xf32>
        %select_n3A_251 = arith.select %gt3A_247, %add3A_244, %mul3A_250 : vector<16xi1>, vector<16xf32>
        %exp3A_252 = math.exp %select_n3A_251 : vector<16xf32>
        tpu.vector_store_idx %arg23[%add3A_241, %and3A_12], %exp3A_252 : memref<80x16xf32, #tpu.memory_space<vmem>>[vector<16xi32>, vector<16xi32>], vector<16xf32>,
        %scan3A_253 = arith.constant 2 : i32
        %scan3A_254 = arith.addi %scan3A_224, %scan3A_253 : i32
        %mul3A_255 = arith.constant 2 : i32
        %mul3A_256 = arith.muli %mul3A_255, %scan3A_254 : i32
        %add3A_257 = vector.broadcast %mul3A_256 : i32 to vector<16xi32>
        %add3A_258 = arith.addi %shift_right_arithmetic3A_9, %add3A_257 : vector<16xi32>
        %gather3A_259 = tpu.vector_load_idx %arg21[%add3A_258, %and3A_12] : memref<80x16xf32, #tpu.memory_space<vmem>>[vector<16xi32>, vector<16xi32>], vector<16xf32>,
        %gather3A_260 = tpu.vector_load_idx %arg22[%add3A_258, %and3A_12] : memref<80x16xf32, #tpu.memory_space<vmem>>[vector<16xi32>, vector<16xi32>], vector<16xf32>,
        %add3A_261 = arith.addf %gather3A_259, %gather3A_260 : vector<16xf32>
        %gt3A_262 = arith.constant 0.000000e+00 : f32
        %gt3A_263 = vector.broadcast %gt3A_262 : f32 to vector<16xf32>
        %gt3A_264 = arith.cmpf ogt, %add3A_261, %gt3A_263 : vector<16xf32>
        %mul3A_265 = arith.constant 2.000000e-01 : f32
        %mul3A_266 = vector.broadcast %mul3A_265 : f32 to vector<16xf32>
        %mul3A_267 = arith.mulf %mul3A_266, %add3A_261 : vector<16xf32>
        %select_n3A_268 = arith.select %gt3A_264, %add3A_261, %mul3A_267 : vector<16xi1>, vector<16xf32>
        %exp3A_269 = math.exp %select_n3A_268 : vector<16xf32>
        tpu.vector_store_idx %arg23[%add3A_258, %and3A_12], %exp3A_269 : memref<80x16xf32, #tpu.memory_space<vmem>>[vector<16xi32>, vector<16xi32>], vector<16xf32>,
        %scan3A_270 = arith.constant 3 : i32
        %scan3A_271 = arith.addi %scan3A_224, %scan3A_270 : i32
        %mul3A_272 = arith.constant 2 : i32
        %mul3A_273 = arith.muli %mul3A_272, %scan3A_271 : i32
        %add3A_274 = vector.broadcast %mul3A_273 : i32 to vector<16xi32>
        %add3A_275 = arith.addi %shift_right_arithmetic3A_9, %add3A_274 : vector<16xi32>
        %gather3A_276 = tpu.vector_load_idx %arg21[%add3A_275, %and3A_12] : memref<80x16xf32, #tpu.memory_space<vmem>>[vector<16xi32>, vector<16xi32>], vector<16xf32>,
        %gather3A_277 = tpu.vector_load_idx %arg22[%add3A_275, %and3A_12] : memref<80x16xf32, #tpu.memory_space<vmem>>[vector<16xi32>, vector<16xi32>], vector<16xf32>,
        %add3A_278 = arith.addf %gather3A_276, %gather3A_277 : vector<16xf32>
        %gt3A_279 = arith.constant 0.000000e+00 : f32
        %gt3A_280 = vector.broadcast %gt3A_279 : f32 to vector<16xf32>
        %gt3A_281 = arith.cmpf ogt, %add3A_278, %gt3A_280 : vector<16xf32>
        %mul3A_282 = arith.constant 2.000000e-01 : f32
        %mul3A_283 = vector.broadcast %mul3A_282 : f32 to vector<16xf32>
        %mul3A_284 = arith.mulf %mul3A_283, %add3A_278 : vector<16xf32>
        %select_n3A_285 = arith.select %gt3A_281, %add3A_278, %mul3A_284 : vector<16xi1>, vector<16xf32>
        %exp3A_286 = math.exp %select_n3A_285 : vector<16xf32>
        tpu.vector_store_idx %arg23[%add3A_275, %and3A_12], %exp3A_286 : memref<80x16xf32, #tpu.memory_space<vmem>>[vector<16xi32>, vector<16xi32>], vector<16xf32>,
      }
      %scan3A_176 = arith.constant 40 : i32
      %scan3A_177 = arith.constant 0 : i32
      %scan3A_178 = arith.constant 0 : i32
      %scan3A_179 = arith.constant 80 : i32
      %scan3A_180 = arith.addi %scan3A_178, %scan3A_179 : i32
      %scan3A_181 = arith.constant 2 : i32
      scf.for %scan3A_224 = %scan3A_178 to %scan3A_180 step %scan3A_181  : i32 {
        %add3A_225 = vector.broadcast %scan3A_224 : i32 to vector<16xi32>
        %add3A_226 = arith.addi %broadcast_in_dim3A_13, %add3A_225 : vector<16xi32>
        %gather3A = tpu.vector_load_idx %arg23[%add3A_226, %broadcast_in_dim3A_13] : memref<80x16xf32, #tpu.memory_space<vmem>>[vector<16xi32>, vector<16xi32>], vector<16xf32>,
        %get3A = arith.index_cast %scan3A_224 : i32 to index
        %get3A_227 = arith.constant 0 : index
        %get3A_228 = tpu.vector_load %arg24[%get3A, %get3A_227] {strides = array<i32>} : memref<80x128xf32, #tpu.memory_space<vmem>>, vector<16xf32>,
        %mul3A_229 = arith.mulf %get3A_228, %gather3A : vector<16xf32>
        %swap3A = arith.index_cast %scan3A_224 : i32 to index
        %swap3A_230 = arith.constant 0 : index
        %swap3A_231 = tpu.vector_load %arg24[%swap3A, %swap3A_230] {strides = array<i32>} : memref<80x128xf32, #tpu.memory_space<vmem>>, vector<16xf32>,
        tpu.vector_store %arg24[%swap3A, %swap3A_230], %mul3A_229 {strides = array<i32>} : memref<80x128xf32, #tpu.memory_space<vmem>>, vector<16xf32>,
        %get3A_232 = arith.index_cast %scan3A_224 : i32 to index
        %get3A_233 = arith.constant 16 : index
        %get3A_234 = tpu.vector_load %arg24[%get3A_232, %get3A_233] {strides = array<i32>} : memref<80x128xf32, #tpu.memory_space<vmem>>, vector<16xf32>,
        %mul3A_235 = arith.mulf %get3A_234, %gather3A : vector<16xf32>
        %swap3A_236 = arith.index_cast %scan3A_224 : i32 to index
        %swap3A_237 = arith.constant 16 : index
        %swap3A_238 = tpu.vector_load %arg24[%swap3A_236, %swap3A_237] {strides = array<i32>} : memref<80x128xf32, #tpu.memory_space<vmem>>, vector<16xf32>,
        tpu.vector_store %arg24[%swap3A_236, %swap3A_237], %mul3A_235 {strides = array<i32>} : memref<80x128xf32, #tpu.memory_space<vmem>>, vector<16xf32>,
        %get3A_239 = arith.index_cast %scan3A_224 : i32 to index
        %get3A_240 = arith.constant 32 : index
        %get3A_241 = tpu.vector_load %arg24[%get3A_239, %get3A_240] {strides = array<i32>} : memref<80x128xf32, #tpu.memory_space<vmem>>, vector<16xf32>,
        %mul3A_242 = arith.mulf %get3A_241, %gather3A : vector<16xf32>
        %swap3A_243 = arith.index_cast %scan3A_224 : i32 to index
        %swap3A_244 = arith.constant 32 : index
        %swap3A_245 = tpu.vector_load %arg24[%swap3A_243, %swap3A_244] {strides = array<i32>} : memref<80x128xf32, #tpu.memory_space<vmem>>, vector<16xf32>,
        tpu.vector_store %arg24[%swap3A_243, %swap3A_244], %mul3A_242 {strides = array<i32>} : memref<80x128xf32, #tpu.memory_space<vmem>>, vector<16xf32>,
        %get3A_246 = arith.index_cast %scan3A_224 : i32 to index
        %get3A_247 = arith.constant 48 : index
        %get3A_248 = tpu.vector_load %arg24[%get3A_246, %get3A_247] {strides = array<i32>} : memref<80x128xf32, #tpu.memory_space<vmem>>, vector<16xf32>,
        %mul3A_249 = arith.mulf %get3A_248, %gather3A : vector<16xf32>
        %swap3A_250 = arith.index_cast %scan3A_224 : i32 to index
        %swap3A_251 = arith.constant 48 : index
        %swap3A_252 = tpu.vector_load %arg24[%swap3A_250, %swap3A_251] {strides = array<i32>} : memref<80x128xf32, #tpu.memory_space<vmem>>, vector<16xf32>,
        tpu.vector_store %arg24[%swap3A_250, %swap3A_251], %mul3A_249 {strides = array<i32>} : memref<80x128xf32, #tpu.memory_space<vmem>>, vector<16xf32>,
        %get3A_253 = arith.index_cast %scan3A_224 : i32 to index
        %get3A_254 = arith.constant 64 : index
        %get3A_255 = tpu.vector_load %arg24[%get3A_253, %get3A_254] {strides = array<i32>} : memref<80x128xf32, #tpu.memory_space<vmem>>, vector<16xf32>,
        %mul3A_256 = arith.mulf %get3A_255, %gather3A : vector<16xf32>
        %swap3A_257 = arith.index_cast %scan3A_224 : i32 to index
        %swap3A_258 = arith.constant 64 : index
        %swap3A_259 = tpu.vector_load %arg24[%swap3A_257, %swap3A_258] {strides = array<i32>} : memref<80x128xf32, #tpu.memory_space<vmem>>, vector<16xf32>,
        tpu.vector_store %arg24[%swap3A_257, %swap3A_258], %mul3A_256 {strides = array<i32>} : memref<80x128xf32, #tpu.memory_space<vmem>>, vector<16xf32>,
        %get3A_260 = arith.index_cast %scan3A_224 : i32 to index
        %get3A_261 = arith.constant 80 : index
        %get3A_262 = tpu.vector_load %arg24[%get3A_260, %get3A_261] {strides = array<i32>} : memref<80x128xf32, #tpu.memory_space<vmem>>, vector<16xf32>,
        %mul3A_263 = arith.mulf %get3A_262, %gather3A : vector<16xf32>
        %swap3A_264 = arith.index_cast %scan3A_224 : i32 to index
        %swap3A_265 = arith.constant 80 : index
        %swap3A_266 = tpu.vector_load %arg24[%swap3A_264, %swap3A_265] {strides = array<i32>} : memref<80x128xf32, #tpu.memory_space<vmem>>, vector<16xf32>,
        tpu.vector_store %arg24[%swap3A_264, %swap3A_265], %mul3A_263 {strides = array<i32>} : memref<80x128xf32, #tpu.memory_space<vmem>>, vector<16xf32>,
        %get3A_267 = arith.index_cast %scan3A_224 : i32 to index
        %get3A_268 = arith.constant 96 : index
        %get3A_269 = tpu.vector_load %arg24[%get3A_267, %get3A_268] {strides = array<i32>} : memref<80x128xf32, #tpu.memory_space<vmem>>, vector<16xf32>,
        %mul3A_270 = arith.mulf %get3A_269, %gather3A : vector<16xf32>
        %swap3A_271 = arith.index_cast %scan3A_224 : i32 to index
        %swap3A_272 = arith.constant 96 : index
        %swap3A_273 = tpu.vector_load %arg24[%swap3A_271, %swap3A_272] {strides = array<i32>} : memref<80x128xf32, #tpu.memory_space<vmem>>, vector<16xf32>,
        tpu.vector_store %arg24[%swap3A_271, %swap3A_272], %mul3A_270 {strides = array<i32>} : memref<80x128xf32, #tpu.memory_space<vmem>>, vector<16xf32>,
        %get3A_274 = arith.index_cast %scan3A_224 : i32 to index
        %get3A_275 = arith.constant 112 : index
        %get3A_276 = tpu.vector_load %arg24[%get3A_274, %get3A_275] {strides = array<i32>} : memref<80x128xf32, #tpu.memory_space<vmem>>, vector<16xf32>,
        %mul3A_277 = arith.mulf %get3A_276, %gather3A : vector<16xf32>
        %swap3A_278 = arith.index_cast %scan3A_224 : i32 to index
        %swap3A_279 = arith.constant 112 : index
        %swap3A_280 = tpu.vector_load %arg24[%swap3A_278, %swap3A_279] {strides = array<i32>} : memref<80x128xf32, #tpu.memory_space<vmem>>, vector<16xf32>,
        tpu.vector_store %arg24[%swap3A_278, %swap3A_279], %mul3A_277 {strides = array<i32>} : memref<80x128xf32, #tpu.memory_space<vmem>>, vector<16xf32>,
        %scan3A_281 = arith.constant 1 : i32
        %scan3A_282 = arith.addi %scan3A_224, %scan3A_281 : i32
        %add3A_283 = vector.broadcast %scan3A_282 : i32 to vector<16xi32>
        %add3A_284 = arith.addi %broadcast_in_dim3A_13, %add3A_283 : vector<16xi32>
        %gather3A_285 = tpu.vector_load_idx %arg23[%add3A_284, %broadcast_in_dim3A_13] : memref<80x16xf32, #tpu.memory_space<vmem>>[vector<16xi32>, vector<16xi32>], vector<16xf32>,
        %get3A_286 = arith.index_cast %scan3A_282 : i32 to index
        %get3A_287 = arith.constant 0 : index
        %get3A_288 = tpu.vector_load %arg24[%get3A_286, %get3A_287] {strides = array<i32>} : memref<80x128xf32, #tpu.memory_space<vmem>>, vector<16xf32>,
        %mul3A_289 = arith.mulf %get3A_288, %gather3A_285 : vector<16xf32>
        %swap3A_290 = arith.index_cast %scan3A_282 : i32 to index
        %swap3A_291 = arith.constant 0 : index
        %swap3A_292 = tpu.vector_load %arg24[%swap3A_290, %swap3A_291] {strides = array<i32>} : memref<80x128xf32, #tpu.memory_space<vmem>>, vector<16xf32>,
        tpu.vector_store %arg24[%swap3A_290, %swap3A_291], %mul3A_289 {strides = array<i32>} : memref<80x128xf32, #tpu.memory_space<vmem>>, vector<16xf32>,
        %get3A_293 = arith.index_cast %scan3A_282 : i32 to index
        %get3A_294 = arith.constant 16 : index
        %get3A_295 = tpu.vector_load %arg24[%get3A_293, %get3A_294] {strides = array<i32>} : memref<80x128xf32, #tpu.memory_space<vmem>>, vector<16xf32>,
        %mul3A_296 = arith.mulf %get3A_295, %gather3A_285 : vector<16xf32>
        %swap3A_297 = arith.index_cast %scan3A_282 : i32 to index
        %swap3A_298 = arith.constant 16 : index
        %swap3A_299 = tpu.vector_load %arg24[%swap3A_297, %swap3A_298] {strides = array<i32>} : memref<80x128xf32, #tpu.memory_space<vmem>>, vector<16xf32>,
        tpu.vector_store %arg24[%swap3A_297, %swap3A_298], %mul3A_296 {strides = array<i32>} : memref<80x128xf32, #tpu.memory_space<vmem>>, vector<16xf32>,
        %get3A_300 = arith.index_cast %scan3A_282 : i32 to index
        %get3A_301 = arith.constant 32 : index
        %get3A_302 = tpu.vector_load %arg24[%get3A_300, %get3A_301] {strides = array<i32>} : memref<80x128xf32, #tpu.memory_space<vmem>>, vector<16xf32>,
        %mul3A_303 = arith.mulf %get3A_302, %gather3A_285 : vector<16xf32>
        %swap3A_304 = arith.index_cast %scan3A_282 : i32 to index
        %swap3A_305 = arith.constant 32 : index
        %swap3A_306 = tpu.vector_load %arg24[%swap3A_304, %swap3A_305] {strides = array<i32>} : memref<80x128xf32, #tpu.memory_space<vmem>>, vector<16xf32>,
        tpu.vector_store %arg24[%swap3A_304, %swap3A_305], %mul3A_303 {strides = array<i32>} : memref<80x128xf32, #tpu.memory_space<vmem>>, vector<16xf32>,
        %get3A_307 = arith.index_cast %scan3A_282 : i32 to index
        %get3A_308 = arith.constant 48 : index
        %get3A_309 = tpu.vector_load %arg24[%get3A_307, %get3A_308] {strides = array<i32>} : memref<80x128xf32, #tpu.memory_space<vmem>>, vector<16xf32>,
        %mul3A_310 = arith.mulf %get3A_309, %gather3A_285 : vector<16xf32>
        %swap3A_311 = arith.index_cast %scan3A_282 : i32 to index
        %swap3A_312 = arith.constant 48 : index
        %swap3A_313 = tpu.vector_load %arg24[%swap3A_311, %swap3A_312] {strides = array<i32>} : memref<80x128xf32, #tpu.memory_space<vmem>>, vector<16xf32>,
        tpu.vector_store %arg24[%swap3A_311, %swap3A_312], %mul3A_310 {strides = array<i32>} : memref<80x128xf32, #tpu.memory_space<vmem>>, vector<16xf32>,
        %get3A_314 = arith.index_cast %scan3A_282 : i32 to index
        %get3A_315 = arith.constant 64 : index
        %get3A_316 = tpu.vector_load %arg24[%get3A_314, %get3A_315] {strides = array<i32>} : memref<80x128xf32, #tpu.memory_space<vmem>>, vector<16xf32>,
        %mul3A_317 = arith.mulf %get3A_316, %gather3A_285 : vector<16xf32>
        %swap3A_318 = arith.index_cast %scan3A_282 : i32 to index
        %swap3A_319 = arith.constant 64 : index
        %swap3A_320 = tpu.vector_load %arg24[%swap3A_318, %swap3A_319] {strides = array<i32>} : memref<80x128xf32, #tpu.memory_space<vmem>>, vector<16xf32>,
        tpu.vector_store %arg24[%swap3A_318, %swap3A_319], %mul3A_317 {strides = array<i32>} : memref<80x128xf32, #tpu.memory_space<vmem>>, vector<16xf32>,
        %get3A_321 = arith.index_cast %scan3A_282 : i32 to index
        %get3A_322 = arith.constant 80 : index
        %get3A_323 = tpu.vector_load %arg24[%get3A_321, %get3A_322] {strides = array<i32>} : memref<80x128xf32, #tpu.memory_space<vmem>>, vector<16xf32>,
        %mul3A_324 = arith.mulf %get3A_323, %gather3A_285 : vector<16xf32>
        %swap3A_325 = arith.index_cast %scan3A_282 : i32 to index
        %swap3A_326 = arith.constant 80 : index
        %swap3A_327 = tpu.vector_load %arg24[%swap3A_325, %swap3A_326] {strides = array<i32>} : memref<80x128xf32, #tpu.memory_space<vmem>>, vector<16xf32>,
        tpu.vector_store %arg24[%swap3A_325, %swap3A_326], %mul3A_324 {strides = array<i32>} : memref<80x128xf32, #tpu.memory_space<vmem>>, vector<16xf32>,
        %get3A_328 = arith.index_cast %scan3A_282 : i32 to index
        %get3A_329 = arith.constant 96 : index
        %get3A_330 = tpu.vector_load %arg24[%get3A_328, %get3A_329] {strides = array<i32>} : memref<80x128xf32, #tpu.memory_space<vmem>>, vector<16xf32>,
        %mul3A_331 = arith.mulf %get3A_330, %gather3A_285 : vector<16xf32>
        %swap3A_332 = arith.index_cast %scan3A_282 : i32 to index
        %swap3A_333 = arith.constant 96 : index
        %swap3A_334 = tpu.vector_load %arg24[%swap3A_332, %swap3A_333] {strides = array<i32>} : memref<80x128xf32, #tpu.memory_space<vmem>>, vector<16xf32>,
        tpu.vector_store %arg24[%swap3A_332, %swap3A_333], %mul3A_331 {strides = array<i32>} : memref<80x128xf32, #tpu.memory_space<vmem>>, vector<16xf32>,
        %get3A_335 = arith.index_cast %scan3A_282 : i32 to index
        %get3A_336 = arith.constant 112 : index
        %get3A_337 = tpu.vector_load %arg24[%get3A_335, %get3A_336] {strides = array<i32>} : memref<80x128xf32, #tpu.memory_space<vmem>>, vector<16xf32>,
        %mul3A_338 = arith.mulf %get3A_337, %gather3A_285 : vector<16xf32>
        %swap3A_339 = arith.index_cast %scan3A_282 : i32 to index
        %swap3A_340 = arith.constant 112 : index
        %swap3A_341 = tpu.vector_load %arg24[%swap3A_339, %swap3A_340] {strides = array<i32>} : memref<80x128xf32, #tpu.memory_space<vmem>>, vector<16xf32>,
        tpu.vector_store %arg24[%swap3A_339, %swap3A_340], %mul3A_338 {strides = array<i32>} : memref<80x128xf32, #tpu.memory_space<vmem>>, vector<16xf32>,
      }
      %scan3A_182 = arith.constant 80 : i32
      %mul3A_183 = arith.constant 80 : i32
      %mul3A_184 = arith.muli %add3A_154, %mul3A_183 : i32
      %add3A_185 = arith.addi %mul3A_2, %mul3A_184 : i32
      %dma_wait3A_186 = tpu.memref_slice %arg3[%add3A_185] : memref<320000xi32, #tpu.memory_space<hbm>> -> memref<80xi32, #tpu.memory_space<hbm>>
      %dma_wait3A_187 = tpu.memref_slice %arg3[%add3A_185] : memref<320000xi32, #tpu.memory_space<hbm>> -> memref<80xi32, #tpu.memory_space<hbm>>
      tpu.wait_dma2 semaphore(%arg28 : memref<!tpu.dma_semaphore, #tpu.memory_space<semaphore_mem>>) src(%dma_wait3A_187 : memref<80xi32, #tpu.memory_space<hbm>>) dst(%arg20 : memref<80xi32, #tpu.memory_space<vmem>>)
      %dma_start3A_188 = arith.constant 0 : i32
      %dma_start3A_189 = arith.constant 0 : i32
      %dma_start3A_190 = tpu.memref_slice %arg33[%dma_start3A_188, %dma_start3A_189] : memref<10240x16xf32, #tpu.memory_space<vmem_shared>> -> memref<10240x16xf32, #tpu.memory_space<vmem_shared>>
      tpu.enqueue_indirect_dma source(%arg23 : memref<80x16xf32, #tpu.memory_space<vmem>>) target(%dma_start3A_190 : memref<10240x16xf32, #tpu.memory_space<vmem_shared>>) offsets(%arg20 : memref<80xi32, #tpu.memory_space<vmem>>) semaphore(%arg32 : memref<!tpu.dma_semaphore, #tpu.memory_space<semaphore_mem>>) {add = true}
      %dma_start3A_191 = arith.constant 0 : i32
      %dma_start3A_192 = arith.constant 0 : i32
      %dma_start3A_193 = tpu.memref_slice %arg34[%dma_start3A_191, %dma_start3A_192] : memref<10240x128xf32, #tpu.memory_space<vmem_shared>> -> memref<10240x128xf32, #tpu.memory_space<vmem_shared>>
      tpu.enqueue_indirect_dma source(%arg24 : memref<80x128xf32, #tpu.memory_space<vmem>>) target(%dma_start3A_193 : memref<10240x128xf32, #tpu.memory_space<vmem_shared>>) offsets(%arg20 : memref<80xi32, #tpu.memory_space<vmem>>) semaphore(%arg32 : memref<!tpu.dma_semaphore, #tpu.memory_space<semaphore_mem>>) {add = true}
      %add3A_194 = arith.constant 0 : i32
      %add3A_195 = arith.addi %mul3A_114, %add3A_194 : i32
      %add3A_196 = arith.constant 2 : i32
      %add3A_197 = arith.addi %add3A_195, %add3A_196 : i32
      %dma_wait3A_198 = arith.constant 0 : i32
      %dma_wait3A_199 = arith.constant 0 : i32
      %dma_wait3A_200 = tpu.memref_slice %arg33[%dma_wait3A_198, %dma_wait3A_199] : memref<10240x16xf32, #tpu.memory_space<vmem_shared>> -> memref<10240x16xf32, #tpu.memory_space<vmem_shared>>
      tpu.wait_indirect_dma semaphore(%arg31 : memref<!tpu.dma_semaphore, #tpu.memory_space<semaphore_mem>>) src(%arg16 : memref<80x16xf32, #tpu.memory_space<vmem>>) dst(%dma_wait3A_200 : memref<10240x16xf32, #tpu.memory_space<vmem_shared>>)
      %dma_wait3A_201 = arith.constant 0 : i32
      %dma_wait3A_202 = arith.constant 0 : i32
      %dma_wait3A_203 = tpu.memref_slice %arg34[%dma_wait3A_201, %dma_wait3A_202] : memref<10240x128xf32, #tpu.memory_space<vmem_shared>> -> memref<10240x128xf32, #tpu.memory_space<vmem_shared>>
      tpu.wait_indirect_dma semaphore(%arg31 : memref<!tpu.dma_semaphore, #tpu.memory_space<semaphore_mem>>) src(%arg17 : memref<80x128xf32, #tpu.memory_space<vmem>>) dst(%dma_wait3A_203 : memref<10240x128xf32, #tpu.memory_space<vmem_shared>>)
      %lt3A_204 = arith.constant 125 : i32
      %lt3A_205 = arith.cmpi slt, %add3A_197, %lt3A_204 : i32
      %convert_element_type3A_206 = arith.extui %lt3A_205 : i1 to i32
      %cond3A_207 = arith.constant 0 : i32
      %cond3A_208 = arith.cmpi ne, %convert_element_type3A_206, %cond3A_207 : i32
      scf.if %cond3A_208 {
        %mul3A_224 = arith.constant 80 : i32
        %mul3A_225 = arith.muli %add3A_197, %mul3A_224 : i32
        %add3A_226 = arith.addi %mul3A_2, %mul3A_225 : i32
        %dma_start3A_227 = tpu.memref_slice %arg3[%add3A_226] : memref<320000xi32, #tpu.memory_space<hbm>> -> memref<80xi32, #tpu.memory_space<hbm>>
        %dma_start3A_228 = tpu.memref_slice %arg3[%add3A_226] : memref<320000xi32, #tpu.memory_space<hbm>> -> memref<80xi32, #tpu.memory_space<hbm>>
        tpu.enqueue_dma source(%dma_start3A_228 : memref<80xi32, #tpu.memory_space<hbm>>) target(%arg13 : memref<80xi32, #tpu.memory_space<vmem>>) target_semaphore(%arg27 : memref<!tpu.dma_semaphore, #tpu.memory_space<semaphore_mem>>)
        %mul3A_229 = arith.constant 80 : i32
        %mul3A_230 = arith.muli %add3A_197, %mul3A_229 : i32
        %add3A_231 = arith.addi %mul3A_2, %mul3A_230 : i32
        %dma_wait3A_232 = tpu.memref_slice %arg2[%add3A_231] : memref<320000xi32, #tpu.memory_space<hbm>> -> memref<80xi32, #tpu.memory_space<hbm>>
        %dma_wait3A_233 = tpu.memref_slice %arg2[%add3A_231] : memref<320000xi32, #tpu.memory_space<hbm>> -> memref<80xi32, #tpu.memory_space<hbm>>
        tpu.wait_dma2 semaphore(%arg25 : memref<!tpu.dma_semaphore, #tpu.memory_space<semaphore_mem>>) src(%dma_wait3A_233 : memref<80xi32, #tpu.memory_space<hbm>>) dst(%arg11 : memref<80xi32, #tpu.memory_space<vmem>>)
        %dma_wait3A_234 = tpu.memref_slice %arg3[%add3A_231] : memref<320000xi32, #tpu.memory_space<hbm>> -> memref<80xi32, #tpu.memory_space<hbm>>
        %dma_wait3A_235 = tpu.memref_slice %arg3[%add3A_231] : memref<320000xi32, #tpu.memory_space<hbm>> -> memref<80xi32, #tpu.memory_space<hbm>>
        tpu.wait_dma2 semaphore(%arg25 : memref<!tpu.dma_semaphore, #tpu.memory_space<semaphore_mem>>) src(%dma_wait3A_235 : memref<80xi32, #tpu.memory_space<hbm>>) dst(%arg12 : memref<80xi32, #tpu.memory_space<vmem>>)
        %dma_start3A_236 = arith.constant 0 : i32
        %dma_start3A_237 = arith.constant 0 : i32
        %dma_start3A_238 = tpu.memref_slice %arg4[%dma_start3A_236, %dma_start3A_237] : memref<10000x16xf32, #tpu.memory_space<hbm>> -> memref<10000x16xf32, #tpu.memory_space<hbm>>
        tpu.enqueue_indirect_dma source(%dma_start3A_238 : memref<10000x16xf32, #tpu.memory_space<hbm>>) target(%arg14 : memref<80x16xf32, #tpu.memory_space<vmem>>) offsets(%arg11 : memref<80xi32, #tpu.memory_space<vmem>>) semaphore(%arg29 : memref<!tpu.dma_semaphore, #tpu.memory_space<semaphore_mem>>)
        %dma_start3A_239 = arith.constant 0 : i32
        %dma_start3A_240 = arith.constant 0 : i32
        %dma_start3A_241 = tpu.memref_slice %arg5[%dma_start3A_239, %dma_start3A_240] : memref<10000x16xf32, #tpu.memory_space<hbm>> -> memref<10000x16xf32, #tpu.memory_space<hbm>>
        tpu.enqueue_indirect_dma source(%dma_start3A_241 : memref<10000x16xf32, #tpu.memory_space<hbm>>) target(%arg15 : memref<80x16xf32, #tpu.memory_space<vmem>>) offsets(%arg12 : memref<80xi32, #tpu.memory_space<vmem>>) semaphore(%arg29 : memref<!tpu.dma_semaphore, #tpu.memory_space<semaphore_mem>>)
        %dma_start3A_242 = arith.constant 0 : i32
        %dma_start3A_243 = arith.constant 0 : i32
        %dma_start3A_244 = tpu.memref_slice %arg6[%dma_start3A_242, %dma_start3A_243] : memref<10000x128xf32, #tpu.memory_space<hbm>> -> memref<10000x128xf32, #tpu.memory_space<hbm>>
        tpu.enqueue_indirect_dma source(%dma_start3A_244 : memref<10000x128xf32, #tpu.memory_space<hbm>>) target(%arg17 : memref<80x128xf32, #tpu.memory_space<vmem>>) offsets(%arg11 : memref<80xi32, #tpu.memory_space<vmem>>) semaphore(%arg29 : memref<!tpu.dma_semaphore, #tpu.memory_space<semaphore_mem>>)
      } else {
      }
      %add3A_209 = arith.constant 1 : i32
      %add3A_210 = arith.addi %mul3A_114, %add3A_209 : i32
      %add3A_211 = arith.constant 2 : i32
      %add3A_212 = arith.addi %add3A_210, %add3A_211 : i32
      %dma_wait3A_213 = arith.constant 0 : i32
      %dma_wait3A_214 = arith.constant 0 : i32
      %dma_wait3A_215 = tpu.memref_slice %arg33[%dma_wait3A_213, %dma_wait3A_214] : memref<10240x16xf32, #tpu.memory_space<vmem_shared>> -> memref<10240x16xf32, #tpu.memory_space<vmem_shared>>
      tpu.wait_indirect_dma semaphore(%arg32 : memref<!tpu.dma_semaphore, #tpu.memory_space<semaphore_mem>>) src(%arg23 : memref<80x16xf32, #tpu.memory_space<vmem>>) dst(%dma_wait3A_215 : memref<10240x16xf32, #tpu.memory_space<vmem_shared>>)
      %dma_wait3A_216 = arith.constant 0 : i32
      %dma_wait3A_217 = arith.constant 0 : i32
      %dma_wait3A_218 = tpu.memref_slice %arg34[%dma_wait3A_216, %dma_wait3A_217] : memref<10240x128xf32, #tpu.memory_space<vmem_shared>> -> memref<10240x128xf32, #tpu.memory_space<vmem_shared>>
      tpu.wait_indirect_dma semaphore(%arg32 : memref<!tpu.dma_semaphore, #tpu.memory_space<semaphore_mem>>) src(%arg24 : memref<80x128xf32, #tpu.memory_space<vmem>>) dst(%dma_wait3A_218 : memref<10240x128xf32, #tpu.memory_space<vmem_shared>>)
      %lt3A_219 = arith.constant 125 : i32
      %lt3A_220 = arith.cmpi slt, %add3A_212, %lt3A_219 : i32
      %convert_element_type3A_221 = arith.extui %lt3A_220 : i1 to i32
      %cond3A_222 = arith.constant 0 : i32
      %cond3A_223 = arith.cmpi ne, %convert_element_type3A_221, %cond3A_222 : i32
      scf.if %cond3A_223 {
        %mul3A_224 = arith.constant 80 : i32
        %mul3A_225 = arith.muli %add3A_212, %mul3A_224 : i32
        %add3A_226 = arith.addi %mul3A_2, %mul3A_225 : i32
        %dma_start3A_227 = tpu.memref_slice %arg3[%add3A_226] : memref<320000xi32, #tpu.memory_space<hbm>> -> memref<80xi32, #tpu.memory_space<hbm>>
        %dma_start3A_228 = tpu.memref_slice %arg3[%add3A_226] : memref<320000xi32, #tpu.memory_space<hbm>> -> memref<80xi32, #tpu.memory_space<hbm>>
        tpu.enqueue_dma source(%dma_start3A_228 : memref<80xi32, #tpu.memory_space<hbm>>) target(%arg20 : memref<80xi32, #tpu.memory_space<vmem>>) target_semaphore(%arg28 : memref<!tpu.dma_semaphore, #tpu.memory_space<semaphore_mem>>)
        %mul3A_229 = arith.constant 80 : i32
        %mul3A_230 = arith.muli %add3A_212, %mul3A_229 : i32
        %add3A_231 = arith.addi %mul3A_2, %mul3A_230 : i32
        %dma_wait3A_232 = tpu.memref_slice %arg2[%add3A_231] : memref<320000xi32, #tpu.memory_space<hbm>> -> memref<80xi32, #tpu.memory_space<hbm>>
        %dma_wait3A_233 = tpu.memref_slice %arg2[%add3A_231] : memref<320000xi32, #tpu.memory_space<hbm>> -> memref<80xi32, #tpu.memory_space<hbm>>
        tpu.wait_dma2 semaphore(%arg26 : memref<!tpu.dma_semaphore, #tpu.memory_space<semaphore_mem>>) src(%dma_wait3A_233 : memref<80xi32, #tpu.memory_space<hbm>>) dst(%arg18 : memref<80xi32, #tpu.memory_space<vmem>>)
        %dma_wait3A_234 = tpu.memref_slice %arg3[%add3A_231] : memref<320000xi32, #tpu.memory_space<hbm>> -> memref<80xi32, #tpu.memory_space<hbm>>
        %dma_wait3A_235 = tpu.memref_slice %arg3[%add3A_231] : memref<320000xi32, #tpu.memory_space<hbm>> -> memref<80xi32, #tpu.memory_space<hbm>>
        tpu.wait_dma2 semaphore(%arg26 : memref<!tpu.dma_semaphore, #tpu.memory_space<semaphore_mem>>) src(%dma_wait3A_235 : memref<80xi32, #tpu.memory_space<hbm>>) dst(%arg19 : memref<80xi32, #tpu.memory_space<vmem>>)
        %dma_start3A_236 = arith.constant 0 : i32
        %dma_start3A_237 = arith.constant 0 : i32
        %dma_start3A_238 = tpu.memref_slice %arg4[%dma_start3A_236, %dma_start3A_237] : memref<10000x16xf32, #tpu.memory_space<hbm>> -> memref<10000x16xf32, #tpu.memory_space<hbm>>
        tpu.enqueue_indirect_dma source(%dma_start3A_238 : memref<10000x16xf32, #tpu.memory_space<hbm>>) target(%arg21 : memref<80x16xf32, #tpu.memory_space<vmem>>) offsets(%arg18 : memref<80xi32, #tpu.memory_space<vmem>>) semaphore(%arg30 : memref<!tpu.dma_semaphore, #tpu.memory_space<semaphore_mem>>)
        %dma_start3A_239 = arith.constant 0 : i32
        %dma_start3A_240 = arith.constant 0 : i32
        %dma_start3A_241 = tpu.memref_slice %arg5[%dma_start3A_239, %dma_start3A_240] : memref<10000x16xf32, #tpu.memory_space<hbm>> -> memref<10000x16xf32, #tpu.memory_space<hbm>>
        tpu.enqueue_indirect_dma source(%dma_start3A_241 : memref<10000x16xf32, #tpu.memory_space<hbm>>) target(%arg22 : memref<80x16xf32, #tpu.memory_space<vmem>>) offsets(%arg19 : memref<80xi32, #tpu.memory_space<vmem>>) semaphore(%arg30 : memref<!tpu.dma_semaphore, #tpu.memory_space<semaphore_mem>>)
        %dma_start3A_242 = arith.constant 0 : i32
        %dma_start3A_243 = arith.constant 0 : i32
        %dma_start3A_244 = tpu.memref_slice %arg6[%dma_start3A_242, %dma_start3A_243] : memref<10000x128xf32, #tpu.memory_space<hbm>> -> memref<10000x128xf32, #tpu.memory_space<hbm>>
        tpu.enqueue_indirect_dma source(%dma_start3A_244 : memref<10000x128xf32, #tpu.memory_space<hbm>>) target(%arg24 : memref<80x128xf32, #tpu.memory_space<vmem>>) offsets(%arg18 : memref<80xi32, #tpu.memory_space<vmem>>) semaphore(%arg30 : memref<!tpu.dma_semaphore, #tpu.memory_space<semaphore_mem>>)
      } else {
      }
    }
    %scan3A_67 = arith.constant 62 : i32
    %dma_wait3A_68 = arith.constant 0 : i32
    %dma_wait3A_69 = arith.constant 0 : i32
    %dma_wait3A_70 = tpu.memref_slice %arg4[%dma_wait3A_68, %dma_wait3A_69] : memref<10000x16xf32, #tpu.memory_space<hbm>> -> memref<10000x16xf32, #tpu.memory_space<hbm>>
    tpu.wait_indirect_dma semaphore(%arg29 : memref<!tpu.dma_semaphore, #tpu.memory_space<semaphore_mem>>) src(%dma_wait3A_70 : memref<10000x16xf32, #tpu.memory_space<hbm>>) dst(%arg14 : memref<80x16xf32, #tpu.memory_space<vmem>>)
    %dma_wait3A_71 = arith.constant 0 : i32
    %dma_wait3A_72 = arith.constant 0 : i32
    %dma_wait3A_73 = tpu.memref_slice %arg5[%dma_wait3A_71, %dma_wait3A_72] : memref<10000x16xf32, #tpu.memory_space<hbm>> -> memref<10000x16xf32, #tpu.memory_space<hbm>>
    tpu.wait_indirect_dma semaphore(%arg29 : memref<!tpu.dma_semaphore, #tpu.memory_space<semaphore_mem>>) src(%dma_wait3A_73 : memref<10000x16xf32, #tpu.memory_space<hbm>>) dst(%arg15 : memref<80x16xf32, #tpu.memory_space<vmem>>)
    %dma_wait3A_74 = arith.constant 0 : i32
    %dma_wait3A_75 = arith.constant 0 : i32
    %dma_wait3A_76 = tpu.memref_slice %arg6[%dma_wait3A_74, %dma_wait3A_75] : memref<10000x128xf32, #tpu.memory_space<hbm>> -> memref<10000x128xf32, #tpu.memory_space<hbm>>
    tpu.wait_indirect_dma semaphore(%arg29 : memref<!tpu.dma_semaphore, #tpu.memory_space<semaphore_mem>>) src(%dma_wait3A_76 : memref<10000x128xf32, #tpu.memory_space<hbm>>) dst(%arg17 : memref<80x128xf32, #tpu.memory_space<vmem>>)
    %scan3A_77 = arith.constant 0 : i32
    %scan3A_78 = arith.constant 0 : i32
    %scan3A_79 = arith.constant 40 : i32
    %scan3A_80 = arith.addi %scan3A_78, %scan3A_79 : i32
    %scan3A_81 = arith.constant 4 : i32
    scf.for %scan3A_112 = %scan3A_78 to %scan3A_80 step %scan3A_81  : i32 {
      %mul3A_113 = arith.constant 2 : i32
      %mul3A_114 = arith.muli %mul3A_113, %scan3A_112 : i32
      %add3A_115 = vector.broadcast %mul3A_114 : i32 to vector<16xi32>
      %add3A_116 = arith.addi %shift_right_arithmetic3A_9, %add3A_115 : vector<16xi32>
      %gather3A = tpu.vector_load_idx %arg14[%add3A_116, %and3A_12] : memref<80x16xf32, #tpu.memory_space<vmem>>[vector<16xi32>, vector<16xi32>], vector<16xf32>,
      %gather3A_117 = tpu.vector_load_idx %arg15[%add3A_116, %and3A_12] : memref<80x16xf32, #tpu.memory_space<vmem>>[vector<16xi32>, vector<16xi32>], vector<16xf32>,
      %add3A_118 = arith.addf %gather3A, %gather3A_117 : vector<16xf32>
      %gt3A = arith.constant 0.000000e+00 : f32
      %gt3A_119 = vector.broadcast %gt3A : f32 to vector<16xf32>
      %gt3A_120 = arith.cmpf ogt, %add3A_118, %gt3A_119 : vector<16xf32>
      %mul3A_121 = arith.constant 2.000000e-01 : f32
      %mul3A_122 = vector.broadcast %mul3A_121 : f32 to vector<16xf32>
      %mul3A_123 = arith.mulf %mul3A_122, %add3A_118 : vector<16xf32>
      %select_n3A = arith.select %gt3A_120, %add3A_118, %mul3A_123 : vector<16xi1>, vector<16xf32>
      %exp3A = math.exp %select_n3A : vector<16xf32>
      tpu.vector_store_idx %arg16[%add3A_116, %and3A_12], %exp3A : memref<80x16xf32, #tpu.memory_space<vmem>>[vector<16xi32>, vector<16xi32>], vector<16xf32>,
      %scan3A_124 = arith.constant 1 : i32
      %scan3A_125 = arith.addi %scan3A_112, %scan3A_124 : i32
      %mul3A_126 = arith.constant 2 : i32
      %mul3A_127 = arith.muli %mul3A_126, %scan3A_125 : i32
      %add3A_128 = vector.broadcast %mul3A_127 : i32 to vector<16xi32>
      %add3A_129 = arith.addi %shift_right_arithmetic3A_9, %add3A_128 : vector<16xi32>
      %gather3A_130 = tpu.vector_load_idx %arg14[%add3A_129, %and3A_12] : memref<80x16xf32, #tpu.memory_space<vmem>>[vector<16xi32>, vector<16xi32>], vector<16xf32>,
      %gather3A_131 = tpu.vector_load_idx %arg15[%add3A_129, %and3A_12] : memref<80x16xf32, #tpu.memory_space<vmem>>[vector<16xi32>, vector<16xi32>], vector<16xf32>,
      %add3A_132 = arith.addf %gather3A_130, %gather3A_131 : vector<16xf32>
      %gt3A_133 = arith.constant 0.000000e+00 : f32
      %gt3A_134 = vector.broadcast %gt3A_133 : f32 to vector<16xf32>
      %gt3A_135 = arith.cmpf ogt, %add3A_132, %gt3A_134 : vector<16xf32>
      %mul3A_136 = arith.constant 2.000000e-01 : f32
      %mul3A_137 = vector.broadcast %mul3A_136 : f32 to vector<16xf32>
      %mul3A_138 = arith.mulf %mul3A_137, %add3A_132 : vector<16xf32>
      %select_n3A_139 = arith.select %gt3A_135, %add3A_132, %mul3A_138 : vector<16xi1>, vector<16xf32>
      %exp3A_140 = math.exp %select_n3A_139 : vector<16xf32>
      tpu.vector_store_idx %arg16[%add3A_129, %and3A_12], %exp3A_140 : memref<80x16xf32, #tpu.memory_space<vmem>>[vector<16xi32>, vector<16xi32>], vector<16xf32>,
      %scan3A_141 = arith.constant 2 : i32
      %scan3A_142 = arith.addi %scan3A_112, %scan3A_141 : i32
      %mul3A_143 = arith.constant 2 : i32
      %mul3A_144 = arith.muli %mul3A_143, %scan3A_142 : i32
      %add3A_145 = vector.broadcast %mul3A_144 : i32 to vector<16xi32>
      %add3A_146 = arith.addi %shift_right_arithmetic3A_9, %add3A_145 : vector<16xi32>
      %gather3A_147 = tpu.vector_load_idx %arg14[%add3A_146, %and3A_12] : memref<80x16xf32, #tpu.memory_space<vmem>>[vector<16xi32>, vector<16xi32>], vector<16xf32>,
      %gather3A_148 = tpu.vector_load_idx %arg15[%add3A_146, %and3A_12] : memref<80x16xf32, #tpu.memory_space<vmem>>[vector<16xi32>, vector<16xi32>], vector<16xf32>,
      %add3A_149 = arith.addf %gather3A_147, %gather3A_148 : vector<16xf32>
      %gt3A_150 = arith.constant 0.000000e+00 : f32
      %gt3A_151 = vector.broadcast %gt3A_150 : f32 to vector<16xf32>
      %gt3A_152 = arith.cmpf ogt, %add3A_149, %gt3A_151 : vector<16xf32>
      %mul3A_153 = arith.constant 2.000000e-01 : f32
      %mul3A_154 = vector.broadcast %mul3A_153 : f32 to vector<16xf32>
      %mul3A_155 = arith.mulf %mul3A_154, %add3A_149 : vector<16xf32>
      %select_n3A_156 = arith.select %gt3A_152, %add3A_149, %mul3A_155 : vector<16xi1>, vector<16xf32>
      %exp3A_157 = math.exp %select_n3A_156 : vector<16xf32>
      tpu.vector_store_idx %arg16[%add3A_146, %and3A_12], %exp3A_157 : memref<80x16xf32, #tpu.memory_space<vmem>>[vector<16xi32>, vector<16xi32>], vector<16xf32>,
      %scan3A_158 = arith.constant 3 : i32
      %scan3A_159 = arith.addi %scan3A_112, %scan3A_158 : i32
      %mul3A_160 = arith.constant 2 : i32
      %mul3A_161 = arith.muli %mul3A_160, %scan3A_159 : i32
      %add3A_162 = vector.broadcast %mul3A_161 : i32 to vector<16xi32>
      %add3A_163 = arith.addi %shift_right_arithmetic3A_9, %add3A_162 : vector<16xi32>
      %gather3A_164 = tpu.vector_load_idx %arg14[%add3A_163, %and3A_12] : memref<80x16xf32, #tpu.memory_space<vmem>>[vector<16xi32>, vector<16xi32>], vector<16xf32>,
      %gather3A_165 = tpu.vector_load_idx %arg15[%add3A_163, %and3A_12] : memref<80x16xf32, #tpu.memory_space<vmem>>[vector<16xi32>, vector<16xi32>], vector<16xf32>,
      %add3A_166 = arith.addf %gather3A_164, %gather3A_165 : vector<16xf32>
      %gt3A_167 = arith.constant 0.000000e+00 : f32
      %gt3A_168 = vector.broadcast %gt3A_167 : f32 to vector<16xf32>
      %gt3A_169 = arith.cmpf ogt, %add3A_166, %gt3A_168 : vector<16xf32>
      %mul3A_170 = arith.constant 2.000000e-01 : f32
      %mul3A_171 = vector.broadcast %mul3A_170 : f32 to vector<16xf32>
      %mul3A_172 = arith.mulf %mul3A_171, %add3A_166 : vector<16xf32>
      %select_n3A_173 = arith.select %gt3A_169, %add3A_166, %mul3A_172 : vector<16xi1>, vector<16xf32>
      %exp3A_174 = math.exp %select_n3A_173 : vector<16xf32>
      tpu.vector_store_idx %arg16[%add3A_163, %and3A_12], %exp3A_174 : memref<80x16xf32, #tpu.memory_space<vmem>>[vector<16xi32>, vector<16xi32>], vector<16xf32>,
    }
    %scan3A_82 = arith.constant 40 : i32
    %scan3A_83 = arith.constant 0 : i32
    %scan3A_84 = arith.constant 0 : i32
    %scan3A_85 = arith.constant 80 : i32
    %scan3A_86 = arith.addi %scan3A_84, %scan3A_85 : i32
    %scan3A_87 = arith.constant 2 : i32
    scf.for %scan3A_112 = %scan3A_84 to %scan3A_86 step %scan3A_87  : i32 {
      %add3A_113 = vector.broadcast %scan3A_112 : i32 to vector<16xi32>
      %add3A_114 = arith.addi %broadcast_in_dim3A_13, %add3A_113 : vector<16xi32>
      %gather3A = tpu.vector_load_idx %arg16[%add3A_114, %broadcast_in_dim3A_13] : memref<80x16xf32, #tpu.memory_space<vmem>>[vector<16xi32>, vector<16xi32>], vector<16xf32>,
      %get3A = arith.index_cast %scan3A_112 : i32 to index
      %get3A_115 = arith.constant 0 : index
      %get3A_116 = tpu.vector_load %arg17[%get3A, %get3A_115] {strides = array<i32>} : memref<80x128xf32, #tpu.memory_space<vmem>>, vector<16xf32>,
      %mul3A_117 = arith.mulf %get3A_116, %gather3A : vector<16xf32>
      %swap3A = arith.index_cast %scan3A_112 : i32 to index
      %swap3A_118 = arith.constant 0 : index
      %swap3A_119 = tpu.vector_load %arg17[%swap3A, %swap3A_118] {strides = array<i32>} : memref<80x128xf32, #tpu.memory_space<vmem>>, vector<16xf32>,
      tpu.vector_store %arg17[%swap3A, %swap3A_118], %mul3A_117 {strides = array<i32>} : memref<80x128xf32, #tpu.memory_space<vmem>>, vector<16xf32>,
      %get3A_120 = arith.index_cast %scan3A_112 : i32 to index
      %get3A_121 = arith.constant 16 : index
      %get3A_122 = tpu.vector_load %arg17[%get3A_120, %get3A_121] {strides = array<i32>} : memref<80x128xf32, #tpu.memory_space<vmem>>, vector<16xf32>,
      %mul3A_123 = arith.mulf %get3A_122, %gather3A : vector<16xf32>
      %swap3A_124 = arith.index_cast %scan3A_112 : i32 to index
      %swap3A_125 = arith.constant 16 : index
      %swap3A_126 = tpu.vector_load %arg17[%swap3A_124, %swap3A_125] {strides = array<i32>} : memref<80x128xf32, #tpu.memory_space<vmem>>, vector<16xf32>,
      tpu.vector_store %arg17[%swap3A_124, %swap3A_125], %mul3A_123 {strides = array<i32>} : memref<80x128xf32, #tpu.memory_space<vmem>>, vector<16xf32>,
      %get3A_127 = arith.index_cast %scan3A_112 : i32 to index
      %get3A_128 = arith.constant 32 : index
      %get3A_129 = tpu.vector_load %arg17[%get3A_127, %get3A_128] {strides = array<i32>} : memref<80x128xf32, #tpu.memory_space<vmem>>, vector<16xf32>,
      %mul3A_130 = arith.mulf %get3A_129, %gather3A : vector<16xf32>
      %swap3A_131 = arith.index_cast %scan3A_112 : i32 to index
      %swap3A_132 = arith.constant 32 : index
      %swap3A_133 = tpu.vector_load %arg17[%swap3A_131, %swap3A_132] {strides = array<i32>} : memref<80x128xf32, #tpu.memory_space<vmem>>, vector<16xf32>,
      tpu.vector_store %arg17[%swap3A_131, %swap3A_132], %mul3A_130 {strides = array<i32>} : memref<80x128xf32, #tpu.memory_space<vmem>>, vector<16xf32>,
      %get3A_134 = arith.index_cast %scan3A_112 : i32 to index
      %get3A_135 = arith.constant 48 : index
      %get3A_136 = tpu.vector_load %arg17[%get3A_134, %get3A_135] {strides = array<i32>} : memref<80x128xf32, #tpu.memory_space<vmem>>, vector<16xf32>,
      %mul3A_137 = arith.mulf %get3A_136, %gather3A : vector<16xf32>
      %swap3A_138 = arith.index_cast %scan3A_112 : i32 to index
      %swap3A_139 = arith.constant 48 : index
      %swap3A_140 = tpu.vector_load %arg17[%swap3A_138, %swap3A_139] {strides = array<i32>} : memref<80x128xf32, #tpu.memory_space<vmem>>, vector<16xf32>,
      tpu.vector_store %arg17[%swap3A_138, %swap3A_139], %mul3A_137 {strides = array<i32>} : memref<80x128xf32, #tpu.memory_space<vmem>>, vector<16xf32>,
      %get3A_141 = arith.index_cast %scan3A_112 : i32 to index
      %get3A_142 = arith.constant 64 : index
      %get3A_143 = tpu.vector_load %arg17[%get3A_141, %get3A_142] {strides = array<i32>} : memref<80x128xf32, #tpu.memory_space<vmem>>, vector<16xf32>,
      %mul3A_144 = arith.mulf %get3A_143, %gather3A : vector<16xf32>
      %swap3A_145 = arith.index_cast %scan3A_112 : i32 to index
      %swap3A_146 = arith.constant 64 : index
      %swap3A_147 = tpu.vector_load %arg17[%swap3A_145, %swap3A_146] {strides = array<i32>} : memref<80x128xf32, #tpu.memory_space<vmem>>, vector<16xf32>,
      tpu.vector_store %arg17[%swap3A_145, %swap3A_146], %mul3A_144 {strides = array<i32>} : memref<80x128xf32, #tpu.memory_space<vmem>>, vector<16xf32>,
      %get3A_148 = arith.index_cast %scan3A_112 : i32 to index
      %get3A_149 = arith.constant 80 : index
      %get3A_150 = tpu.vector_load %arg17[%get3A_148, %get3A_149] {strides = array<i32>} : memref<80x128xf32, #tpu.memory_space<vmem>>, vector<16xf32>,
      %mul3A_151 = arith.mulf %get3A_150, %gather3A : vector<16xf32>
      %swap3A_152 = arith.index_cast %scan3A_112 : i32 to index
      %swap3A_153 = arith.constant 80 : index
      %swap3A_154 = tpu.vector_load %arg17[%swap3A_152, %swap3A_153] {strides = array<i32>} : memref<80x128xf32, #tpu.memory_space<vmem>>, vector<16xf32>,
      tpu.vector_store %arg17[%swap3A_152, %swap3A_153], %mul3A_151 {strides = array<i32>} : memref<80x128xf32, #tpu.memory_space<vmem>>, vector<16xf32>,
      %get3A_155 = arith.index_cast %scan3A_112 : i32 to index
      %get3A_156 = arith.constant 96 : index
      %get3A_157 = tpu.vector_load %arg17[%get3A_155, %get3A_156] {strides = array<i32>} : memref<80x128xf32, #tpu.memory_space<vmem>>, vector<16xf32>,
      %mul3A_158 = arith.mulf %get3A_157, %gather3A : vector<16xf32>
      %swap3A_159 = arith.index_cast %scan3A_112 : i32 to index
      %swap3A_160 = arith.constant 96 : index
      %swap3A_161 = tpu.vector_load %arg17[%swap3A_159, %swap3A_160] {strides = array<i32>} : memref<80x128xf32, #tpu.memory_space<vmem>>, vector<16xf32>,
      tpu.vector_store %arg17[%swap3A_159, %swap3A_160], %mul3A_158 {strides = array<i32>} : memref<80x128xf32, #tpu.memory_space<vmem>>, vector<16xf32>,
      %get3A_162 = arith.index_cast %scan3A_112 : i32 to index
      %get3A_163 = arith.constant 112 : index
      %get3A_164 = tpu.vector_load %arg17[%get3A_162, %get3A_163] {strides = array<i32>} : memref<80x128xf32, #tpu.memory_space<vmem>>, vector<16xf32>,
      %mul3A_165 = arith.mulf %get3A_164, %gather3A : vector<16xf32>
      %swap3A_166 = arith.index_cast %scan3A_112 : i32 to index
      %swap3A_167 = arith.constant 112 : index
      %swap3A_168 = tpu.vector_load %arg17[%swap3A_166, %swap3A_167] {strides = array<i32>} : memref<80x128xf32, #tpu.memory_space<vmem>>, vector<16xf32>,
      tpu.vector_store %arg17[%swap3A_166, %swap3A_167], %mul3A_165 {strides = array<i32>} : memref<80x128xf32, #tpu.memory_space<vmem>>, vector<16xf32>,
      %scan3A_169 = arith.constant 1 : i32
      %scan3A_170 = arith.addi %scan3A_112, %scan3A_169 : i32
      %add3A_171 = vector.broadcast %scan3A_170 : i32 to vector<16xi32>
      %add3A_172 = arith.addi %broadcast_in_dim3A_13, %add3A_171 : vector<16xi32>
      %gather3A_173 = tpu.vector_load_idx %arg16[%add3A_172, %broadcast_in_dim3A_13] : memref<80x16xf32, #tpu.memory_space<vmem>>[vector<16xi32>, vector<16xi32>], vector<16xf32>,
      %get3A_174 = arith.index_cast %scan3A_170 : i32 to index
      %get3A_175 = arith.constant 0 : index
      %get3A_176 = tpu.vector_load %arg17[%get3A_174, %get3A_175] {strides = array<i32>} : memref<80x128xf32, #tpu.memory_space<vmem>>, vector<16xf32>,
      %mul3A_177 = arith.mulf %get3A_176, %gather3A_173 : vector<16xf32>
      %swap3A_178 = arith.index_cast %scan3A_170 : i32 to index
      %swap3A_179 = arith.constant 0 : index
      %swap3A_180 = tpu.vector_load %arg17[%swap3A_178, %swap3A_179] {strides = array<i32>} : memref<80x128xf32, #tpu.memory_space<vmem>>, vector<16xf32>,
      tpu.vector_store %arg17[%swap3A_178, %swap3A_179], %mul3A_177 {strides = array<i32>} : memref<80x128xf32, #tpu.memory_space<vmem>>, vector<16xf32>,
      %get3A_181 = arith.index_cast %scan3A_170 : i32 to index
      %get3A_182 = arith.constant 16 : index
      %get3A_183 = tpu.vector_load %arg17[%get3A_181, %get3A_182] {strides = array<i32>} : memref<80x128xf32, #tpu.memory_space<vmem>>, vector<16xf32>,
      %mul3A_184 = arith.mulf %get3A_183, %gather3A_173 : vector<16xf32>
      %swap3A_185 = arith.index_cast %scan3A_170 : i32 to index
      %swap3A_186 = arith.constant 16 : index
      %swap3A_187 = tpu.vector_load %arg17[%swap3A_185, %swap3A_186] {strides = array<i32>} : memref<80x128xf32, #tpu.memory_space<vmem>>, vector<16xf32>,
      tpu.vector_store %arg17[%swap3A_185, %swap3A_186], %mul3A_184 {strides = array<i32>} : memref<80x128xf32, #tpu.memory_space<vmem>>, vector<16xf32>,
      %get3A_188 = arith.index_cast %scan3A_170 : i32 to index
      %get3A_189 = arith.constant 32 : index
      %get3A_190 = tpu.vector_load %arg17[%get3A_188, %get3A_189] {strides = array<i32>} : memref<80x128xf32, #tpu.memory_space<vmem>>, vector<16xf32>,
      %mul3A_191 = arith.mulf %get3A_190, %gather3A_173 : vector<16xf32>
      %swap3A_192 = arith.index_cast %scan3A_170 : i32 to index
      %swap3A_193 = arith.constant 32 : index
      %swap3A_194 = tpu.vector_load %arg17[%swap3A_192, %swap3A_193] {strides = array<i32>} : memref<80x128xf32, #tpu.memory_space<vmem>>, vector<16xf32>,
      tpu.vector_store %arg17[%swap3A_192, %swap3A_193], %mul3A_191 {strides = array<i32>} : memref<80x128xf32, #tpu.memory_space<vmem>>, vector<16xf32>,
      %get3A_195 = arith.index_cast %scan3A_170 : i32 to index
      %get3A_196 = arith.constant 48 : index
      %get3A_197 = tpu.vector_load %arg17[%get3A_195, %get3A_196] {strides = array<i32>} : memref<80x128xf32, #tpu.memory_space<vmem>>, vector<16xf32>,
      %mul3A_198 = arith.mulf %get3A_197, %gather3A_173 : vector<16xf32>
      %swap3A_199 = arith.index_cast %scan3A_170 : i32 to index
      %swap3A_200 = arith.constant 48 : index
      %swap3A_201 = tpu.vector_load %arg17[%swap3A_199, %swap3A_200] {strides = array<i32>} : memref<80x128xf32, #tpu.memory_space<vmem>>, vector<16xf32>,
      tpu.vector_store %arg17[%swap3A_199, %swap3A_200], %mul3A_198 {strides = array<i32>} : memref<80x128xf32, #tpu.memory_space<vmem>>, vector<16xf32>,
      %get3A_202 = arith.index_cast %scan3A_170 : i32 to index
      %get3A_203 = arith.constant 64 : index
      %get3A_204 = tpu.vector_load %arg17[%get3A_202, %get3A_203] {strides = array<i32>} : memref<80x128xf32, #tpu.memory_space<vmem>>, vector<16xf32>,
      %mul3A_205 = arith.mulf %get3A_204, %gather3A_173 : vector<16xf32>
      %swap3A_206 = arith.index_cast %scan3A_170 : i32 to index
      %swap3A_207 = arith.constant 64 : index
      %swap3A_208 = tpu.vector_load %arg17[%swap3A_206, %swap3A_207] {strides = array<i32>} : memref<80x128xf32, #tpu.memory_space<vmem>>, vector<16xf32>,
      tpu.vector_store %arg17[%swap3A_206, %swap3A_207], %mul3A_205 {strides = array<i32>} : memref<80x128xf32, #tpu.memory_space<vmem>>, vector<16xf32>,
      %get3A_209 = arith.index_cast %scan3A_170 : i32 to index
      %get3A_210 = arith.constant 80 : index
      %get3A_211 = tpu.vector_load %arg17[%get3A_209, %get3A_210] {strides = array<i32>} : memref<80x128xf32, #tpu.memory_space<vmem>>, vector<16xf32>,
      %mul3A_212 = arith.mulf %get3A_211, %gather3A_173 : vector<16xf32>
      %swap3A_213 = arith.index_cast %scan3A_170 : i32 to index
      %swap3A_214 = arith.constant 80 : index
      %swap3A_215 = tpu.vector_load %arg17[%swap3A_213, %swap3A_214] {strides = array<i32>} : memref<80x128xf32, #tpu.memory_space<vmem>>, vector<16xf32>,
      tpu.vector_store %arg17[%swap3A_213, %swap3A_214], %mul3A_212 {strides = array<i32>} : memref<80x128xf32, #tpu.memory_space<vmem>>, vector<16xf32>,
      %get3A_216 = arith.index_cast %scan3A_170 : i32 to index
      %get3A_217 = arith.constant 96 : index
      %get3A_218 = tpu.vector_load %arg17[%get3A_216, %get3A_217] {strides = array<i32>} : memref<80x128xf32, #tpu.memory_space<vmem>>, vector<16xf32>,
      %mul3A_219 = arith.mulf %get3A_218, %gather3A_173 : vector<16xf32>
      %swap3A_220 = arith.index_cast %scan3A_170 : i32 to index
      %swap3A_221 = arith.constant 96 : index
      %swap3A_222 = tpu.vector_load %arg17[%swap3A_220, %swap3A_221] {strides = array<i32>} : memref<80x128xf32, #tpu.memory_space<vmem>>, vector<16xf32>,
      tpu.vector_store %arg17[%swap3A_220, %swap3A_221], %mul3A_219 {strides = array<i32>} : memref<80x128xf32, #tpu.memory_space<vmem>>, vector<16xf32>,
      %get3A_223 = arith.index_cast %scan3A_170 : i32 to index
      %get3A_224 = arith.constant 112 : index
      %get3A_225 = tpu.vector_load %arg17[%get3A_223, %get3A_224] {strides = array<i32>} : memref<80x128xf32, #tpu.memory_space<vmem>>, vector<16xf32>,
      %mul3A_226 = arith.mulf %get3A_225, %gather3A_173 : vector<16xf32>
      %swap3A_227 = arith.index_cast %scan3A_170 : i32 to index
      %swap3A_228 = arith.constant 112 : index
      %swap3A_229 = tpu.vector_load %arg17[%swap3A_227, %swap3A_228] {strides = array<i32>} : memref<80x128xf32, #tpu.memory_space<vmem>>, vector<16xf32>,
      tpu.vector_store %arg17[%swap3A_227, %swap3A_228], %mul3A_226 {strides = array<i32>} : memref<80x128xf32, #tpu.memory_space<vmem>>, vector<16xf32>,
    }
    %scan3A_88 = arith.constant 80 : i32
    %add3A_89 = arith.constant 9920 : i32
    %add3A_90 = arith.addi %mul3A_2, %add3A_89 : i32
    %dma_wait3A_91 = tpu.memref_slice %arg3[%add3A_90] : memref<320000xi32, #tpu.memory_space<hbm>> -> memref<80xi32, #tpu.memory_space<hbm>>
    %dma_wait3A_92 = tpu.memref_slice %arg3[%add3A_90] : memref<320000xi32, #tpu.memory_space<hbm>> -> memref<80xi32, #tpu.memory_space<hbm>>
    tpu.wait_dma2 semaphore(%arg27 : memref<!tpu.dma_semaphore, #tpu.memory_space<semaphore_mem>>) src(%dma_wait3A_92 : memref<80xi32, #tpu.memory_space<hbm>>) dst(%arg13 : memref<80xi32, #tpu.memory_space<vmem>>)
    %dma_start3A_93 = arith.constant 0 : i32
    %dma_start3A_94 = arith.constant 0 : i32
    %dma_start3A_95 = tpu.memref_slice %arg33[%dma_start3A_93, %dma_start3A_94] : memref<10240x16xf32, #tpu.memory_space<vmem_shared>> -> memref<10240x16xf32, #tpu.memory_space<vmem_shared>>
    tpu.enqueue_indirect_dma source(%arg16 : memref<80x16xf32, #tpu.memory_space<vmem>>) target(%dma_start3A_95 : memref<10240x16xf32, #tpu.memory_space<vmem_shared>>) offsets(%arg13 : memref<80xi32, #tpu.memory_space<vmem>>) semaphore(%arg31 : memref<!tpu.dma_semaphore, #tpu.memory_space<semaphore_mem>>) {add = true}
    %dma_start3A_96 = arith.constant 0 : i32
    %dma_start3A_97 = arith.constant 0 : i32
    %dma_start3A_98 = tpu.memref_slice %arg34[%dma_start3A_96, %dma_start3A_97] : memref<10240x128xf32, #tpu.memory_space<vmem_shared>> -> memref<10240x128xf32, #tpu.memory_space<vmem_shared>>
    tpu.enqueue_indirect_dma source(%arg17 : memref<80x128xf32, #tpu.memory_space<vmem>>) target(%dma_start3A_98 : memref<10240x128xf32, #tpu.memory_space<vmem_shared>>) offsets(%arg13 : memref<80xi32, #tpu.memory_space<vmem>>) semaphore(%arg31 : memref<!tpu.dma_semaphore, #tpu.memory_space<semaphore_mem>>) {add = true}
    %dma_wait3A_99 = arith.constant 0 : i32
    %dma_wait3A_100 = arith.constant 0 : i32
    %dma_wait3A_101 = tpu.memref_slice %arg33[%dma_wait3A_99, %dma_wait3A_100] : memref<10240x16xf32, #tpu.memory_space<vmem_shared>> -> memref<10240x16xf32, #tpu.memory_space<vmem_shared>>
    tpu.wait_indirect_dma semaphore(%arg31 : memref<!tpu.dma_semaphore, #tpu.memory_space<semaphore_mem>>) src(%arg16 : memref<80x16xf32, #tpu.memory_space<vmem>>) dst(%dma_wait3A_101 : memref<10240x16xf32, #tpu.memory_space<vmem_shared>>)
    %dma_wait3A_102 = arith.constant 0 : i32
    %dma_wait3A_103 = arith.constant 0 : i32
    %dma_wait3A_104 = tpu.memref_slice %arg34[%dma_wait3A_102, %dma_wait3A_103] : memref<10240x128xf32, #tpu.memory_space<vmem_shared>> -> memref<10240x128xf32, #tpu.memory_space<vmem_shared>>
    tpu.wait_indirect_dma semaphore(%arg31 : memref<!tpu.dma_semaphore, #tpu.memory_space<semaphore_mem>>) src(%arg17 : memref<80x128xf32, #tpu.memory_space<vmem>>) dst(%dma_wait3A_104 : memref<10240x128xf32, #tpu.memory_space<vmem_shared>>)
    %barrier3A_105 = arith.constant 0 : index
    tpu.barrier barrier_id(%barrier3A_105)
    %scan3A_106 = arith.constant 0 : i32
    %scan3A_107 = arith.constant 0 : i32
    %scan3A_108 = arith.constant 8 : i32
    %scan3A_109 = arith.addi %scan3A_107, %scan3A_108 : i32
    %scan3A_110 = arith.constant 1 : i32
    scf.for %scan3A_112 = %scan3A_107 to %scan3A_109 step %scan3A_110  : i32 {
      %mul3A_113 = arith.constant 640 : i32
      %mul3A_114 = arith.muli %arg1, %mul3A_113 : i32
      %mul3A_115 = arith.constant 80 : i32
      %mul3A_116 = arith.muli %scan3A_112, %mul3A_115 : i32
      %add3A_117 = arith.addi %mul3A_114, %mul3A_116 : i32
      "tpu.region"() ({
        %run_scoped3A = tpu.sem_alloc : memref<!tpu.dma_semaphore, #tpu.memory_space<semaphore_mem>>
        %dma_start3A_118 = arith.constant 0 : i32
        %dma_start3A_119 = tpu.memref_slice %arg33[%add3A_117, %dma_start3A_118] : memref<10240x16xf32, #tpu.memory_space<vmem_shared>> -> memref<80x16xf32, #tpu.memory_space<vmem_shared>>
        %dma_start3A_120 = arith.constant 0 : i32
        %dma_start3A_121 = tpu.memref_slice %arg33[%add3A_117, %dma_start3A_120] : memref<10240x16xf32, #tpu.memory_space<vmem_shared>> -> memref<80x16xf32, #tpu.memory_space<vmem_shared>>
        tpu.enqueue_dma source(%dma_start3A_121 : memref<80x16xf32, #tpu.memory_space<vmem_shared>>) target(%arg16 : memref<80x16xf32, #tpu.memory_space<vmem>>) target_semaphore(%run_scoped3A : memref<!tpu.dma_semaphore, #tpu.memory_space<semaphore_mem>>)
        %dma_wait3A_122 = arith.constant 0 : i32
        %dma_wait3A_123 = tpu.memref_slice %arg33[%add3A_117, %dma_wait3A_122] : memref<10240x16xf32, #tpu.memory_space<vmem_shared>> -> memref<80x16xf32, #tpu.memory_space<vmem_shared>>
        %dma_wait3A_124 = arith.constant 0 : i32
        %dma_wait3A_125 = tpu.memref_slice %arg33[%add3A_117, %dma_wait3A_124] : memref<10240x16xf32, #tpu.memory_space<vmem_shared>> -> memref<80x16xf32, #tpu.memory_space<vmem_shared>>
        tpu.wait_dma2 semaphore(%run_scoped3A : memref<!tpu.dma_semaphore, #tpu.memory_space<semaphore_mem>>) src(%dma_wait3A_125 : memref<80x16xf32, #tpu.memory_space<vmem_shared>>) dst(%arg16 : memref<80x16xf32, #tpu.memory_space<vmem>>)
        tpu.yield
      }) : () -> ()
      "tpu.region"() ({
        %run_scoped3A = tpu.sem_alloc : memref<!tpu.dma_semaphore, #tpu.memory_space<semaphore_mem>>
        %dma_start3A_118 = arith.constant 0 : i32
        %dma_start3A_119 = tpu.memref_slice %arg9[%arg0, %add3A_117, %dma_start3A_118] : memref<2x10240x16xf32, #tpu.memory_space<hbm>> -> memref<1x80x16xf32, #tpu.memory_space<hbm>>
        %dma_start3A_120 = tpu.memref_squeeze %dma_start3A_119 : memref<1x80x16xf32, #tpu.memory_space<hbm>> -> memref<80x16xf32, #tpu.memory_space<hbm>>
        %dma_start3A_121 = arith.constant 0 : i32
        %dma_start3A_122 = tpu.memref_slice %arg9[%arg0, %add3A_117, %dma_start3A_121] : memref<2x10240x16xf32, #tpu.memory_space<hbm>> -> memref<1x80x16xf32, #tpu.memory_space<hbm>>
        %dma_start3A_123 = tpu.memref_squeeze %dma_start3A_122 : memref<1x80x16xf32, #tpu.memory_space<hbm>> -> memref<80x16xf32, #tpu.memory_space<hbm>>
        tpu.enqueue_dma source(%arg16 : memref<80x16xf32, #tpu.memory_space<vmem>>) target(%dma_start3A_123 : memref<80x16xf32, #tpu.memory_space<hbm>>) target_semaphore(%run_scoped3A : memref<!tpu.dma_semaphore, #tpu.memory_space<semaphore_mem>>)
        %dma_wait3A_124 = arith.constant 0 : i32
        %dma_wait3A_125 = tpu.memref_slice %arg9[%arg0, %add3A_117, %dma_wait3A_124] : memref<2x10240x16xf32, #tpu.memory_space<hbm>> -> memref<1x80x16xf32, #tpu.memory_space<hbm>>
        %dma_wait3A_126 = tpu.memref_squeeze %dma_wait3A_125 : memref<1x80x16xf32, #tpu.memory_space<hbm>> -> memref<80x16xf32, #tpu.memory_space<hbm>>
        %dma_wait3A_127 = arith.constant 0 : i32
        %dma_wait3A_128 = tpu.memref_slice %arg9[%arg0, %add3A_117, %dma_wait3A_127] : memref<2x10240x16xf32, #tpu.memory_space<hbm>> -> memref<1x80x16xf32, #tpu.memory_space<hbm>>
        %dma_wait3A_129 = tpu.memref_squeeze %dma_wait3A_128 : memref<1x80x16xf32, #tpu.memory_space<hbm>> -> memref<80x16xf32, #tpu.memory_space<hbm>>
        tpu.wait_dma2 semaphore(%run_scoped3A : memref<!tpu.dma_semaphore, #tpu.memory_space<semaphore_mem>>) src(%arg16 : memref<80x16xf32, #tpu.memory_space<vmem>>) dst(%dma_wait3A_129 : memref<80x16xf32, #tpu.memory_space<hbm>>)
        tpu.yield
      }) : () -> ()
      "tpu.region"() ({
        %run_scoped3A = tpu.sem_alloc : memref<!tpu.dma_semaphore, #tpu.memory_space<semaphore_mem>>
        %dma_start3A_118 = arith.constant 0 : i32
        %dma_start3A_119 = tpu.memref_slice %arg34[%add3A_117, %dma_start3A_118] : memref<10240x128xf32, #tpu.memory_space<vmem_shared>> -> memref<80x128xf32, #tpu.memory_space<vmem_shared>>
        %dma_start3A_120 = arith.constant 0 : i32
        %dma_start3A_121 = tpu.memref_slice %arg34[%add3A_117, %dma_start3A_120] : memref<10240x128xf32, #tpu.memory_space<vmem_shared>> -> memref<80x128xf32, #tpu.memory_space<vmem_shared>>
        tpu.enqueue_dma source(%dma_start3A_121 : memref<80x128xf32, #tpu.memory_space<vmem_shared>>) target(%arg17 : memref<80x128xf32, #tpu.memory_space<vmem>>) target_semaphore(%run_scoped3A : memref<!tpu.dma_semaphore, #tpu.memory_space<semaphore_mem>>)
        %dma_wait3A_122 = arith.constant 0 : i32
        %dma_wait3A_123 = tpu.memref_slice %arg34[%add3A_117, %dma_wait3A_122] : memref<10240x128xf32, #tpu.memory_space<vmem_shared>> -> memref<80x128xf32, #tpu.memory_space<vmem_shared>>
        %dma_wait3A_124 = arith.constant 0 : i32
        %dma_wait3A_125 = tpu.memref_slice %arg34[%add3A_117, %dma_wait3A_124] : memref<10240x128xf32, #tpu.memory_space<vmem_shared>> -> memref<80x128xf32, #tpu.memory_space<vmem_shared>>
        tpu.wait_dma2 semaphore(%run_scoped3A : memref<!tpu.dma_semaphore, #tpu.memory_space<semaphore_mem>>) src(%dma_wait3A_125 : memref<80x128xf32, #tpu.memory_space<vmem_shared>>) dst(%arg17 : memref<80x128xf32, #tpu.memory_space<vmem>>)
        tpu.yield
      }) : () -> ()
      "tpu.region"() ({
        %run_scoped3A = tpu.sem_alloc : memref<!tpu.dma_semaphore, #tpu.memory_space<semaphore_mem>>
        %dma_start3A_118 = arith.constant 0 : i32
        %dma_start3A_119 = tpu.memref_slice %arg10[%arg0, %add3A_117, %dma_start3A_118] : memref<2x10240x128xf32, #tpu.memory_space<hbm>> -> memref<1x80x128xf32, #tpu.memory_space<hbm>>
        %dma_start3A_120 = tpu.memref_squeeze %dma_start3A_119 : memref<1x80x128xf32, #tpu.memory_space<hbm>> -> memref<80x128xf32, #tpu.memory_space<hbm>>
        %dma_start3A_121 = arith.constant 0 : i32
        %dma_start3A_122 = tpu.memref_slice %arg10[%arg0, %add3A_117, %dma_start3A_121] : memref<2x10240x128xf32, #tpu.memory_space<hbm>> -> memref<1x80x128xf32, #tpu.memory_space<hbm>>
        %dma_start3A_123 = tpu.memref_squeeze %dma_start3A_122 : memref<1x80x128xf32, #tpu.memory_space<hbm>> -> memref<80x128xf32, #tpu.memory_space<hbm>>
        tpu.enqueue_dma source(%arg17 : memref<80x128xf32, #tpu.memory_space<vmem>>) target(%dma_start3A_123 : memref<80x128xf32, #tpu.memory_space<hbm>>) target_semaphore(%run_scoped3A : memref<!tpu.dma_semaphore, #tpu.memory_space<semaphore_mem>>)
        %dma_wait3A_124 = arith.constant 0 : i32
        %dma_wait3A_125 = tpu.memref_slice %arg10[%arg0, %add3A_117, %dma_wait3A_124] : memref<2x10240x128xf32, #tpu.memory_space<hbm>> -> memref<1x80x128xf32, #tpu.memory_space<hbm>>
        %dma_wait3A_126 = tpu.memref_squeeze %dma_wait3A_125 : memref<1x80x128xf32, #tpu.memory_space<hbm>> -> memref<80x128xf32, #tpu.memory_space<hbm>>
        %dma_wait3A_127 = arith.constant 0 : i32
        %dma_wait3A_128 = tpu.memref_slice %arg10[%arg0, %add3A_117, %dma_wait3A_127] : memref<2x10240x128xf32, #tpu.memory_space<hbm>> -> memref<1x80x128xf32, #tpu.memory_space<hbm>>
        %dma_wait3A_129 = tpu.memref_squeeze %dma_wait3A_128 : memref<1x80x128xf32, #tpu.memory_space<hbm>> -> memref<80x128xf32, #tpu.memory_space<hbm>>
        tpu.wait_dma2 semaphore(%run_scoped3A : memref<!tpu.dma_semaphore, #tpu.memory_space<semaphore_mem>>) src(%arg17 : memref<80x128xf32, #tpu.memory_space<vmem>>) dst(%dma_wait3A_129 : memref<80x128xf32, #tpu.memory_space<hbm>>)
        tpu.yield
      }) : () -> ()
    }
    %scan3A_111 = arith.constant 8 : i32
    return
  }
}

#map = affine_map<(d0, d1) -> (0)>
#map1 = affine_map<(d0, d1) -> (0, 0)>
#map2 = affine_map<(d0, d1) -> (0, 0, 0)>
module attributes {stable_mosaic.version = 14 : i64} {
  func.func @body(%arg0: i32, %arg1: i32, %arg2: memref<320000xi32, #tpu.memory_space<hbm>>, %arg3: memref<320000xi32, #tpu.memory_space<hbm>>, %arg4: memref<10000x16xf32, #tpu.memory_space<hbm>>, %arg5: memref<10000x16xf32, #tpu.memory_space<hbm>>, %arg6: memref<10000x128xf32, #tpu.memory_space<hbm>>, %arg7: memref<10240x16xf32, #tpu.memory_space<hbm>>, %arg8: memref<10240x128xf32, #tpu.memory_space<hbm>>, %arg9: memref<2x10240x16xf32, #tpu.memory_space<hbm>>, %arg10: memref<2x10240x128xf32, #tpu.memory_space<hbm>>, %arg11: memref<80xi32, #tpu.memory_space<vmem>>, %arg12: memref<80xi32, #tpu.memory_space<vmem>>, %arg13: memref<80xi32, #tpu.memory_space<vmem>>, %arg14: memref<80x16xf32, #tpu.memory_space<vmem>>, %arg15: memref<80x16xf32, #tpu.memory_space<vmem>>, %arg16: memref<80x16xf32, #tpu.memory_space<vmem>>, %arg17: memref<80x128xf32, #tpu.memory_space<vmem>>, %arg18: memref<80xi32, #tpu.memory_space<vmem>>, %arg19: memref<80xi32, #tpu.memory_space<vmem>>, %arg20: memref<80xi32, #tpu.memory_space<vmem>>, %arg21: memref<80x16xf32, #tpu.memory_space<vmem>>, %arg22: memref<80x16xf32, #tpu.memory_space<vmem>>, %arg23: memref<80x16xf32, #tpu.memory_space<vmem>>, %arg24: memref<80x128xf32, #tpu.memory_space<vmem>>, %arg25: memref<!tpu.dma_semaphore, #tpu.memory_space<semaphore_mem>>, %arg26: memref<!tpu.dma_semaphore, #tpu.memory_space<semaphore_mem>>, %arg27: memref<!tpu.dma_semaphore, #tpu.memory_space<semaphore_mem>>, %arg28: memref<!tpu.dma_semaphore, #tpu.memory_space<semaphore_mem>>, %arg29: memref<!tpu.dma_semaphore, #tpu.memory_space<semaphore_mem>>, %arg30: memref<!tpu.dma_semaphore, #tpu.memory_space<semaphore_mem>>, %arg31: memref<!tpu.dma_semaphore, #tpu.memory_space<semaphore_mem>>, %arg32: memref<!tpu.dma_semaphore, #tpu.memory_space<semaphore_mem>>, %arg33: memref<10240x16xf32, #tpu.memory_space<vmem_shared>>, %arg34: memref<10240x128xf32, #tpu.memory_space<vmem_shared>>) attributes {dimension_semantics = [#tpu.dimension_semantics<core_parallel>, #tpu.dimension_semantics<subcore_parallel>], iteration_bounds = array<i64: 2, 16>, scalar_prefetch = 0 : i64, scratch_operands = 24 : i64, tpu.core_type = #tpu.core_type<sc_vector_subcore>, window_params = [{transform_indices = #map}, {transform_indices = #map}, {transform_indices = #map1}, {transform_indices = #map1}, {transform_indices = #map1}, {transform_indices = #map1}, {transform_indices = #map1}, {transform_indices = #map2}, {transform_indices = #map2}]} {
    %mul3A = arith.constant 16 : i32
    %mul3A_0 = arith.muli %arg0, %mul3A : i32
    %add3A = arith.addi %mul3A_0, %arg1 : i32
    %mul3A_1 = arith.constant 10000 : i32
    %mul3A_2 = arith.muli %add3A, %mul3A_1 : i32
    %scan3A = arith.constant 0 : i32
    %scan3A_3 = arith.constant 0 : i32
    %scan3A_4 = arith.constant 8 : i32
    %scan3A_5 = arith.addi %scan3A_3, %scan3A_4 : i32
    %scan3A_6 = arith.constant 1 : i32
    scf.for %scan3A_112 = %scan3A_3 to %scan3A_5 step %scan3A_6  : i32 {
      %mul3A_113 = arith.constant 640 : i32
      %mul3A_114 = arith.muli %arg1, %mul3A_113 : i32
      %mul3A_115 = arith.constant 80 : i32
      %mul3A_116 = arith.muli %scan3A_112, %mul3A_115 : i32
      %add3A_117 = arith.addi %mul3A_114, %mul3A_116 : i32
      "tpu.region"() ({
        %run_scoped3A = tpu.sem_alloc : memref<!tpu.dma_semaphore, #tpu.memory_space<semaphore_mem>>
        %dma_start3A_118 = arith.constant 0 : i32
        %dma_start3A_119 = tpu.memref_slice %arg7[%add3A_117, %dma_start3A_118] : memref<10240x16xf32, #tpu.memory_space<hbm>> -> memref<80x16xf32, #tpu.memory_space<hbm>>
        %dma_start3A_120 = arith.constant 0 : i32
        %dma_start3A_121 = tpu.memref_slice %arg7[%add3A_117, %dma_start3A_120] : memref<10240x16xf32, #tpu.memory_space<hbm>> -> memref<80x16xf32, #tpu.memory_space<hbm>>
        tpu.enqueue_dma source(%dma_start3A_121 : memref<80x16xf32, #tpu.memory_space<hbm>>) target(%arg16 : memref<80x16xf32, #tpu.memory_space<vmem>>) target_semaphore(%run_scoped3A : memref<!tpu.dma_semaphore, #tpu.memory_space<semaphore_mem>>)
        %dma_wait3A_122 = arith.constant 0 : i32
        %dma_wait3A_123 = tpu.memref_slice %arg7[%add3A_117, %dma_wait3A_122] : memref<10240x16xf32, #tpu.memory_space<hbm>> -> memref<80x16xf32, #tpu.memory_space<hbm>>
        %dma_wait3A_124 = arith.constant 0 : i32
        %dma_wait3A_125 = tpu.memref_slice %arg7[%add3A_117, %dma_wait3A_124] : memref<10240x16xf32, #tpu.memory_space<hbm>> -> memref<80x16xf32, #tpu.memory_space<hbm>>
        tpu.wait_dma2 semaphore(%run_scoped3A : memref<!tpu.dma_semaphore, #tpu.memory_space<semaphore_mem>>) src(%dma_wait3A_125 : memref<80x16xf32, #tpu.memory_space<hbm>>) dst(%arg16 : memref<80x16xf32, #tpu.memory_space<vmem>>)
        tpu.yield
      }) : () -> ()
      "tpu.region"() ({
        %run_scoped3A = tpu.sem_alloc : memref<!tpu.dma_semaphore, #tpu.memory_space<semaphore_mem>>
        %dma_start3A_118 = arith.constant 0 : i32
        %dma_start3A_119 = tpu.memref_slice %arg33[%add3A_117, %dma_start3A_118] : memref<10240x16xf32, #tpu.memory_space<vmem_shared>> -> memref<80x16xf32, #tpu.memory_space<vmem_shared>>
        %dma_start3A_120 = arith.constant 0 : i32
        %dma_start3A_121 = tpu.memref_slice %arg33[%add3A_117, %dma_start3A_120] : memref<10240x16xf32, #tpu.memory_space<vmem_shared>> -> memref<80x16xf32, #tpu.memory_space<vmem_shared>>
        tpu.enqueue_dma source(%arg16 : memref<80x16xf32, #tpu.memory_space<vmem>>) target(%dma_start3A_121 : memref<80x16xf32, #tpu.memory_space<vmem_shared>>) target_semaphore(%run_scoped3A : memref<!tpu.dma_semaphore, #tpu.memory_space<semaphore_mem>>)
        %dma_wait3A_122 = arith.constant 0 : i32
        %dma_wait3A_123 = tpu.memref_slice %arg33[%add3A_117, %dma_wait3A_122] : memref<10240x16xf32, #tpu.memory_space<vmem_shared>> -> memref<80x16xf32, #tpu.memory_space<vmem_shared>>
        %dma_wait3A_124 = arith.constant 0 : i32
        %dma_wait3A_125 = tpu.memref_slice %arg33[%add3A_117, %dma_wait3A_124] : memref<10240x16xf32, #tpu.memory_space<vmem_shared>> -> memref<80x16xf32, #tpu.memory_space<vmem_shared>>
        tpu.wait_dma2 semaphore(%run_scoped3A : memref<!tpu.dma_semaphore, #tpu.memory_space<semaphore_mem>>) src(%arg16 : memref<80x16xf32, #tpu.memory_space<vmem>>) dst(%dma_wait3A_125 : memref<80x16xf32, #tpu.memory_space<vmem_shared>>)
        tpu.yield
      }) : () -> ()
      "tpu.region"() ({
        %run_scoped3A = tpu.sem_alloc : memref<!tpu.dma_semaphore, #tpu.memory_space<semaphore_mem>>
        %dma_start3A_118 = arith.constant 0 : i32
        %dma_start3A_119 = tpu.memref_slice %arg8[%add3A_117, %dma_start3A_118] : memref<10240x128xf32, #tpu.memory_space<hbm>> -> memref<80x128xf32, #tpu.memory_space<hbm>>
        %dma_start3A_120 = arith.constant 0 : i32
        %dma_start3A_121 = tpu.memref_slice %arg8[%add3A_117, %dma_start3A_120] : memref<10240x128xf32, #tpu.memory_space<hbm>> -> memref<80x128xf32, #tpu.memory_space<hbm>>
        tpu.enqueue_dma source(%dma_start3A_121 : memref<80x128xf32, #tpu.memory_space<hbm>>) target(%arg17 : memref<80x128xf32, #tpu.memory_space<vmem>>) target_semaphore(%run_scoped3A : memref<!tpu.dma_semaphore, #tpu.memory_space<semaphore_mem>>)
        %dma_wait3A_122 = arith.constant 0 : i32
        %dma_wait3A_123 = tpu.memref_slice %arg8[%add3A_117, %dma_wait3A_122] : memref<10240x128xf32, #tpu.memory_space<hbm>> -> memref<80x128xf32, #tpu.memory_space<hbm>>
        %dma_wait3A_124 = arith.constant 0 : i32
        %dma_wait3A_125 = tpu.memref_slice %arg8[%add3A_117, %dma_wait3A_124] : memref<10240x128xf32, #tpu.memory_space<hbm>> -> memref<80x128xf32, #tpu.memory_space<hbm>>
        tpu.wait_dma2 semaphore(%run_scoped3A : memref<!tpu.dma_semaphore, #tpu.memory_space<semaphore_mem>>) src(%dma_wait3A_125 : memref<80x128xf32, #tpu.memory_space<hbm>>) dst(%arg17 : memref<80x128xf32, #tpu.memory_space<vmem>>)
        tpu.yield
      }) : () -> ()
      "tpu.region"() ({
        %run_scoped3A = tpu.sem_alloc : memref<!tpu.dma_semaphore, #tpu.memory_space<semaphore_mem>>
        %dma_start3A_118 = arith.constant 0 : i32
        %dma_start3A_119 = tpu.memref_slice %arg34[%add3A_117, %dma_start3A_118] : memref<10240x128xf32, #tpu.memory_space<vmem_shared>> -> memref<80x128xf32, #tpu.memory_space<vmem_shared>>
        %dma_start3A_120 = arith.constant 0 : i32
        %dma_start3A_121 = tpu.memref_slice %arg34[%add3A_117, %dma_start3A_120] : memref<10240x128xf32, #tpu.memory_space<vmem_shared>> -> memref<80x128xf32, #tpu.memory_space<vmem_shared>>
        tpu.enqueue_dma source(%arg17 : memref<80x128xf32, #tpu.memory_space<vmem>>) target(%dma_start3A_121 : memref<80x128xf32, #tpu.memory_space<vmem_shared>>) target_semaphore(%run_scoped3A : memref<!tpu.dma_semaphore, #tpu.memory_space<semaphore_mem>>)
        %dma_wait3A_122 = arith.constant 0 : i32
        %dma_wait3A_123 = tpu.memref_slice %arg34[%add3A_117, %dma_wait3A_122] : memref<10240x128xf32, #tpu.memory_space<vmem_shared>> -> memref<80x128xf32, #tpu.memory_space<vmem_shared>>
        %dma_wait3A_124 = arith.constant 0 : i32
        %dma_wait3A_125 = tpu.memref_slice %arg34[%add3A_117, %dma_wait3A_124] : memref<10240x128xf32, #tpu.memory_space<vmem_shared>> -> memref<80x128xf32, #tpu.memory_space<vmem_shared>>
        tpu.wait_dma2 semaphore(%run_scoped3A : memref<!tpu.dma_semaphore, #tpu.memory_space<semaphore_mem>>) src(%arg17 : memref<80x128xf32, #tpu.memory_space<vmem>>) dst(%dma_wait3A_125 : memref<80x128xf32, #tpu.memory_space<vmem_shared>>)
        tpu.yield
      }) : () -> ()
    }
    %scan3A_7 = arith.constant 8 : i32
    "tpu.region"() ({
      %run_scoped3A = tpu.sem_alloc : memref<!tpu.dma_semaphore, #tpu.memory_space<semaphore_mem>>
      %dma_start3A_112 = arith.constant 0 : i32
      %dma_start3A_113 = arith.constant 0 : i32
      %dma_start3A_114 = tpu.memref_slice %arg7[%dma_start3A_112, %dma_start3A_113] : memref<10240x16xf32, #tpu.memory_space<hbm>> -> memref<80x16xf32, #tpu.memory_space<hbm>>
      %dma_start3A_115 = arith.constant 0 : i32
      %dma_start3A_116 = arith.constant 0 : i32
      %dma_start3A_117 = tpu.memref_slice %arg7[%dma_start3A_115, %dma_start3A_116] : memref<10240x16xf32, #tpu.memory_space<hbm>> -> memref<80x16xf32, #tpu.memory_space<hbm>>
      tpu.enqueue_dma source(%dma_start3A_117 : memref<80x16xf32, #tpu.memory_space<hbm>>) target(%arg16 : memref<80x16xf32, #tpu.memory_space<vmem>>) target_semaphore(%run_scoped3A : memref<!tpu.dma_semaphore, #tpu.memory_space<semaphore_mem>>)
      %dma_wait3A_118 = arith.constant 0 : i32
      %dma_wait3A_119 = arith.constant 0 : i32
      %dma_wait3A_120 = tpu.memref_slice %arg7[%dma_wait3A_118, %dma_wait3A_119] : memref<10240x16xf32, #tpu.memory_space<hbm>> -> memref<80x16xf32, #tpu.memory_space<hbm>>
      %dma_wait3A_121 = arith.constant 0 : i32
      %dma_wait3A_122 = arith.constant 0 : i32
      %dma_wait3A_123 = tpu.memref_slice %arg7[%dma_wait3A_121, %dma_wait3A_122] : memref<10240x16xf32, #tpu.memory_space<hbm>> -> memref<80x16xf32, #tpu.memory_space<hbm>>
      tpu.wait_dma2 semaphore(%run_scoped3A : memref<!tpu.dma_semaphore, #tpu.memory_space<semaphore_mem>>) src(%dma_wait3A_123 : memref<80x16xf32, #tpu.memory_space<hbm>>) dst(%arg16 : memref<80x16xf32, #tpu.memory_space<vmem>>)
      tpu.yield
    }) : () -> ()
    "tpu.region"() ({
      %run_scoped3A = tpu.sem_alloc : memref<!tpu.dma_semaphore, #tpu.memory_space<semaphore_mem>>
      %dma_start3A_112 = arith.constant 0 : i32
      %dma_start3A_113 = arith.constant 0 : i32
      %dma_start3A_114 = tpu.memref_slice %arg7[%dma_start3A_112, %dma_start3A_113] : memref<10240x16xf32, #tpu.memory_space<hbm>> -> memref<80x16xf32, #tpu.memory_space<hbm>>
      %dma_start3A_115 = arith.constant 0 : i32
      %dma_start3A_116 = arith.constant 0 : i32
      %dma_start3A_117 = tpu.memref_slice %arg7[%dma_start3A_115, %dma_start3A_116] : memref<10240x16xf32, #tpu.memory_space<hbm>> -> memref<80x16xf32, #tpu.memory_space<hbm>>
      tpu.enqueue_dma source(%dma_start3A_117 : memref<80x16xf32, #tpu.memory_space<hbm>>) target(%arg23 : memref<80x16xf32, #tpu.memory_space<vmem>>) target_semaphore(%run_scoped3A : memref<!tpu.dma_semaphore, #tpu.memory_space<semaphore_mem>>)
      %dma_wait3A_118 = arith.constant 0 : i32
      %dma_wait3A_119 = arith.constant 0 : i32
      %dma_wait3A_120 = tpu.memref_slice %arg7[%dma_wait3A_118, %dma_wait3A_119] : memref<10240x16xf32, #tpu.memory_space<hbm>> -> memref<80x16xf32, #tpu.memory_space<hbm>>
      %dma_wait3A_121 = arith.constant 0 : i32
      %dma_wait3A_122 = arith.constant 0 : i32
      %dma_wait3A_123 = tpu.memref_slice %arg7[%dma_wait3A_121, %dma_wait3A_122] : memref<10240x16xf32, #tpu.memory_space<hbm>> -> memref<80x16xf32, #tpu.memory_space<hbm>>
      tpu.wait_dma2 semaphore(%run_scoped3A : memref<!tpu.dma_semaphore, #tpu.memory_space<semaphore_mem>>) src(%dma_wait3A_123 : memref<80x16xf32, #tpu.memory_space<hbm>>) dst(%arg23 : memref<80x16xf32, #tpu.memory_space<vmem>>)
      tpu.yield
    }) : () -> ()
    %barrier3A = arith.constant 0 : index
    tpu.barrier barrier_id(%barrier3A)
    %iota3A = tpu.iota {dimensions = array<i32: 0>} : vector<16xi32>
    %shift_right_arithmetic3A = arith.constant 3 : i32
    %shift_right_arithmetic3A_8 = vector.broadcast %shift_right_arithmetic3A : i32 to vector<16xi32>
    %shift_right_arithmetic3A_9 = arith.shrsi %iota3A, %shift_right_arithmetic3A_8 : vector<16xi32>
    %iota3A_10 = tpu.iota {dimensions = array<i32: 0>} : vector<16xi32>
    %and3A = arith.constant 7 : i32
    %and3A_11 = vector.broadcast %and3A : i32 to vector<16xi32>
    %and3A_12 = arith.andi %iota3A_10, %and3A_11 : vector<16xi32>
    %broadcast_in_dim3A = arith.constant 0 : i32
    %broadcast_in_dim3A_13 = vector.broadcast %broadcast_in_dim3A : i32 to vector<16xi32>
    %add3A_14 = arith.constant 0 : i32
    %add3A_15 = arith.addi %mul3A_2, %add3A_14 : i32
    %dma_start3A = tpu.memref_slice %arg2[%add3A_15] : memref<320000xi32, #tpu.memory_space<hbm>> -> memref<80xi32, #tpu.memory_space<hbm>>
    %dma_start3A_16 = tpu.memref_slice %arg2[%add3A_15] : memref<320000xi32, #tpu.memory_space<hbm>> -> memref<80xi32, #tpu.memory_space<hbm>>
    tpu.enqueue_dma source(%dma_start3A_16 : memref<80xi32, #tpu.memory_space<hbm>>) target(%arg11 : memref<80xi32, #tpu.memory_space<vmem>>) target_semaphore(%arg25 : memref<!tpu.dma_semaphore, #tpu.memory_space<semaphore_mem>>)
    %dma_start3A_17 = tpu.memref_slice %arg3[%add3A_15] : memref<320000xi32, #tpu.memory_space<hbm>> -> memref<80xi32, #tpu.memory_space<hbm>>
    %dma_start3A_18 = tpu.memref_slice %arg3[%add3A_15] : memref<320000xi32, #tpu.memory_space<hbm>> -> memref<80xi32, #tpu.memory_space<hbm>>
    tpu.enqueue_dma source(%dma_start3A_18 : memref<80xi32, #tpu.memory_space<hbm>>) target(%arg12 : memref<80xi32, #tpu.memory_space<vmem>>) target_semaphore(%arg25 : memref<!tpu.dma_semaphore, #tpu.memory_space<semaphore_mem>>)
    %add3A_19 = arith.constant 0 : i32
    %add3A_20 = arith.addi %mul3A_2, %add3A_19 : i32
    %dma_start3A_21 = tpu.memref_slice %arg3[%add3A_20] : memref<320000xi32, #tpu.memory_space<hbm>> -> memref<80xi32, #tpu.memory_space<hbm>>
    %dma_start3A_22 = tpu.memref_slice %arg3[%add3A_20] : memref<320000xi32, #tpu.memory_space<hbm>> -> memref<80xi32, #tpu.memory_space<hbm>>
    tpu.enqueue_dma source(%dma_start3A_22 : memref<80xi32, #tpu.memory_space<hbm>>) target(%arg13 : memref<80xi32, #tpu.memory_space<vmem>>) target_semaphore(%arg27 : memref<!tpu.dma_semaphore, #tpu.memory_space<semaphore_mem>>)
    %add3A_23 = arith.constant 80 : i32
    %add3A_24 = arith.addi %mul3A_2, %add3A_23 : i32
    %dma_start3A_25 = tpu.memref_slice %arg2[%add3A_24] : memref<320000xi32, #tpu.memory_space<hbm>> -> memref<80xi32, #tpu.memory_space<hbm>>
    %dma_start3A_26 = tpu.memref_slice %arg2[%add3A_24] : memref<320000xi32, #tpu.memory_space<hbm>> -> memref<80xi32, #tpu.memory_space<hbm>>
    tpu.enqueue_dma source(%dma_start3A_26 : memref<80xi32, #tpu.memory_space<hbm>>) target(%arg18 : memref<80xi32, #tpu.memory_space<vmem>>) target_semaphore(%arg26 : memref<!tpu.dma_semaphore, #tpu.memory_space<semaphore_mem>>)
    %dma_start3A_27 = tpu.memref_slice %arg3[%add3A_24] : memref<320000xi32, #tpu.memory_space<hbm>> -> memref<80xi32, #tpu.memory_space<hbm>>
    %dma_start3A_28 = tpu.memref_slice %arg3[%add3A_24] : memref<320000xi32, #tpu.memory_space<hbm>> -> memref<80xi32, #tpu.memory_space<hbm>>
    tpu.enqueue_dma source(%dma_start3A_28 : memref<80xi32, #tpu.memory_space<hbm>>) target(%arg19 : memref<80xi32, #tpu.memory_space<vmem>>) target_semaphore(%arg26 : memref<!tpu.dma_semaphore, #tpu.memory_space<semaphore_mem>>)
    %add3A_29 = arith.constant 80 : i32
    %add3A_30 = arith.addi %mul3A_2, %add3A_29 : i32
    %dma_start3A_31 = tpu.memref_slice %arg3[%add3A_30] : memref<320000xi32, #tpu.memory_space<hbm>> -> memref<80xi32, #tpu.memory_space<hbm>>
    %dma_start3A_32 = tpu.memref_slice %arg3[%add3A_30] : memref<320000xi32, #tpu.memory_space<hbm>> -> memref<80xi32, #tpu.memory_space<hbm>>
    tpu.enqueue_dma source(%dma_start3A_32 : memref<80xi32, #tpu.memory_space<hbm>>) target(%arg20 : memref<80xi32, #tpu.memory_space<vmem>>) target_semaphore(%arg28 : memref<!tpu.dma_semaphore, #tpu.memory_space<semaphore_mem>>)
    %add3A_33 = arith.constant 0 : i32
    %add3A_34 = arith.addi %mul3A_2, %add3A_33 : i32
    %dma_wait3A = tpu.memref_slice %arg2[%add3A_34] : memref<320000xi32, #tpu.memory_space<hbm>> -> memref<80xi32, #tpu.memory_space<hbm>>
    %dma_wait3A_35 = tpu.memref_slice %arg2[%add3A_34] : memref<320000xi32, #tpu.memory_space<hbm>> -> memref<80xi32, #tpu.memory_space<hbm>>
    tpu.wait_dma2 semaphore(%arg25 : memref<!tpu.dma_semaphore, #tpu.memory_space<semaphore_mem>>) src(%dma_wait3A_35 : memref<80xi32, #tpu.memory_space<hbm>>) dst(%arg11 : memref<80xi32, #tpu.memory_space<vmem>>)
    %dma_wait3A_36 = tpu.memref_slice %arg3[%add3A_34] : memref<320000xi32, #tpu.memory_space<hbm>> -> memref<80xi32, #tpu.memory_space<hbm>>
    %dma_wait3A_37 = tpu.memref_slice %arg3[%add3A_34] : memref<320000xi32, #tpu.memory_space<hbm>> -> memref<80xi32, #tpu.memory_space<hbm>>
    tpu.wait_dma2 semaphore(%arg25 : memref<!tpu.dma_semaphore, #tpu.memory_space<semaphore_mem>>) src(%dma_wait3A_37 : memref<80xi32, #tpu.memory_space<hbm>>) dst(%arg12 : memref<80xi32, #tpu.memory_space<vmem>>)
    %dma_start3A_38 = arith.constant 0 : i32
    %dma_start3A_39 = arith.constant 0 : i32
    %dma_start3A_40 = tpu.memref_slice %arg4[%dma_start3A_38, %dma_start3A_39] : memref<10000x16xf32, #tpu.memory_space<hbm>> -> memref<10000x16xf32, #tpu.memory_space<hbm>>
    tpu.enqueue_indirect_dma source(%dma_start3A_40 : memref<10000x16xf32, #tpu.memory_space<hbm>>) target(%arg14 : memref<80x16xf32, #tpu.memory_space<vmem>>) offsets(%arg11 : memref<80xi32, #tpu.memory_space<vmem>>) semaphore(%arg29 : memref<!tpu.dma_semaphore, #tpu.memory_space<semaphore_mem>>)
    %dma_start3A_41 = arith.constant 0 : i32
    %dma_start3A_42 = arith.constant 0 : i32
    %dma_start3A_43 = tpu.memref_slice %arg5[%dma_start3A_41, %dma_start3A_42] : memref<10000x16xf32, #tpu.memory_space<hbm>> -> memref<10000x16xf32, #tpu.memory_space<hbm>>
    tpu.enqueue_indirect_dma source(%dma_start3A_43 : memref<10000x16xf32, #tpu.memory_space<hbm>>) target(%arg15 : memref<80x16xf32, #tpu.memory_space<vmem>>) offsets(%arg12 : memref<80xi32, #tpu.memory_space<vmem>>) semaphore(%arg29 : memref<!tpu.dma_semaphore, #tpu.memory_space<semaphore_mem>>)
    %dma_start3A_44 = arith.constant 0 : i32
    %dma_start3A_45 = arith.constant 0 : i32
    %dma_start3A_46 = tpu.memref_slice %arg6[%dma_start3A_44, %dma_start3A_45] : memref<10000x128xf32, #tpu.memory_space<hbm>> -> memref<10000x128xf32, #tpu.memory_space<hbm>>
    tpu.enqueue_indirect_dma source(%dma_start3A_46 : memref<10000x128xf32, #tpu.memory_space<hbm>>) target(%arg17 : memref<80x128xf32, #tpu.memory_space<vmem>>) offsets(%arg11 : memref<80xi32, #tpu.memory_space<vmem>>) semaphore(%arg29 : memref<!tpu.dma_semaphore, #tpu.memory_space<semaphore_mem>>)
    %add3A_47 = arith.constant 80 : i32
    %add3A_48 = arith.addi %mul3A_2, %add3A_47 : i32
    %dma_wait3A_49 = tpu.memref_slice %arg2[%add3A_48] : memref<320000xi32, #tpu.memory_space<hbm>> -> memref<80xi32, #tpu.memory_space<hbm>>
    %dma_wait3A_50 = tpu.memref_slice %arg2[%add3A_48] : memref<320000xi32, #tpu.memory_space<hbm>> -> memref<80xi32, #tpu.memory_space<hbm>>
    tpu.wait_dma2 semaphore(%arg26 : memref<!tpu.dma_semaphore, #tpu.memory_space<semaphore_mem>>) src(%dma_wait3A_50 : memref<80xi32, #tpu.memory_space<hbm>>) dst(%arg18 : memref<80xi32, #tpu.memory_space<vmem>>)
    %dma_wait3A_51 = tpu.memref_slice %arg3[%add3A_48] : memref<320000xi32, #tpu.memory_space<hbm>> -> memref<80xi32, #tpu.memory_space<hbm>>
    %dma_wait3A_52 = tpu.memref_slice %arg3[%add3A_48] : memref<320000xi32, #tpu.memory_space<hbm>> -> memref<80xi32, #tpu.memory_space<hbm>>
    tpu.wait_dma2 semaphore(%arg26 : memref<!tpu.dma_semaphore, #tpu.memory_space<semaphore_mem>>) src(%dma_wait3A_52 : memref<80xi32, #tpu.memory_space<hbm>>) dst(%arg19 : memref<80xi32, #tpu.memory_space<vmem>>)
    %dma_start3A_53 = arith.constant 0 : i32
    %dma_start3A_54 = arith.constant 0 : i32
    %dma_start3A_55 = tpu.memref_slice %arg4[%dma_start3A_53, %dma_start3A_54] : memref<10000x16xf32, #tpu.memory_space<hbm>> -> memref<10000x16xf32, #tpu.memory_space<hbm>>
    tpu.enqueue_indirect_dma source(%dma_start3A_55 : memref<10000x16xf32, #tpu.memory_space<hbm>>) target(%arg21 : memref<80x16xf32, #tpu.memory_space<vmem>>) offsets(%arg18 : memref<80xi32, #tpu.memory_space<vmem>>) semaphore(%arg30 : memref<!tpu.dma_semaphore, #tpu.memory_space<semaphore_mem>>)
    %dma_start3A_56 = arith.constant 0 : i32
    %dma_start3A_57 = arith.constant 0 : i32
    %dma_start3A_58 = tpu.memref_slice %arg5[%dma_start3A_56, %dma_start3A_57] : memref<10000x16xf32, #tpu.memory_space<hbm>> -> memref<10000x16xf32, #tpu.memory_space<hbm>>
    tpu.enqueue_indirect_dma source(%dma_start3A_58 : memref<10000x16xf32, #tpu.memory_space<hbm>>) target(%arg22 : memref<80x16xf32, #tpu.memory_space<vmem>>) offsets(%arg19 : memref<80xi32, #tpu.memory_space<vmem>>) semaphore(%arg30 : memref<!tpu.dma_semaphore, #tpu.memory_space<semaphore_mem>>)
    %dma_start3A_59 = arith.constant 0 : i32
    %dma_start3A_60 = arith.constant 0 : i32
    %dma_start3A_61 = tpu.memref_slice %arg6[%dma_start3A_59, %dma_start3A_60] : memref<10000x128xf32, #tpu.memory_space<hbm>> -> memref<10000x128xf32, #tpu.memory_space<hbm>>
    tpu.enqueue_indirect_dma source(%dma_start3A_61 : memref<10000x128xf32, #tpu.memory_space<hbm>>) target(%arg24 : memref<80x128xf32, #tpu.memory_space<vmem>>) offsets(%arg18 : memref<80xi32, #tpu.memory_space<vmem>>) semaphore(%arg30 : memref<!tpu.dma_semaphore, #tpu.memory_space<semaphore_mem>>)
    %scan3A_62 = arith.constant 0 : i32
    %scan3A_63 = arith.constant 0 : i32
    %scan3A_64 = arith.constant 62 : i32
    %scan3A_65 = arith.addi %scan3A_63, %scan3A_64 : i32
    %scan3A_66 = arith.constant 1 : i32
    scf.for %scan3A_112 = %scan3A_63 to %scan3A_65 step %scan3A_66  : i32 {
      %mul3A_113 = arith.constant 2 : i32
      %mul3A_114 = arith.muli %mul3A_113, %scan3A_112 : i32
      %add3A_115 = arith.constant 0 : i32
      %add3A_116 = arith.addi %mul3A_114, %add3A_115 : i32
      %add3A_117 = arith.constant 2 : i32
      %add3A_118 = arith.addi %add3A_116, %add3A_117 : i32
      %dma_wait3A_119 = arith.constant 0 : i32
      %dma_wait3A_120 = arith.constant 0 : i32
      %dma_wait3A_121 = tpu.memref_slice %arg4[%dma_wait3A_119, %dma_wait3A_120] : memref<10000x16xf32, #tpu.memory_space<hbm>> -> memref<10000x16xf32, #tpu.memory_space<hbm>>
      tpu.wait_indirect_dma semaphore(%arg29 : memref<!tpu.dma_semaphore, #tpu.memory_space<semaphore_mem>>) src(%dma_wait3A_121 : memref<10000x16xf32, #tpu.memory_space<hbm>>) dst(%arg14 : memref<80x16xf32, #tpu.memory_space<vmem>>)
      %dma_wait3A_122 = arith.constant 0 : i32
      %dma_wait3A_123 = arith.constant 0 : i32
      %dma_wait3A_124 = tpu.memref_slice %arg5[%dma_wait3A_122, %dma_wait3A_123] : memref<10000x16xf32, #tpu.memory_space<hbm>> -> memref<10000x16xf32, #tpu.memory_space<hbm>>
      tpu.wait_indirect_dma semaphore(%arg29 : memref<!tpu.dma_semaphore, #tpu.memory_space<semaphore_mem>>) src(%dma_wait3A_124 : memref<10000x16xf32, #tpu.memory_space<hbm>>) dst(%arg15 : memref<80x16xf32, #tpu.memory_space<vmem>>)
      %dma_wait3A_125 = arith.constant 0 : i32
      %dma_wait3A_126 = arith.constant 0 : i32
      %dma_wait3A_127 = tpu.memref_slice %arg6[%dma_wait3A_125, %dma_wait3A_126] : memref<10000x128xf32, #tpu.memory_space<hbm>> -> memref<10000x128xf32, #tpu.memory_space<hbm>>
      tpu.wait_indirect_dma semaphore(%arg29 : memref<!tpu.dma_semaphore, #tpu.memory_space<semaphore_mem>>) src(%dma_wait3A_127 : memref<10000x128xf32, #tpu.memory_space<hbm>>) dst(%arg17 : memref<80x128xf32, #tpu.memory_space<vmem>>)
      %lt3A = arith.constant 125 : i32
      %lt3A_128 = arith.cmpi slt, %add3A_118, %lt3A : i32
      %convert_element_type3A = arith.extui %lt3A_128 : i1 to i32
      %cond3A = arith.constant 0 : i32
      %cond3A_129 = arith.cmpi ne, %convert_element_type3A, %cond3A : i32
      scf.if %cond3A_129 {
        %mul3A_224 = arith.constant 80 : i32
        %mul3A_225 = arith.muli %add3A_118, %mul3A_224 : i32
        %add3A_226 = arith.addi %mul3A_2, %mul3A_225 : i32
        %dma_start3A_227 = tpu.memref_slice %arg2[%add3A_226] : memref<320000xi32, #tpu.memory_space<hbm>> -> memref<80xi32, #tpu.memory_space<hbm>>
        %dma_start3A_228 = tpu.memref_slice %arg2[%add3A_226] : memref<320000xi32, #tpu.memory_space<hbm>> -> memref<80xi32, #tpu.memory_space<hbm>>
        tpu.enqueue_dma source(%dma_start3A_228 : memref<80xi32, #tpu.memory_space<hbm>>) target(%arg11 : memref<80xi32, #tpu.memory_space<vmem>>) target_semaphore(%arg25 : memref<!tpu.dma_semaphore, #tpu.memory_space<semaphore_mem>>)
        %dma_start3A_229 = tpu.memref_slice %arg3[%add3A_226] : memref<320000xi32, #tpu.memory_space<hbm>> -> memref<80xi32, #tpu.memory_space<hbm>>
        %dma_start3A_230 = tpu.memref_slice %arg3[%add3A_226] : memref<320000xi32, #tpu.memory_space<hbm>> -> memref<80xi32, #tpu.memory_space<hbm>>
        tpu.enqueue_dma source(%dma_start3A_230 : memref<80xi32, #tpu.memory_space<hbm>>) target(%arg12 : memref<80xi32, #tpu.memory_space<vmem>>) target_semaphore(%arg25 : memref<!tpu.dma_semaphore, #tpu.memory_space<semaphore_mem>>)
      } else {
      }
      %scan3A_130 = arith.constant 0 : i32
      %scan3A_131 = arith.constant 0 : i32
      %scan3A_132 = arith.constant 40 : i32
      %scan3A_133 = arith.addi %scan3A_131, %scan3A_132 : i32
      %scan3A_134 = arith.constant 4 : i32
      scf.for %scan3A_224 = %scan3A_131 to %scan3A_133 step %scan3A_134  : i32 {
        %mul3A_225 = arith.constant 2 : i32
        %mul3A_226 = arith.muli %mul3A_225, %scan3A_224 : i32
        %add3A_227 = vector.broadcast %mul3A_226 : i32 to vector<16xi32>
        %add3A_228 = arith.addi %shift_right_arithmetic3A_9, %add3A_227 : vector<16xi32>
        %gather3A = tpu.vector_load_idx %arg14[%add3A_228, %and3A_12] : memref<80x16xf32, #tpu.memory_space<vmem>>[vector<16xi32>, vector<16xi32>], vector<16xf32>,
        %gather3A_229 = tpu.vector_load_idx %arg15[%add3A_228, %and3A_12] : memref<80x16xf32, #tpu.memory_space<vmem>>[vector<16xi32>, vector<16xi32>], vector<16xf32>,
        %add3A_230 = arith.addf %gather3A, %gather3A_229 : vector<16xf32>
        %gt3A = arith.constant 0.000000e+00 : f32
        %gt3A_231 = vector.broadcast %gt3A : f32 to vector<16xf32>
        %gt3A_232 = arith.cmpf ogt, %add3A_230, %gt3A_231 : vector<16xf32>
        %mul3A_233 = arith.constant 2.000000e-01 : f32
        %mul3A_234 = vector.broadcast %mul3A_233 : f32 to vector<16xf32>
        %mul3A_235 = arith.mulf %mul3A_234, %add3A_230 : vector<16xf32>
        %select_n3A = arith.select %gt3A_232, %add3A_230, %mul3A_235 : vector<16xi1>, vector<16xf32>
        %exp3A = math.exp %select_n3A : vector<16xf32>
        tpu.vector_store_idx %arg16[%add3A_228, %and3A_12], %exp3A : memref<80x16xf32, #tpu.memory_space<vmem>>[vector<16xi32>, vector<16xi32>], vector<16xf32>,
        %scan3A_236 = arith.constant 1 : i32
        %scan3A_237 = arith.addi %scan3A_224, %scan3A_236 : i32
        %mul3A_238 = arith.constant 2 : i32
        %mul3A_239 = arith.muli %mul3A_238, %scan3A_237 : i32
        %add3A_240 = vector.broadcast %mul3A_239 : i32 to vector<16xi32>
        %add3A_241 = arith.addi %shift_right_arithmetic3A_9, %add3A_240 : vector<16xi32>
        %gather3A_242 = tpu.vector_load_idx %arg14[%add3A_241, %and3A_12] : memref<80x16xf32, #tpu.memory_space<vmem>>[vector<16xi32>, vector<16xi32>], vector<16xf32>,
        %gather3A_243 = tpu.vector_load_idx %arg15[%add3A_241, %and3A_12] : memref<80x16xf32, #tpu.memory_space<vmem>>[vector<16xi32>, vector<16xi32>], vector<16xf32>,
        %add3A_244 = arith.addf %gather3A_242, %gather3A_243 : vector<16xf32>
        %gt3A_245 = arith.constant 0.000000e+00 : f32
        %gt3A_246 = vector.broadcast %gt3A_245 : f32 to vector<16xf32>
        %gt3A_247 = arith.cmpf ogt, %add3A_244, %gt3A_246 : vector<16xf32>
        %mul3A_248 = arith.constant 2.000000e-01 : f32
        %mul3A_249 = vector.broadcast %mul3A_248 : f32 to vector<16xf32>
        %mul3A_250 = arith.mulf %mul3A_249, %add3A_244 : vector<16xf32>
        %select_n3A_251 = arith.select %gt3A_247, %add3A_244, %mul3A_250 : vector<16xi1>, vector<16xf32>
        %exp3A_252 = math.exp %select_n3A_251 : vector<16xf32>
        tpu.vector_store_idx %arg16[%add3A_241, %and3A_12], %exp3A_252 : memref<80x16xf32, #tpu.memory_space<vmem>>[vector<16xi32>, vector<16xi32>], vector<16xf32>,
        %scan3A_253 = arith.constant 2 : i32
        %scan3A_254 = arith.addi %scan3A_224, %scan3A_253 : i32
        %mul3A_255 = arith.constant 2 : i32
        %mul3A_256 = arith.muli %mul3A_255, %scan3A_254 : i32
        %add3A_257 = vector.broadcast %mul3A_256 : i32 to vector<16xi32>
        %add3A_258 = arith.addi %shift_right_arithmetic3A_9, %add3A_257 : vector<16xi32>
        %gather3A_259 = tpu.vector_load_idx %arg14[%add3A_258, %and3A_12] : memref<80x16xf32, #tpu.memory_space<vmem>>[vector<16xi32>, vector<16xi32>], vector<16xf32>,
        %gather3A_260 = tpu.vector_load_idx %arg15[%add3A_258, %and3A_12] : memref<80x16xf32, #tpu.memory_space<vmem>>[vector<16xi32>, vector<16xi32>], vector<16xf32>,
        %add3A_261 = arith.addf %gather3A_259, %gather3A_260 : vector<16xf32>
        %gt3A_262 = arith.constant 0.000000e+00 : f32
        %gt3A_263 = vector.broadcast %gt3A_262 : f32 to vector<16xf32>
        %gt3A_264 = arith.cmpf ogt, %add3A_261, %gt3A_263 : vector<16xf32>
        %mul3A_265 = arith.constant 2.000000e-01 : f32
        %mul3A_266 = vector.broadcast %mul3A_265 : f32 to vector<16xf32>
        %mul3A_267 = arith.mulf %mul3A_266, %add3A_261 : vector<16xf32>
        %select_n3A_268 = arith.select %gt3A_264, %add3A_261, %mul3A_267 : vector<16xi1>, vector<16xf32>
        %exp3A_269 = math.exp %select_n3A_268 : vector<16xf32>
        tpu.vector_store_idx %arg16[%add3A_258, %and3A_12], %exp3A_269 : memref<80x16xf32, #tpu.memory_space<vmem>>[vector<16xi32>, vector<16xi32>], vector<16xf32>,
        %scan3A_270 = arith.constant 3 : i32
        %scan3A_271 = arith.addi %scan3A_224, %scan3A_270 : i32
        %mul3A_272 = arith.constant 2 : i32
        %mul3A_273 = arith.muli %mul3A_272, %scan3A_271 : i32
        %add3A_274 = vector.broadcast %mul3A_273 : i32 to vector<16xi32>
        %add3A_275 = arith.addi %shift_right_arithmetic3A_9, %add3A_274 : vector<16xi32>
        %gather3A_276 = tpu.vector_load_idx %arg14[%add3A_275, %and3A_12] : memref<80x16xf32, #tpu.memory_space<vmem>>[vector<16xi32>, vector<16xi32>], vector<16xf32>,
        %gather3A_277 = tpu.vector_load_idx %arg15[%add3A_275, %and3A_12] : memref<80x16xf32, #tpu.memory_space<vmem>>[vector<16xi32>, vector<16xi32>], vector<16xf32>,
        %add3A_278 = arith.addf %gather3A_276, %gather3A_277 : vector<16xf32>
        %gt3A_279 = arith.constant 0.000000e+00 : f32
        %gt3A_280 = vector.broadcast %gt3A_279 : f32 to vector<16xf32>
        %gt3A_281 = arith.cmpf ogt, %add3A_278, %gt3A_280 : vector<16xf32>
        %mul3A_282 = arith.constant 2.000000e-01 : f32
        %mul3A_283 = vector.broadcast %mul3A_282 : f32 to vector<16xf32>
        %mul3A_284 = arith.mulf %mul3A_283, %add3A_278 : vector<16xf32>
        %select_n3A_285 = arith.select %gt3A_281, %add3A_278, %mul3A_284 : vector<16xi1>, vector<16xf32>
        %exp3A_286 = math.exp %select_n3A_285 : vector<16xf32>
        tpu.vector_store_idx %arg16[%add3A_275, %and3A_12], %exp3A_286 : memref<80x16xf32, #tpu.memory_space<vmem>>[vector<16xi32>, vector<16xi32>], vector<16xf32>,
      }
      %scan3A_135 = arith.constant 40 : i32
      %scan3A_136 = arith.constant 0 : i32
      %scan3A_137 = arith.constant 0 : i32
      %scan3A_138 = arith.constant 80 : i32
      %scan3A_139 = arith.addi %scan3A_137, %scan3A_138 : i32
      %scan3A_140 = arith.constant 2 : i32
      scf.for %scan3A_224 = %scan3A_137 to %scan3A_139 step %scan3A_140  : i32 {
        %add3A_225 = vector.broadcast %scan3A_224 : i32 to vector<16xi32>
        %add3A_226 = arith.addi %broadcast_in_dim3A_13, %add3A_225 : vector<16xi32>
        %gather3A = tpu.vector_load_idx %arg16[%add3A_226, %and3A_12] : memref<80x16xf32, #tpu.memory_space<vmem>>[vector<16xi32>, vector<16xi32>], vector<16xf32>,
        %add3A_227 = arith.constant 0 : i32
        %add3A_228 = vector.broadcast %add3A_227 : i32 to vector<16xi32>
        %add3A_229 = arith.addi %broadcast_in_dim3A_13, %add3A_228 : vector<16xi32>
        %reshape3A = vector.shape_cast %add3A_229 : vector<16xi32> to vector<16x1xi32>
        %gather3A_230 = vector.shape_cast %reshape3A : vector<16x1xi32> to vector<16xi32>
        %gather3A_231 = tpu.dynamic_gather %gather3A[%gather3A_230] in [0] : vector<16xf32>, vector<16xi32> -> vector<16xf32>
        %get3A = arith.index_cast %scan3A_224 : i32 to index
        %get3A_232 = arith.constant 0 : index
        %get3A_233 = tpu.vector_load %arg17[%get3A, %get3A_232] {strides = array<i32>} : memref<80x128xf32, #tpu.memory_space<vmem>>, vector<16xf32>,
        %mul3A_234 = arith.mulf %get3A_233, %gather3A_231 : vector<16xf32>
        %swap3A = arith.index_cast %scan3A_224 : i32 to index
        %swap3A_235 = arith.constant 0 : index
        %swap3A_236 = tpu.vector_load %arg17[%swap3A, %swap3A_235] {strides = array<i32>} : memref<80x128xf32, #tpu.memory_space<vmem>>, vector<16xf32>,
        tpu.vector_store %arg17[%swap3A, %swap3A_235], %mul3A_234 {strides = array<i32>} : memref<80x128xf32, #tpu.memory_space<vmem>>, vector<16xf32>,
        %add3A_237 = arith.constant 1 : i32
        %add3A_238 = vector.broadcast %add3A_237 : i32 to vector<16xi32>
        %add3A_239 = arith.addi %broadcast_in_dim3A_13, %add3A_238 : vector<16xi32>
        %reshape3A_240 = vector.shape_cast %add3A_239 : vector<16xi32> to vector<16x1xi32>
        %gather3A_241 = vector.shape_cast %reshape3A_240 : vector<16x1xi32> to vector<16xi32>
        %gather3A_242 = tpu.dynamic_gather %gather3A[%gather3A_241] in [0] : vector<16xf32>, vector<16xi32> -> vector<16xf32>
        %get3A_243 = arith.index_cast %scan3A_224 : i32 to index
        %get3A_244 = arith.constant 16 : index
        %get3A_245 = tpu.vector_load %arg17[%get3A_243, %get3A_244] {strides = array<i32>} : memref<80x128xf32, #tpu.memory_space<vmem>>, vector<16xf32>,
        %mul3A_246 = arith.mulf %get3A_245, %gather3A_242 : vector<16xf32>
        %swap3A_247 = arith.index_cast %scan3A_224 : i32 to index
        %swap3A_248 = arith.constant 16 : index
        %swap3A_249 = tpu.vector_load %arg17[%swap3A_247, %swap3A_248] {strides = array<i32>} : memref<80x128xf32, #tpu.memory_space<vmem>>, vector<16xf32>,
        tpu.vector_store %arg17[%swap3A_247, %swap3A_248], %mul3A_246 {strides = array<i32>} : memref<80x128xf32, #tpu.memory_space<vmem>>, vector<16xf32>,
        %add3A_250 = arith.constant 2 : i32
        %add3A_251 = vector.broadcast %add3A_250 : i32 to vector<16xi32>
        %add3A_252 = arith.addi %broadcast_in_dim3A_13, %add3A_251 : vector<16xi32>
        %reshape3A_253 = vector.shape_cast %add3A_252 : vector<16xi32> to vector<16x1xi32>
        %gather3A_254 = vector.shape_cast %reshape3A_253 : vector<16x1xi32> to vector<16xi32>
        %gather3A_255 = tpu.dynamic_gather %gather3A[%gather3A_254] in [0] : vector<16xf32>, vector<16xi32> -> vector<16xf32>
        %get3A_256 = arith.index_cast %scan3A_224 : i32 to index
        %get3A_257 = arith.constant 32 : index
        %get3A_258 = tpu.vector_load %arg17[%get3A_256, %get3A_257] {strides = array<i32>} : memref<80x128xf32, #tpu.memory_space<vmem>>, vector<16xf32>,
        %mul3A_259 = arith.mulf %get3A_258, %gather3A_255 : vector<16xf32>
        %swap3A_260 = arith.index_cast %scan3A_224 : i32 to index
        %swap3A_261 = arith.constant 32 : index
        %swap3A_262 = tpu.vector_load %arg17[%swap3A_260, %swap3A_261] {strides = array<i32>} : memref<80x128xf32, #tpu.memory_space<vmem>>, vector<16xf32>,
        tpu.vector_store %arg17[%swap3A_260, %swap3A_261], %mul3A_259 {strides = array<i32>} : memref<80x128xf32, #tpu.memory_space<vmem>>, vector<16xf32>,
        %add3A_263 = arith.constant 3 : i32
        %add3A_264 = vector.broadcast %add3A_263 : i32 to vector<16xi32>
        %add3A_265 = arith.addi %broadcast_in_dim3A_13, %add3A_264 : vector<16xi32>
        %reshape3A_266 = vector.shape_cast %add3A_265 : vector<16xi32> to vector<16x1xi32>
        %gather3A_267 = vector.shape_cast %reshape3A_266 : vector<16x1xi32> to vector<16xi32>
        %gather3A_268 = tpu.dynamic_gather %gather3A[%gather3A_267] in [0] : vector<16xf32>, vector<16xi32> -> vector<16xf32>
        %get3A_269 = arith.index_cast %scan3A_224 : i32 to index
        %get3A_270 = arith.constant 48 : index
        %get3A_271 = tpu.vector_load %arg17[%get3A_269, %get3A_270] {strides = array<i32>} : memref<80x128xf32, #tpu.memory_space<vmem>>, vector<16xf32>,
        %mul3A_272 = arith.mulf %get3A_271, %gather3A_268 : vector<16xf32>
        %swap3A_273 = arith.index_cast %scan3A_224 : i32 to index
        %swap3A_274 = arith.constant 48 : index
        %swap3A_275 = tpu.vector_load %arg17[%swap3A_273, %swap3A_274] {strides = array<i32>} : memref<80x128xf32, #tpu.memory_space<vmem>>, vector<16xf32>,
        tpu.vector_store %arg17[%swap3A_273, %swap3A_274], %mul3A_272 {strides = array<i32>} : memref<80x128xf32, #tpu.memory_space<vmem>>, vector<16xf32>,
        %add3A_276 = arith.constant 4 : i32
        %add3A_277 = vector.broadcast %add3A_276 : i32 to vector<16xi32>
        %add3A_278 = arith.addi %broadcast_in_dim3A_13, %add3A_277 : vector<16xi32>
        %reshape3A_279 = vector.shape_cast %add3A_278 : vector<16xi32> to vector<16x1xi32>
        %gather3A_280 = vector.shape_cast %reshape3A_279 : vector<16x1xi32> to vector<16xi32>
        %gather3A_281 = tpu.dynamic_gather %gather3A[%gather3A_280] in [0] : vector<16xf32>, vector<16xi32> -> vector<16xf32>
        %get3A_282 = arith.index_cast %scan3A_224 : i32 to index
        %get3A_283 = arith.constant 64 : index
        %get3A_284 = tpu.vector_load %arg17[%get3A_282, %get3A_283] {strides = array<i32>} : memref<80x128xf32, #tpu.memory_space<vmem>>, vector<16xf32>,
        %mul3A_285 = arith.mulf %get3A_284, %gather3A_281 : vector<16xf32>
        %swap3A_286 = arith.index_cast %scan3A_224 : i32 to index
        %swap3A_287 = arith.constant 64 : index
        %swap3A_288 = tpu.vector_load %arg17[%swap3A_286, %swap3A_287] {strides = array<i32>} : memref<80x128xf32, #tpu.memory_space<vmem>>, vector<16xf32>,
        tpu.vector_store %arg17[%swap3A_286, %swap3A_287], %mul3A_285 {strides = array<i32>} : memref<80x128xf32, #tpu.memory_space<vmem>>, vector<16xf32>,
        %add3A_289 = arith.constant 5 : i32
        %add3A_290 = vector.broadcast %add3A_289 : i32 to vector<16xi32>
        %add3A_291 = arith.addi %broadcast_in_dim3A_13, %add3A_290 : vector<16xi32>
        %reshape3A_292 = vector.shape_cast %add3A_291 : vector<16xi32> to vector<16x1xi32>
        %gather3A_293 = vector.shape_cast %reshape3A_292 : vector<16x1xi32> to vector<16xi32>
        %gather3A_294 = tpu.dynamic_gather %gather3A[%gather3A_293] in [0] : vector<16xf32>, vector<16xi32> -> vector<16xf32>
        %get3A_295 = arith.index_cast %scan3A_224 : i32 to index
        %get3A_296 = arith.constant 80 : index
        %get3A_297 = tpu.vector_load %arg17[%get3A_295, %get3A_296] {strides = array<i32>} : memref<80x128xf32, #tpu.memory_space<vmem>>, vector<16xf32>,
        %mul3A_298 = arith.mulf %get3A_297, %gather3A_294 : vector<16xf32>
        %swap3A_299 = arith.index_cast %scan3A_224 : i32 to index
        %swap3A_300 = arith.constant 80 : index
        %swap3A_301 = tpu.vector_load %arg17[%swap3A_299, %swap3A_300] {strides = array<i32>} : memref<80x128xf32, #tpu.memory_space<vmem>>, vector<16xf32>,
        tpu.vector_store %arg17[%swap3A_299, %swap3A_300], %mul3A_298 {strides = array<i32>} : memref<80x128xf32, #tpu.memory_space<vmem>>, vector<16xf32>,
        %add3A_302 = arith.constant 6 : i32
        %add3A_303 = vector.broadcast %add3A_302 : i32 to vector<16xi32>
        %add3A_304 = arith.addi %broadcast_in_dim3A_13, %add3A_303 : vector<16xi32>
        %reshape3A_305 = vector.shape_cast %add3A_304 : vector<16xi32> to vector<16x1xi32>
        %gather3A_306 = vector.shape_cast %reshape3A_305 : vector<16x1xi32> to vector<16xi32>
        %gather3A_307 = tpu.dynamic_gather %gather3A[%gather3A_306] in [0] : vector<16xf32>, vector<16xi32> -> vector<16xf32>
        %get3A_308 = arith.index_cast %scan3A_224 : i32 to index
        %get3A_309 = arith.constant 96 : index
        %get3A_310 = tpu.vector_load %arg17[%get3A_308, %get3A_309] {strides = array<i32>} : memref<80x128xf32, #tpu.memory_space<vmem>>, vector<16xf32>,
        %mul3A_311 = arith.mulf %get3A_310, %gather3A_307 : vector<16xf32>
        %swap3A_312 = arith.index_cast %scan3A_224 : i32 to index
        %swap3A_313 = arith.constant 96 : index
        %swap3A_314 = tpu.vector_load %arg17[%swap3A_312, %swap3A_313] {strides = array<i32>} : memref<80x128xf32, #tpu.memory_space<vmem>>, vector<16xf32>,
        tpu.vector_store %arg17[%swap3A_312, %swap3A_313], %mul3A_311 {strides = array<i32>} : memref<80x128xf32, #tpu.memory_space<vmem>>, vector<16xf32>,
        %add3A_315 = arith.constant 7 : i32
        %add3A_316 = vector.broadcast %add3A_315 : i32 to vector<16xi32>
        %add3A_317 = arith.addi %broadcast_in_dim3A_13, %add3A_316 : vector<16xi32>
        %reshape3A_318 = vector.shape_cast %add3A_317 : vector<16xi32> to vector<16x1xi32>
        %gather3A_319 = vector.shape_cast %reshape3A_318 : vector<16x1xi32> to vector<16xi32>
        %gather3A_320 = tpu.dynamic_gather %gather3A[%gather3A_319] in [0] : vector<16xf32>, vector<16xi32> -> vector<16xf32>
        %get3A_321 = arith.index_cast %scan3A_224 : i32 to index
        %get3A_322 = arith.constant 112 : index
        %get3A_323 = tpu.vector_load %arg17[%get3A_321, %get3A_322] {strides = array<i32>} : memref<80x128xf32, #tpu.memory_space<vmem>>, vector<16xf32>,
        %mul3A_324 = arith.mulf %get3A_323, %gather3A_320 : vector<16xf32>
        %swap3A_325 = arith.index_cast %scan3A_224 : i32 to index
        %swap3A_326 = arith.constant 112 : index
        %swap3A_327 = tpu.vector_load %arg17[%swap3A_325, %swap3A_326] {strides = array<i32>} : memref<80x128xf32, #tpu.memory_space<vmem>>, vector<16xf32>,
        tpu.vector_store %arg17[%swap3A_325, %swap3A_326], %mul3A_324 {strides = array<i32>} : memref<80x128xf32, #tpu.memory_space<vmem>>, vector<16xf32>,
        %scan3A_328 = arith.constant 1 : i32
        %scan3A_329 = arith.addi %scan3A_224, %scan3A_328 : i32
        %add3A_330 = vector.broadcast %scan3A_329 : i32 to vector<16xi32>
        %add3A_331 = arith.addi %broadcast_in_dim3A_13, %add3A_330 : vector<16xi32>
        %gather3A_332 = tpu.vector_load_idx %arg16[%add3A_331, %and3A_12] : memref<80x16xf32, #tpu.memory_space<vmem>>[vector<16xi32>, vector<16xi32>], vector<16xf32>,
        %add3A_333 = arith.constant 0 : i32
        %add3A_334 = vector.broadcast %add3A_333 : i32 to vector<16xi32>
        %add3A_335 = arith.addi %broadcast_in_dim3A_13, %add3A_334 : vector<16xi32>
        %reshape3A_336 = vector.shape_cast %add3A_335 : vector<16xi32> to vector<16x1xi32>
        %gather3A_337 = vector.shape_cast %reshape3A_336 : vector<16x1xi32> to vector<16xi32>
        %gather3A_338 = tpu.dynamic_gather %gather3A_332[%gather3A_337] in [0] : vector<16xf32>, vector<16xi32> -> vector<16xf32>
        %get3A_339 = arith.index_cast %scan3A_329 : i32 to index
        %get3A_340 = arith.constant 0 : index
        %get3A_341 = tpu.vector_load %arg17[%get3A_339, %get3A_340] {strides = array<i32>} : memref<80x128xf32, #tpu.memory_space<vmem>>, vector<16xf32>,
        %mul3A_342 = arith.mulf %get3A_341, %gather3A_338 : vector<16xf32>
        %swap3A_343 = arith.index_cast %scan3A_329 : i32 to index
        %swap3A_344 = arith.constant 0 : index
        %swap3A_345 = tpu.vector_load %arg17[%swap3A_343, %swap3A_344] {strides = array<i32>} : memref<80x128xf32, #tpu.memory_space<vmem>>, vector<16xf32>,
        tpu.vector_store %arg17[%swap3A_343, %swap3A_344], %mul3A_342 {strides = array<i32>} : memref<80x128xf32, #tpu.memory_space<vmem>>, vector<16xf32>,
        %add3A_346 = arith.constant 1 : i32
        %add3A_347 = vector.broadcast %add3A_346 : i32 to vector<16xi32>
        %add3A_348 = arith.addi %broadcast_in_dim3A_13, %add3A_347 : vector<16xi32>
        %reshape3A_349 = vector.shape_cast %add3A_348 : vector<16xi32> to vector<16x1xi32>
        %gather3A_350 = vector.shape_cast %reshape3A_349 : vector<16x1xi32> to vector<16xi32>
        %gather3A_351 = tpu.dynamic_gather %gather3A_332[%gather3A_350] in [0] : vector<16xf32>, vector<16xi32> -> vector<16xf32>
        %get3A_352 = arith.index_cast %scan3A_329 : i32 to index
        %get3A_353 = arith.constant 16 : index
        %get3A_354 = tpu.vector_load %arg17[%get3A_352, %get3A_353] {strides = array<i32>} : memref<80x128xf32, #tpu.memory_space<vmem>>, vector<16xf32>,
        %mul3A_355 = arith.mulf %get3A_354, %gather3A_351 : vector<16xf32>
        %swap3A_356 = arith.index_cast %scan3A_329 : i32 to index
        %swap3A_357 = arith.constant 16 : index
        %swap3A_358 = tpu.vector_load %arg17[%swap3A_356, %swap3A_357] {strides = array<i32>} : memref<80x128xf32, #tpu.memory_space<vmem>>, vector<16xf32>,
        tpu.vector_store %arg17[%swap3A_356, %swap3A_357], %mul3A_355 {strides = array<i32>} : memref<80x128xf32, #tpu.memory_space<vmem>>, vector<16xf32>,
        %add3A_359 = arith.constant 2 : i32
        %add3A_360 = vector.broadcast %add3A_359 : i32 to vector<16xi32>
        %add3A_361 = arith.addi %broadcast_in_dim3A_13, %add3A_360 : vector<16xi32>
        %reshape3A_362 = vector.shape_cast %add3A_361 : vector<16xi32> to vector<16x1xi32>
        %gather3A_363 = vector.shape_cast %reshape3A_362 : vector<16x1xi32> to vector<16xi32>
        %gather3A_364 = tpu.dynamic_gather %gather3A_332[%gather3A_363] in [0] : vector<16xf32>, vector<16xi32> -> vector<16xf32>
        %get3A_365 = arith.index_cast %scan3A_329 : i32 to index
        %get3A_366 = arith.constant 32 : index
        %get3A_367 = tpu.vector_load %arg17[%get3A_365, %get3A_366] {strides = array<i32>} : memref<80x128xf32, #tpu.memory_space<vmem>>, vector<16xf32>,
        %mul3A_368 = arith.mulf %get3A_367, %gather3A_364 : vector<16xf32>
        %swap3A_369 = arith.index_cast %scan3A_329 : i32 to index
        %swap3A_370 = arith.constant 32 : index
        %swap3A_371 = tpu.vector_load %arg17[%swap3A_369, %swap3A_370] {strides = array<i32>} : memref<80x128xf32, #tpu.memory_space<vmem>>, vector<16xf32>,
        tpu.vector_store %arg17[%swap3A_369, %swap3A_370], %mul3A_368 {strides = array<i32>} : memref<80x128xf32, #tpu.memory_space<vmem>>, vector<16xf32>,
        %add3A_372 = arith.constant 3 : i32
        %add3A_373 = vector.broadcast %add3A_372 : i32 to vector<16xi32>
        %add3A_374 = arith.addi %broadcast_in_dim3A_13, %add3A_373 : vector<16xi32>
        %reshape3A_375 = vector.shape_cast %add3A_374 : vector<16xi32> to vector<16x1xi32>
        %gather3A_376 = vector.shape_cast %reshape3A_375 : vector<16x1xi32> to vector<16xi32>
        %gather3A_377 = tpu.dynamic_gather %gather3A_332[%gather3A_376] in [0] : vector<16xf32>, vector<16xi32> -> vector<16xf32>
        %get3A_378 = arith.index_cast %scan3A_329 : i32 to index
        %get3A_379 = arith.constant 48 : index
        %get3A_380 = tpu.vector_load %arg17[%get3A_378, %get3A_379] {strides = array<i32>} : memref<80x128xf32, #tpu.memory_space<vmem>>, vector<16xf32>,
        %mul3A_381 = arith.mulf %get3A_380, %gather3A_377 : vector<16xf32>
        %swap3A_382 = arith.index_cast %scan3A_329 : i32 to index
        %swap3A_383 = arith.constant 48 : index
        %swap3A_384 = tpu.vector_load %arg17[%swap3A_382, %swap3A_383] {strides = array<i32>} : memref<80x128xf32, #tpu.memory_space<vmem>>, vector<16xf32>,
        tpu.vector_store %arg17[%swap3A_382, %swap3A_383], %mul3A_381 {strides = array<i32>} : memref<80x128xf32, #tpu.memory_space<vmem>>, vector<16xf32>,
        %add3A_385 = arith.constant 4 : i32
        %add3A_386 = vector.broadcast %add3A_385 : i32 to vector<16xi32>
        %add3A_387 = arith.addi %broadcast_in_dim3A_13, %add3A_386 : vector<16xi32>
        %reshape3A_388 = vector.shape_cast %add3A_387 : vector<16xi32> to vector<16x1xi32>
        %gather3A_389 = vector.shape_cast %reshape3A_388 : vector<16x1xi32> to vector<16xi32>
        %gather3A_390 = tpu.dynamic_gather %gather3A_332[%gather3A_389] in [0] : vector<16xf32>, vector<16xi32> -> vector<16xf32>
        %get3A_391 = arith.index_cast %scan3A_329 : i32 to index
        %get3A_392 = arith.constant 64 : index
        %get3A_393 = tpu.vector_load %arg17[%get3A_391, %get3A_392] {strides = array<i32>} : memref<80x128xf32, #tpu.memory_space<vmem>>, vector<16xf32>,
        %mul3A_394 = arith.mulf %get3A_393, %gather3A_390 : vector<16xf32>
        %swap3A_395 = arith.index_cast %scan3A_329 : i32 to index
        %swap3A_396 = arith.constant 64 : index
        %swap3A_397 = tpu.vector_load %arg17[%swap3A_395, %swap3A_396] {strides = array<i32>} : memref<80x128xf32, #tpu.memory_space<vmem>>, vector<16xf32>,
        tpu.vector_store %arg17[%swap3A_395, %swap3A_396], %mul3A_394 {strides = array<i32>} : memref<80x128xf32, #tpu.memory_space<vmem>>, vector<16xf32>,
        %add3A_398 = arith.constant 5 : i32
        %add3A_399 = vector.broadcast %add3A_398 : i32 to vector<16xi32>
        %add3A_400 = arith.addi %broadcast_in_dim3A_13, %add3A_399 : vector<16xi32>
        %reshape3A_401 = vector.shape_cast %add3A_400 : vector<16xi32> to vector<16x1xi32>
        %gather3A_402 = vector.shape_cast %reshape3A_401 : vector<16x1xi32> to vector<16xi32>
        %gather3A_403 = tpu.dynamic_gather %gather3A_332[%gather3A_402] in [0] : vector<16xf32>, vector<16xi32> -> vector<16xf32>
        %get3A_404 = arith.index_cast %scan3A_329 : i32 to index
        %get3A_405 = arith.constant 80 : index
        %get3A_406 = tpu.vector_load %arg17[%get3A_404, %get3A_405] {strides = array<i32>} : memref<80x128xf32, #tpu.memory_space<vmem>>, vector<16xf32>,
        %mul3A_407 = arith.mulf %get3A_406, %gather3A_403 : vector<16xf32>
        %swap3A_408 = arith.index_cast %scan3A_329 : i32 to index
        %swap3A_409 = arith.constant 80 : index
        %swap3A_410 = tpu.vector_load %arg17[%swap3A_408, %swap3A_409] {strides = array<i32>} : memref<80x128xf32, #tpu.memory_space<vmem>>, vector<16xf32>,
        tpu.vector_store %arg17[%swap3A_408, %swap3A_409], %mul3A_407 {strides = array<i32>} : memref<80x128xf32, #tpu.memory_space<vmem>>, vector<16xf32>,
        %add3A_411 = arith.constant 6 : i32
        %add3A_412 = vector.broadcast %add3A_411 : i32 to vector<16xi32>
        %add3A_413 = arith.addi %broadcast_in_dim3A_13, %add3A_412 : vector<16xi32>
        %reshape3A_414 = vector.shape_cast %add3A_413 : vector<16xi32> to vector<16x1xi32>
        %gather3A_415 = vector.shape_cast %reshape3A_414 : vector<16x1xi32> to vector<16xi32>
        %gather3A_416 = tpu.dynamic_gather %gather3A_332[%gather3A_415] in [0] : vector<16xf32>, vector<16xi32> -> vector<16xf32>
        %get3A_417 = arith.index_cast %scan3A_329 : i32 to index
        %get3A_418 = arith.constant 96 : index
        %get3A_419 = tpu.vector_load %arg17[%get3A_417, %get3A_418] {strides = array<i32>} : memref<80x128xf32, #tpu.memory_space<vmem>>, vector<16xf32>,
        %mul3A_420 = arith.mulf %get3A_419, %gather3A_416 : vector<16xf32>
        %swap3A_421 = arith.index_cast %scan3A_329 : i32 to index
        %swap3A_422 = arith.constant 96 : index
        %swap3A_423 = tpu.vector_load %arg17[%swap3A_421, %swap3A_422] {strides = array<i32>} : memref<80x128xf32, #tpu.memory_space<vmem>>, vector<16xf32>,
        tpu.vector_store %arg17[%swap3A_421, %swap3A_422], %mul3A_420 {strides = array<i32>} : memref<80x128xf32, #tpu.memory_space<vmem>>, vector<16xf32>,
        %add3A_424 = arith.constant 7 : i32
        %add3A_425 = vector.broadcast %add3A_424 : i32 to vector<16xi32>
        %add3A_426 = arith.addi %broadcast_in_dim3A_13, %add3A_425 : vector<16xi32>
        %reshape3A_427 = vector.shape_cast %add3A_426 : vector<16xi32> to vector<16x1xi32>
        %gather3A_428 = vector.shape_cast %reshape3A_427 : vector<16x1xi32> to vector<16xi32>
        %gather3A_429 = tpu.dynamic_gather %gather3A_332[%gather3A_428] in [0] : vector<16xf32>, vector<16xi32> -> vector<16xf32>
        %get3A_430 = arith.index_cast %scan3A_329 : i32 to index
        %get3A_431 = arith.constant 112 : index
        %get3A_432 = tpu.vector_load %arg17[%get3A_430, %get3A_431] {strides = array<i32>} : memref<80x128xf32, #tpu.memory_space<vmem>>, vector<16xf32>,
        %mul3A_433 = arith.mulf %get3A_432, %gather3A_429 : vector<16xf32>
        %swap3A_434 = arith.index_cast %scan3A_329 : i32 to index
        %swap3A_435 = arith.constant 112 : index
        %swap3A_436 = tpu.vector_load %arg17[%swap3A_434, %swap3A_435] {strides = array<i32>} : memref<80x128xf32, #tpu.memory_space<vmem>>, vector<16xf32>,
        tpu.vector_store %arg17[%swap3A_434, %swap3A_435], %mul3A_433 {strides = array<i32>} : memref<80x128xf32, #tpu.memory_space<vmem>>, vector<16xf32>,
      }
      %scan3A_141 = arith.constant 80 : i32
      %mul3A_142 = arith.constant 80 : i32
      %mul3A_143 = arith.muli %add3A_116, %mul3A_142 : i32
      %add3A_144 = arith.addi %mul3A_2, %mul3A_143 : i32
      %dma_wait3A_145 = tpu.memref_slice %arg3[%add3A_144] : memref<320000xi32, #tpu.memory_space<hbm>> -> memref<80xi32, #tpu.memory_space<hbm>>
      %dma_wait3A_146 = tpu.memref_slice %arg3[%add3A_144] : memref<320000xi32, #tpu.memory_space<hbm>> -> memref<80xi32, #tpu.memory_space<hbm>>
      tpu.wait_dma2 semaphore(%arg27 : memref<!tpu.dma_semaphore, #tpu.memory_space<semaphore_mem>>) src(%dma_wait3A_146 : memref<80xi32, #tpu.memory_space<hbm>>) dst(%arg13 : memref<80xi32, #tpu.memory_space<vmem>>)
      %dma_start3A_147 = arith.constant 0 : i32
      %dma_start3A_148 = arith.constant 0 : i32
      %dma_start3A_149 = tpu.memref_slice %arg33[%dma_start3A_147, %dma_start3A_148] : memref<10240x16xf32, #tpu.memory_space<vmem_shared>> -> memref<10240x16xf32, #tpu.memory_space<vmem_shared>>
      tpu.enqueue_indirect_dma source(%arg16 : memref<80x16xf32, #tpu.memory_space<vmem>>) target(%dma_start3A_149 : memref<10240x16xf32, #tpu.memory_space<vmem_shared>>) offsets(%arg13 : memref<80xi32, #tpu.memory_space<vmem>>) semaphore(%arg31 : memref<!tpu.dma_semaphore, #tpu.memory_space<semaphore_mem>>) {add = true}
      %dma_start3A_150 = arith.constant 0 : i32
      %dma_start3A_151 = arith.constant 0 : i32
      %dma_start3A_152 = tpu.memref_slice %arg34[%dma_start3A_150, %dma_start3A_151] : memref<10240x128xf32, #tpu.memory_space<vmem_shared>> -> memref<10240x128xf32, #tpu.memory_space<vmem_shared>>
      tpu.enqueue_indirect_dma source(%arg17 : memref<80x128xf32, #tpu.memory_space<vmem>>) target(%dma_start3A_152 : memref<10240x128xf32, #tpu.memory_space<vmem_shared>>) offsets(%arg13 : memref<80xi32, #tpu.memory_space<vmem>>) semaphore(%arg31 : memref<!tpu.dma_semaphore, #tpu.memory_space<semaphore_mem>>) {add = true}
      %add3A_153 = arith.constant 1 : i32
      %add3A_154 = arith.addi %mul3A_114, %add3A_153 : i32
      %add3A_155 = arith.constant 2 : i32
      %add3A_156 = arith.addi %add3A_154, %add3A_155 : i32
      %dma_wait3A_157 = arith.constant 0 : i32
      %dma_wait3A_158 = arith.constant 0 : i32
      %dma_wait3A_159 = tpu.memref_slice %arg4[%dma_wait3A_157, %dma_wait3A_158] : memref<10000x16xf32, #tpu.memory_space<hbm>> -> memref<10000x16xf32, #tpu.memory_space<hbm>>
      tpu.wait_indirect_dma semaphore(%arg30 : memref<!tpu.dma_semaphore, #tpu.memory_space<semaphore_mem>>) src(%dma_wait3A_159 : memref<10000x16xf32, #tpu.memory_space<hbm>>) dst(%arg21 : memref<80x16xf32, #tpu.memory_space<vmem>>)
      %dma_wait3A_160 = arith.constant 0 : i32
      %dma_wait3A_161 = arith.constant 0 : i32
      %dma_wait3A_162 = tpu.memref_slice %arg5[%dma_wait3A_160, %dma_wait3A_161] : memref<10000x16xf32, #tpu.memory_space<hbm>> -> memref<10000x16xf32, #tpu.memory_space<hbm>>
      tpu.wait_indirect_dma semaphore(%arg30 : memref<!tpu.dma_semaphore, #tpu.memory_space<semaphore_mem>>) src(%dma_wait3A_162 : memref<10000x16xf32, #tpu.memory_space<hbm>>) dst(%arg22 : memref<80x16xf32, #tpu.memory_space<vmem>>)
      %dma_wait3A_163 = arith.constant 0 : i32
      %dma_wait3A_164 = arith.constant 0 : i32
      %dma_wait3A_165 = tpu.memref_slice %arg6[%dma_wait3A_163, %dma_wait3A_164] : memref<10000x128xf32, #tpu.memory_space<hbm>> -> memref<10000x128xf32, #tpu.memory_space<hbm>>
      tpu.wait_indirect_dma semaphore(%arg30 : memref<!tpu.dma_semaphore, #tpu.memory_space<semaphore_mem>>) src(%dma_wait3A_165 : memref<10000x128xf32, #tpu.memory_space<hbm>>) dst(%arg24 : memref<80x128xf32, #tpu.memory_space<vmem>>)
      %lt3A_166 = arith.constant 125 : i32
      %lt3A_167 = arith.cmpi slt, %add3A_156, %lt3A_166 : i32
      %convert_element_type3A_168 = arith.extui %lt3A_167 : i1 to i32
      %cond3A_169 = arith.constant 0 : i32
      %cond3A_170 = arith.cmpi ne, %convert_element_type3A_168, %cond3A_169 : i32
      scf.if %cond3A_170 {
        %mul3A_224 = arith.constant 80 : i32
        %mul3A_225 = arith.muli %add3A_156, %mul3A_224 : i32
        %add3A_226 = arith.addi %mul3A_2, %mul3A_225 : i32
        %dma_start3A_227 = tpu.memref_slice %arg2[%add3A_226] : memref<320000xi32, #tpu.memory_space<hbm>> -> memref<80xi32, #tpu.memory_space<hbm>>
        %dma_start3A_228 = tpu.memref_slice %arg2[%add3A_226] : memref<320000xi32, #tpu.memory_space<hbm>> -> memref<80xi32, #tpu.memory_space<hbm>>
        tpu.enqueue_dma source(%dma_start3A_228 : memref<80xi32, #tpu.memory_space<hbm>>) target(%arg18 : memref<80xi32, #tpu.memory_space<vmem>>) target_semaphore(%arg26 : memref<!tpu.dma_semaphore, #tpu.memory_space<semaphore_mem>>)
        %dma_start3A_229 = tpu.memref_slice %arg3[%add3A_226] : memref<320000xi32, #tpu.memory_space<hbm>> -> memref<80xi32, #tpu.memory_space<hbm>>
        %dma_start3A_230 = tpu.memref_slice %arg3[%add3A_226] : memref<320000xi32, #tpu.memory_space<hbm>> -> memref<80xi32, #tpu.memory_space<hbm>>
        tpu.enqueue_dma source(%dma_start3A_230 : memref<80xi32, #tpu.memory_space<hbm>>) target(%arg19 : memref<80xi32, #tpu.memory_space<vmem>>) target_semaphore(%arg26 : memref<!tpu.dma_semaphore, #tpu.memory_space<semaphore_mem>>)
      } else {
      }
      %scan3A_171 = arith.constant 0 : i32
      %scan3A_172 = arith.constant 0 : i32
      %scan3A_173 = arith.constant 40 : i32
      %scan3A_174 = arith.addi %scan3A_172, %scan3A_173 : i32
      %scan3A_175 = arith.constant 4 : i32
      scf.for %scan3A_224 = %scan3A_172 to %scan3A_174 step %scan3A_175  : i32 {
        %mul3A_225 = arith.constant 2 : i32
        %mul3A_226 = arith.muli %mul3A_225, %scan3A_224 : i32
        %add3A_227 = vector.broadcast %mul3A_226 : i32 to vector<16xi32>
        %add3A_228 = arith.addi %shift_right_arithmetic3A_9, %add3A_227 : vector<16xi32>
        %gather3A = tpu.vector_load_idx %arg21[%add3A_228, %and3A_12] : memref<80x16xf32, #tpu.memory_space<vmem>>[vector<16xi32>, vector<16xi32>], vector<16xf32>,
        %gather3A_229 = tpu.vector_load_idx %arg22[%add3A_228, %and3A_12] : memref<80x16xf32, #tpu.memory_space<vmem>>[vector<16xi32>, vector<16xi32>], vector<16xf32>,
        %add3A_230 = arith.addf %gather3A, %gather3A_229 : vector<16xf32>
        %gt3A = arith.constant 0.000000e+00 : f32
        %gt3A_231 = vector.broadcast %gt3A : f32 to vector<16xf32>
        %gt3A_232 = arith.cmpf ogt, %add3A_230, %gt3A_231 : vector<16xf32>
        %mul3A_233 = arith.constant 2.000000e-01 : f32
        %mul3A_234 = vector.broadcast %mul3A_233 : f32 to vector<16xf32>
        %mul3A_235 = arith.mulf %mul3A_234, %add3A_230 : vector<16xf32>
        %select_n3A = arith.select %gt3A_232, %add3A_230, %mul3A_235 : vector<16xi1>, vector<16xf32>
        %exp3A = math.exp %select_n3A : vector<16xf32>
        tpu.vector_store_idx %arg23[%add3A_228, %and3A_12], %exp3A : memref<80x16xf32, #tpu.memory_space<vmem>>[vector<16xi32>, vector<16xi32>], vector<16xf32>,
        %scan3A_236 = arith.constant 1 : i32
        %scan3A_237 = arith.addi %scan3A_224, %scan3A_236 : i32
        %mul3A_238 = arith.constant 2 : i32
        %mul3A_239 = arith.muli %mul3A_238, %scan3A_237 : i32
        %add3A_240 = vector.broadcast %mul3A_239 : i32 to vector<16xi32>
        %add3A_241 = arith.addi %shift_right_arithmetic3A_9, %add3A_240 : vector<16xi32>
        %gather3A_242 = tpu.vector_load_idx %arg21[%add3A_241, %and3A_12] : memref<80x16xf32, #tpu.memory_space<vmem>>[vector<16xi32>, vector<16xi32>], vector<16xf32>,
        %gather3A_243 = tpu.vector_load_idx %arg22[%add3A_241, %and3A_12] : memref<80x16xf32, #tpu.memory_space<vmem>>[vector<16xi32>, vector<16xi32>], vector<16xf32>,
        %add3A_244 = arith.addf %gather3A_242, %gather3A_243 : vector<16xf32>
        %gt3A_245 = arith.constant 0.000000e+00 : f32
        %gt3A_246 = vector.broadcast %gt3A_245 : f32 to vector<16xf32>
        %gt3A_247 = arith.cmpf ogt, %add3A_244, %gt3A_246 : vector<16xf32>
        %mul3A_248 = arith.constant 2.000000e-01 : f32
        %mul3A_249 = vector.broadcast %mul3A_248 : f32 to vector<16xf32>
        %mul3A_250 = arith.mulf %mul3A_249, %add3A_244 : vector<16xf32>
        %select_n3A_251 = arith.select %gt3A_247, %add3A_244, %mul3A_250 : vector<16xi1>, vector<16xf32>
        %exp3A_252 = math.exp %select_n3A_251 : vector<16xf32>
        tpu.vector_store_idx %arg23[%add3A_241, %and3A_12], %exp3A_252 : memref<80x16xf32, #tpu.memory_space<vmem>>[vector<16xi32>, vector<16xi32>], vector<16xf32>,
        %scan3A_253 = arith.constant 2 : i32
        %scan3A_254 = arith.addi %scan3A_224, %scan3A_253 : i32
        %mul3A_255 = arith.constant 2 : i32
        %mul3A_256 = arith.muli %mul3A_255, %scan3A_254 : i32
        %add3A_257 = vector.broadcast %mul3A_256 : i32 to vector<16xi32>
        %add3A_258 = arith.addi %shift_right_arithmetic3A_9, %add3A_257 : vector<16xi32>
        %gather3A_259 = tpu.vector_load_idx %arg21[%add3A_258, %and3A_12] : memref<80x16xf32, #tpu.memory_space<vmem>>[vector<16xi32>, vector<16xi32>], vector<16xf32>,
        %gather3A_260 = tpu.vector_load_idx %arg22[%add3A_258, %and3A_12] : memref<80x16xf32, #tpu.memory_space<vmem>>[vector<16xi32>, vector<16xi32>], vector<16xf32>,
        %add3A_261 = arith.addf %gather3A_259, %gather3A_260 : vector<16xf32>
        %gt3A_262 = arith.constant 0.000000e+00 : f32
        %gt3A_263 = vector.broadcast %gt3A_262 : f32 to vector<16xf32>
        %gt3A_264 = arith.cmpf ogt, %add3A_261, %gt3A_263 : vector<16xf32>
        %mul3A_265 = arith.constant 2.000000e-01 : f32
        %mul3A_266 = vector.broadcast %mul3A_265 : f32 to vector<16xf32>
        %mul3A_267 = arith.mulf %mul3A_266, %add3A_261 : vector<16xf32>
        %select_n3A_268 = arith.select %gt3A_264, %add3A_261, %mul3A_267 : vector<16xi1>, vector<16xf32>
        %exp3A_269 = math.exp %select_n3A_268 : vector<16xf32>
        tpu.vector_store_idx %arg23[%add3A_258, %and3A_12], %exp3A_269 : memref<80x16xf32, #tpu.memory_space<vmem>>[vector<16xi32>, vector<16xi32>], vector<16xf32>,
        %scan3A_270 = arith.constant 3 : i32
        %scan3A_271 = arith.addi %scan3A_224, %scan3A_270 : i32
        %mul3A_272 = arith.constant 2 : i32
        %mul3A_273 = arith.muli %mul3A_272, %scan3A_271 : i32
        %add3A_274 = vector.broadcast %mul3A_273 : i32 to vector<16xi32>
        %add3A_275 = arith.addi %shift_right_arithmetic3A_9, %add3A_274 : vector<16xi32>
        %gather3A_276 = tpu.vector_load_idx %arg21[%add3A_275, %and3A_12] : memref<80x16xf32, #tpu.memory_space<vmem>>[vector<16xi32>, vector<16xi32>], vector<16xf32>,
        %gather3A_277 = tpu.vector_load_idx %arg22[%add3A_275, %and3A_12] : memref<80x16xf32, #tpu.memory_space<vmem>>[vector<16xi32>, vector<16xi32>], vector<16xf32>,
        %add3A_278 = arith.addf %gather3A_276, %gather3A_277 : vector<16xf32>
        %gt3A_279 = arith.constant 0.000000e+00 : f32
        %gt3A_280 = vector.broadcast %gt3A_279 : f32 to vector<16xf32>
        %gt3A_281 = arith.cmpf ogt, %add3A_278, %gt3A_280 : vector<16xf32>
        %mul3A_282 = arith.constant 2.000000e-01 : f32
        %mul3A_283 = vector.broadcast %mul3A_282 : f32 to vector<16xf32>
        %mul3A_284 = arith.mulf %mul3A_283, %add3A_278 : vector<16xf32>
        %select_n3A_285 = arith.select %gt3A_281, %add3A_278, %mul3A_284 : vector<16xi1>, vector<16xf32>
        %exp3A_286 = math.exp %select_n3A_285 : vector<16xf32>
        tpu.vector_store_idx %arg23[%add3A_275, %and3A_12], %exp3A_286 : memref<80x16xf32, #tpu.memory_space<vmem>>[vector<16xi32>, vector<16xi32>], vector<16xf32>,
      }
      %scan3A_176 = arith.constant 40 : i32
      %scan3A_177 = arith.constant 0 : i32
      %scan3A_178 = arith.constant 0 : i32
      %scan3A_179 = arith.constant 80 : i32
      %scan3A_180 = arith.addi %scan3A_178, %scan3A_179 : i32
      %scan3A_181 = arith.constant 2 : i32
      scf.for %scan3A_224 = %scan3A_178 to %scan3A_180 step %scan3A_181  : i32 {
        %add3A_225 = vector.broadcast %scan3A_224 : i32 to vector<16xi32>
        %add3A_226 = arith.addi %broadcast_in_dim3A_13, %add3A_225 : vector<16xi32>
        %gather3A = tpu.vector_load_idx %arg23[%add3A_226, %and3A_12] : memref<80x16xf32, #tpu.memory_space<vmem>>[vector<16xi32>, vector<16xi32>], vector<16xf32>,
        %add3A_227 = arith.constant 0 : i32
        %add3A_228 = vector.broadcast %add3A_227 : i32 to vector<16xi32>
        %add3A_229 = arith.addi %broadcast_in_dim3A_13, %add3A_228 : vector<16xi32>
        %reshape3A = vector.shape_cast %add3A_229 : vector<16xi32> to vector<16x1xi32>
        %gather3A_230 = vector.shape_cast %reshape3A : vector<16x1xi32> to vector<16xi32>
        %gather3A_231 = tpu.dynamic_gather %gather3A[%gather3A_230] in [0] : vector<16xf32>, vector<16xi32> -> vector<16xf32>
        %get3A = arith.index_cast %scan3A_224 : i32 to index
        %get3A_232 = arith.constant 0 : index
        %get3A_233 = tpu.vector_load %arg24[%get3A, %get3A_232] {strides = array<i32>} : memref<80x128xf32, #tpu.memory_space<vmem>>, vector<16xf32>,
        %mul3A_234 = arith.mulf %get3A_233, %gather3A_231 : vector<16xf32>
        %swap3A = arith.index_cast %scan3A_224 : i32 to index
        %swap3A_235 = arith.constant 0 : index
        %swap3A_236 = tpu.vector_load %arg24[%swap3A, %swap3A_235] {strides = array<i32>} : memref<80x128xf32, #tpu.memory_space<vmem>>, vector<16xf32>,
        tpu.vector_store %arg24[%swap3A, %swap3A_235], %mul3A_234 {strides = array<i32>} : memref<80x128xf32, #tpu.memory_space<vmem>>, vector<16xf32>,
        %add3A_237 = arith.constant 1 : i32
        %add3A_238 = vector.broadcast %add3A_237 : i32 to vector<16xi32>
        %add3A_239 = arith.addi %broadcast_in_dim3A_13, %add3A_238 : vector<16xi32>
        %reshape3A_240 = vector.shape_cast %add3A_239 : vector<16xi32> to vector<16x1xi32>
        %gather3A_241 = vector.shape_cast %reshape3A_240 : vector<16x1xi32> to vector<16xi32>
        %gather3A_242 = tpu.dynamic_gather %gather3A[%gather3A_241] in [0] : vector<16xf32>, vector<16xi32> -> vector<16xf32>
        %get3A_243 = arith.index_cast %scan3A_224 : i32 to index
        %get3A_244 = arith.constant 16 : index
        %get3A_245 = tpu.vector_load %arg24[%get3A_243, %get3A_244] {strides = array<i32>} : memref<80x128xf32, #tpu.memory_space<vmem>>, vector<16xf32>,
        %mul3A_246 = arith.mulf %get3A_245, %gather3A_242 : vector<16xf32>
        %swap3A_247 = arith.index_cast %scan3A_224 : i32 to index
        %swap3A_248 = arith.constant 16 : index
        %swap3A_249 = tpu.vector_load %arg24[%swap3A_247, %swap3A_248] {strides = array<i32>} : memref<80x128xf32, #tpu.memory_space<vmem>>, vector<16xf32>,
        tpu.vector_store %arg24[%swap3A_247, %swap3A_248], %mul3A_246 {strides = array<i32>} : memref<80x128xf32, #tpu.memory_space<vmem>>, vector<16xf32>,
        %add3A_250 = arith.constant 2 : i32
        %add3A_251 = vector.broadcast %add3A_250 : i32 to vector<16xi32>
        %add3A_252 = arith.addi %broadcast_in_dim3A_13, %add3A_251 : vector<16xi32>
        %reshape3A_253 = vector.shape_cast %add3A_252 : vector<16xi32> to vector<16x1xi32>
        %gather3A_254 = vector.shape_cast %reshape3A_253 : vector<16x1xi32> to vector<16xi32>
        %gather3A_255 = tpu.dynamic_gather %gather3A[%gather3A_254] in [0] : vector<16xf32>, vector<16xi32> -> vector<16xf32>
        %get3A_256 = arith.index_cast %scan3A_224 : i32 to index
        %get3A_257 = arith.constant 32 : index
        %get3A_258 = tpu.vector_load %arg24[%get3A_256, %get3A_257] {strides = array<i32>} : memref<80x128xf32, #tpu.memory_space<vmem>>, vector<16xf32>,
        %mul3A_259 = arith.mulf %get3A_258, %gather3A_255 : vector<16xf32>
        %swap3A_260 = arith.index_cast %scan3A_224 : i32 to index
        %swap3A_261 = arith.constant 32 : index
        %swap3A_262 = tpu.vector_load %arg24[%swap3A_260, %swap3A_261] {strides = array<i32>} : memref<80x128xf32, #tpu.memory_space<vmem>>, vector<16xf32>,
        tpu.vector_store %arg24[%swap3A_260, %swap3A_261], %mul3A_259 {strides = array<i32>} : memref<80x128xf32, #tpu.memory_space<vmem>>, vector<16xf32>,
        %add3A_263 = arith.constant 3 : i32
        %add3A_264 = vector.broadcast %add3A_263 : i32 to vector<16xi32>
        %add3A_265 = arith.addi %broadcast_in_dim3A_13, %add3A_264 : vector<16xi32>
        %reshape3A_266 = vector.shape_cast %add3A_265 : vector<16xi32> to vector<16x1xi32>
        %gather3A_267 = vector.shape_cast %reshape3A_266 : vector<16x1xi32> to vector<16xi32>
        %gather3A_268 = tpu.dynamic_gather %gather3A[%gather3A_267] in [0] : vector<16xf32>, vector<16xi32> -> vector<16xf32>
        %get3A_269 = arith.index_cast %scan3A_224 : i32 to index
        %get3A_270 = arith.constant 48 : index
        %get3A_271 = tpu.vector_load %arg24[%get3A_269, %get3A_270] {strides = array<i32>} : memref<80x128xf32, #tpu.memory_space<vmem>>, vector<16xf32>,
        %mul3A_272 = arith.mulf %get3A_271, %gather3A_268 : vector<16xf32>
        %swap3A_273 = arith.index_cast %scan3A_224 : i32 to index
        %swap3A_274 = arith.constant 48 : index
        %swap3A_275 = tpu.vector_load %arg24[%swap3A_273, %swap3A_274] {strides = array<i32>} : memref<80x128xf32, #tpu.memory_space<vmem>>, vector<16xf32>,
        tpu.vector_store %arg24[%swap3A_273, %swap3A_274], %mul3A_272 {strides = array<i32>} : memref<80x128xf32, #tpu.memory_space<vmem>>, vector<16xf32>,
        %add3A_276 = arith.constant 4 : i32
        %add3A_277 = vector.broadcast %add3A_276 : i32 to vector<16xi32>
        %add3A_278 = arith.addi %broadcast_in_dim3A_13, %add3A_277 : vector<16xi32>
        %reshape3A_279 = vector.shape_cast %add3A_278 : vector<16xi32> to vector<16x1xi32>
        %gather3A_280 = vector.shape_cast %reshape3A_279 : vector<16x1xi32> to vector<16xi32>
        %gather3A_281 = tpu.dynamic_gather %gather3A[%gather3A_280] in [0] : vector<16xf32>, vector<16xi32> -> vector<16xf32>
        %get3A_282 = arith.index_cast %scan3A_224 : i32 to index
        %get3A_283 = arith.constant 64 : index
        %get3A_284 = tpu.vector_load %arg24[%get3A_282, %get3A_283] {strides = array<i32>} : memref<80x128xf32, #tpu.memory_space<vmem>>, vector<16xf32>,
        %mul3A_285 = arith.mulf %get3A_284, %gather3A_281 : vector<16xf32>
        %swap3A_286 = arith.index_cast %scan3A_224 : i32 to index
        %swap3A_287 = arith.constant 64 : index
        %swap3A_288 = tpu.vector_load %arg24[%swap3A_286, %swap3A_287] {strides = array<i32>} : memref<80x128xf32, #tpu.memory_space<vmem>>, vector<16xf32>,
        tpu.vector_store %arg24[%swap3A_286, %swap3A_287], %mul3A_285 {strides = array<i32>} : memref<80x128xf32, #tpu.memory_space<vmem>>, vector<16xf32>,
        %add3A_289 = arith.constant 5 : i32
        %add3A_290 = vector.broadcast %add3A_289 : i32 to vector<16xi32>
        %add3A_291 = arith.addi %broadcast_in_dim3A_13, %add3A_290 : vector<16xi32>
        %reshape3A_292 = vector.shape_cast %add3A_291 : vector<16xi32> to vector<16x1xi32>
        %gather3A_293 = vector.shape_cast %reshape3A_292 : vector<16x1xi32> to vector<16xi32>
        %gather3A_294 = tpu.dynamic_gather %gather3A[%gather3A_293] in [0] : vector<16xf32>, vector<16xi32> -> vector<16xf32>
        %get3A_295 = arith.index_cast %scan3A_224 : i32 to index
        %get3A_296 = arith.constant 80 : index
        %get3A_297 = tpu.vector_load %arg24[%get3A_295, %get3A_296] {strides = array<i32>} : memref<80x128xf32, #tpu.memory_space<vmem>>, vector<16xf32>,
        %mul3A_298 = arith.mulf %get3A_297, %gather3A_294 : vector<16xf32>
        %swap3A_299 = arith.index_cast %scan3A_224 : i32 to index
        %swap3A_300 = arith.constant 80 : index
        %swap3A_301 = tpu.vector_load %arg24[%swap3A_299, %swap3A_300] {strides = array<i32>} : memref<80x128xf32, #tpu.memory_space<vmem>>, vector<16xf32>,
        tpu.vector_store %arg24[%swap3A_299, %swap3A_300], %mul3A_298 {strides = array<i32>} : memref<80x128xf32, #tpu.memory_space<vmem>>, vector<16xf32>,
        %add3A_302 = arith.constant 6 : i32
        %add3A_303 = vector.broadcast %add3A_302 : i32 to vector<16xi32>
        %add3A_304 = arith.addi %broadcast_in_dim3A_13, %add3A_303 : vector<16xi32>
        %reshape3A_305 = vector.shape_cast %add3A_304 : vector<16xi32> to vector<16x1xi32>
        %gather3A_306 = vector.shape_cast %reshape3A_305 : vector<16x1xi32> to vector<16xi32>
        %gather3A_307 = tpu.dynamic_gather %gather3A[%gather3A_306] in [0] : vector<16xf32>, vector<16xi32> -> vector<16xf32>
        %get3A_308 = arith.index_cast %scan3A_224 : i32 to index
        %get3A_309 = arith.constant 96 : index
        %get3A_310 = tpu.vector_load %arg24[%get3A_308, %get3A_309] {strides = array<i32>} : memref<80x128xf32, #tpu.memory_space<vmem>>, vector<16xf32>,
        %mul3A_311 = arith.mulf %get3A_310, %gather3A_307 : vector<16xf32>
        %swap3A_312 = arith.index_cast %scan3A_224 : i32 to index
        %swap3A_313 = arith.constant 96 : index
        %swap3A_314 = tpu.vector_load %arg24[%swap3A_312, %swap3A_313] {strides = array<i32>} : memref<80x128xf32, #tpu.memory_space<vmem>>, vector<16xf32>,
        tpu.vector_store %arg24[%swap3A_312, %swap3A_313], %mul3A_311 {strides = array<i32>} : memref<80x128xf32, #tpu.memory_space<vmem>>, vector<16xf32>,
        %add3A_315 = arith.constant 7 : i32
        %add3A_316 = vector.broadcast %add3A_315 : i32 to vector<16xi32>
        %add3A_317 = arith.addi %broadcast_in_dim3A_13, %add3A_316 : vector<16xi32>
        %reshape3A_318 = vector.shape_cast %add3A_317 : vector<16xi32> to vector<16x1xi32>
        %gather3A_319 = vector.shape_cast %reshape3A_318 : vector<16x1xi32> to vector<16xi32>
        %gather3A_320 = tpu.dynamic_gather %gather3A[%gather3A_319] in [0] : vector<16xf32>, vector<16xi32> -> vector<16xf32>
        %get3A_321 = arith.index_cast %scan3A_224 : i32 to index
        %get3A_322 = arith.constant 112 : index
        %get3A_323 = tpu.vector_load %arg24[%get3A_321, %get3A_322] {strides = array<i32>} : memref<80x128xf32, #tpu.memory_space<vmem>>, vector<16xf32>,
        %mul3A_324 = arith.mulf %get3A_323, %gather3A_320 : vector<16xf32>
        %swap3A_325 = arith.index_cast %scan3A_224 : i32 to index
        %swap3A_326 = arith.constant 112 : index
        %swap3A_327 = tpu.vector_load %arg24[%swap3A_325, %swap3A_326] {strides = array<i32>} : memref<80x128xf32, #tpu.memory_space<vmem>>, vector<16xf32>,
        tpu.vector_store %arg24[%swap3A_325, %swap3A_326], %mul3A_324 {strides = array<i32>} : memref<80x128xf32, #tpu.memory_space<vmem>>, vector<16xf32>,
        %scan3A_328 = arith.constant 1 : i32
        %scan3A_329 = arith.addi %scan3A_224, %scan3A_328 : i32
        %add3A_330 = vector.broadcast %scan3A_329 : i32 to vector<16xi32>
        %add3A_331 = arith.addi %broadcast_in_dim3A_13, %add3A_330 : vector<16xi32>
        %gather3A_332 = tpu.vector_load_idx %arg23[%add3A_331, %and3A_12] : memref<80x16xf32, #tpu.memory_space<vmem>>[vector<16xi32>, vector<16xi32>], vector<16xf32>,
        %add3A_333 = arith.constant 0 : i32
        %add3A_334 = vector.broadcast %add3A_333 : i32 to vector<16xi32>
        %add3A_335 = arith.addi %broadcast_in_dim3A_13, %add3A_334 : vector<16xi32>
        %reshape3A_336 = vector.shape_cast %add3A_335 : vector<16xi32> to vector<16x1xi32>
        %gather3A_337 = vector.shape_cast %reshape3A_336 : vector<16x1xi32> to vector<16xi32>
        %gather3A_338 = tpu.dynamic_gather %gather3A_332[%gather3A_337] in [0] : vector<16xf32>, vector<16xi32> -> vector<16xf32>
        %get3A_339 = arith.index_cast %scan3A_329 : i32 to index
        %get3A_340 = arith.constant 0 : index
        %get3A_341 = tpu.vector_load %arg24[%get3A_339, %get3A_340] {strides = array<i32>} : memref<80x128xf32, #tpu.memory_space<vmem>>, vector<16xf32>,
        %mul3A_342 = arith.mulf %get3A_341, %gather3A_338 : vector<16xf32>
        %swap3A_343 = arith.index_cast %scan3A_329 : i32 to index
        %swap3A_344 = arith.constant 0 : index
        %swap3A_345 = tpu.vector_load %arg24[%swap3A_343, %swap3A_344] {strides = array<i32>} : memref<80x128xf32, #tpu.memory_space<vmem>>, vector<16xf32>,
        tpu.vector_store %arg24[%swap3A_343, %swap3A_344], %mul3A_342 {strides = array<i32>} : memref<80x128xf32, #tpu.memory_space<vmem>>, vector<16xf32>,
        %add3A_346 = arith.constant 1 : i32
        %add3A_347 = vector.broadcast %add3A_346 : i32 to vector<16xi32>
        %add3A_348 = arith.addi %broadcast_in_dim3A_13, %add3A_347 : vector<16xi32>
        %reshape3A_349 = vector.shape_cast %add3A_348 : vector<16xi32> to vector<16x1xi32>
        %gather3A_350 = vector.shape_cast %reshape3A_349 : vector<16x1xi32> to vector<16xi32>
        %gather3A_351 = tpu.dynamic_gather %gather3A_332[%gather3A_350] in [0] : vector<16xf32>, vector<16xi32> -> vector<16xf32>
        %get3A_352 = arith.index_cast %scan3A_329 : i32 to index
        %get3A_353 = arith.constant 16 : index
        %get3A_354 = tpu.vector_load %arg24[%get3A_352, %get3A_353] {strides = array<i32>} : memref<80x128xf32, #tpu.memory_space<vmem>>, vector<16xf32>,
        %mul3A_355 = arith.mulf %get3A_354, %gather3A_351 : vector<16xf32>
        %swap3A_356 = arith.index_cast %scan3A_329 : i32 to index
        %swap3A_357 = arith.constant 16 : index
        %swap3A_358 = tpu.vector_load %arg24[%swap3A_356, %swap3A_357] {strides = array<i32>} : memref<80x128xf32, #tpu.memory_space<vmem>>, vector<16xf32>,
        tpu.vector_store %arg24[%swap3A_356, %swap3A_357], %mul3A_355 {strides = array<i32>} : memref<80x128xf32, #tpu.memory_space<vmem>>, vector<16xf32>,
        %add3A_359 = arith.constant 2 : i32
        %add3A_360 = vector.broadcast %add3A_359 : i32 to vector<16xi32>
        %add3A_361 = arith.addi %broadcast_in_dim3A_13, %add3A_360 : vector<16xi32>
        %reshape3A_362 = vector.shape_cast %add3A_361 : vector<16xi32> to vector<16x1xi32>
        %gather3A_363 = vector.shape_cast %reshape3A_362 : vector<16x1xi32> to vector<16xi32>
        %gather3A_364 = tpu.dynamic_gather %gather3A_332[%gather3A_363] in [0] : vector<16xf32>, vector<16xi32> -> vector<16xf32>
        %get3A_365 = arith.index_cast %scan3A_329 : i32 to index
        %get3A_366 = arith.constant 32 : index
        %get3A_367 = tpu.vector_load %arg24[%get3A_365, %get3A_366] {strides = array<i32>} : memref<80x128xf32, #tpu.memory_space<vmem>>, vector<16xf32>,
        %mul3A_368 = arith.mulf %get3A_367, %gather3A_364 : vector<16xf32>
        %swap3A_369 = arith.index_cast %scan3A_329 : i32 to index
        %swap3A_370 = arith.constant 32 : index
        %swap3A_371 = tpu.vector_load %arg24[%swap3A_369, %swap3A_370] {strides = array<i32>} : memref<80x128xf32, #tpu.memory_space<vmem>>, vector<16xf32>,
        tpu.vector_store %arg24[%swap3A_369, %swap3A_370], %mul3A_368 {strides = array<i32>} : memref<80x128xf32, #tpu.memory_space<vmem>>, vector<16xf32>,
        %add3A_372 = arith.constant 3 : i32
        %add3A_373 = vector.broadcast %add3A_372 : i32 to vector<16xi32>
        %add3A_374 = arith.addi %broadcast_in_dim3A_13, %add3A_373 : vector<16xi32>
        %reshape3A_375 = vector.shape_cast %add3A_374 : vector<16xi32> to vector<16x1xi32>
        %gather3A_376 = vector.shape_cast %reshape3A_375 : vector<16x1xi32> to vector<16xi32>
        %gather3A_377 = tpu.dynamic_gather %gather3A_332[%gather3A_376] in [0] : vector<16xf32>, vector<16xi32> -> vector<16xf32>
        %get3A_378 = arith.index_cast %scan3A_329 : i32 to index
        %get3A_379 = arith.constant 48 : index
        %get3A_380 = tpu.vector_load %arg24[%get3A_378, %get3A_379] {strides = array<i32>} : memref<80x128xf32, #tpu.memory_space<vmem>>, vector<16xf32>,
        %mul3A_381 = arith.mulf %get3A_380, %gather3A_377 : vector<16xf32>
        %swap3A_382 = arith.index_cast %scan3A_329 : i32 to index
        %swap3A_383 = arith.constant 48 : index
        %swap3A_384 = tpu.vector_load %arg24[%swap3A_382, %swap3A_383] {strides = array<i32>} : memref<80x128xf32, #tpu.memory_space<vmem>>, vector<16xf32>,
        tpu.vector_store %arg24[%swap3A_382, %swap3A_383], %mul3A_381 {strides = array<i32>} : memref<80x128xf32, #tpu.memory_space<vmem>>, vector<16xf32>,
        %add3A_385 = arith.constant 4 : i32
        %add3A_386 = vector.broadcast %add3A_385 : i32 to vector<16xi32>
        %add3A_387 = arith.addi %broadcast_in_dim3A_13, %add3A_386 : vector<16xi32>
        %reshape3A_388 = vector.shape_cast %add3A_387 : vector<16xi32> to vector<16x1xi32>
        %gather3A_389 = vector.shape_cast %reshape3A_388 : vector<16x1xi32> to vector<16xi32>
        %gather3A_390 = tpu.dynamic_gather %gather3A_332[%gather3A_389] in [0] : vector<16xf32>, vector<16xi32> -> vector<16xf32>
        %get3A_391 = arith.index_cast %scan3A_329 : i32 to index
        %get3A_392 = arith.constant 64 : index
        %get3A_393 = tpu.vector_load %arg24[%get3A_391, %get3A_392] {strides = array<i32>} : memref<80x128xf32, #tpu.memory_space<vmem>>, vector<16xf32>,
        %mul3A_394 = arith.mulf %get3A_393, %gather3A_390 : vector<16xf32>
        %swap3A_395 = arith.index_cast %scan3A_329 : i32 to index
        %swap3A_396 = arith.constant 64 : index
        %swap3A_397 = tpu.vector_load %arg24[%swap3A_395, %swap3A_396] {strides = array<i32>} : memref<80x128xf32, #tpu.memory_space<vmem>>, vector<16xf32>,
        tpu.vector_store %arg24[%swap3A_395, %swap3A_396], %mul3A_394 {strides = array<i32>} : memref<80x128xf32, #tpu.memory_space<vmem>>, vector<16xf32>,
        %add3A_398 = arith.constant 5 : i32
        %add3A_399 = vector.broadcast %add3A_398 : i32 to vector<16xi32>
        %add3A_400 = arith.addi %broadcast_in_dim3A_13, %add3A_399 : vector<16xi32>
        %reshape3A_401 = vector.shape_cast %add3A_400 : vector<16xi32> to vector<16x1xi32>
        %gather3A_402 = vector.shape_cast %reshape3A_401 : vector<16x1xi32> to vector<16xi32>
        %gather3A_403 = tpu.dynamic_gather %gather3A_332[%gather3A_402] in [0] : vector<16xf32>, vector<16xi32> -> vector<16xf32>
        %get3A_404 = arith.index_cast %scan3A_329 : i32 to index
        %get3A_405 = arith.constant 80 : index
        %get3A_406 = tpu.vector_load %arg24[%get3A_404, %get3A_405] {strides = array<i32>} : memref<80x128xf32, #tpu.memory_space<vmem>>, vector<16xf32>,
        %mul3A_407 = arith.mulf %get3A_406, %gather3A_403 : vector<16xf32>
        %swap3A_408 = arith.index_cast %scan3A_329 : i32 to index
        %swap3A_409 = arith.constant 80 : index
        %swap3A_410 = tpu.vector_load %arg24[%swap3A_408, %swap3A_409] {strides = array<i32>} : memref<80x128xf32, #tpu.memory_space<vmem>>, vector<16xf32>,
        tpu.vector_store %arg24[%swap3A_408, %swap3A_409], %mul3A_407 {strides = array<i32>} : memref<80x128xf32, #tpu.memory_space<vmem>>, vector<16xf32>,
        %add3A_411 = arith.constant 6 : i32
        %add3A_412 = vector.broadcast %add3A_411 : i32 to vector<16xi32>
        %add3A_413 = arith.addi %broadcast_in_dim3A_13, %add3A_412 : vector<16xi32>
        %reshape3A_414 = vector.shape_cast %add3A_413 : vector<16xi32> to vector<16x1xi32>
        %gather3A_415 = vector.shape_cast %reshape3A_414 : vector<16x1xi32> to vector<16xi32>
        %gather3A_416 = tpu.dynamic_gather %gather3A_332[%gather3A_415] in [0] : vector<16xf32>, vector<16xi32> -> vector<16xf32>
        %get3A_417 = arith.index_cast %scan3A_329 : i32 to index
        %get3A_418 = arith.constant 96 : index
        %get3A_419 = tpu.vector_load %arg24[%get3A_417, %get3A_418] {strides = array<i32>} : memref<80x128xf32, #tpu.memory_space<vmem>>, vector<16xf32>,
        %mul3A_420 = arith.mulf %get3A_419, %gather3A_416 : vector<16xf32>
        %swap3A_421 = arith.index_cast %scan3A_329 : i32 to index
        %swap3A_422 = arith.constant 96 : index
        %swap3A_423 = tpu.vector_load %arg24[%swap3A_421, %swap3A_422] {strides = array<i32>} : memref<80x128xf32, #tpu.memory_space<vmem>>, vector<16xf32>,
        tpu.vector_store %arg24[%swap3A_421, %swap3A_422], %mul3A_420 {strides = array<i32>} : memref<80x128xf32, #tpu.memory_space<vmem>>, vector<16xf32>,
        %add3A_424 = arith.constant 7 : i32
        %add3A_425 = vector.broadcast %add3A_424 : i32 to vector<16xi32>
        %add3A_426 = arith.addi %broadcast_in_dim3A_13, %add3A_425 : vector<16xi32>
        %reshape3A_427 = vector.shape_cast %add3A_426 : vector<16xi32> to vector<16x1xi32>
        %gather3A_428 = vector.shape_cast %reshape3A_427 : vector<16x1xi32> to vector<16xi32>
        %gather3A_429 = tpu.dynamic_gather %gather3A_332[%gather3A_428] in [0] : vector<16xf32>, vector<16xi32> -> vector<16xf32>
        %get3A_430 = arith.index_cast %scan3A_329 : i32 to index
        %get3A_431 = arith.constant 112 : index
        %get3A_432 = tpu.vector_load %arg24[%get3A_430, %get3A_431] {strides = array<i32>} : memref<80x128xf32, #tpu.memory_space<vmem>>, vector<16xf32>,
        %mul3A_433 = arith.mulf %get3A_432, %gather3A_429 : vector<16xf32>
        %swap3A_434 = arith.index_cast %scan3A_329 : i32 to index
        %swap3A_435 = arith.constant 112 : index
        %swap3A_436 = tpu.vector_load %arg24[%swap3A_434, %swap3A_435] {strides = array<i32>} : memref<80x128xf32, #tpu.memory_space<vmem>>, vector<16xf32>,
        tpu.vector_store %arg24[%swap3A_434, %swap3A_435], %mul3A_433 {strides = array<i32>} : memref<80x128xf32, #tpu.memory_space<vmem>>, vector<16xf32>,
      }
      %scan3A_182 = arith.constant 80 : i32
      %mul3A_183 = arith.constant 80 : i32
      %mul3A_184 = arith.muli %add3A_154, %mul3A_183 : i32
      %add3A_185 = arith.addi %mul3A_2, %mul3A_184 : i32
      %dma_wait3A_186 = tpu.memref_slice %arg3[%add3A_185] : memref<320000xi32, #tpu.memory_space<hbm>> -> memref<80xi32, #tpu.memory_space<hbm>>
      %dma_wait3A_187 = tpu.memref_slice %arg3[%add3A_185] : memref<320000xi32, #tpu.memory_space<hbm>> -> memref<80xi32, #tpu.memory_space<hbm>>
      tpu.wait_dma2 semaphore(%arg28 : memref<!tpu.dma_semaphore, #tpu.memory_space<semaphore_mem>>) src(%dma_wait3A_187 : memref<80xi32, #tpu.memory_space<hbm>>) dst(%arg20 : memref<80xi32, #tpu.memory_space<vmem>>)
      %dma_start3A_188 = arith.constant 0 : i32
      %dma_start3A_189 = arith.constant 0 : i32
      %dma_start3A_190 = tpu.memref_slice %arg33[%dma_start3A_188, %dma_start3A_189] : memref<10240x16xf32, #tpu.memory_space<vmem_shared>> -> memref<10240x16xf32, #tpu.memory_space<vmem_shared>>
      tpu.enqueue_indirect_dma source(%arg23 : memref<80x16xf32, #tpu.memory_space<vmem>>) target(%dma_start3A_190 : memref<10240x16xf32, #tpu.memory_space<vmem_shared>>) offsets(%arg20 : memref<80xi32, #tpu.memory_space<vmem>>) semaphore(%arg32 : memref<!tpu.dma_semaphore, #tpu.memory_space<semaphore_mem>>) {add = true}
      %dma_start3A_191 = arith.constant 0 : i32
      %dma_start3A_192 = arith.constant 0 : i32
      %dma_start3A_193 = tpu.memref_slice %arg34[%dma_start3A_191, %dma_start3A_192] : memref<10240x128xf32, #tpu.memory_space<vmem_shared>> -> memref<10240x128xf32, #tpu.memory_space<vmem_shared>>
      tpu.enqueue_indirect_dma source(%arg24 : memref<80x128xf32, #tpu.memory_space<vmem>>) target(%dma_start3A_193 : memref<10240x128xf32, #tpu.memory_space<vmem_shared>>) offsets(%arg20 : memref<80xi32, #tpu.memory_space<vmem>>) semaphore(%arg32 : memref<!tpu.dma_semaphore, #tpu.memory_space<semaphore_mem>>) {add = true}
      %add3A_194 = arith.constant 0 : i32
      %add3A_195 = arith.addi %mul3A_114, %add3A_194 : i32
      %add3A_196 = arith.constant 2 : i32
      %add3A_197 = arith.addi %add3A_195, %add3A_196 : i32
      %dma_wait3A_198 = arith.constant 0 : i32
      %dma_wait3A_199 = arith.constant 0 : i32
      %dma_wait3A_200 = tpu.memref_slice %arg33[%dma_wait3A_198, %dma_wait3A_199] : memref<10240x16xf32, #tpu.memory_space<vmem_shared>> -> memref<10240x16xf32, #tpu.memory_space<vmem_shared>>
      tpu.wait_indirect_dma semaphore(%arg31 : memref<!tpu.dma_semaphore, #tpu.memory_space<semaphore_mem>>) src(%arg16 : memref<80x16xf32, #tpu.memory_space<vmem>>) dst(%dma_wait3A_200 : memref<10240x16xf32, #tpu.memory_space<vmem_shared>>)
      %dma_wait3A_201 = arith.constant 0 : i32
      %dma_wait3A_202 = arith.constant 0 : i32
      %dma_wait3A_203 = tpu.memref_slice %arg34[%dma_wait3A_201, %dma_wait3A_202] : memref<10240x128xf32, #tpu.memory_space<vmem_shared>> -> memref<10240x128xf32, #tpu.memory_space<vmem_shared>>
      tpu.wait_indirect_dma semaphore(%arg31 : memref<!tpu.dma_semaphore, #tpu.memory_space<semaphore_mem>>) src(%arg17 : memref<80x128xf32, #tpu.memory_space<vmem>>) dst(%dma_wait3A_203 : memref<10240x128xf32, #tpu.memory_space<vmem_shared>>)
      %lt3A_204 = arith.constant 125 : i32
      %lt3A_205 = arith.cmpi slt, %add3A_197, %lt3A_204 : i32
      %convert_element_type3A_206 = arith.extui %lt3A_205 : i1 to i32
      %cond3A_207 = arith.constant 0 : i32
      %cond3A_208 = arith.cmpi ne, %convert_element_type3A_206, %cond3A_207 : i32
      scf.if %cond3A_208 {
        %mul3A_224 = arith.constant 80 : i32
        %mul3A_225 = arith.muli %add3A_197, %mul3A_224 : i32
        %add3A_226 = arith.addi %mul3A_2, %mul3A_225 : i32
        %dma_start3A_227 = tpu.memref_slice %arg3[%add3A_226] : memref<320000xi32, #tpu.memory_space<hbm>> -> memref<80xi32, #tpu.memory_space<hbm>>
        %dma_start3A_228 = tpu.memref_slice %arg3[%add3A_226] : memref<320000xi32, #tpu.memory_space<hbm>> -> memref<80xi32, #tpu.memory_space<hbm>>
        tpu.enqueue_dma source(%dma_start3A_228 : memref<80xi32, #tpu.memory_space<hbm>>) target(%arg13 : memref<80xi32, #tpu.memory_space<vmem>>) target_semaphore(%arg27 : memref<!tpu.dma_semaphore, #tpu.memory_space<semaphore_mem>>)
        %mul3A_229 = arith.constant 80 : i32
        %mul3A_230 = arith.muli %add3A_197, %mul3A_229 : i32
        %add3A_231 = arith.addi %mul3A_2, %mul3A_230 : i32
        %dma_wait3A_232 = tpu.memref_slice %arg2[%add3A_231] : memref<320000xi32, #tpu.memory_space<hbm>> -> memref<80xi32, #tpu.memory_space<hbm>>
        %dma_wait3A_233 = tpu.memref_slice %arg2[%add3A_231] : memref<320000xi32, #tpu.memory_space<hbm>> -> memref<80xi32, #tpu.memory_space<hbm>>
        tpu.wait_dma2 semaphore(%arg25 : memref<!tpu.dma_semaphore, #tpu.memory_space<semaphore_mem>>) src(%dma_wait3A_233 : memref<80xi32, #tpu.memory_space<hbm>>) dst(%arg11 : memref<80xi32, #tpu.memory_space<vmem>>)
        %dma_wait3A_234 = tpu.memref_slice %arg3[%add3A_231] : memref<320000xi32, #tpu.memory_space<hbm>> -> memref<80xi32, #tpu.memory_space<hbm>>
        %dma_wait3A_235 = tpu.memref_slice %arg3[%add3A_231] : memref<320000xi32, #tpu.memory_space<hbm>> -> memref<80xi32, #tpu.memory_space<hbm>>
        tpu.wait_dma2 semaphore(%arg25 : memref<!tpu.dma_semaphore, #tpu.memory_space<semaphore_mem>>) src(%dma_wait3A_235 : memref<80xi32, #tpu.memory_space<hbm>>) dst(%arg12 : memref<80xi32, #tpu.memory_space<vmem>>)
        %dma_start3A_236 = arith.constant 0 : i32
        %dma_start3A_237 = arith.constant 0 : i32
        %dma_start3A_238 = tpu.memref_slice %arg4[%dma_start3A_236, %dma_start3A_237] : memref<10000x16xf32, #tpu.memory_space<hbm>> -> memref<10000x16xf32, #tpu.memory_space<hbm>>
        tpu.enqueue_indirect_dma source(%dma_start3A_238 : memref<10000x16xf32, #tpu.memory_space<hbm>>) target(%arg14 : memref<80x16xf32, #tpu.memory_space<vmem>>) offsets(%arg11 : memref<80xi32, #tpu.memory_space<vmem>>) semaphore(%arg29 : memref<!tpu.dma_semaphore, #tpu.memory_space<semaphore_mem>>)
        %dma_start3A_239 = arith.constant 0 : i32
        %dma_start3A_240 = arith.constant 0 : i32
        %dma_start3A_241 = tpu.memref_slice %arg5[%dma_start3A_239, %dma_start3A_240] : memref<10000x16xf32, #tpu.memory_space<hbm>> -> memref<10000x16xf32, #tpu.memory_space<hbm>>
        tpu.enqueue_indirect_dma source(%dma_start3A_241 : memref<10000x16xf32, #tpu.memory_space<hbm>>) target(%arg15 : memref<80x16xf32, #tpu.memory_space<vmem>>) offsets(%arg12 : memref<80xi32, #tpu.memory_space<vmem>>) semaphore(%arg29 : memref<!tpu.dma_semaphore, #tpu.memory_space<semaphore_mem>>)
        %dma_start3A_242 = arith.constant 0 : i32
        %dma_start3A_243 = arith.constant 0 : i32
        %dma_start3A_244 = tpu.memref_slice %arg6[%dma_start3A_242, %dma_start3A_243] : memref<10000x128xf32, #tpu.memory_space<hbm>> -> memref<10000x128xf32, #tpu.memory_space<hbm>>
        tpu.enqueue_indirect_dma source(%dma_start3A_244 : memref<10000x128xf32, #tpu.memory_space<hbm>>) target(%arg17 : memref<80x128xf32, #tpu.memory_space<vmem>>) offsets(%arg11 : memref<80xi32, #tpu.memory_space<vmem>>) semaphore(%arg29 : memref<!tpu.dma_semaphore, #tpu.memory_space<semaphore_mem>>)
      } else {
      }
      %add3A_209 = arith.constant 1 : i32
      %add3A_210 = arith.addi %mul3A_114, %add3A_209 : i32
      %add3A_211 = arith.constant 2 : i32
      %add3A_212 = arith.addi %add3A_210, %add3A_211 : i32
      %dma_wait3A_213 = arith.constant 0 : i32
      %dma_wait3A_214 = arith.constant 0 : i32
      %dma_wait3A_215 = tpu.memref_slice %arg33[%dma_wait3A_213, %dma_wait3A_214] : memref<10240x16xf32, #tpu.memory_space<vmem_shared>> -> memref<10240x16xf32, #tpu.memory_space<vmem_shared>>
      tpu.wait_indirect_dma semaphore(%arg32 : memref<!tpu.dma_semaphore, #tpu.memory_space<semaphore_mem>>) src(%arg23 : memref<80x16xf32, #tpu.memory_space<vmem>>) dst(%dma_wait3A_215 : memref<10240x16xf32, #tpu.memory_space<vmem_shared>>)
      %dma_wait3A_216 = arith.constant 0 : i32
      %dma_wait3A_217 = arith.constant 0 : i32
      %dma_wait3A_218 = tpu.memref_slice %arg34[%dma_wait3A_216, %dma_wait3A_217] : memref<10240x128xf32, #tpu.memory_space<vmem_shared>> -> memref<10240x128xf32, #tpu.memory_space<vmem_shared>>
      tpu.wait_indirect_dma semaphore(%arg32 : memref<!tpu.dma_semaphore, #tpu.memory_space<semaphore_mem>>) src(%arg24 : memref<80x128xf32, #tpu.memory_space<vmem>>) dst(%dma_wait3A_218 : memref<10240x128xf32, #tpu.memory_space<vmem_shared>>)
      %lt3A_219 = arith.constant 125 : i32
      %lt3A_220 = arith.cmpi slt, %add3A_212, %lt3A_219 : i32
      %convert_element_type3A_221 = arith.extui %lt3A_220 : i1 to i32
      %cond3A_222 = arith.constant 0 : i32
      %cond3A_223 = arith.cmpi ne, %convert_element_type3A_221, %cond3A_222 : i32
      scf.if %cond3A_223 {
        %mul3A_224 = arith.constant 80 : i32
        %mul3A_225 = arith.muli %add3A_212, %mul3A_224 : i32
        %add3A_226 = arith.addi %mul3A_2, %mul3A_225 : i32
        %dma_start3A_227 = tpu.memref_slice %arg3[%add3A_226] : memref<320000xi32, #tpu.memory_space<hbm>> -> memref<80xi32, #tpu.memory_space<hbm>>
        %dma_start3A_228 = tpu.memref_slice %arg3[%add3A_226] : memref<320000xi32, #tpu.memory_space<hbm>> -> memref<80xi32, #tpu.memory_space<hbm>>
        tpu.enqueue_dma source(%dma_start3A_228 : memref<80xi32, #tpu.memory_space<hbm>>) target(%arg20 : memref<80xi32, #tpu.memory_space<vmem>>) target_semaphore(%arg28 : memref<!tpu.dma_semaphore, #tpu.memory_space<semaphore_mem>>)
        %mul3A_229 = arith.constant 80 : i32
        %mul3A_230 = arith.muli %add3A_212, %mul3A_229 : i32
        %add3A_231 = arith.addi %mul3A_2, %mul3A_230 : i32
        %dma_wait3A_232 = tpu.memref_slice %arg2[%add3A_231] : memref<320000xi32, #tpu.memory_space<hbm>> -> memref<80xi32, #tpu.memory_space<hbm>>
        %dma_wait3A_233 = tpu.memref_slice %arg2[%add3A_231] : memref<320000xi32, #tpu.memory_space<hbm>> -> memref<80xi32, #tpu.memory_space<hbm>>
        tpu.wait_dma2 semaphore(%arg26 : memref<!tpu.dma_semaphore, #tpu.memory_space<semaphore_mem>>) src(%dma_wait3A_233 : memref<80xi32, #tpu.memory_space<hbm>>) dst(%arg18 : memref<80xi32, #tpu.memory_space<vmem>>)
        %dma_wait3A_234 = tpu.memref_slice %arg3[%add3A_231] : memref<320000xi32, #tpu.memory_space<hbm>> -> memref<80xi32, #tpu.memory_space<hbm>>
        %dma_wait3A_235 = tpu.memref_slice %arg3[%add3A_231] : memref<320000xi32, #tpu.memory_space<hbm>> -> memref<80xi32, #tpu.memory_space<hbm>>
        tpu.wait_dma2 semaphore(%arg26 : memref<!tpu.dma_semaphore, #tpu.memory_space<semaphore_mem>>) src(%dma_wait3A_235 : memref<80xi32, #tpu.memory_space<hbm>>) dst(%arg19 : memref<80xi32, #tpu.memory_space<vmem>>)
        %dma_start3A_236 = arith.constant 0 : i32
        %dma_start3A_237 = arith.constant 0 : i32
        %dma_start3A_238 = tpu.memref_slice %arg4[%dma_start3A_236, %dma_start3A_237] : memref<10000x16xf32, #tpu.memory_space<hbm>> -> memref<10000x16xf32, #tpu.memory_space<hbm>>
        tpu.enqueue_indirect_dma source(%dma_start3A_238 : memref<10000x16xf32, #tpu.memory_space<hbm>>) target(%arg21 : memref<80x16xf32, #tpu.memory_space<vmem>>) offsets(%arg18 : memref<80xi32, #tpu.memory_space<vmem>>) semaphore(%arg30 : memref<!tpu.dma_semaphore, #tpu.memory_space<semaphore_mem>>)
        %dma_start3A_239 = arith.constant 0 : i32
        %dma_start3A_240 = arith.constant 0 : i32
        %dma_start3A_241 = tpu.memref_slice %arg5[%dma_start3A_239, %dma_start3A_240] : memref<10000x16xf32, #tpu.memory_space<hbm>> -> memref<10000x16xf32, #tpu.memory_space<hbm>>
        tpu.enqueue_indirect_dma source(%dma_start3A_241 : memref<10000x16xf32, #tpu.memory_space<hbm>>) target(%arg22 : memref<80x16xf32, #tpu.memory_space<vmem>>) offsets(%arg19 : memref<80xi32, #tpu.memory_space<vmem>>) semaphore(%arg30 : memref<!tpu.dma_semaphore, #tpu.memory_space<semaphore_mem>>)
        %dma_start3A_242 = arith.constant 0 : i32
        %dma_start3A_243 = arith.constant 0 : i32
        %dma_start3A_244 = tpu.memref_slice %arg6[%dma_start3A_242, %dma_start3A_243] : memref<10000x128xf32, #tpu.memory_space<hbm>> -> memref<10000x128xf32, #tpu.memory_space<hbm>>
        tpu.enqueue_indirect_dma source(%dma_start3A_244 : memref<10000x128xf32, #tpu.memory_space<hbm>>) target(%arg24 : memref<80x128xf32, #tpu.memory_space<vmem>>) offsets(%arg18 : memref<80xi32, #tpu.memory_space<vmem>>) semaphore(%arg30 : memref<!tpu.dma_semaphore, #tpu.memory_space<semaphore_mem>>)
      } else {
      }
    }
    %scan3A_67 = arith.constant 62 : i32
    %dma_wait3A_68 = arith.constant 0 : i32
    %dma_wait3A_69 = arith.constant 0 : i32
    %dma_wait3A_70 = tpu.memref_slice %arg4[%dma_wait3A_68, %dma_wait3A_69] : memref<10000x16xf32, #tpu.memory_space<hbm>> -> memref<10000x16xf32, #tpu.memory_space<hbm>>
    tpu.wait_indirect_dma semaphore(%arg29 : memref<!tpu.dma_semaphore, #tpu.memory_space<semaphore_mem>>) src(%dma_wait3A_70 : memref<10000x16xf32, #tpu.memory_space<hbm>>) dst(%arg14 : memref<80x16xf32, #tpu.memory_space<vmem>>)
    %dma_wait3A_71 = arith.constant 0 : i32
    %dma_wait3A_72 = arith.constant 0 : i32
    %dma_wait3A_73 = tpu.memref_slice %arg5[%dma_wait3A_71, %dma_wait3A_72] : memref<10000x16xf32, #tpu.memory_space<hbm>> -> memref<10000x16xf32, #tpu.memory_space<hbm>>
    tpu.wait_indirect_dma semaphore(%arg29 : memref<!tpu.dma_semaphore, #tpu.memory_space<semaphore_mem>>) src(%dma_wait3A_73 : memref<10000x16xf32, #tpu.memory_space<hbm>>) dst(%arg15 : memref<80x16xf32, #tpu.memory_space<vmem>>)
    %dma_wait3A_74 = arith.constant 0 : i32
    %dma_wait3A_75 = arith.constant 0 : i32
    %dma_wait3A_76 = tpu.memref_slice %arg6[%dma_wait3A_74, %dma_wait3A_75] : memref<10000x128xf32, #tpu.memory_space<hbm>> -> memref<10000x128xf32, #tpu.memory_space<hbm>>
    tpu.wait_indirect_dma semaphore(%arg29 : memref<!tpu.dma_semaphore, #tpu.memory_space<semaphore_mem>>) src(%dma_wait3A_76 : memref<10000x128xf32, #tpu.memory_space<hbm>>) dst(%arg17 : memref<80x128xf32, #tpu.memory_space<vmem>>)
    %scan3A_77 = arith.constant 0 : i32
    %scan3A_78 = arith.constant 0 : i32
    %scan3A_79 = arith.constant 40 : i32
    %scan3A_80 = arith.addi %scan3A_78, %scan3A_79 : i32
    %scan3A_81 = arith.constant 4 : i32
    scf.for %scan3A_112 = %scan3A_78 to %scan3A_80 step %scan3A_81  : i32 {
      %mul3A_113 = arith.constant 2 : i32
      %mul3A_114 = arith.muli %mul3A_113, %scan3A_112 : i32
      %add3A_115 = vector.broadcast %mul3A_114 : i32 to vector<16xi32>
      %add3A_116 = arith.addi %shift_right_arithmetic3A_9, %add3A_115 : vector<16xi32>
      %gather3A = tpu.vector_load_idx %arg14[%add3A_116, %and3A_12] : memref<80x16xf32, #tpu.memory_space<vmem>>[vector<16xi32>, vector<16xi32>], vector<16xf32>,
      %gather3A_117 = tpu.vector_load_idx %arg15[%add3A_116, %and3A_12] : memref<80x16xf32, #tpu.memory_space<vmem>>[vector<16xi32>, vector<16xi32>], vector<16xf32>,
      %add3A_118 = arith.addf %gather3A, %gather3A_117 : vector<16xf32>
      %gt3A = arith.constant 0.000000e+00 : f32
      %gt3A_119 = vector.broadcast %gt3A : f32 to vector<16xf32>
      %gt3A_120 = arith.cmpf ogt, %add3A_118, %gt3A_119 : vector<16xf32>
      %mul3A_121 = arith.constant 2.000000e-01 : f32
      %mul3A_122 = vector.broadcast %mul3A_121 : f32 to vector<16xf32>
      %mul3A_123 = arith.mulf %mul3A_122, %add3A_118 : vector<16xf32>
      %select_n3A = arith.select %gt3A_120, %add3A_118, %mul3A_123 : vector<16xi1>, vector<16xf32>
      %exp3A = math.exp %select_n3A : vector<16xf32>
      tpu.vector_store_idx %arg16[%add3A_116, %and3A_12], %exp3A : memref<80x16xf32, #tpu.memory_space<vmem>>[vector<16xi32>, vector<16xi32>], vector<16xf32>,
      %scan3A_124 = arith.constant 1 : i32
      %scan3A_125 = arith.addi %scan3A_112, %scan3A_124 : i32
      %mul3A_126 = arith.constant 2 : i32
      %mul3A_127 = arith.muli %mul3A_126, %scan3A_125 : i32
      %add3A_128 = vector.broadcast %mul3A_127 : i32 to vector<16xi32>
      %add3A_129 = arith.addi %shift_right_arithmetic3A_9, %add3A_128 : vector<16xi32>
      %gather3A_130 = tpu.vector_load_idx %arg14[%add3A_129, %and3A_12] : memref<80x16xf32, #tpu.memory_space<vmem>>[vector<16xi32>, vector<16xi32>], vector<16xf32>,
      %gather3A_131 = tpu.vector_load_idx %arg15[%add3A_129, %and3A_12] : memref<80x16xf32, #tpu.memory_space<vmem>>[vector<16xi32>, vector<16xi32>], vector<16xf32>,
      %add3A_132 = arith.addf %gather3A_130, %gather3A_131 : vector<16xf32>
      %gt3A_133 = arith.constant 0.000000e+00 : f32
      %gt3A_134 = vector.broadcast %gt3A_133 : f32 to vector<16xf32>
      %gt3A_135 = arith.cmpf ogt, %add3A_132, %gt3A_134 : vector<16xf32>
      %mul3A_136 = arith.constant 2.000000e-01 : f32
      %mul3A_137 = vector.broadcast %mul3A_136 : f32 to vector<16xf32>
      %mul3A_138 = arith.mulf %mul3A_137, %add3A_132 : vector<16xf32>
      %select_n3A_139 = arith.select %gt3A_135, %add3A_132, %mul3A_138 : vector<16xi1>, vector<16xf32>
      %exp3A_140 = math.exp %select_n3A_139 : vector<16xf32>
      tpu.vector_store_idx %arg16[%add3A_129, %and3A_12], %exp3A_140 : memref<80x16xf32, #tpu.memory_space<vmem>>[vector<16xi32>, vector<16xi32>], vector<16xf32>,
      %scan3A_141 = arith.constant 2 : i32
      %scan3A_142 = arith.addi %scan3A_112, %scan3A_141 : i32
      %mul3A_143 = arith.constant 2 : i32
      %mul3A_144 = arith.muli %mul3A_143, %scan3A_142 : i32
      %add3A_145 = vector.broadcast %mul3A_144 : i32 to vector<16xi32>
      %add3A_146 = arith.addi %shift_right_arithmetic3A_9, %add3A_145 : vector<16xi32>
      %gather3A_147 = tpu.vector_load_idx %arg14[%add3A_146, %and3A_12] : memref<80x16xf32, #tpu.memory_space<vmem>>[vector<16xi32>, vector<16xi32>], vector<16xf32>,
      %gather3A_148 = tpu.vector_load_idx %arg15[%add3A_146, %and3A_12] : memref<80x16xf32, #tpu.memory_space<vmem>>[vector<16xi32>, vector<16xi32>], vector<16xf32>,
      %add3A_149 = arith.addf %gather3A_147, %gather3A_148 : vector<16xf32>
      %gt3A_150 = arith.constant 0.000000e+00 : f32
      %gt3A_151 = vector.broadcast %gt3A_150 : f32 to vector<16xf32>
      %gt3A_152 = arith.cmpf ogt, %add3A_149, %gt3A_151 : vector<16xf32>
      %mul3A_153 = arith.constant 2.000000e-01 : f32
      %mul3A_154 = vector.broadcast %mul3A_153 : f32 to vector<16xf32>
      %mul3A_155 = arith.mulf %mul3A_154, %add3A_149 : vector<16xf32>
      %select_n3A_156 = arith.select %gt3A_152, %add3A_149, %mul3A_155 : vector<16xi1>, vector<16xf32>
      %exp3A_157 = math.exp %select_n3A_156 : vector<16xf32>
      tpu.vector_store_idx %arg16[%add3A_146, %and3A_12], %exp3A_157 : memref<80x16xf32, #tpu.memory_space<vmem>>[vector<16xi32>, vector<16xi32>], vector<16xf32>,
      %scan3A_158 = arith.constant 3 : i32
      %scan3A_159 = arith.addi %scan3A_112, %scan3A_158 : i32
      %mul3A_160 = arith.constant 2 : i32
      %mul3A_161 = arith.muli %mul3A_160, %scan3A_159 : i32
      %add3A_162 = vector.broadcast %mul3A_161 : i32 to vector<16xi32>
      %add3A_163 = arith.addi %shift_right_arithmetic3A_9, %add3A_162 : vector<16xi32>
      %gather3A_164 = tpu.vector_load_idx %arg14[%add3A_163, %and3A_12] : memref<80x16xf32, #tpu.memory_space<vmem>>[vector<16xi32>, vector<16xi32>], vector<16xf32>,
      %gather3A_165 = tpu.vector_load_idx %arg15[%add3A_163, %and3A_12] : memref<80x16xf32, #tpu.memory_space<vmem>>[vector<16xi32>, vector<16xi32>], vector<16xf32>,
      %add3A_166 = arith.addf %gather3A_164, %gather3A_165 : vector<16xf32>
      %gt3A_167 = arith.constant 0.000000e+00 : f32
      %gt3A_168 = vector.broadcast %gt3A_167 : f32 to vector<16xf32>
      %gt3A_169 = arith.cmpf ogt, %add3A_166, %gt3A_168 : vector<16xf32>
      %mul3A_170 = arith.constant 2.000000e-01 : f32
      %mul3A_171 = vector.broadcast %mul3A_170 : f32 to vector<16xf32>
      %mul3A_172 = arith.mulf %mul3A_171, %add3A_166 : vector<16xf32>
      %select_n3A_173 = arith.select %gt3A_169, %add3A_166, %mul3A_172 : vector<16xi1>, vector<16xf32>
      %exp3A_174 = math.exp %select_n3A_173 : vector<16xf32>
      tpu.vector_store_idx %arg16[%add3A_163, %and3A_12], %exp3A_174 : memref<80x16xf32, #tpu.memory_space<vmem>>[vector<16xi32>, vector<16xi32>], vector<16xf32>,
    }
    %scan3A_82 = arith.constant 40 : i32
    %scan3A_83 = arith.constant 0 : i32
    %scan3A_84 = arith.constant 0 : i32
    %scan3A_85 = arith.constant 80 : i32
    %scan3A_86 = arith.addi %scan3A_84, %scan3A_85 : i32
    %scan3A_87 = arith.constant 2 : i32
    scf.for %scan3A_112 = %scan3A_84 to %scan3A_86 step %scan3A_87  : i32 {
      %add3A_113 = vector.broadcast %scan3A_112 : i32 to vector<16xi32>
      %add3A_114 = arith.addi %broadcast_in_dim3A_13, %add3A_113 : vector<16xi32>
      %gather3A = tpu.vector_load_idx %arg16[%add3A_114, %and3A_12] : memref<80x16xf32, #tpu.memory_space<vmem>>[vector<16xi32>, vector<16xi32>], vector<16xf32>,
      %add3A_115 = arith.constant 0 : i32
      %add3A_116 = vector.broadcast %add3A_115 : i32 to vector<16xi32>
      %add3A_117 = arith.addi %broadcast_in_dim3A_13, %add3A_116 : vector<16xi32>
      %reshape3A = vector.shape_cast %add3A_117 : vector<16xi32> to vector<16x1xi32>
      %gather3A_118 = vector.shape_cast %reshape3A : vector<16x1xi32> to vector<16xi32>
      %gather3A_119 = tpu.dynamic_gather %gather3A[%gather3A_118] in [0] : vector<16xf32>, vector<16xi32> -> vector<16xf32>
      %get3A = arith.index_cast %scan3A_112 : i32 to index
      %get3A_120 = arith.constant 0 : index
      %get3A_121 = tpu.vector_load %arg17[%get3A, %get3A_120] {strides = array<i32>} : memref<80x128xf32, #tpu.memory_space<vmem>>, vector<16xf32>,
      %mul3A_122 = arith.mulf %get3A_121, %gather3A_119 : vector<16xf32>
      %swap3A = arith.index_cast %scan3A_112 : i32 to index
      %swap3A_123 = arith.constant 0 : index
      %swap3A_124 = tpu.vector_load %arg17[%swap3A, %swap3A_123] {strides = array<i32>} : memref<80x128xf32, #tpu.memory_space<vmem>>, vector<16xf32>,
      tpu.vector_store %arg17[%swap3A, %swap3A_123], %mul3A_122 {strides = array<i32>} : memref<80x128xf32, #tpu.memory_space<vmem>>, vector<16xf32>,
      %add3A_125 = arith.constant 1 : i32
      %add3A_126 = vector.broadcast %add3A_125 : i32 to vector<16xi32>
      %add3A_127 = arith.addi %broadcast_in_dim3A_13, %add3A_126 : vector<16xi32>
      %reshape3A_128 = vector.shape_cast %add3A_127 : vector<16xi32> to vector<16x1xi32>
      %gather3A_129 = vector.shape_cast %reshape3A_128 : vector<16x1xi32> to vector<16xi32>
      %gather3A_130 = tpu.dynamic_gather %gather3A[%gather3A_129] in [0] : vector<16xf32>, vector<16xi32> -> vector<16xf32>
      %get3A_131 = arith.index_cast %scan3A_112 : i32 to index
      %get3A_132 = arith.constant 16 : index
      %get3A_133 = tpu.vector_load %arg17[%get3A_131, %get3A_132] {strides = array<i32>} : memref<80x128xf32, #tpu.memory_space<vmem>>, vector<16xf32>,
      %mul3A_134 = arith.mulf %get3A_133, %gather3A_130 : vector<16xf32>
      %swap3A_135 = arith.index_cast %scan3A_112 : i32 to index
      %swap3A_136 = arith.constant 16 : index
      %swap3A_137 = tpu.vector_load %arg17[%swap3A_135, %swap3A_136] {strides = array<i32>} : memref<80x128xf32, #tpu.memory_space<vmem>>, vector<16xf32>,
      tpu.vector_store %arg17[%swap3A_135, %swap3A_136], %mul3A_134 {strides = array<i32>} : memref<80x128xf32, #tpu.memory_space<vmem>>, vector<16xf32>,
      %add3A_138 = arith.constant 2 : i32
      %add3A_139 = vector.broadcast %add3A_138 : i32 to vector<16xi32>
      %add3A_140 = arith.addi %broadcast_in_dim3A_13, %add3A_139 : vector<16xi32>
      %reshape3A_141 = vector.shape_cast %add3A_140 : vector<16xi32> to vector<16x1xi32>
      %gather3A_142 = vector.shape_cast %reshape3A_141 : vector<16x1xi32> to vector<16xi32>
      %gather3A_143 = tpu.dynamic_gather %gather3A[%gather3A_142] in [0] : vector<16xf32>, vector<16xi32> -> vector<16xf32>
      %get3A_144 = arith.index_cast %scan3A_112 : i32 to index
      %get3A_145 = arith.constant 32 : index
      %get3A_146 = tpu.vector_load %arg17[%get3A_144, %get3A_145] {strides = array<i32>} : memref<80x128xf32, #tpu.memory_space<vmem>>, vector<16xf32>,
      %mul3A_147 = arith.mulf %get3A_146, %gather3A_143 : vector<16xf32>
      %swap3A_148 = arith.index_cast %scan3A_112 : i32 to index
      %swap3A_149 = arith.constant 32 : index
      %swap3A_150 = tpu.vector_load %arg17[%swap3A_148, %swap3A_149] {strides = array<i32>} : memref<80x128xf32, #tpu.memory_space<vmem>>, vector<16xf32>,
      tpu.vector_store %arg17[%swap3A_148, %swap3A_149], %mul3A_147 {strides = array<i32>} : memref<80x128xf32, #tpu.memory_space<vmem>>, vector<16xf32>,
      %add3A_151 = arith.constant 3 : i32
      %add3A_152 = vector.broadcast %add3A_151 : i32 to vector<16xi32>
      %add3A_153 = arith.addi %broadcast_in_dim3A_13, %add3A_152 : vector<16xi32>
      %reshape3A_154 = vector.shape_cast %add3A_153 : vector<16xi32> to vector<16x1xi32>
      %gather3A_155 = vector.shape_cast %reshape3A_154 : vector<16x1xi32> to vector<16xi32>
      %gather3A_156 = tpu.dynamic_gather %gather3A[%gather3A_155] in [0] : vector<16xf32>, vector<16xi32> -> vector<16xf32>
      %get3A_157 = arith.index_cast %scan3A_112 : i32 to index
      %get3A_158 = arith.constant 48 : index
      %get3A_159 = tpu.vector_load %arg17[%get3A_157, %get3A_158] {strides = array<i32>} : memref<80x128xf32, #tpu.memory_space<vmem>>, vector<16xf32>,
      %mul3A_160 = arith.mulf %get3A_159, %gather3A_156 : vector<16xf32>
      %swap3A_161 = arith.index_cast %scan3A_112 : i32 to index
      %swap3A_162 = arith.constant 48 : index
      %swap3A_163 = tpu.vector_load %arg17[%swap3A_161, %swap3A_162] {strides = array<i32>} : memref<80x128xf32, #tpu.memory_space<vmem>>, vector<16xf32>,
      tpu.vector_store %arg17[%swap3A_161, %swap3A_162], %mul3A_160 {strides = array<i32>} : memref<80x128xf32, #tpu.memory_space<vmem>>, vector<16xf32>,
      %add3A_164 = arith.constant 4 : i32
      %add3A_165 = vector.broadcast %add3A_164 : i32 to vector<16xi32>
      %add3A_166 = arith.addi %broadcast_in_dim3A_13, %add3A_165 : vector<16xi32>
      %reshape3A_167 = vector.shape_cast %add3A_166 : vector<16xi32> to vector<16x1xi32>
      %gather3A_168 = vector.shape_cast %reshape3A_167 : vector<16x1xi32> to vector<16xi32>
      %gather3A_169 = tpu.dynamic_gather %gather3A[%gather3A_168] in [0] : vector<16xf32>, vector<16xi32> -> vector<16xf32>
      %get3A_170 = arith.index_cast %scan3A_112 : i32 to index
      %get3A_171 = arith.constant 64 : index
      %get3A_172 = tpu.vector_load %arg17[%get3A_170, %get3A_171] {strides = array<i32>} : memref<80x128xf32, #tpu.memory_space<vmem>>, vector<16xf32>,
      %mul3A_173 = arith.mulf %get3A_172, %gather3A_169 : vector<16xf32>
      %swap3A_174 = arith.index_cast %scan3A_112 : i32 to index
      %swap3A_175 = arith.constant 64 : index
      %swap3A_176 = tpu.vector_load %arg17[%swap3A_174, %swap3A_175] {strides = array<i32>} : memref<80x128xf32, #tpu.memory_space<vmem>>, vector<16xf32>,
      tpu.vector_store %arg17[%swap3A_174, %swap3A_175], %mul3A_173 {strides = array<i32>} : memref<80x128xf32, #tpu.memory_space<vmem>>, vector<16xf32>,
      %add3A_177 = arith.constant 5 : i32
      %add3A_178 = vector.broadcast %add3A_177 : i32 to vector<16xi32>
      %add3A_179 = arith.addi %broadcast_in_dim3A_13, %add3A_178 : vector<16xi32>
      %reshape3A_180 = vector.shape_cast %add3A_179 : vector<16xi32> to vector<16x1xi32>
      %gather3A_181 = vector.shape_cast %reshape3A_180 : vector<16x1xi32> to vector<16xi32>
      %gather3A_182 = tpu.dynamic_gather %gather3A[%gather3A_181] in [0] : vector<16xf32>, vector<16xi32> -> vector<16xf32>
      %get3A_183 = arith.index_cast %scan3A_112 : i32 to index
      %get3A_184 = arith.constant 80 : index
      %get3A_185 = tpu.vector_load %arg17[%get3A_183, %get3A_184] {strides = array<i32>} : memref<80x128xf32, #tpu.memory_space<vmem>>, vector<16xf32>,
      %mul3A_186 = arith.mulf %get3A_185, %gather3A_182 : vector<16xf32>
      %swap3A_187 = arith.index_cast %scan3A_112 : i32 to index
      %swap3A_188 = arith.constant 80 : index
      %swap3A_189 = tpu.vector_load %arg17[%swap3A_187, %swap3A_188] {strides = array<i32>} : memref<80x128xf32, #tpu.memory_space<vmem>>, vector<16xf32>,
      tpu.vector_store %arg17[%swap3A_187, %swap3A_188], %mul3A_186 {strides = array<i32>} : memref<80x128xf32, #tpu.memory_space<vmem>>, vector<16xf32>,
      %add3A_190 = arith.constant 6 : i32
      %add3A_191 = vector.broadcast %add3A_190 : i32 to vector<16xi32>
      %add3A_192 = arith.addi %broadcast_in_dim3A_13, %add3A_191 : vector<16xi32>
      %reshape3A_193 = vector.shape_cast %add3A_192 : vector<16xi32> to vector<16x1xi32>
      %gather3A_194 = vector.shape_cast %reshape3A_193 : vector<16x1xi32> to vector<16xi32>
      %gather3A_195 = tpu.dynamic_gather %gather3A[%gather3A_194] in [0] : vector<16xf32>, vector<16xi32> -> vector<16xf32>
      %get3A_196 = arith.index_cast %scan3A_112 : i32 to index
      %get3A_197 = arith.constant 96 : index
      %get3A_198 = tpu.vector_load %arg17[%get3A_196, %get3A_197] {strides = array<i32>} : memref<80x128xf32, #tpu.memory_space<vmem>>, vector<16xf32>,
      %mul3A_199 = arith.mulf %get3A_198, %gather3A_195 : vector<16xf32>
      %swap3A_200 = arith.index_cast %scan3A_112 : i32 to index
      %swap3A_201 = arith.constant 96 : index
      %swap3A_202 = tpu.vector_load %arg17[%swap3A_200, %swap3A_201] {strides = array<i32>} : memref<80x128xf32, #tpu.memory_space<vmem>>, vector<16xf32>,
      tpu.vector_store %arg17[%swap3A_200, %swap3A_201], %mul3A_199 {strides = array<i32>} : memref<80x128xf32, #tpu.memory_space<vmem>>, vector<16xf32>,
      %add3A_203 = arith.constant 7 : i32
      %add3A_204 = vector.broadcast %add3A_203 : i32 to vector<16xi32>
      %add3A_205 = arith.addi %broadcast_in_dim3A_13, %add3A_204 : vector<16xi32>
      %reshape3A_206 = vector.shape_cast %add3A_205 : vector<16xi32> to vector<16x1xi32>
      %gather3A_207 = vector.shape_cast %reshape3A_206 : vector<16x1xi32> to vector<16xi32>
      %gather3A_208 = tpu.dynamic_gather %gather3A[%gather3A_207] in [0] : vector<16xf32>, vector<16xi32> -> vector<16xf32>
      %get3A_209 = arith.index_cast %scan3A_112 : i32 to index
      %get3A_210 = arith.constant 112 : index
      %get3A_211 = tpu.vector_load %arg17[%get3A_209, %get3A_210] {strides = array<i32>} : memref<80x128xf32, #tpu.memory_space<vmem>>, vector<16xf32>,
      %mul3A_212 = arith.mulf %get3A_211, %gather3A_208 : vector<16xf32>
      %swap3A_213 = arith.index_cast %scan3A_112 : i32 to index
      %swap3A_214 = arith.constant 112 : index
      %swap3A_215 = tpu.vector_load %arg17[%swap3A_213, %swap3A_214] {strides = array<i32>} : memref<80x128xf32, #tpu.memory_space<vmem>>, vector<16xf32>,
      tpu.vector_store %arg17[%swap3A_213, %swap3A_214], %mul3A_212 {strides = array<i32>} : memref<80x128xf32, #tpu.memory_space<vmem>>, vector<16xf32>,
      %scan3A_216 = arith.constant 1 : i32
      %scan3A_217 = arith.addi %scan3A_112, %scan3A_216 : i32
      %add3A_218 = vector.broadcast %scan3A_217 : i32 to vector<16xi32>
      %add3A_219 = arith.addi %broadcast_in_dim3A_13, %add3A_218 : vector<16xi32>
      %gather3A_220 = tpu.vector_load_idx %arg16[%add3A_219, %and3A_12] : memref<80x16xf32, #tpu.memory_space<vmem>>[vector<16xi32>, vector<16xi32>], vector<16xf32>,
      %add3A_221 = arith.constant 0 : i32
      %add3A_222 = vector.broadcast %add3A_221 : i32 to vector<16xi32>
      %add3A_223 = arith.addi %broadcast_in_dim3A_13, %add3A_222 : vector<16xi32>
      %reshape3A_224 = vector.shape_cast %add3A_223 : vector<16xi32> to vector<16x1xi32>
      %gather3A_225 = vector.shape_cast %reshape3A_224 : vector<16x1xi32> to vector<16xi32>
      %gather3A_226 = tpu.dynamic_gather %gather3A_220[%gather3A_225] in [0] : vector<16xf32>, vector<16xi32> -> vector<16xf32>
      %get3A_227 = arith.index_cast %scan3A_217 : i32 to index
      %get3A_228 = arith.constant 0 : index
      %get3A_229 = tpu.vector_load %arg17[%get3A_227, %get3A_228] {strides = array<i32>} : memref<80x128xf32, #tpu.memory_space<vmem>>, vector<16xf32>,
      %mul3A_230 = arith.mulf %get3A_229, %gather3A_226 : vector<16xf32>
      %swap3A_231 = arith.index_cast %scan3A_217 : i32 to index
      %swap3A_232 = arith.constant 0 : index
      %swap3A_233 = tpu.vector_load %arg17[%swap3A_231, %swap3A_232] {strides = array<i32>} : memref<80x128xf32, #tpu.memory_space<vmem>>, vector<16xf32>,
      tpu.vector_store %arg17[%swap3A_231, %swap3A_232], %mul3A_230 {strides = array<i32>} : memref<80x128xf32, #tpu.memory_space<vmem>>, vector<16xf32>,
      %add3A_234 = arith.constant 1 : i32
      %add3A_235 = vector.broadcast %add3A_234 : i32 to vector<16xi32>
      %add3A_236 = arith.addi %broadcast_in_dim3A_13, %add3A_235 : vector<16xi32>
      %reshape3A_237 = vector.shape_cast %add3A_236 : vector<16xi32> to vector<16x1xi32>
      %gather3A_238 = vector.shape_cast %reshape3A_237 : vector<16x1xi32> to vector<16xi32>
      %gather3A_239 = tpu.dynamic_gather %gather3A_220[%gather3A_238] in [0] : vector<16xf32>, vector<16xi32> -> vector<16xf32>
      %get3A_240 = arith.index_cast %scan3A_217 : i32 to index
      %get3A_241 = arith.constant 16 : index
      %get3A_242 = tpu.vector_load %arg17[%get3A_240, %get3A_241] {strides = array<i32>} : memref<80x128xf32, #tpu.memory_space<vmem>>, vector<16xf32>,
      %mul3A_243 = arith.mulf %get3A_242, %gather3A_239 : vector<16xf32>
      %swap3A_244 = arith.index_cast %scan3A_217 : i32 to index
      %swap3A_245 = arith.constant 16 : index
      %swap3A_246 = tpu.vector_load %arg17[%swap3A_244, %swap3A_245] {strides = array<i32>} : memref<80x128xf32, #tpu.memory_space<vmem>>, vector<16xf32>,
      tpu.vector_store %arg17[%swap3A_244, %swap3A_245], %mul3A_243 {strides = array<i32>} : memref<80x128xf32, #tpu.memory_space<vmem>>, vector<16xf32>,
      %add3A_247 = arith.constant 2 : i32
      %add3A_248 = vector.broadcast %add3A_247 : i32 to vector<16xi32>
      %add3A_249 = arith.addi %broadcast_in_dim3A_13, %add3A_248 : vector<16xi32>
      %reshape3A_250 = vector.shape_cast %add3A_249 : vector<16xi32> to vector<16x1xi32>
      %gather3A_251 = vector.shape_cast %reshape3A_250 : vector<16x1xi32> to vector<16xi32>
      %gather3A_252 = tpu.dynamic_gather %gather3A_220[%gather3A_251] in [0] : vector<16xf32>, vector<16xi32> -> vector<16xf32>
      %get3A_253 = arith.index_cast %scan3A_217 : i32 to index
      %get3A_254 = arith.constant 32 : index
      %get3A_255 = tpu.vector_load %arg17[%get3A_253, %get3A_254] {strides = array<i32>} : memref<80x128xf32, #tpu.memory_space<vmem>>, vector<16xf32>,
      %mul3A_256 = arith.mulf %get3A_255, %gather3A_252 : vector<16xf32>
      %swap3A_257 = arith.index_cast %scan3A_217 : i32 to index
      %swap3A_258 = arith.constant 32 : index
      %swap3A_259 = tpu.vector_load %arg17[%swap3A_257, %swap3A_258] {strides = array<i32>} : memref<80x128xf32, #tpu.memory_space<vmem>>, vector<16xf32>,
      tpu.vector_store %arg17[%swap3A_257, %swap3A_258], %mul3A_256 {strides = array<i32>} : memref<80x128xf32, #tpu.memory_space<vmem>>, vector<16xf32>,
      %add3A_260 = arith.constant 3 : i32
      %add3A_261 = vector.broadcast %add3A_260 : i32 to vector<16xi32>
      %add3A_262 = arith.addi %broadcast_in_dim3A_13, %add3A_261 : vector<16xi32>
      %reshape3A_263 = vector.shape_cast %add3A_262 : vector<16xi32> to vector<16x1xi32>
      %gather3A_264 = vector.shape_cast %reshape3A_263 : vector<16x1xi32> to vector<16xi32>
      %gather3A_265 = tpu.dynamic_gather %gather3A_220[%gather3A_264] in [0] : vector<16xf32>, vector<16xi32> -> vector<16xf32>
      %get3A_266 = arith.index_cast %scan3A_217 : i32 to index
      %get3A_267 = arith.constant 48 : index
      %get3A_268 = tpu.vector_load %arg17[%get3A_266, %get3A_267] {strides = array<i32>} : memref<80x128xf32, #tpu.memory_space<vmem>>, vector<16xf32>,
      %mul3A_269 = arith.mulf %get3A_268, %gather3A_265 : vector<16xf32>
      %swap3A_270 = arith.index_cast %scan3A_217 : i32 to index
      %swap3A_271 = arith.constant 48 : index
      %swap3A_272 = tpu.vector_load %arg17[%swap3A_270, %swap3A_271] {strides = array<i32>} : memref<80x128xf32, #tpu.memory_space<vmem>>, vector<16xf32>,
      tpu.vector_store %arg17[%swap3A_270, %swap3A_271], %mul3A_269 {strides = array<i32>} : memref<80x128xf32, #tpu.memory_space<vmem>>, vector<16xf32>,
      %add3A_273 = arith.constant 4 : i32
      %add3A_274 = vector.broadcast %add3A_273 : i32 to vector<16xi32>
      %add3A_275 = arith.addi %broadcast_in_dim3A_13, %add3A_274 : vector<16xi32>
      %reshape3A_276 = vector.shape_cast %add3A_275 : vector<16xi32> to vector<16x1xi32>
      %gather3A_277 = vector.shape_cast %reshape3A_276 : vector<16x1xi32> to vector<16xi32>
      %gather3A_278 = tpu.dynamic_gather %gather3A_220[%gather3A_277] in [0] : vector<16xf32>, vector<16xi32> -> vector<16xf32>
      %get3A_279 = arith.index_cast %scan3A_217 : i32 to index
      %get3A_280 = arith.constant 64 : index
      %get3A_281 = tpu.vector_load %arg17[%get3A_279, %get3A_280] {strides = array<i32>} : memref<80x128xf32, #tpu.memory_space<vmem>>, vector<16xf32>,
      %mul3A_282 = arith.mulf %get3A_281, %gather3A_278 : vector<16xf32>
      %swap3A_283 = arith.index_cast %scan3A_217 : i32 to index
      %swap3A_284 = arith.constant 64 : index
      %swap3A_285 = tpu.vector_load %arg17[%swap3A_283, %swap3A_284] {strides = array<i32>} : memref<80x128xf32, #tpu.memory_space<vmem>>, vector<16xf32>,
      tpu.vector_store %arg17[%swap3A_283, %swap3A_284], %mul3A_282 {strides = array<i32>} : memref<80x128xf32, #tpu.memory_space<vmem>>, vector<16xf32>,
      %add3A_286 = arith.constant 5 : i32
      %add3A_287 = vector.broadcast %add3A_286 : i32 to vector<16xi32>
      %add3A_288 = arith.addi %broadcast_in_dim3A_13, %add3A_287 : vector<16xi32>
      %reshape3A_289 = vector.shape_cast %add3A_288 : vector<16xi32> to vector<16x1xi32>
      %gather3A_290 = vector.shape_cast %reshape3A_289 : vector<16x1xi32> to vector<16xi32>
      %gather3A_291 = tpu.dynamic_gather %gather3A_220[%gather3A_290] in [0] : vector<16xf32>, vector<16xi32> -> vector<16xf32>
      %get3A_292 = arith.index_cast %scan3A_217 : i32 to index
      %get3A_293 = arith.constant 80 : index
      %get3A_294 = tpu.vector_load %arg17[%get3A_292, %get3A_293] {strides = array<i32>} : memref<80x128xf32, #tpu.memory_space<vmem>>, vector<16xf32>,
      %mul3A_295 = arith.mulf %get3A_294, %gather3A_291 : vector<16xf32>
      %swap3A_296 = arith.index_cast %scan3A_217 : i32 to index
      %swap3A_297 = arith.constant 80 : index
      %swap3A_298 = tpu.vector_load %arg17[%swap3A_296, %swap3A_297] {strides = array<i32>} : memref<80x128xf32, #tpu.memory_space<vmem>>, vector<16xf32>,
      tpu.vector_store %arg17[%swap3A_296, %swap3A_297], %mul3A_295 {strides = array<i32>} : memref<80x128xf32, #tpu.memory_space<vmem>>, vector<16xf32>,
      %add3A_299 = arith.constant 6 : i32
      %add3A_300 = vector.broadcast %add3A_299 : i32 to vector<16xi32>
      %add3A_301 = arith.addi %broadcast_in_dim3A_13, %add3A_300 : vector<16xi32>
      %reshape3A_302 = vector.shape_cast %add3A_301 : vector<16xi32> to vector<16x1xi32>
      %gather3A_303 = vector.shape_cast %reshape3A_302 : vector<16x1xi32> to vector<16xi32>
      %gather3A_304 = tpu.dynamic_gather %gather3A_220[%gather3A_303] in [0] : vector<16xf32>, vector<16xi32> -> vector<16xf32>
      %get3A_305 = arith.index_cast %scan3A_217 : i32 to index
      %get3A_306 = arith.constant 96 : index
      %get3A_307 = tpu.vector_load %arg17[%get3A_305, %get3A_306] {strides = array<i32>} : memref<80x128xf32, #tpu.memory_space<vmem>>, vector<16xf32>,
      %mul3A_308 = arith.mulf %get3A_307, %gather3A_304 : vector<16xf32>
      %swap3A_309 = arith.index_cast %scan3A_217 : i32 to index
      %swap3A_310 = arith.constant 96 : index
      %swap3A_311 = tpu.vector_load %arg17[%swap3A_309, %swap3A_310] {strides = array<i32>} : memref<80x128xf32, #tpu.memory_space<vmem>>, vector<16xf32>,
      tpu.vector_store %arg17[%swap3A_309, %swap3A_310], %mul3A_308 {strides = array<i32>} : memref<80x128xf32, #tpu.memory_space<vmem>>, vector<16xf32>,
      %add3A_312 = arith.constant 7 : i32
      %add3A_313 = vector.broadcast %add3A_312 : i32 to vector<16xi32>
      %add3A_314 = arith.addi %broadcast_in_dim3A_13, %add3A_313 : vector<16xi32>
      %reshape3A_315 = vector.shape_cast %add3A_314 : vector<16xi32> to vector<16x1xi32>
      %gather3A_316 = vector.shape_cast %reshape3A_315 : vector<16x1xi32> to vector<16xi32>
      %gather3A_317 = tpu.dynamic_gather %gather3A_220[%gather3A_316] in [0] : vector<16xf32>, vector<16xi32> -> vector<16xf32>
      %get3A_318 = arith.index_cast %scan3A_217 : i32 to index
      %get3A_319 = arith.constant 112 : index
      %get3A_320 = tpu.vector_load %arg17[%get3A_318, %get3A_319] {strides = array<i32>} : memref<80x128xf32, #tpu.memory_space<vmem>>, vector<16xf32>,
      %mul3A_321 = arith.mulf %get3A_320, %gather3A_317 : vector<16xf32>
      %swap3A_322 = arith.index_cast %scan3A_217 : i32 to index
      %swap3A_323 = arith.constant 112 : index
      %swap3A_324 = tpu.vector_load %arg17[%swap3A_322, %swap3A_323] {strides = array<i32>} : memref<80x128xf32, #tpu.memory_space<vmem>>, vector<16xf32>,
      tpu.vector_store %arg17[%swap3A_322, %swap3A_323], %mul3A_321 {strides = array<i32>} : memref<80x128xf32, #tpu.memory_space<vmem>>, vector<16xf32>,
    }
    %scan3A_88 = arith.constant 80 : i32
    %add3A_89 = arith.constant 9920 : i32
    %add3A_90 = arith.addi %mul3A_2, %add3A_89 : i32
    %dma_wait3A_91 = tpu.memref_slice %arg3[%add3A_90] : memref<320000xi32, #tpu.memory_space<hbm>> -> memref<80xi32, #tpu.memory_space<hbm>>
    %dma_wait3A_92 = tpu.memref_slice %arg3[%add3A_90] : memref<320000xi32, #tpu.memory_space<hbm>> -> memref<80xi32, #tpu.memory_space<hbm>>
    tpu.wait_dma2 semaphore(%arg27 : memref<!tpu.dma_semaphore, #tpu.memory_space<semaphore_mem>>) src(%dma_wait3A_92 : memref<80xi32, #tpu.memory_space<hbm>>) dst(%arg13 : memref<80xi32, #tpu.memory_space<vmem>>)
    %dma_start3A_93 = arith.constant 0 : i32
    %dma_start3A_94 = arith.constant 0 : i32
    %dma_start3A_95 = tpu.memref_slice %arg33[%dma_start3A_93, %dma_start3A_94] : memref<10240x16xf32, #tpu.memory_space<vmem_shared>> -> memref<10240x16xf32, #tpu.memory_space<vmem_shared>>
    tpu.enqueue_indirect_dma source(%arg16 : memref<80x16xf32, #tpu.memory_space<vmem>>) target(%dma_start3A_95 : memref<10240x16xf32, #tpu.memory_space<vmem_shared>>) offsets(%arg13 : memref<80xi32, #tpu.memory_space<vmem>>) semaphore(%arg31 : memref<!tpu.dma_semaphore, #tpu.memory_space<semaphore_mem>>) {add = true}
    %dma_start3A_96 = arith.constant 0 : i32
    %dma_start3A_97 = arith.constant 0 : i32
    %dma_start3A_98 = tpu.memref_slice %arg34[%dma_start3A_96, %dma_start3A_97] : memref<10240x128xf32, #tpu.memory_space<vmem_shared>> -> memref<10240x128xf32, #tpu.memory_space<vmem_shared>>
    tpu.enqueue_indirect_dma source(%arg17 : memref<80x128xf32, #tpu.memory_space<vmem>>) target(%dma_start3A_98 : memref<10240x128xf32, #tpu.memory_space<vmem_shared>>) offsets(%arg13 : memref<80xi32, #tpu.memory_space<vmem>>) semaphore(%arg31 : memref<!tpu.dma_semaphore, #tpu.memory_space<semaphore_mem>>) {add = true}
    %dma_wait3A_99 = arith.constant 0 : i32
    %dma_wait3A_100 = arith.constant 0 : i32
    %dma_wait3A_101 = tpu.memref_slice %arg33[%dma_wait3A_99, %dma_wait3A_100] : memref<10240x16xf32, #tpu.memory_space<vmem_shared>> -> memref<10240x16xf32, #tpu.memory_space<vmem_shared>>
    tpu.wait_indirect_dma semaphore(%arg31 : memref<!tpu.dma_semaphore, #tpu.memory_space<semaphore_mem>>) src(%arg16 : memref<80x16xf32, #tpu.memory_space<vmem>>) dst(%dma_wait3A_101 : memref<10240x16xf32, #tpu.memory_space<vmem_shared>>)
    %dma_wait3A_102 = arith.constant 0 : i32
    %dma_wait3A_103 = arith.constant 0 : i32
    %dma_wait3A_104 = tpu.memref_slice %arg34[%dma_wait3A_102, %dma_wait3A_103] : memref<10240x128xf32, #tpu.memory_space<vmem_shared>> -> memref<10240x128xf32, #tpu.memory_space<vmem_shared>>
    tpu.wait_indirect_dma semaphore(%arg31 : memref<!tpu.dma_semaphore, #tpu.memory_space<semaphore_mem>>) src(%arg17 : memref<80x128xf32, #tpu.memory_space<vmem>>) dst(%dma_wait3A_104 : memref<10240x128xf32, #tpu.memory_space<vmem_shared>>)
    %barrier3A_105 = arith.constant 0 : index
    tpu.barrier barrier_id(%barrier3A_105)
    %scan3A_106 = arith.constant 0 : i32
    %scan3A_107 = arith.constant 0 : i32
    %scan3A_108 = arith.constant 8 : i32
    %scan3A_109 = arith.addi %scan3A_107, %scan3A_108 : i32
    %scan3A_110 = arith.constant 1 : i32
    scf.for %scan3A_112 = %scan3A_107 to %scan3A_109 step %scan3A_110  : i32 {
      %mul3A_113 = arith.constant 640 : i32
      %mul3A_114 = arith.muli %arg1, %mul3A_113 : i32
      %mul3A_115 = arith.constant 80 : i32
      %mul3A_116 = arith.muli %scan3A_112, %mul3A_115 : i32
      %add3A_117 = arith.addi %mul3A_114, %mul3A_116 : i32
      "tpu.region"() ({
        %run_scoped3A = tpu.sem_alloc : memref<!tpu.dma_semaphore, #tpu.memory_space<semaphore_mem>>
        %dma_start3A_118 = arith.constant 0 : i32
        %dma_start3A_119 = tpu.memref_slice %arg33[%add3A_117, %dma_start3A_118] : memref<10240x16xf32, #tpu.memory_space<vmem_shared>> -> memref<80x16xf32, #tpu.memory_space<vmem_shared>>
        %dma_start3A_120 = arith.constant 0 : i32
        %dma_start3A_121 = tpu.memref_slice %arg33[%add3A_117, %dma_start3A_120] : memref<10240x16xf32, #tpu.memory_space<vmem_shared>> -> memref<80x16xf32, #tpu.memory_space<vmem_shared>>
        tpu.enqueue_dma source(%dma_start3A_121 : memref<80x16xf32, #tpu.memory_space<vmem_shared>>) target(%arg16 : memref<80x16xf32, #tpu.memory_space<vmem>>) target_semaphore(%run_scoped3A : memref<!tpu.dma_semaphore, #tpu.memory_space<semaphore_mem>>)
        %dma_wait3A_122 = arith.constant 0 : i32
        %dma_wait3A_123 = tpu.memref_slice %arg33[%add3A_117, %dma_wait3A_122] : memref<10240x16xf32, #tpu.memory_space<vmem_shared>> -> memref<80x16xf32, #tpu.memory_space<vmem_shared>>
        %dma_wait3A_124 = arith.constant 0 : i32
        %dma_wait3A_125 = tpu.memref_slice %arg33[%add3A_117, %dma_wait3A_124] : memref<10240x16xf32, #tpu.memory_space<vmem_shared>> -> memref<80x16xf32, #tpu.memory_space<vmem_shared>>
        tpu.wait_dma2 semaphore(%run_scoped3A : memref<!tpu.dma_semaphore, #tpu.memory_space<semaphore_mem>>) src(%dma_wait3A_125 : memref<80x16xf32, #tpu.memory_space<vmem_shared>>) dst(%arg16 : memref<80x16xf32, #tpu.memory_space<vmem>>)
        tpu.yield
      }) : () -> ()
      "tpu.region"() ({
        %run_scoped3A = tpu.sem_alloc : memref<!tpu.dma_semaphore, #tpu.memory_space<semaphore_mem>>
        %dma_start3A_118 = arith.constant 0 : i32
        %dma_start3A_119 = tpu.memref_slice %arg9[%arg0, %add3A_117, %dma_start3A_118] : memref<2x10240x16xf32, #tpu.memory_space<hbm>> -> memref<1x80x16xf32, #tpu.memory_space<hbm>>
        %dma_start3A_120 = tpu.memref_squeeze %dma_start3A_119 : memref<1x80x16xf32, #tpu.memory_space<hbm>> -> memref<80x16xf32, #tpu.memory_space<hbm>>
        %dma_start3A_121 = arith.constant 0 : i32
        %dma_start3A_122 = tpu.memref_slice %arg9[%arg0, %add3A_117, %dma_start3A_121] : memref<2x10240x16xf32, #tpu.memory_space<hbm>> -> memref<1x80x16xf32, #tpu.memory_space<hbm>>
        %dma_start3A_123 = tpu.memref_squeeze %dma_start3A_122 : memref<1x80x16xf32, #tpu.memory_space<hbm>> -> memref<80x16xf32, #tpu.memory_space<hbm>>
        tpu.enqueue_dma source(%arg16 : memref<80x16xf32, #tpu.memory_space<vmem>>) target(%dma_start3A_123 : memref<80x16xf32, #tpu.memory_space<hbm>>) target_semaphore(%run_scoped3A : memref<!tpu.dma_semaphore, #tpu.memory_space<semaphore_mem>>)
        %dma_wait3A_124 = arith.constant 0 : i32
        %dma_wait3A_125 = tpu.memref_slice %arg9[%arg0, %add3A_117, %dma_wait3A_124] : memref<2x10240x16xf32, #tpu.memory_space<hbm>> -> memref<1x80x16xf32, #tpu.memory_space<hbm>>
        %dma_wait3A_126 = tpu.memref_squeeze %dma_wait3A_125 : memref<1x80x16xf32, #tpu.memory_space<hbm>> -> memref<80x16xf32, #tpu.memory_space<hbm>>
        %dma_wait3A_127 = arith.constant 0 : i32
        %dma_wait3A_128 = tpu.memref_slice %arg9[%arg0, %add3A_117, %dma_wait3A_127] : memref<2x10240x16xf32, #tpu.memory_space<hbm>> -> memref<1x80x16xf32, #tpu.memory_space<hbm>>
        %dma_wait3A_129 = tpu.memref_squeeze %dma_wait3A_128 : memref<1x80x16xf32, #tpu.memory_space<hbm>> -> memref<80x16xf32, #tpu.memory_space<hbm>>
        tpu.wait_dma2 semaphore(%run_scoped3A : memref<!tpu.dma_semaphore, #tpu.memory_space<semaphore_mem>>) src(%arg16 : memref<80x16xf32, #tpu.memory_space<vmem>>) dst(%dma_wait3A_129 : memref<80x16xf32, #tpu.memory_space<hbm>>)
        tpu.yield
      }) : () -> ()
      "tpu.region"() ({
        %run_scoped3A = tpu.sem_alloc : memref<!tpu.dma_semaphore, #tpu.memory_space<semaphore_mem>>
        %dma_start3A_118 = arith.constant 0 : i32
        %dma_start3A_119 = tpu.memref_slice %arg34[%add3A_117, %dma_start3A_118] : memref<10240x128xf32, #tpu.memory_space<vmem_shared>> -> memref<80x128xf32, #tpu.memory_space<vmem_shared>>
        %dma_start3A_120 = arith.constant 0 : i32
        %dma_start3A_121 = tpu.memref_slice %arg34[%add3A_117, %dma_start3A_120] : memref<10240x128xf32, #tpu.memory_space<vmem_shared>> -> memref<80x128xf32, #tpu.memory_space<vmem_shared>>
        tpu.enqueue_dma source(%dma_start3A_121 : memref<80x128xf32, #tpu.memory_space<vmem_shared>>) target(%arg17 : memref<80x128xf32, #tpu.memory_space<vmem>>) target_semaphore(%run_scoped3A : memref<!tpu.dma_semaphore, #tpu.memory_space<semaphore_mem>>)
        %dma_wait3A_122 = arith.constant 0 : i32
        %dma_wait3A_123 = tpu.memref_slice %arg34[%add3A_117, %dma_wait3A_122] : memref<10240x128xf32, #tpu.memory_space<vmem_shared>> -> memref<80x128xf32, #tpu.memory_space<vmem_shared>>
        %dma_wait3A_124 = arith.constant 0 : i32
        %dma_wait3A_125 = tpu.memref_slice %arg34[%add3A_117, %dma_wait3A_124] : memref<10240x128xf32, #tpu.memory_space<vmem_shared>> -> memref<80x128xf32, #tpu.memory_space<vmem_shared>>
        tpu.wait_dma2 semaphore(%run_scoped3A : memref<!tpu.dma_semaphore, #tpu.memory_space<semaphore_mem>>) src(%dma_wait3A_125 : memref<80x128xf32, #tpu.memory_space<vmem_shared>>) dst(%arg17 : memref<80x128xf32, #tpu.memory_space<vmem>>)
        tpu.yield
      }) : () -> ()
      "tpu.region"() ({
        %run_scoped3A = tpu.sem_alloc : memref<!tpu.dma_semaphore, #tpu.memory_space<semaphore_mem>>
        %dma_start3A_118 = arith.constant 0 : i32
        %dma_start3A_119 = tpu.memref_slice %arg10[%arg0, %add3A_117, %dma_start3A_118] : memref<2x10240x128xf32, #tpu.memory_space<hbm>> -> memref<1x80x128xf32, #tpu.memory_space<hbm>>
        %dma_start3A_120 = tpu.memref_squeeze %dma_start3A_119 : memref<1x80x128xf32, #tpu.memory_space<hbm>> -> memref<80x128xf32, #tpu.memory_space<hbm>>
        %dma_start3A_121 = arith.constant 0 : i32
        %dma_start3A_122 = tpu.memref_slice %arg10[%arg0, %add3A_117, %dma_start3A_121] : memref<2x10240x128xf32, #tpu.memory_space<hbm>> -> memref<1x80x128xf32, #tpu.memory_space<hbm>>
        %dma_start3A_123 = tpu.memref_squeeze %dma_start3A_122 : memref<1x80x128xf32, #tpu.memory_space<hbm>> -> memref<80x128xf32, #tpu.memory_space<hbm>>
        tpu.enqueue_dma source(%arg17 : memref<80x128xf32, #tpu.memory_space<vmem>>) target(%dma_start3A_123 : memref<80x128xf32, #tpu.memory_space<hbm>>) target_semaphore(%run_scoped3A : memref<!tpu.dma_semaphore, #tpu.memory_space<semaphore_mem>>)
        %dma_wait3A_124 = arith.constant 0 : i32
        %dma_wait3A_125 = tpu.memref_slice %arg10[%arg0, %add3A_117, %dma_wait3A_124] : memref<2x10240x128xf32, #tpu.memory_space<hbm>> -> memref<1x80x128xf32, #tpu.memory_space<hbm>>
        %dma_wait3A_126 = tpu.memref_squeeze %dma_wait3A_125 : memref<1x80x128xf32, #tpu.memory_space<hbm>> -> memref<80x128xf32, #tpu.memory_space<hbm>>
        %dma_wait3A_127 = arith.constant 0 : i32
        %dma_wait3A_128 = tpu.memref_slice %arg10[%arg0, %add3A_117, %dma_wait3A_127] : memref<2x10240x128xf32, #tpu.memory_space<hbm>> -> memref<1x80x128xf32, #tpu.memory_space<hbm>>
        %dma_wait3A_129 = tpu.memref_squeeze %dma_wait3A_128 : memref<1x80x128xf32, #tpu.memory_space<hbm>> -> memref<80x128xf32, #tpu.memory_space<hbm>>
        tpu.wait_dma2 semaphore(%run_scoped3A : memref<!tpu.dma_semaphore, #tpu.memory_space<semaphore_mem>>) src(%arg17 : memref<80x128xf32, #tpu.memory_space<vmem>>) dst(%dma_wait3A_129 : memref<80x128xf32, #tpu.memory_space<hbm>>)
        tpu.yield
      }) : () -> ()
    }
    %scan3A_111 = arith.constant 8 : i32
    return
  }
}

module attributes {stable_mosaic.version = 14 : i64} {
  func.func @body(%arg0: i32, %arg1: memref<1000x128xf32, #tpu.memory_space<vmem>>, %arg2: memref<128x128xf32, #tpu.memory_space<vmem>>, %arg3: memref<128x16xf32, #tpu.memory_space<vmem>>, %arg4: memref<128x16xf32, #tpu.memory_space<vmem>>, %arg5: memref<1000x128xf32, #tpu.memory_space<vmem>>, %arg6: memref<1000x16xf32, #tpu.memory_space<vmem>>, %arg7: memref<1000x16xf32, #tpu.memory_space<vmem>>) attributes {dimension_semantics = [#tpu.dimension_semantics<arbitrary>], iteration_bounds = array<i64: 10>, scalar_prefetch = 0 : i64, scratch_operands = 0 : i64, tpu.core_type = #tpu.core_type<tc>, window_params = [{transform_indices = @transform_0, window_bounds = array<i64: 1000, 128>}, {pipeline_mode = #tpu.pipeline_mode<synchronous>, transform_indices = @transform_1, window_bounds = array<i64: 128, 128>}, {pipeline_mode = #tpu.pipeline_mode<synchronous>, transform_indices = @transform_2, window_bounds = array<i64: 128, 16>}, {pipeline_mode = #tpu.pipeline_mode<synchronous>, transform_indices = @transform_3, window_bounds = array<i64: 128, 16>}, {transform_indices = @transform_4, window_bounds = array<i64: 1000, 128>}, {transform_indices = @transform_5, window_bounds = array<i64: 1000, 16>}, {transform_indices = @transform_6, window_bounds = array<i64: 1000, 16>}]} {
    %get3A = arith.constant 0 : index
    %get3A_0 = arith.constant 0 : index
    %get3A_1 = vector.load %arg1[%get3A, %get3A_0] : memref<1000x128xf32, #tpu.memory_space<vmem>>, vector<1000x128xf32>
    %get3A_2 = arith.constant 0 : index
    %get3A_3 = arith.constant 0 : index
    %get3A_4 = vector.load %arg2[%get3A_2, %get3A_3] : memref<128x128xf32, #tpu.memory_space<vmem>>, vector<128x128xf32>
    %dot_general3A = arith.constant dense<0.000000e+00> : vector<1000x128xf32>
    %dot_general3A_5 = tpu.matmul %get3A_1, %get3A_4, %dot_general3A {dimension_numbers = #tpu.dot_dimension_numbers<[1], [0], [0], [1], [0, 0, 1, 1], [], []>, transpose_lhs_hint = false} : vector<1000x128xf32>, vector<128x128xf32>, vector<1000x128xf32> -> vector<1000x128xf32>
    %swap3A = arith.constant 0 : index
    %swap3A_6 = arith.constant 0 : index
    %swap3A_7 = vector.load %arg5[%swap3A, %swap3A_6] : memref<1000x128xf32, #tpu.memory_space<vmem>>, vector<1000x128xf32>
    tpu.vector_store %arg5[%swap3A, %swap3A_6], %dot_general3A_5 {strides = array<i32>} : memref<1000x128xf32, #tpu.memory_space<vmem>>, vector<1000x128xf32>,
    %get3A_8 = arith.constant 0 : index
    %get3A_9 = arith.constant 0 : index
    %get3A_10 = vector.load %arg3[%get3A_8, %get3A_9] : memref<128x16xf32, #tpu.memory_space<vmem>>, vector<128x16xf32>
    %dot_general3A_11 = arith.constant dense<0.000000e+00> : vector<1000x16xf32>
    %dot_general3A_12 = tpu.matmul %dot_general3A_5, %get3A_10, %dot_general3A_11 {dimension_numbers = #tpu.dot_dimension_numbers<[1], [0], [0], [1], [0, 0, 1, 1], [], []>, precision = #tpu.contract_precision<fp32>, transpose_lhs_hint = false} : vector<1000x128xf32>, vector<128x16xf32>, vector<1000x16xf32> -> vector<1000x16xf32>
    %swap3A_13 = arith.constant 0 : index
    %swap3A_14 = arith.constant 0 : index
    %swap3A_15 = vector.load %arg6[%swap3A_13, %swap3A_14] : memref<1000x16xf32, #tpu.memory_space<vmem>>, vector<1000x16xf32>
    tpu.vector_store %arg6[%swap3A_13, %swap3A_14], %dot_general3A_12 {strides = array<i32>} : memref<1000x16xf32, #tpu.memory_space<vmem>>, vector<1000x16xf32>,
    %get3A_16 = arith.constant 0 : index
    %get3A_17 = arith.constant 0 : index
    %get3A_18 = vector.load %arg4[%get3A_16, %get3A_17] : memref<128x16xf32, #tpu.memory_space<vmem>>, vector<128x16xf32>
    %dot_general3A_19 = arith.constant dense<0.000000e+00> : vector<1000x16xf32>
    %dot_general3A_20 = tpu.matmul %dot_general3A_5, %get3A_18, %dot_general3A_19 {dimension_numbers = #tpu.dot_dimension_numbers<[1], [0], [0], [1], [0, 0, 1, 1], [], []>, precision = #tpu.contract_precision<fp32>, transpose_lhs_hint = false} : vector<1000x128xf32>, vector<128x16xf32>, vector<1000x16xf32> -> vector<1000x16xf32>
    %swap3A_21 = arith.constant 0 : index
    %swap3A_22 = arith.constant 0 : index
    %swap3A_23 = vector.load %arg7[%swap3A_21, %swap3A_22] : memref<1000x16xf32, #tpu.memory_space<vmem>>, vector<1000x16xf32>
    tpu.vector_store %arg7[%swap3A_21, %swap3A_22], %dot_general3A_20 {strides = array<i32>} : memref<1000x16xf32, #tpu.memory_space<vmem>>, vector<1000x16xf32>,
    return
  }
  func.func @transform_0(%arg0: i32) -> (i32, i32) {
    %c0_i32 = arith.constant 0 : i32
    %c0_i32_0 = arith.constant 0 : i32
    return %arg0, %c0_i32 : i32, i32
  }
  func.func @transform_1(%arg0: i32) -> (i32, i32) {
    %c0_i32 = arith.constant 0 : i32
    %c0_i32_0 = arith.constant 0 : i32
    %c0_i32_1 = arith.constant 0 : i32
    return %c0_i32, %c0_i32_0 : i32, i32
  }
  func.func @transform_2(%arg0: i32) -> (i32, i32) {
    %c0_i32 = arith.constant 0 : i32
    %c0_i32_0 = arith.constant 0 : i32
    %c0_i32_1 = arith.constant 0 : i32
    return %c0_i32, %c0_i32_0 : i32, i32
  }
  func.func @transform_3(%arg0: i32) -> (i32, i32) {
    %c0_i32 = arith.constant 0 : i32
    %c0_i32_0 = arith.constant 0 : i32
    %c0_i32_1 = arith.constant 0 : i32
    return %c0_i32, %c0_i32_0 : i32, i32
  }
  func.func @transform_4(%arg0: i32) -> (i32, i32) {
    %c0_i32 = arith.constant 0 : i32
    %c0_i32_0 = arith.constant 0 : i32
    return %arg0, %c0_i32 : i32, i32
  }
  func.func @transform_5(%arg0: i32) -> (i32, i32) {
    %c0_i32 = arith.constant 0 : i32
    %c0_i32_0 = arith.constant 0 : i32
    return %arg0, %c0_i32 : i32, i32
  }
  func.func @transform_6(%arg0: i32) -> (i32, i32) {
    %c0_i32 = arith.constant 0 : i32
    %c0_i32_0 = arith.constant 0 : i32
    return %arg0, %c0_i32 : i32, i32
  }
}

module attributes {stable_mosaic.version = 14 : i64} {
  func.func @body(%arg0: i32, %arg1: memref<2x1000x128xf32, #tpu.memory_space<vmem>>, %arg2: memref<2x1000x16xf32, #tpu.memory_space<vmem>>, %arg3: memref<1x128xf32, #tpu.memory_space<vmem>>, %arg4: memref<128x128xf32, #tpu.memory_space<vmem>>, %arg5: memref<128x16xf32, #tpu.memory_space<vmem>>, %arg6: memref<128x16xf32, #tpu.memory_space<vmem>>, %arg7: memref<1000x128xf32, #tpu.memory_space<vmem>>, %arg8: memref<1000x16xf32, #tpu.memory_space<vmem>>, %arg9: memref<1000x16xf32, #tpu.memory_space<vmem>>) attributes {dimension_semantics = [#tpu.dimension_semantics<arbitrary>], iteration_bounds = array<i64: 10>, scalar_prefetch = 0 : i64, scratch_operands = 0 : i64, tpu.core_type = #tpu.core_type<tc>, window_params = [{transform_indices = @transform_0, window_bounds = array<i64: 2, 1000, 128>}, {transform_indices = @transform_1, window_bounds = array<i64: 2, 1000, 16>}, {pipeline_mode = #tpu.pipeline_mode<synchronous>, transform_indices = @transform_2, window_bounds = array<i64: 1, 128>}, {pipeline_mode = #tpu.pipeline_mode<synchronous>, transform_indices = @transform_3, window_bounds = array<i64: 128, 128>}, {pipeline_mode = #tpu.pipeline_mode<synchronous>, transform_indices = @transform_4, window_bounds = array<i64: 128, 16>}, {pipeline_mode = #tpu.pipeline_mode<synchronous>, transform_indices = @transform_5, window_bounds = array<i64: 128, 16>}, {transform_indices = @transform_6, window_bounds = array<i64: 1000, 128>}, {transform_indices = @transform_7, window_bounds = array<i64: 1000, 16>}, {transform_indices = @transform_8, window_bounds = array<i64: 1000, 16>}]} {
    %get3A = arith.constant 0 : index
    %get3A_0 = arith.constant 0 : index
    %get3A_1 = arith.constant 0 : index
    %get3A_2 = vector.load %arg1[%get3A, %get3A_0, %get3A_1] : memref<2x1000x128xf32, #tpu.memory_space<vmem>>, vector<1x1000x128xf32>
    %get3A_3 = vector.shape_cast %get3A_2 : vector<1x1000x128xf32> to vector<1000x128xf32>
    %get3A_4 = arith.constant 1 : index
    %get3A_5 = arith.constant 0 : index
    %get3A_6 = arith.constant 0 : index
    %get3A_7 = vector.load %arg1[%get3A_4, %get3A_5, %get3A_6] : memref<2x1000x128xf32, #tpu.memory_space<vmem>>, vector<1x1000x128xf32>
    %get3A_8 = vector.shape_cast %get3A_7 : vector<1x1000x128xf32> to vector<1000x128xf32>
    %add3A = arith.addf %get3A_3, %get3A_8 : vector<1000x128xf32>
    %get3A_9 = arith.constant 0 : index
    %get3A_10 = arith.constant 0 : index
    %get3A_11 = arith.constant 0 : index
    %get3A_12 = vector.load %arg2[%get3A_9, %get3A_10, %get3A_11] : memref<2x1000x16xf32, #tpu.memory_space<vmem>>, vector<1x1000x16xf32>
    %get3A_13 = vector.shape_cast %get3A_12 : vector<1x1000x16xf32> to vector<1000x16xf32>
    %get3A_14 = arith.constant 1 : index
    %get3A_15 = arith.constant 0 : index
    %get3A_16 = arith.constant 0 : index
    %get3A_17 = vector.load %arg2[%get3A_14, %get3A_15, %get3A_16] : memref<2x1000x16xf32, #tpu.memory_space<vmem>>, vector<1x1000x16xf32>
    %get3A_18 = vector.shape_cast %get3A_17 : vector<1x1000x16xf32> to vector<1000x16xf32>
    %add3A_19 = arith.addf %get3A_13, %get3A_18 : vector<1000x16xf32>
    %slice3A = vector.extract_strided_slice %add3A_19 {offsets = [0, 0], sizes = [1000, 8], strides = [1, 1]} : vector<1000x16xf32> to vector<1000x8xf32>
    %add3A_20 = arith.constant 1.000000e-16 : f32
    %add3A_21 = vector.broadcast %add3A_20 : f32 to vector<1000x8xf32>
    %add3A_22 = arith.addf %slice3A, %add3A_21 : vector<1000x8xf32>
    %div3A = arith.constant 1.000000e+00 : f32
    %div3A_23 = vector.broadcast %div3A : f32 to vector<1000x8xf32>
    %div3A_24 = arith.divf %div3A_23, %add3A_22 : vector<1000x8xf32>
    %broadcast_in_dim3A = vector.shape_cast %div3A_24 : vector<1000x8xf32> to vector<1000x8x1xf32>
    %broadcast_in_dim3A_25 = vector.shape_cast %broadcast_in_dim3A : vector<1000x8x1xf32> to vector<1000x8x1xf32>
    %broadcast_in_dim3A_26 = vector.broadcast %broadcast_in_dim3A_25 : vector<1000x8x1xf32> to vector<1000x8x16xf32>
    %reshape3A = vector.shape_cast %broadcast_in_dim3A_26 : vector<1000x8x16xf32> to vector<1000x128xf32>
    %mul3A = arith.mulf %add3A, %reshape3A : vector<1000x128xf32>
    %get3A_27 = arith.constant 0 : index
    %get3A_28 = arith.constant 0 : index
    %get3A_29 = vector.load %arg3[%get3A_27, %get3A_28] : memref<1x128xf32, #tpu.memory_space<vmem>>, vector<1x128xf32>
    %add3A_30 = vector.broadcast %get3A_29 : vector<1x128xf32> to vector<1000x128xf32>
    %add3A_31 = arith.addf %mul3A, %add3A_30 : vector<1000x128xf32>
    %max3A = arith.constant 0.000000e+00 : f32
    %max3A_32 = vector.broadcast %max3A : f32 to vector<1000x128xf32>
    %max3A_33 = arith.maximumf %add3A_31, %max3A_32 : vector<1000x128xf32>
    %get3A_34 = arith.constant 0 : index
    %get3A_35 = arith.constant 0 : index
    %get3A_36 = vector.load %arg4[%get3A_34, %get3A_35] : memref<128x128xf32, #tpu.memory_space<vmem>>, vector<128x128xf32>
    %dot_general3A = arith.constant dense<0.000000e+00> : vector<1000x128xf32>
    %dot_general3A_37 = tpu.matmul %max3A_33, %get3A_36, %dot_general3A {dimension_numbers = #tpu.dot_dimension_numbers<[1], [0], [0], [1], [0, 0, 1, 1], [], []>, transpose_lhs_hint = false} : vector<1000x128xf32>, vector<128x128xf32>, vector<1000x128xf32> -> vector<1000x128xf32>
    %swap3A = arith.constant 0 : index
    %swap3A_38 = arith.constant 0 : index
    %swap3A_39 = vector.load %arg7[%swap3A, %swap3A_38] : memref<1000x128xf32, #tpu.memory_space<vmem>>, vector<1000x128xf32>
    tpu.vector_store %arg7[%swap3A, %swap3A_38], %dot_general3A_37 {strides = array<i32>} : memref<1000x128xf32, #tpu.memory_space<vmem>>, vector<1000x128xf32>,
    %get3A_40 = arith.constant 0 : index
    %get3A_41 = arith.constant 0 : index
    %get3A_42 = vector.load %arg5[%get3A_40, %get3A_41] : memref<128x16xf32, #tpu.memory_space<vmem>>, vector<128x16xf32>
    %dot_general3A_43 = arith.constant dense<0.000000e+00> : vector<1000x16xf32>
    %dot_general3A_44 = tpu.matmul %dot_general3A_37, %get3A_42, %dot_general3A_43 {dimension_numbers = #tpu.dot_dimension_numbers<[1], [0], [0], [1], [0, 0, 1, 1], [], []>, precision = #tpu.contract_precision<fp32>, transpose_lhs_hint = false} : vector<1000x128xf32>, vector<128x16xf32>, vector<1000x16xf32> -> vector<1000x16xf32>
    %swap3A_45 = arith.constant 0 : index
    %swap3A_46 = arith.constant 0 : index
    %swap3A_47 = vector.load %arg8[%swap3A_45, %swap3A_46] : memref<1000x16xf32, #tpu.memory_space<vmem>>, vector<1000x16xf32>
    tpu.vector_store %arg8[%swap3A_45, %swap3A_46], %dot_general3A_44 {strides = array<i32>} : memref<1000x16xf32, #tpu.memory_space<vmem>>, vector<1000x16xf32>,
    %get3A_48 = arith.constant 0 : index
    %get3A_49 = arith.constant 0 : index
    %get3A_50 = vector.load %arg6[%get3A_48, %get3A_49] : memref<128x16xf32, #tpu.memory_space<vmem>>, vector<128x16xf32>
    %dot_general3A_51 = arith.constant dense<0.000000e+00> : vector<1000x16xf32>
    %dot_general3A_52 = tpu.matmul %dot_general3A_37, %get3A_50, %dot_general3A_51 {dimension_numbers = #tpu.dot_dimension_numbers<[1], [0], [0], [1], [0, 0, 1, 1], [], []>, precision = #tpu.contract_precision<fp32>, transpose_lhs_hint = false} : vector<1000x128xf32>, vector<128x16xf32>, vector<1000x16xf32> -> vector<1000x16xf32>
    %swap3A_53 = arith.constant 0 : index
    %swap3A_54 = arith.constant 0 : index
    %swap3A_55 = vector.load %arg9[%swap3A_53, %swap3A_54] : memref<1000x16xf32, #tpu.memory_space<vmem>>, vector<1000x16xf32>
    tpu.vector_store %arg9[%swap3A_53, %swap3A_54], %dot_general3A_52 {strides = array<i32>} : memref<1000x16xf32, #tpu.memory_space<vmem>>, vector<1000x16xf32>,
    return
  }
  func.func @transform_0(%arg0: i32) -> (i32, i32, i32) {
    %c0_i32 = arith.constant 0 : i32
    %c0_i32_0 = arith.constant 0 : i32
    %c0_i32_1 = arith.constant 0 : i32
    return %c0_i32, %arg0, %c0_i32_0 : i32, i32, i32
  }
  func.func @transform_1(%arg0: i32) -> (i32, i32, i32) {
    %c0_i32 = arith.constant 0 : i32
    %c0_i32_0 = arith.constant 0 : i32
    %c0_i32_1 = arith.constant 0 : i32
    return %c0_i32, %arg0, %c0_i32_0 : i32, i32, i32
  }
  func.func @transform_2(%arg0: i32) -> (i32, i32) {
    %c0_i32 = arith.constant 0 : i32
    %c0_i32_0 = arith.constant 0 : i32
    %c0_i32_1 = arith.constant 0 : i32
    return %c0_i32, %c0_i32_0 : i32, i32
  }
  func.func @transform_3(%arg0: i32) -> (i32, i32) {
    %c0_i32 = arith.constant 0 : i32
    %c0_i32_0 = arith.constant 0 : i32
    %c0_i32_1 = arith.constant 0 : i32
    return %c0_i32, %c0_i32_0 : i32, i32
  }
  func.func @transform_4(%arg0: i32) -> (i32, i32) {
    %c0_i32 = arith.constant 0 : i32
    %c0_i32_0 = arith.constant 0 : i32
    %c0_i32_1 = arith.constant 0 : i32
    return %c0_i32, %c0_i32_0 : i32, i32
  }
  func.func @transform_5(%arg0: i32) -> (i32, i32) {
    %c0_i32 = arith.constant 0 : i32
    %c0_i32_0 = arith.constant 0 : i32
    %c0_i32_1 = arith.constant 0 : i32
    return %c0_i32, %c0_i32_0 : i32, i32
  }
  func.func @transform_6(%arg0: i32) -> (i32, i32) {
    %c0_i32 = arith.constant 0 : i32
    %c0_i32_0 = arith.constant 0 : i32
    return %arg0, %c0_i32 : i32, i32
  }
  func.func @transform_7(%arg0: i32) -> (i32, i32) {
    %c0_i32 = arith.constant 0 : i32
    %c0_i32_0 = arith.constant 0 : i32
    return %arg0, %c0_i32 : i32, i32
  }
  func.func @transform_8(%arg0: i32) -> (i32, i32) {
    %c0_i32 = arith.constant 0 : i32
    %c0_i32_0 = arith.constant 0 : i32
    return %arg0, %c0_i32 : i32, i32
  }
}

module attributes {stable_mosaic.version = 14 : i64} {
  func.func @body(%arg0: i32, %arg1: memref<2x1000x128xf32, #tpu.memory_space<vmem>>, %arg2: memref<2x1000x16xf32, #tpu.memory_space<vmem>>, %arg3: memref<1x128xf32, #tpu.memory_space<vmem>>, %arg4: memref<128x128xf32, #tpu.memory_space<vmem>>, %arg5: memref<1x128xf32, #tpu.memory_space<vmem>>, %arg6: memref<128x128xf32, #tpu.memory_space<vmem>>, %arg7: memref<1x128xf32, #tpu.memory_space<vmem>>, %arg8: memref<1000x128xf32, #tpu.memory_space<vmem>>, %arg9: memref<1000x128xf32, #tpu.memory_space<vmem>>) attributes {dimension_semantics = [#tpu.dimension_semantics<arbitrary>], iteration_bounds = array<i64: 10>, scalar_prefetch = 0 : i64, scratch_operands = 0 : i64, tpu.core_type = #tpu.core_type<tc>, window_params = [{transform_indices = @transform_0, window_bounds = array<i64: 2, 1000, 128>}, {transform_indices = @transform_1, window_bounds = array<i64: 2, 1000, 16>}, {pipeline_mode = #tpu.pipeline_mode<synchronous>, transform_indices = @transform_2, window_bounds = array<i64: 1, 128>}, {pipeline_mode = #tpu.pipeline_mode<synchronous>, transform_indices = @transform_3, window_bounds = array<i64: 128, 128>}, {pipeline_mode = #tpu.pipeline_mode<synchronous>, transform_indices = @transform_4, window_bounds = array<i64: 1, 128>}, {pipeline_mode = #tpu.pipeline_mode<synchronous>, transform_indices = @transform_5, window_bounds = array<i64: 128, 128>}, {pipeline_mode = #tpu.pipeline_mode<synchronous>, transform_indices = @transform_6, window_bounds = array<i64: 1, 128>}, {transform_indices = @transform_7, window_bounds = array<i64: 1000, 128>}, {transform_indices = @transform_8, window_bounds = array<i64: 1000, 128>}]} {
    %get3A = arith.constant 0 : index
    %get3A_0 = arith.constant 0 : index
    %get3A_1 = arith.constant 0 : index
    %get3A_2 = vector.load %arg1[%get3A, %get3A_0, %get3A_1] : memref<2x1000x128xf32, #tpu.memory_space<vmem>>, vector<1x1000x128xf32>
    %get3A_3 = vector.shape_cast %get3A_2 : vector<1x1000x128xf32> to vector<1000x128xf32>
    %get3A_4 = arith.constant 1 : index
    %get3A_5 = arith.constant 0 : index
    %get3A_6 = arith.constant 0 : index
    %get3A_7 = vector.load %arg1[%get3A_4, %get3A_5, %get3A_6] : memref<2x1000x128xf32, #tpu.memory_space<vmem>>, vector<1x1000x128xf32>
    %get3A_8 = vector.shape_cast %get3A_7 : vector<1x1000x128xf32> to vector<1000x128xf32>
    %add3A = arith.addf %get3A_3, %get3A_8 : vector<1000x128xf32>
    %get3A_9 = arith.constant 0 : index
    %get3A_10 = arith.constant 0 : index
    %get3A_11 = arith.constant 0 : index
    %get3A_12 = vector.load %arg2[%get3A_9, %get3A_10, %get3A_11] : memref<2x1000x16xf32, #tpu.memory_space<vmem>>, vector<1x1000x16xf32>
    %get3A_13 = vector.shape_cast %get3A_12 : vector<1x1000x16xf32> to vector<1000x16xf32>
    %get3A_14 = arith.constant 1 : index
    %get3A_15 = arith.constant 0 : index
    %get3A_16 = arith.constant 0 : index
    %get3A_17 = vector.load %arg2[%get3A_14, %get3A_15, %get3A_16] : memref<2x1000x16xf32, #tpu.memory_space<vmem>>, vector<1x1000x16xf32>
    %get3A_18 = vector.shape_cast %get3A_17 : vector<1x1000x16xf32> to vector<1000x16xf32>
    %add3A_19 = arith.addf %get3A_13, %get3A_18 : vector<1000x16xf32>
    %slice3A = vector.extract_strided_slice %add3A_19 {offsets = [0, 0], sizes = [1000, 1], strides = [1, 1]} : vector<1000x16xf32> to vector<1000x1xf32>
    %add3A_20 = arith.constant 1.000000e-16 : f32
    %add3A_21 = vector.broadcast %add3A_20 : f32 to vector<1000x1xf32>
    %add3A_22 = arith.addf %slice3A, %add3A_21 : vector<1000x1xf32>
    %div3A = arith.constant 1.000000e+00 : f32
    %div3A_23 = vector.broadcast %div3A : f32 to vector<1000x1xf32>
    %div3A_24 = arith.divf %div3A_23, %add3A_22 : vector<1000x1xf32>
    %broadcast_in_dim3A = vector.shape_cast %div3A_24 : vector<1000x1xf32> to vector<1000x1xf32>
    %broadcast_in_dim3A_25 = vector.broadcast %broadcast_in_dim3A : vector<1000x1xf32> to vector<1000x128xf32>
    %mul3A = arith.mulf %add3A, %broadcast_in_dim3A_25 : vector<1000x128xf32>
    %get3A_26 = arith.constant 0 : index
    %get3A_27 = arith.constant 0 : index
    %get3A_28 = vector.load %arg3[%get3A_26, %get3A_27] : memref<1x128xf32, #tpu.memory_space<vmem>>, vector<1x128xf32>
    %add3A_29 = vector.broadcast %get3A_28 : vector<1x128xf32> to vector<1000x128xf32>
    %add3A_30 = arith.addf %mul3A, %add3A_29 : vector<1000x128xf32>
    %swap3A = arith.constant 0 : index
    %swap3A_31 = arith.constant 0 : index
    %swap3A_32 = vector.load %arg8[%swap3A, %swap3A_31] : memref<1000x128xf32, #tpu.memory_space<vmem>>, vector<1000x128xf32>
    tpu.vector_store %arg8[%swap3A, %swap3A_31], %add3A_30 {strides = array<i32>} : memref<1000x128xf32, #tpu.memory_space<vmem>>, vector<1000x128xf32>,
    %get3A_33 = arith.constant 0 : index
    %get3A_34 = arith.constant 0 : index
    %get3A_35 = vector.load %arg4[%get3A_33, %get3A_34] : memref<128x128xf32, #tpu.memory_space<vmem>>, vector<128x128xf32>
    %dot_general3A = arith.constant dense<0.000000e+00> : vector<1000x128xf32>
    %dot_general3A_36 = tpu.matmul %add3A_30, %get3A_35, %dot_general3A {dimension_numbers = #tpu.dot_dimension_numbers<[1], [0], [0], [1], [0, 0, 1, 1], [], []>, transpose_lhs_hint = false} : vector<1000x128xf32>, vector<128x128xf32>, vector<1000x128xf32> -> vector<1000x128xf32>
    %get3A_37 = arith.constant 0 : index
    %get3A_38 = arith.constant 0 : index
    %get3A_39 = vector.load %arg5[%get3A_37, %get3A_38] : memref<1x128xf32, #tpu.memory_space<vmem>>, vector<1x128xf32>
    %add3A_40 = vector.broadcast %get3A_39 : vector<1x128xf32> to vector<1000x128xf32>
    %add3A_41 = arith.addf %dot_general3A_36, %add3A_40 : vector<1000x128xf32>
    %max3A = arith.constant 0.000000e+00 : f32
    %max3A_42 = vector.broadcast %max3A : f32 to vector<1000x128xf32>
    %max3A_43 = arith.maximumf %add3A_41, %max3A_42 : vector<1000x128xf32>
    %get3A_44 = arith.constant 0 : index
    %get3A_45 = arith.constant 0 : index
    %get3A_46 = vector.load %arg6[%get3A_44, %get3A_45] : memref<128x128xf32, #tpu.memory_space<vmem>>, vector<128x128xf32>
    %dot_general3A_47 = arith.constant dense<0.000000e+00> : vector<1000x128xf32>
    %dot_general3A_48 = tpu.matmul %max3A_43, %get3A_46, %dot_general3A_47 {dimension_numbers = #tpu.dot_dimension_numbers<[1], [0], [0], [1], [0, 0, 1, 1], [], []>, transpose_lhs_hint = false} : vector<1000x128xf32>, vector<128x128xf32>, vector<1000x128xf32> -> vector<1000x128xf32>
    %get3A_49 = arith.constant 0 : index
    %get3A_50 = arith.constant 0 : index
    %get3A_51 = vector.load %arg7[%get3A_49, %get3A_50] : memref<1x128xf32, #tpu.memory_space<vmem>>, vector<1x128xf32>
    %add3A_52 = vector.broadcast %get3A_51 : vector<1x128xf32> to vector<1000x128xf32>
    %add3A_53 = arith.addf %dot_general3A_48, %add3A_52 : vector<1000x128xf32>
    %swap3A_54 = arith.constant 0 : index
    %swap3A_55 = arith.constant 0 : index
    %swap3A_56 = vector.load %arg9[%swap3A_54, %swap3A_55] : memref<1000x128xf32, #tpu.memory_space<vmem>>, vector<1000x128xf32>
    tpu.vector_store %arg9[%swap3A_54, %swap3A_55], %add3A_53 {strides = array<i32>} : memref<1000x128xf32, #tpu.memory_space<vmem>>, vector<1000x128xf32>,
    return
  }
  func.func @transform_0(%arg0: i32) -> (i32, i32, i32) {
    %c0_i32 = arith.constant 0 : i32
    %c0_i32_0 = arith.constant 0 : i32
    %c0_i32_1 = arith.constant 0 : i32
    return %c0_i32, %arg0, %c0_i32_0 : i32, i32, i32
  }
  func.func @transform_1(%arg0: i32) -> (i32, i32, i32) {
    %c0_i32 = arith.constant 0 : i32
    %c0_i32_0 = arith.constant 0 : i32
    %c0_i32_1 = arith.constant 0 : i32
    return %c0_i32, %arg0, %c0_i32_0 : i32, i32, i32
  }
  func.func @transform_2(%arg0: i32) -> (i32, i32) {
    %c0_i32 = arith.constant 0 : i32
    %c0_i32_0 = arith.constant 0 : i32
    %c0_i32_1 = arith.constant 0 : i32
    return %c0_i32, %c0_i32_0 : i32, i32
  }
  func.func @transform_3(%arg0: i32) -> (i32, i32) {
    %c0_i32 = arith.constant 0 : i32
    %c0_i32_0 = arith.constant 0 : i32
    %c0_i32_1 = arith.constant 0 : i32
    return %c0_i32, %c0_i32_0 : i32, i32
  }
  func.func @transform_4(%arg0: i32) -> (i32, i32) {
    %c0_i32 = arith.constant 0 : i32
    %c0_i32_0 = arith.constant 0 : i32
    %c0_i32_1 = arith.constant 0 : i32
    return %c0_i32, %c0_i32_0 : i32, i32
  }
  func.func @transform_5(%arg0: i32) -> (i32, i32) {
    %c0_i32 = arith.constant 0 : i32
    %c0_i32_0 = arith.constant 0 : i32
    %c0_i32_1 = arith.constant 0 : i32
    return %c0_i32, %c0_i32_0 : i32, i32
  }
  func.func @transform_6(%arg0: i32) -> (i32, i32) {
    %c0_i32 = arith.constant 0 : i32
    %c0_i32_0 = arith.constant 0 : i32
    %c0_i32_1 = arith.constant 0 : i32
    return %c0_i32, %c0_i32_0 : i32, i32
  }
  func.func @transform_7(%arg0: i32) -> (i32, i32) {
    %c0_i32 = arith.constant 0 : i32
    %c0_i32_0 = arith.constant 0 : i32
    return %arg0, %c0_i32 : i32, i32
  }
  func.func @transform_8(%arg0: i32) -> (i32, i32) {
    %c0_i32 = arith.constant 0 : i32
    %c0_i32_0 = arith.constant 0 : i32
    return %arg0, %c0_i32 : i32, i32
  }
}

</mosaic_0001>

<sc_bundles>
// kernel: kernel.10.cloned.1.call-start
scs
__scs_entry_jumppad:
0x0: {  	(pc) =	sbr.rel $0x88, $3  }
0x1: {  	(tag) =	ssettag $0x0;
	lr =	simm.s32 $0x1  }
0x2: {  	[smem:$0x3F93] =	sst lr;
	_ =	strace $0xD0000000  }
0x3: {  	_ = 	snop  }
0x4: {  	_ = 	snop  }
0x5: {  	_ = 	snop  }
0x6: {  	_ = 	snop  }
0x7: {  	_ = 	snop  }
__scs_overlays_trampoline_lowered:
0x8: {  	[smem:$0x3FA2] =	sst s0  }
0x9: {  	[smem:$0x3FA3] =	sst s1  }
0xa: {  	[smem:$0x3FA4] =	sst s2  }
0xb: {  	[smem:$0x3FA5] =	sst s3  }
0xc: {  	[smem:$0x3FA6] =	sst s4  }
0xd: {  	[smem:$0x3FA7] =	sst s5  }
0xe: {  	[smem:$0x3FA8] =	sst s6  }
0xf: {  	[smem:$0x3FA9] =	sst s7  }
0x10: {  	[smem:$0x3FAA] =	sst s8  }
0x11: {  	[smem:$0x3FAB] =	sst s9;
	s0 =	simm.s32 @!p0 $0x0  }
0x12: {  	s1 =	sld [smem:$0x3F91];
	s0 =	simm.s32 @p0 $0x1  }
0x13: {  	[smem:$0x3FAC] =	sst s0;
	s0 =	simm.s32 @!p1 $0x0  }
0x14: {  	s2 =	sld [smem:$0x3F90];
	s0 =	simm.s32 @p1 $0x1  }
0x15: {  	[smem:$0x3FAD] =	sst s0;
	s0 =	simm.s32 @!p2 $0x0  }
0x16: {  	s3 =	sld [smem:$0x3FDB];
	s0 =	simm.s32 @p2 $0x1  }
0x17: {  	s4 =	simm.s32 $0x1BF5;
	[smem:$0x3FAF] =	sst s0  }
0x18: {  	s0 =	sld [smem:$0x3F92];
	_ =	swait.ge [sflag:s4], $0x0  }
0x19: {  	s7 =	sld [smem:$0x3F93]  }
0x1a: {  	s8 =	sadd.s32 $0xFFFFE003, lr  }
0x1b: {  	s9 =	sadd.s32 $0xFFFFFEF7, lr;
	s5 =	simm.s32 $0xFFFFFFFF;
	p2 =	slt.u32 s8, $0xFFFFF086  }
0x1c: {  	p1 =	slt.u32 s9, $0xF7A;
	s5 =	simm.s32 @!p2 $0x0  }
0x1d: {  	s5 =	simm.s32 @p1 $0x1;
	p0 =	seq.s32 s7, s2  }
0x1e: {  	s7 =	smul.u32 @!p0 $0xF7A, s2;
	p2 =	seq.s32 @!p0 s5, $0x0  }
0x1f: {  	s9 =	smul.u32 $0xF7A, s1;
	s8 =	simm.s32 @!p0 $0x1BF5;
	p2 =	por !p2, p0  }
0x20: {  	[sflag:s8] =	ssyncset.s32 @!p0 $0xFFFFF086;
	s6 =	sadd.s32 @!p0 s3, s7;
	s7 =	simm.s32 @!p0 $0x108  }
0x21: {  	s3 =	sadd.s32 s3, s9;
	s6 =	sadd.s32 @!p0 $0x88, s6;
	s7 =	simm.s32 @p2 $0x1082  }
0x22: {  	[simem:s7], [sflag:s8] =	dma.local @!p0 [hbm:s6], $0xF7A  }
0x23: {  	s9 =	sor.u32 $0xD0000000, s2;
	s6 =	simm.s32 $0x108;
	_ =	swait.ge @!p0 [sflag:s8], $0x0  }
0x24: {  	s3 =	sadd.s32 $0x88, s3;
	s6 =	simm.s32 @!p1 $0x1082;
	[sflag:s4] =	ssyncset.s32 $0xFFFFF086  }
0x25: {  	[simem:s6], [sflag:s4] =	dma.local [hbm:s3], $0xF7A  }
0x26: {  	[smem:$0x3F93] =	sst s1;
	(tag) =	ssettag s2;
	_ =	strace s9  }
0x27: {  	s1 =	sld [smem:$0x3FA3]  }
0x28: {  	s2 =	sld [smem:$0x3FA4]  }
0x29: {  	s4 =	sld [smem:$0x3FA6]  }
0x2a: {  	p0 =	seq.s32 s5, $0x0;
	s5 =	sld [smem:$0x3FA7]  }
0x2b: {  	s6 =	sld [smem:$0x3FA8]  }
0x2c: {  	s7 =	sld [smem:$0x3FA9]  }
0x2d: {  	s3 =	simm.s32 $0x108;
	s8 =	sld [smem:$0x3FAA]  }
0x2e: {  	s3 =	simm.s32 @!p0 $0x1082;
	s9 =	sld [smem:$0x3FAB]  }
0x2f: {  	lr =	sadd.s32 s0, s3;
	s0 =	sld [smem:$0x3FA2]  }
0x30: {  	s3 =	sld [smem:$0x3FA5]  }
0x31: {  	[smem:$0x3FAE] =	sst s10  }
0x32: {  	s10 =	sld [smem:$0x3FAC];
	_ =	sdelay $0x3  }
0x33: {  	p0 =	seq.s32 s10, $0x1;
	s10 =	sld [smem:$0x3FAE];
	_ =	sdelay $0x3  }
0x34: {  	[smem:$0x3FAE] =	sst s10  }
0x35: {  	s10 =	sld [smem:$0x3FAD];
	_ =	sdelay $0x3  }
0x36: {  	p1 =	seq.s32 s10, $0x1;
	s10 =	sld [smem:$0x3FAE];
	_ =	sdelay $0x3  }
0x37: {  	[smem:$0x3FAE] =	sst s10  }
0x38: {  	s10 =	sld [smem:$0x3FAF]  }
0x39: {  	_ = 	snop;
	(pc) =	sbr.ind lr, $3  }
0x3a: {  	_ = 	snop  }
0x3b: {  	_ = 	snop  }
0x3c: {  	p2 =	seq.s32 s10, $0x1;
	s10 =	sld [smem:$0x3FAE]  }
0x3d: {  	_ =	shalt  }
0x3e: {  	_ =	shalt  }
0x3f: {  	_ =	shalt  }
0x40: {  	_ =	shalt  }
0x41: {  	_ =	shalt  }
0x42: {  	_ =	shalt  }
0x43: {  	_ =	shalt  }
0x44: {  	_ =	shalt  }
0x45: {  	_ =	shalt  }
0x46: {  	_ =	shalt  }
0x47: {  	_ =	shalt  }
0x48: {  	_ =	shalt  }
0x49: {  	_ =	shalt  }
0x4a: {  	_ =	shalt  }
0x4b: {  	_ =	shalt  }
0x4c: {  	_ =	shalt  }
0x4d: {  	_ =	shalt  }
0x4e: {  	_ =	shalt  }
0x4f: {  	_ =	shalt  }
0x50: {  	_ =	shalt  }
0x51: {  	_ =	shalt  }
0x52: {  	_ =	shalt  }
0x53: {  	_ =	shalt  }
0x54: {  	_ =	shalt  }
0x55: {  	_ =	shalt  }
0x56: {  	_ =	shalt  }
0x57: {  	_ =	shalt  }
0x58: {  	_ =	shalt  }
0x59: {  	_ =	shalt  }
0x5a: {  	_ =	shalt  }
0x5b: {  	_ =	shalt  }
0x5c: {  	_ =	shalt  }
0x5d: {  	_ =	shalt  }
0x5e: {  	_ =	shalt  }
0x5f: {  	_ =	shalt  }
0x60: {  	_ =	shalt  }
0x61: {  	_ =	shalt  }
0x62: {  	_ =	shalt  }
0x63: {  	_ =	shalt  }
0x64: {  	_ =	shalt  }
0x65: {  	_ =	shalt  }
0x66: {  	_ =	shalt  }
0x67: {  	_ =	shalt  }
0x68: {  	_ =	shalt  }
0x69: {  	_ =	shalt  }
0x6a: {  	_ =	shalt  }
0x6b: {  	_ =	shalt  }
0x6c: {  	_ =	shalt  }
0x6d: {  	_ =	shalt  }
0x6e: {  	_ =	shalt  }
0x6f: {  	_ =	shalt  }
0x70: {  	_ =	shalt  }
0x71: {  	_ =	shalt  }
0x72: {  	_ =	shalt  }
0x73: {  	_ =	shalt  }
0x74: {  	_ =	shalt  }
0x75: {  	_ =	shalt  }
0x76: {  	_ =	shalt  }
0x77: {  	_ =	shalt  }
0x78: {  	_ =	shalt  }
0x79: {  	_ =	shalt  }
0x7a: {  	_ =	shalt  }
0x7b: {  	_ =	shalt  }
0x7c: {  	_ =	shalt  }
0x7d: {  	_ =	shalt  }
0x7e: {  	_ =	shalt  }
0x7f: {  	_ =	shalt  }
0x80: {  	_ =	shalt  }
0x81: {  	_ =	shalt  }
0x82: {  	_ =	shalt  }
0x83: {  	_ =	shalt  }
0x84: {  	_ =	shalt  }
0x85: {  	_ =	shalt  }
0x86: {  	_ =	shalt  }
0x87: {  	_ =	shalt  }
.Lfunc_end0:
.L_simem_size_0:
called_computation.1_lowered:
.L_overlay_start_0:
0x88: {  	s2 =	sld [smem:$0x3FD9]  }
0x89: {  	s3 =	sld [smem:$0x3FFE];
	_ =	sdelay $0x1  }
0x8a: {  	s1 =	srdreg.scid  }
0x8b: {  	s0 =	sand.u32 $0x1, s1  }
0x8c: {  	s14 =	sshll.u32 s0, $0xA;
	s2 =	sadd.s32 s3, s2  }
0x8d: {  	s2 =	sadd.s32 s2, s14  }
0x8e: {  	[smem:$0x3FBA] =	sst s2  }
0x8f: {  	_ = 	snop  }
0x90: {  	s2 =	sld [smem:$0x3FD0];
	_ =	sdelay $0x2  }
0x91: {  	s15 =	simm.s32 $0xA;
	s4 =	simm.s32 $0x10  }
0x92: {  	[smem:s4], [sflag:s15] =	dma.local [hbm:s2], $0x1  }
0x93: {  	_ =	swait.eq [sflag:s15], $0x1  }
0x94: {  	[sflag:s15] =	ssyncset.done $0x0  }
0x95: {  	[sflag:s15] =	ssyncadd.s32 $0xFFFFFFFF  }
0x96: {  	s16 =	sld [smem:$0x10];
	(tm) =	ssettm $0x1  }
0x97: {  	s17 =	sld [smem:$0x3FFB];
	_ =	sdelay $0x3  }
0x98: {  	_ =	strace s17  }
0x99: {  	s3 =	sld [smem:$0x3FFC];
	_ =	sdelay $0x3  }
0x9a: {  	_ =	strace s3  }
0x9b: {  	s3 =	sld [smem:$0x3FFD];
	_ =	sdelay $0x3  }
0x9c: {  	_ =	strace s3  }
0x9d: {  	_ =	strace $0x8FFFFFFF  }
0x9e: {  	s18 =	sld [smem:$0x3FDB];
	_ =	sdelay $0x1  }
0x9f: {  	s19 =	simm.s32 $_scs_section_size  }
0xa0: {  	s5 =	simm.s32 $_size__tile_overlayer_lowered;
	s6 =	simm.s32 $_tile_overlayer_lowered  }
0xa1: {  	s22 =	simm.s32 $0x1BFF;
	s21 =	sshll.u32 s6, $0x1;
	s3 =	sadd.s32 s19, s18  }
0xa2: {  	s7 =	simm.s32 $0x0;
	s20 =	sshll.u32 s5, $0x1;
	s5 =	sadd.s32 s21, s3  }
0xa3: {  	[timem:s7], [sflag:s22] =	dma.local [hbm:s5], s20  }
0xa4: {  	_ =	swait.ge [sflag:s22], s20  }
0xa5: {  	s4 =	ssub.s32 $0x0, s20;
	[sflag:s22] =	ssyncset.done $0x0  }
0xa6: {  	[sflag:s22] =	ssyncadd.s32 s4;
	_ =	sdelay $0x1  }
0xa7: {  	s23 =	simm.s32 $0x1B8B  }
0xa8: {  	_ =	swait.ge [sflag:s23], $0x1  }
0xa9: {  	[sflag:s23] =	ssyncset.done $0x0  }
0xaa: {  	s25 =	simm.s32 $0x1B8E;
	s24 =	sld [smem:$0x3FFE];
	[sflag:s23] =	ssyncadd.s32 $0xFFFFFFFF  }
0xab: {  	s26 =	simm.s32 $execute0_lowered;
	[smem:$0x3FD2] =	sst s25  }
0xac: {  	s5 =	sshll.u32 s26, $0x1;
	_ =	strace $0x80000049;
	[dreg:$0x1] =	wrdreg $0xFFFFFFFF  }
0xad: {  	s28 =	simm.s32 $_size_execute0_lowered;
	s3 =	sadd.s32 s3, s5;
	[dreg:$0x0] =	wrdreg $0x0  }
0xae: {  	s5 =	sshll.u32 s28, $0x1;
	[dreg:$0x2] =	wrdreg s3  }
0xaf: {  	[dreg:$0x3] =	wrdreg s5  }
0xb0: {  	[dreg:$0x4] =	wrdreg $0xC0  }
0xb1: {  	_ =	task [dreg:s7], $0x5FFFF  }
0xb2: {  	[dreg:$0x1] =	wrdreg $0xFFFFFFFF  }
0xb3: {  	[dreg:$0x0] =	wrdreg $0x60  }
0xb4: {  	[dreg:$0x2] =	wrdreg s24  }
0xb5: {  	[dreg:$0x3] =	wrdreg s16  }
0xb6: {  	[dreg:$0x4] =	wrdreg $0x6FE00  }
0xb7: {  	[dreg:$0x5] =	wrdreg $0x97E00  }
0xb8: {  	[dreg:$0x6] =	wrdreg $0x9  }
0xb9: {  	_ =	task.clear_ibuf [dreg:s7], $0x7FFFF;
	_ =	strace $0x90000049  }
0xba: {  	s29 =	simm.s32 $0x9;
	_ =	strace $0x8000004B  }
0xbb: {  	_ =	swait.ge [sflag:s29], $0x1  }
0xbc: {  	[sflag:s29] =	ssyncadd.s32 $0xFFFFFFFF  }
0xbd: {  	_ =	strace $0x9000004B  }
0xbe: {  	_ =	sfence  }
0xbf: {  	s30 =	sld [smem:$0x0];
	_ =	sdelay $0x2  }
0xc0: {  	s31 =	sshll.u32 s1, $0xD;
	s1 =	sshrl.u32 s1, $0x2  }
0xc1: {  	s3 =	sand.u32 $0x4000, s31;
	s1 =	sadd.s32 s1, s30  }
0xc2: {  	s0 =	sor.u32 s3, s0;
	s1 =	sshll.u32 s1, $0x11  }
0xc3: {  	s0 =	sor.u32 s1, s0  }
0xc4: {  	s0 =	sadd.s32 $0x8F2B, s0  }
0xc5: {  	[sflag:s0] =	ssyncadd.remote.s32 $0x1  }
0xc6: {  	_ =	sfence.sel $0xFFFF  }
0xc7: {  	[dreg:$0x0] =	wrdreg $0xFFFFFFFF;
	(pc) =	sbr.abs _section_cstart, $3  }
0xc8: {  	[dreg:$0x1] =	wrdreg $0xFFFFFFFF  }
0xc9: {  	_ =	task.clear_ibuf [dreg:s7], $0x2FFFF;
	_ =	strace $0x9FFFFFFF  }
0xca: {  	(tm) =	ssettm $0x7FFFFFFF  }
0xcb: {  	_ =	shalt  }
tec
execute0_lowered:
.L_overlay_start_1:
0x0: {  	(tag) =	ssettag $0x1  }
0x1: {  	s0 =	rddreg [dreg:$0x0]  }
0x2: {  	s13 =	rddreg [dreg:$0x2];
	s14 =	stileid.u32  }
0x3: {  	s15 =	rddreg [dreg:$0x3];
	s5 =	simm.s32 $0x0;
	s2 =	smul.u32 $0x2800, s14  }
0x4: {  	s1 =	srdreg.scid;
	s28 =	simm.s32 $0x42E0;
	s10 =	smul.u32 $0x14000, s14  }
0x5: {  	s29 =	simm.s32 $0x50;
	[smem:$0x7FF] =	sst s5;
	s19 =	smul.u32 $0x500, s14  }
0x6: {  	s1 =	sand.u32 $0x1, s1;
	s6 =	sadd.s32 $0x16C00, s0;
	s21 =	smul.u32 $0x50000, s14  }
0x7: {  	s7 =	sadd.s32 $0xCE00, s0;
	s8 =	sadd.s32 $0x7E00, s0;
	s22 =	smul.u32 $0xA000, s14  }
0x8: {  	s9 =	sadd.s32 $0x2E00, s0;
	s16 =	sadd.s32 $0x48A00, s0;
	s3 =	smul.u32 $0x28000, s1  }
0x9: {  	_ =	strace $0x8000004A;
	s4 =	smul.u32 $0x140000, s1;
	s11 =	sshll.u32 s1, $0x4  }
0xa: {  	s1 =	ssub.s32 $0x2, s1;
	[dreg:$0x5] =	wrdreg s16;
	s12 =	sadd.s32 s2, s0  }
0xb: {  	s30 =	sor.u32 s14, s11;
	s19 =	sadd.s32 s19, s16;
	s25 =	sshrl.u32 s21, $0x2  }
0xc: {  	s26 =	sshrl.u32 s22, $0x2;
	s21 =	simm.s32 $0xA0;
	s14 =	simm.s32 $0xF0  }
0xd: {  	s22 =	simm.s32 $0x5;
	s2 =	sadd.s32 s2, s3;
	s4 =	sadd.s32 s10, s4  }
0xe: {  	s11 =	smul.u32 $0x2710, s30;
	s10 =	sshrl.u32 s1, $0x1;
	s24 =	sadd.s32 $0x20A00, s12  }
0xf: {  	s31 =	sadd.s32 s25, s15;
	s30 =	sadd.s32 s26, s13;
	s25 =	simm.s32 $0x9  }
0x10: {  	s26 =	simm.s32 $0xFF0;
	s12 =	simm.s32 $0x1;
	s13 =	simm.s32 $0x2  }
0x11: {  	s15 =	simm.s32 $0x38E0;
	s3 =	simm.s32 $0x0;
	s2 =	sshrl.u32 s2, $0x3  }
0x12: {  	s4 =	sshrl.u32 s4, $0x3;
	s1 =	ssub.s32 s1, s10;
	[dreg:$0xc] =	wrdreg s24  }
0x13: {  	[dreg:$0xe] =	wrdreg s30;
	s24 =	simm.s32 $0xAF0;
	s10 =	simm.s32 $0x3DE0  }
0x14: {  	[dreg:$0xd] =	wrdreg s31;
	s2 =	sadd.s32 s2, s0;
	s23 =	sadd.s32 $0xA0, s11  }
0x15: {  	s17 =	sshrl.u32 s11, $0x3;
	s1 =	smax.u32 s1, $0x1;
	[dreg:$0xa] =	wrdreg s23  }
0x16: {  	s0 =	sadd.s32 s4, s0;
	s18 =	sadd.s32 s6, s17;
	[dreg:$0xb] =	wrdreg s1  }
0x17: {  	s20 =	sadd.s32 s7, s17;
	s4 =	sadd.s32 $0xA, s17;
	[dreg:$0x6] =	wrdreg s18  }
0x18: {  	s0 =	sadd.s32 $0x57A00, s0;
	s23 =	sadd.s32 $0x4DA00, s2;
	[dreg:$0x7] =	wrdreg s20  }
0x19: {  	v1 =	vlaneseq.u32;
	s1 =	simm.s32 $0x7;
	s17 =	sadd.s32 s6, s4;
	[dreg:$0xf] =	wrdreg s0  }
0x1a: {  	v0 =	vshrl.u32 v1, $0x3;
	s2 =	simm.s32 $0x8;
	s4 =	sadd.s32 s7, s4;
	[dreg:$0x8] =	wrdreg s17  }
0x1b: {  	v1 =	vand.u32 $0x7, v1;
	v0 =	vmul.u32 $0x10, v0;
	s20 =	simm.s32 $0x6;
	[dreg:$0x9] =	wrdreg s4;
	s17 =	simm.s32 $0x5F0  }
.LBB2_1:
0x1c: {  	[dreg:$0x10] =	wrdreg s3;
	s0 =	sadd.s32 $0x0, s19  }
0x1d: {  	[tilespmem:s24], [sflag:$0x9] =	stream.linear.gather [hbm4b:s0+s5], $0x500, $0x38;
	[tilespmem:$0x1D7E0] =	vst v63  }
0x1e: {  	_ =	swait.ge [sflag:s25], $0x500  }
0x1f: {  	[sflag:s25] =	ssyncset.done $0x0  }
0x20: {  	s4 =	rddreg [dreg:$0xe];
	[sflag:s25] =	ssyncadd.s32 $0xFFFFFB00  }
0x21: {  	[spmem:s4] =	stream.linear.scatter [tilespmem:s24], [sflag:$0x9], $0x500, $0x38;
	[tilespmem:$0x1D7E0] =	vst v63  }
0x22: {  	_ =	swait.ge [sflag:s25], $0x500  }
0x23: {  	[sflag:s25] =	ssyncset.done $0x0  }
0x24: {  	s30 =	rddreg [dreg:$0xc];
	[sflag:s25] =	ssyncadd.s32 $0xFFFFFB00  }
0x25: {  	[tilespmem:s26], [sflag:$0x9] =	stream.linear.gather [hbm4b:s30+s5], $0x2800, $0x38;
	[tilespmem:$0x1D7E0] =	vst v63  }
0x26: {  	_ =	swait.ge [sflag:s25], $0x2800  }
0x27: {  	[sflag:s25] =	ssyncset.done $0x0  }
0x28: {  	s16 =	simm.s32 $0xA0;
	[sflag:s25] =	ssyncadd.s32 $0xFFFFD800  }
0x29: {  	[spmem:s31] =	stream.linear.scatter [tilespmem:s26], [sflag:$0x9], $0x2800, $0x38;
	[tilespmem:$0x1D7E0] =	vst v63  }
0x2a: {  	s18 =	simm.s32 $0x140;
	s0 =	sadd.s32 $0x2800, s31;
	_ =	swait.ge [sflag:s25], $0x2800  }
0x2b: {  	s4 =	sadd.s32 $0x500, s4;
	s3 =	sadd.s32 $0x500, s30;
	[sflag:s25] =	ssyncset.done $0x0  }
.LBB2_2:
0x2c: {  	s31 =	sadd.s32 s16, s19  }
0x2d: {  	[sflag:s25] =	ssyncadd.s32 $0xFFFFD800;
	s16 =	smov.u32 s18;
	s30 =	sadd.s32 $0xA0, s18  }
0x2e: {  	[tilespmem:s24], [sflag:$0x9] =	stream.linear.gather [hbm4b:s31+s5], $0x500, $0x38;
	[tilespmem:$0x1D7E0] =	vst v63  }
0x2f: {  	p0 =	sne.s32 s18, $0x460;
	_ =	swait.ge [sflag:s25], $0x500  }
0x30: {  	[sflag:s25] =	ssyncset.done $0x0  }
0x31: {  	[sflag:s25] =	ssyncadd.s32 $0xFFFFFB00  }
0x32: {  	[spmem:s4] =	stream.linear.scatter [tilespmem:s24], [sflag:$0x9], $0x500, $0x38;
	[tilespmem:$0x1D7E0] =	vst v63  }
0x33: {  	_ =	swait.ge [sflag:s25], $0x500  }
0x34: {  	[sflag:s25] =	ssyncset.done $0x0  }
0x35: {  	[sflag:s25] =	ssyncadd.s32 $0xFFFFFB00  }
0x36: {  	[tilespmem:s26], [sflag:$0x9] =	stream.linear.gather [hbm4b:s3+s5], $0x2800, $0x38;
	[tilespmem:$0x1D7E0] =	vst v63  }
0x37: {  	_ =	swait.ge [sflag:s25], $0x2800  }
.Ltmp0:
0x38: {  	[sflag:s25] =	ssyncset.done $0x0;
	(pc) =	sbr.rel @p0 .LBB2_2-.Ltmp0, $4  }
0x39: {  	[sflag:s25] =	ssyncadd.s32 $0xFFFFD800  }
0x3a: {  	[spmem:s0] =	stream.linear.scatter [tilespmem:s26], [sflag:$0x9], $0x2800, $0x38;
	[tilespmem:$0x1D7E0] =	vst v63  }
0x3b: {  	s18 =	smov.u32 s30;
	s4 =	sadd.s32 $0x500, s4;
	_ =	swait.ge [sflag:s25], $0x2800  }
0x3c: {  	s3 =	sadd.s32 $0x500, s3;
	s0 =	sadd.s32 $0x2800, s0;
	[sflag:s25] =	ssyncset.done $0x0  }
0x3d: {  	s16 =	sadd.s32 s16, s19;
	[sflag:s25] =	ssyncadd.s32 $0xFFFFD800  }
0x3e: {  	[tilespmem:s24], [sflag:$0x9] =	stream.linear.gather [hbm4b:s16+s5], $0x500, $0x38;
	[tilespmem:$0x1D7E0] =	vst v63  }
0x3f: {  	_ =	swait.ge [sflag:s25], $0x500  }
0x40: {  	[sflag:s25] =	ssyncset.done $0x0  }
0x41: {  	[sflag:s25] =	ssyncadd.s32 $0xFFFFFB00  }
0x42: {  	[spmem:s4] =	stream.linear.scatter [tilespmem:s24], [sflag:$0x9], $0x500, $0x38;
	[tilespmem:$0x1D7E0] =	vst v63  }
0x43: {  	_ =	swait.ge [sflag:s25], $0x500  }
0x44: {  	[sflag:s25] =	ssyncset.done $0x0  }
0x45: {  	[sflag:s25] =	ssyncadd.s32 $0xFFFFFB00  }
0x46: {  	[tilespmem:s26], [sflag:$0x9] =	stream.linear.gather [hbm4b:s3+s5], $0x2800, $0x38;
	[tilespmem:$0x1D7E0] =	vst v63  }
0x47: {  	_ =	swait.ge [sflag:s25], $0x2800  }
0x48: {  	[sflag:s25] =	ssyncset.done $0x0  }
0x49: {  	[sflag:s25] =	ssyncadd.s32 $0xFFFFD800  }
0x4a: {  	[spmem:s0] =	stream.linear.scatter [tilespmem:s26], [sflag:$0x9], $0x2800, $0x38;
	[tilespmem:$0x1D7E0] =	vst v63  }
0x4b: {  	_ =	swait.ge [sflag:s25], $0x2800  }
0x4c: {  	[sflag:s25] =	ssyncset.done $0x0  }
0x4d: {  	s4 =	simm.s32 $0x0;
	s16 =	rddreg [dreg:$0x5];
	[sflag:s25] =	ssyncadd.s32 $0xFFFFD800  }
0x4e: {  	[tilespmem:s24], [sflag:$0x9] =	stream.linear.gather [hbm4b:s16+s4], $0x500, $0x38;
	[tilespmem:$0x1D7E0] =	vst v63  }
0x4f: {  	_ =	swait.ge [sflag:s25], $0x500  }
0x50: {  	[sflag:s25] =	ssyncset.done $0x0  }
0x51: {  	[sflag:s25] =	ssyncadd.s32 $0xFFFFFB00  }
0x52: {  	[tilespmem:s28], [sflag:$0x9] =	stream.linear.gather [hbm4b:s16+s4], $0x500, $0x38;
	[tilespmem:$0x1D7E0] =	vst v63  }
0x53: {  	_ =	swait.ge [sflag:s25], $0x500  }
0x54: {  	[sflag:s25] =	ssyncset.done $0x0  }
0x55: {  	[sflag:s25] =	ssyncadd.s32 $0xFFFFFB00  }
0x56: {  	[bflag:$0x0] =	sbarrier.arrive $0xFFFF  }
0x57: {  	s18 =	rddreg [dreg:$0x6]  }
0x58: {  	[tilespmem:s4], [sflag:$0x1] =	stream.linear.gather [hbm4b:s18+s4], $0x50, $0x38;
	[tilespmem:$0x1D7E0] =	vst v63  }
0x59: {  	s30 =	rddreg [dreg:$0x7]  }
0x5a: {  	[tilespmem:s29], [sflag:$0x1] =	stream.linear.gather [hbm4b:s30+s4], $0x50, $0x38;
	[tilespmem:$0x1D7E0] =	vst v63  }
0x5b: {  	_ = 	snop  }
0x5c: {  	[tilespmem:s21], [sflag:$0x3] =	stream.linear.gather [hbm4b:s30+s4], $0x50, $0x38;
	[tilespmem:$0x1D7E0] =	vst v63  }
0x5d: {  	s3 =	simm.s32 $0x37F0;
	s31 =	rddreg [dreg:$0x8]  }
0x5e: {  	[tilespmem:s3], [sflag:$0x2] =	stream.linear.gather [hbm4b:s31+s4], $0x50, $0x38;
	[tilespmem:$0x1D7E0] =	vst v63  }
0x5f: {  	s16 =	rddreg [dreg:$0x9];
	s21 =	simm.s32 $0x3840  }
0x60: {  	[tilespmem:s21], [sflag:$0x2] =	stream.linear.gather [hbm4b:s16+s4], $0x50, $0x38;
	[tilespmem:$0x1D7E0] =	vst v63  }
0x61: {  	s18 =	simm.s32 $0x3890  }
0x62: {  	[tilespmem:s18], [sflag:$0x4] =	stream.linear.gather [hbm4b:s16+s4], $0x50, $0x38;
	[tilespmem:$0x1D7E0] =	vst v63  }
0x63: {  	_ =	swait.ge [sflag:s12], $0x50  }
0x64: {  	[sflag:s12] =	ssyncset.done $0x0  }
0x65: {  	[sflag:s12] =	ssyncadd.s32 $0xFFFFFFB0  }
0x66: {  	_ =	swait.ge [sflag:s12], $0x50  }
0x67: {  	[sflag:s12] =	ssyncset.done $0x0  }
0x68: {  	[sflag:s12] =	ssyncadd.s32 $0xFFFFFFB0  }
0x69: {  	[tilespmem:s14], [sflag:$0x5] =	stream.indirect.gather [hbm4b:s8+s29], $0x10, s4, s29, $0xb8;
	[tilespmem:$0x1D7E0] =	vst v63  }
0x6a: {  	_ = 	snop  }
0x6b: {  	[tilespmem:s17], [sflag:$0x5] =	stream.indirect.gather [hbm4b:s9+s29], $0x10, s29, s29, $0xb8;
	[tilespmem:$0x1D7E0] =	vst v63  }
0x6c: {  	s30 =	rddreg [dreg:$0x1]  }
0x6d: {  	[tilespmem:s26], [sflag:$0x5] =	stream.indirect.gather [hbm4b:s30+s29], $0x80, s4, s29, $0xb8;
	[tilespmem:$0x1D7E0] =	vst v63  }
0x6e: {  	_ =	swait.ge [sflag:s13], $0x50  }
0x6f: {  	[sflag:s13] =	ssyncset.done $0x0  }
0x70: {  	[sflag:s13] =	ssyncadd.s32 $0xFFFFFFB0  }
0x71: {  	_ =	swait.ge [sflag:s13], $0x50  }
0x72: {  	[sflag:s13] =	ssyncset.done $0x0  }
0x73: {  	[sflag:s13] =	ssyncadd.s32 $0xFFFFFFB0  }
0x74: {  	[tilespmem:s15], [sflag:$0x6] =	stream.indirect.gather [hbm4b:s8+s29], $0x10, s3, s29, $0xb8;
	[tilespmem:$0x1D7E0] =	vst v63  }
0x75: {  	_ = 	snop  }
0x76: {  	[tilespmem:s10], [sflag:$0x6] =	stream.indirect.gather [hbm4b:s9+s29], $0x10, s21, s29, $0xb8;
	[tilespmem:$0x1D7E0] =	vst v63  }
0x77: {  	s31 =	simm.s32 $0x47E0  }
0x78: {  	[tilespmem:s31], [sflag:$0x6] =	stream.indirect.gather [hbm4b:s30+s29], $0x80, s3, s29, $0xb8;
	[tilespmem:$0x1D7E0] =	vst v63  }
.LBB2_4:
0x79: {  	_ =	swait.ge [sflag:s22], $0x500  }
0x7a: {  	[sflag:s22] =	ssyncset.done $0x0  }
0x7b: {  	[sflag:s22] =	ssyncadd.s32 $0xFFFFFB00  }
0x7c: {  	_ =	swait.ge [sflag:s22], $0x500  }
0x7d: {  	[sflag:s22] =	ssyncset.done $0x0  }
0x7e: {  	s0 =	simm.s32 $0x0;
	[sflag:s22] =	ssyncadd.s32 $0xFFFFFB00  }
0x7f: {  	s3 =	smul.u32 $0xA0, s4;
	v2 =	vmov s0;
	_ =	swait.ge [sflag:s22], $0x2800  }
0x80: {  	v2 =	vshll.u32 v2, $0x4;
	s21 =	rddreg [dreg:$0xa]  }
0x81: {  	v2 =	vor.u32 v0, v2;
	s0 =	sadd.s32 s3, s21  }
0x82: {  	v2 =	vor.u32 v1, v2;
	[sflag:s22] =	ssyncset.done $0x0;
	s0 =	sshrl.u32 s0, $0x3  }
0x83: {  	[sflag:s22] =	ssyncadd.s32 $0xFFFFD800;
	s30 =	sadd.s32 s6, s0  }
0x84: {  	[tilespmem:s5], [sflag:$0x1] =	stream.linear.gather [hbm4b:s30+s5], $0x50, $0x38;
	[tilespmem:$0x1D7E0] =	vst v63  }
0x85: {  	s16 =	sadd.s32 s7, s0  }
0x86: {  	[tilespmem:s29], [sflag:$0x1] =	stream.linear.gather [hbm4b:s16+s5], $0x50, $0x38;
	[tilespmem:$0x1D7E0] =	vst v63  }
0x87: {  	v3 =	vld.idx.msk [tilespmem:v2+s14+$0x0], $0xffff  }
0x88: {  	v4 =	vld.idx.msk [tilespmem:v2+s17+$0x0], $0xffff;
	_ =	sdelay $0x4  }
0x89: {  	v3 =	vadd.f32 v4, v3;
	_ =	sdelay $0x1  }
0x8a: {  	v4 =	vmul.f32 $2.000000030e-01, v3  }
0x8b: {  	vm0 =	vgt.f32 v3, $0.0e+00  }
0x8c: {  	v3 =	vsel vm0, v3, v4  }
0x8d: {  	v3 =	vmul.f32 $1.442695020e+00, v3;
	_ =	sdelay $0x1  }
0x8e: {  	(erf) = vpow2.f32 v3;
	_ =	sdelay $0x1  }
0x8f: {  	s3 =	simm.s32 $0x2  }
0x90: {  	v3 =	vmov s3  }
0x91: {  	v3 =	vshll.u32 v3, $0x4  }
0x92: {  	v3 =	vor.u32 v0, v3  }
0x93: {  	v3 =	vor.u32 v1, v3;
	_ =	sdelay $0x2  }
0x94: {  	v4 =	vpop (erf)  }
0x95: {  	[tilespmem:v2+s24+$0x0] =	vst.idx.msk $0xffff, v4  }
0x96: {  	v2 =	vld.idx.msk [tilespmem:v3+s14+$0x0], $0xffff  }
0x97: {  	v4 =	vld.idx.msk [tilespmem:v3+s17+$0x0], $0xffff;
	_ =	sdelay $0x4  }
0x98: {  	v2 =	vadd.f32 v4, v2;
	_ =	sdelay $0x1  }
0x99: {  	v4 =	vmul.f32 $2.000000030e-01, v2  }
0x9a: {  	vm13 =	vgt.f32 v2, $0.0e+00  }
0x9b: {  	v2 =	vsel vm13, v2, v4  }
0x9c: {  	v2 =	vmul.f32 $1.442695020e+00, v2;
	_ =	sdelay $0x1  }
0x9d: {  	(erf) = vpow2.f32 v2;
	_ =	sdelay $0x1  }
0x9e: {  	s18 =	simm.s32 $0x4  }
0x9f: {  	v2 =	vmov s18  }
0xa0: {  	v2 =	vshll.u32 v2, $0x4  }
0xa1: {  	v2 =	vor.u32 v0, v2  }
0xa2: {  	v4 =	vor.u32 v1, v2;
	_ =	sdelay $0x2  }
0xa3: {  	v2 =	vpop (erf)  }
0xa4: {  	[tilespmem:v3+s24+$0x0] =	vst.idx.msk $0xffff, v2  }
0xa5: {  	v2 =	vld.idx.msk [tilespmem:v4+s14+$0x0], $0xffff  }
0xa6: {  	v3 =	vld.idx.msk [tilespmem:v4+s17+$0x0], $0xffff;
	_ =	sdelay $0x4  }
0xa7: {  	v2 =	vadd.f32 v3, v2;
	_ =	sdelay $0x1  }
0xa8: {  	v3 =	vmul.f32 $2.000000030e-01, v2  }
0xa9: {  	vm14 =	vgt.f32 v2, $0.0e+00  }
0xaa: {  	v2 =	vsel vm14, v2, v3  }
0xab: {  	v2 =	vmul.f32 $1.442695020e+00, v2;
	_ =	sdelay $0x1  }
0xac: {  	(erf) = vpow2.f32 v2;
	_ =	sdelay $0x1  }
0xad: {  	s21 =	simm.s32 $0x6  }
0xae: {  	v2 =	vmov s21  }
0xaf: {  	v2 =	vshll.u32 v2, $0x4  }
0xb0: {  	v2 =	vor.u32 v0, v2  }
0xb1: {  	v2 =	vor.u32 v1, v2;
	_ =	sdelay $0x2  }
0xb2: {  	v3 =	vpop (erf)  }
0xb3: {  	[tilespmem:v4+s24+$0x0] =	vst.idx.msk $0xffff, v3  }
0xb4: {  	v3 =	vld.idx.msk [tilespmem:v2+s14+$0x0], $0xffff  }
0xb5: {  	v4 =	vld.idx.msk [tilespmem:v2+s17+$0x0], $0xffff;
	_ =	sdelay $0x4  }
0xb6: {  	v3 =	vadd.f32 v4, v3;
	_ =	sdelay $0x1  }
0xb7: {  	v4 =	vmul.f32 $2.000000030e-01, v3  }
0xb8: {  	vm15 =	vgt.f32 v3, $0.0e+00  }
0xb9: {  	v3 =	vsel vm15, v3, v4  }
0xba: {  	v3 =	vmul.f32 $1.442695020e+00, v3;
	_ =	sdelay $0x1  }
0xbb: {  	(erf) = vpow2.f32 v3;
	_ =	sdelay $0x1  }
0xbc: {  	s30 =	simm.s32 $0x8  }
0xbd: {  	v4 =	vmov s30  }
0xbe: {  	v4 =	vshll.u32 v4, $0x4  }
0xbf: {  	s31 =	simm.s32 $0xE;
	s3 =	simm.s32 $0x4;
	v3 =	vor.u32 v0, v4  }
.LBB2_5:
0xc0: {  	s3 =	sadd.s32 $0x4, s3;
	v3 =	vor.u32 v1, v3;
	s18 =	simm.s32 $0x1070  }
0xc1: {  	p0 =	slt.u32 s3, $0x24;
	_ =	sdelay $0x1  }
0xc2: {  	v4 =	vpop (erf)  }
0xc3: {  	[tilespmem:v2+s24+$0x0] =	vst.idx.msk $0xffff, v4  }
0xc4: {  	v2 =	vld.idx.msk [tilespmem:v3+s14+$0x0], $0xffff  }
0xc5: {  	v4 =	vld.idx.msk [tilespmem:v3+s17+$0x0], $0xffff;
	_ =	sdelay $0x5  }
0xc6: {  	v2 =	vadd.f32 v4, v2;
	_ =	sdelay $0x1  }
0xc7: {  	vm0 =	vgt.f32 v2, $0.0e+00;
	v4 =	vmul.f32 $2.000000030e-01, v2;
	_ =	sdelay $0x1  }
0xc8: {  	v2 =	vsel vm0, v2, v4  }
0xc9: {  	v2 =	vmul.f32 $1.442695020e+00, v2;
	_ =	sdelay $0x1  }
0xca: {  	(erf) = vpow2.f32 v2;
	_ =	sdelay $0x1  }
0xcb: {  	s0 =	sadd.s32 $0xFFFFFFFC, s31  }
0xcc: {  	v2 =	vmov s0  }
0xcd: {  	v2 =	vshll.u32 v2, $0x4  }
0xce: {  	v2 =	vor.u32 v0, v2  }
0xcf: {  	v2 =	vor.u32 v1, v2;
	_ =	sdelay $0x2  }
0xd0: {  	v4 =	vpop (erf)  }
0xd1: {  	[tilespmem:v3+s24+$0x0] =	vst.idx.msk $0xffff, v4  }
0xd2: {  	v3 =	vld.idx.msk [tilespmem:v2+s14+$0x0], $0xffff  }
0xd3: {  	v4 =	vld.idx.msk [tilespmem:v2+s17+$0x0], $0xffff;
	_ =	sdelay $0x5  }
0xd4: {  	v3 =	vadd.f32 v4, v3;
	_ =	sdelay $0x1  }
0xd5: {  	vm0 =	vgt.f32 v3, $0.0e+00;
	v4 =	vmul.f32 $2.000000030e-01, v3;
	_ =	sdelay $0x1  }
0xd6: {  	v3 =	vsel vm0, v3, v4  }
0xd7: {  	v3 =	vmul.f32 $1.442695020e+00, v3;
	_ =	sdelay $0x1  }
0xd8: {  	(erf) = vpow2.f32 v3;
	_ =	sdelay $0x1  }
0xd9: {  	s0 =	sadd.s32 $0xFFFFFFFE, s31  }
0xda: {  	v3 =	vmov s0  }
0xdb: {  	v3 =	vshll.u32 v3, $0x4  }
0xdc: {  	v3 =	vor.u32 v0, v3  }
0xdd: {  	v3 =	vor.u32 v1, v3;
	_ =	sdelay $0x2  }
0xde: {  	v4 =	vpop (erf)  }
0xdf: {  	[tilespmem:v2+s24+$0x0] =	vst.idx.msk $0xffff, v4  }
0xe0: {  	v2 =	vld.idx.msk [tilespmem:v3+s14+$0x0], $0xffff  }
0xe1: {  	v4 =	vld.idx.msk [tilespmem:v3+s17+$0x0], $0xffff;
	_ =	sdelay $0x5  }
0xe2: {  	v2 =	vadd.f32 v4, v2;
	_ =	sdelay $0x1  }
0xe3: {  	vm0 =	vgt.f32 v2, $0.0e+00;
	v4 =	vmul.f32 $2.000000030e-01, v2;
	_ =	sdelay $0x1  }
0xe4: {  	v2 =	vsel vm0, v2, v4  }
0xe5: {  	v2 =	vmul.f32 $1.442695020e+00, v2;
	_ =	sdelay $0x1  }
0xe6: {  	(erf) = vpow2.f32 v2;
	_ =	sdelay $0x2  }
0xe7: {  	v2 =	vmov s31  }
0xe8: {  	v2 =	vshll.u32 v2, $0x4  }
0xe9: {  	v2 =	vor.u32 v0, v2  }
0xea: {  	v2 =	vor.u32 v1, v2;
	_ =	sdelay $0x2  }
0xeb: {  	v4 =	vpop (erf)  }
0xec: {  	[tilespmem:v3+s24+$0x0] =	vst.idx.msk $0xffff, v4  }
0xed: {  	v3 =	vld.idx.msk [tilespmem:v2+s14+$0x0], $0xffff  }
0xee: {  	v4 =	vld.idx.msk [tilespmem:v2+s17+$0x0], $0xffff;
	_ =	sdelay $0x5  }
0xef: {  	v3 =	vadd.f32 v4, v3;
	_ =	sdelay $0x1  }
0xf0: {  	vm0 =	vgt.f32 v3, $0.0e+00;
	v4 =	vmul.f32 $2.000000030e-01, v3;
	_ =	sdelay $0x1  }
0xf1: {  	v3 =	vsel vm0, v3, v4  }
0xf2: {  	v3 =	vmul.f32 $1.442695020e+00, v3;
	_ =	sdelay $0x1  }
0xf3: {  	(erf) = vpow2.f32 v3  }
.Ltmp1:
0xf4: {  	s31 =	sadd.s32 $0x8, s31;
	(pc) =	sbr.rel @p0 .LBB2_5-.Ltmp1, $4  }
0xf5: {  	s0 =	sadd.s32 $0xFFFFFFFA, s31  }
0xf6: {  	v3 =	vmov s0  }
0xf7: {  	v3 =	vshll.u32 v3, $0x4  }
0xf8: {  	v3 =	vor.u32 v0, v3  }
0xf9: {  	v3 =	vor.u32 v1, v3;
	_ =	sdelay $0x2  }
0xfa: {  	v4 =	vpop (erf)  }
0xfb: {  	[tilespmem:v2+s24+$0x0] =	vst.idx.msk $0xffff, v4  }
0xfc: {  	v2 =	vld.idx.msk [tilespmem:v3+s14+$0x0], $0xffff  }
0xfd: {  	v4 =	vld.idx.msk [tilespmem:v3+s17+$0x0], $0xffff;
	_ =	sdelay $0x4  }
0xfe: {  	v2 =	vadd.f32 v4, v2;
	_ =	sdelay $0x1  }
0xff: {  	v4 =	vmul.f32 $2.000000030e-01, v2  }
0x100: {  	vm0 =	vgt.f32 v2, $0.0e+00  }
0x101: {  	v2 =	vsel vm0, v2, v4  }
0x102: {  	v2 =	vmul.f32 $1.442695020e+00, v2;
	_ =	sdelay $0x1  }
0x103: {  	(erf) = vpow2.f32 v2;
	_ =	sdelay $0x1  }
0x104: {  	s0 =	sadd.s32 $0xFFFFFFFC, s31  }
0x105: {  	v2 =	vmov s0  }
0x106: {  	v2 =	vshll.u32 v2, $0x4  }
0x107: {  	v2 =	vor.u32 v0, v2  }
0x108: {  	v2 =	vor.u32 v1, v2;
	_ =	sdelay $0x2  }
0x109: {  	v4 =	vpop (erf)  }
0x10a: {  	[tilespmem:v3+s24+$0x0] =	vst.idx.msk $0xffff, v4  }
0x10b: {  	v3 =	vld.idx.msk [tilespmem:v2+s14+$0x0], $0xffff  }
0x10c: {  	v4 =	vld.idx.msk [tilespmem:v2+s17+$0x0], $0xffff;
	_ =	sdelay $0x4  }
0x10d: {  	v3 =	vadd.f32 v4, v3;
	_ =	sdelay $0x1  }
0x10e: {  	v4 =	vmul.f32 $2.000000030e-01, v3  }
0x10f: {  	vm13 =	vgt.f32 v3, $0.0e+00  }
0x110: {  	v3 =	vsel vm13, v3, v4  }
0x111: {  	v3 =	vmul.f32 $1.442695020e+00, v3;
	_ =	sdelay $0x1  }
0x112: {  	(erf) = vpow2.f32 v3;
	_ =	sdelay $0x1  }
0x113: {  	s21 =	sadd.s32 $0xFFFFFFFE, s31  }
0x114: {  	v3 =	vmov s21  }
0x115: {  	v3 =	vshll.u32 v3, $0x4  }
0x116: {  	v3 =	vor.u32 v0, v3  }
0x117: {  	v3 =	vor.u32 v1, v3;
	_ =	sdelay $0x2  }
0x118: {  	v4 =	vpop (erf)  }
0x119: {  	[tilespmem:v2+s24+$0x0] =	vst.idx.msk $0xffff, v4  }
0x11a: {  	v2 =	vld.idx.msk [tilespmem:v3+s14+$0x0], $0xffff  }
0x11b: {  	v4 =	vld.idx.msk [tilespmem:v3+s17+$0x0], $0xffff;
	_ =	sdelay $0x4  }
0x11c: {  	v2 =	vadd.f32 v4, v2;
	_ =	sdelay $0x1  }
0x11d: {  	v4 =	vmul.f32 $2.000000030e-01, v2  }
0x11e: {  	vm14 =	vgt.f32 v2, $0.0e+00  }
0x11f: {  	v2 =	vsel vm14, v2, v4  }
0x120: {  	v2 =	vmul.f32 $1.442695020e+00, v2;
	_ =	sdelay $0x1  }
0x121: {  	(erf) = vpow2.f32 v2;
	_ =	sdelay $0x2  }
0x122: {  	v2 =	vmov s31  }
0x123: {  	v2 =	vshll.u32 v2, $0x4  }
0x124: {  	v2 =	vor.u32 v0, v2  }
0x125: {  	v2 =	vor.u32 v1, v2;
	_ =	sdelay $0x2  }
0x126: {  	v4 =	vpop (erf)  }
0x127: {  	[tilespmem:v3+s24+$0x0] =	vst.idx.msk $0xffff, v4  }
0x128: {  	v3 =	vld.idx.msk [tilespmem:v2+s14+$0x0], $0xffff  }
0x129: {  	v4 =	vld.idx.msk [tilespmem:v2+s17+$0x0], $0xffff;
	_ =	sdelay $0x4  }
0x12a: {  	v3 =	vadd.f32 v4, v3;
	_ =	sdelay $0x1  }
0x12b: {  	v4 =	vmul.f32 $2.000000030e-01, v3  }
0x12c: {  	vm15 =	vgt.f32 v3, $0.0e+00  }
0x12d: {  	v3 =	vsel vm15, v3, v4  }
0x12e: {  	v3 =	vmul.f32 $1.442695020e+00, v3;
	_ =	sdelay $0x1  }
0x12f: {  	(erf) = vpow2.f32 v3;
	_ =	sdelay $0x8  }
0x130: {  	s30 =	simm.s32 $0x0;
	v3 =	vpop (erf)  }
0x131: {  	[tilespmem:v2+s24+$0x0] =	vst.idx.msk $0xffff, v3;
	v3 =	vmov s30;
	_ =	sdelay $0x3  }
0x132: {  	v6 =	vld [tilespmem:s18+$0xFFFFFFF0]  }
0x133: {  	v7 =	vld.idx.msk [tilespmem:v3+s24+$0x0], $0xffff  }
0x134: {  	v8 =	vld [tilespmem:s18+$0xFFFFFF80]  }
0x135: {  	v9 =	vld [tilespmem:s18+$0xFFFFFFA0]  }
0x136: {  	v5 =	vld [tilespmem:s18+$0xFFFFFFB0]  }
0x137: {  	v4 =	vld [tilespmem:s18+$0xFFFFFFD0]  }
0x138: {  	v11 =	vld [tilespmem:s18+$0xFFFFFF90];
	v6 =	vmul.f32 v6, v7  }
0x139: {  	v10 =	vld [tilespmem:s18+$0xFFFFFFE0];
	v8 =	vmul.f32 v8, v7  }
0x13a: {  	v12 =	vld [tilespmem:s18+$0xFFFFFFC0];
	v9 =	vmul.f32 v9, v7;
	[tilespmem:s18+$0xFFFFFFF0] =	vst v6  }
0x13b: {  	v5 =	vmul.f32 v5, v7;
	[tilespmem:s18+$0xFFFFFF80] =	vst v8  }
0x13c: {  	s31 =	simm.s32 $0x10;
	v4 =	vmul.f32 v4, v7;
	[tilespmem:s18+$0xFFFFFFA0] =	vst v9  }
0x13d: {  	v6 =	vmul.f32 v11, v7;
	[tilespmem:s18+$0xFFFFFFB0] =	vst v5;
	v8 =	vmov s31  }
0x13e: {  	v2 =	vld [tilespmem:s18+$0x0];
	v5 =	vmul.f32 v10, v7;
	[tilespmem:s18+$0xFFFFFFD0] =	vst v4  }
0x13f: {  	v3 =	vld [tilespmem:s18+$0x10];
	v4 =	vmul.f32 v12, v7;
	[tilespmem:s18+$0xFFFFFF90] =	vst v6  }
0x140: {  	[tilespmem:s18+$0xFFFFFFE0] =	vst v5;
	v6 =	vld [tilespmem:s18+$0x30]  }
0x141: {  	[tilespmem:s18+$0xFFFFFFC0] =	vst v4;
	v5 =	vld [tilespmem:s18+$0x70]  }
0x142: {  	s3 =	simm.s32 $0x1070;
	s0 =	simm.s32 $0x2;
	v4 =	vld.idx.msk [tilespmem:v8+s24+$0x0], $0xffff  }
.LBB2_7:
0x143: {  	p0 =	slt.u32 s0, $0x4E  }
0x144: {  	v7 =	vld [tilespmem:s18+$0x20];
	s3 =	sadd.s32 $0x100, s3;
	s30 =	smov.u32 s0;
	s0 =	sadd.s32 $0x2, s0  }
0x145: {  	v8 =	vld [tilespmem:s18+$0x40]  }
0x146: {  	v9 =	vld [tilespmem:s18+$0x50]  }
0x147: {  	v10 =	vld [tilespmem:s18+$0x60];
	_ =	sdelay $0x1  }
0x148: {  	v2 =	vmul.f32 v2, v4;
	v3 =	vmul.f32 v3, v4  }
0x149: {  	v6 =	vmul.f32 v6, v4;
	v7 =	vmul.f32 v7, v4  }
0x14a: {  	v8 =	vmul.f32 v8, v4;
	[tilespmem:s18+$0x0] =	vst v2;
	v9 =	vmul.f32 v9, v4  }
0x14b: {  	v2 =	vld [tilespmem:s3+$0x0];
	[tilespmem:s18+$0x30] =	vst v6;
	v6 =	vmul.f32 v10, v4;
	v4 =	vmul.f32 v5, v4  }
0x14c: {  	s30 =	sshll.u32 s30, $0x4;
	[tilespmem:s18+$0x10] =	vst v3  }
0x14d: {  	v3 =	vmov s30;
	s30 =	sadd.s32 $0x10, s30;
	[tilespmem:s18+$0x70] =	vst v4  }
0x14e: {  	v4 =	vld [tilespmem:s3+$0xFFFFFFD0];
	[tilespmem:s18+$0x20] =	vst v7  }
0x14f: {  	v5 =	vld [tilespmem:s3+$0xFFFFFFB0];
	[tilespmem:s18+$0x60] =	vst v6  }
0x150: {  	v6 =	vld [tilespmem:s3+$0xFFFFFFE0];
	[tilespmem:s18+$0x40] =	vst v8  }
0x151: {  	v7 =	vld [tilespmem:s3+$0xFFFFFFF0];
	[tilespmem:s18+$0x50] =	vst v9;
	s18 =	smov.u32 s3  }
0x152: {  	v8 =	vld.idx.msk [tilespmem:v3+s24+$0x0], $0xffff  }
0x153: {  	v9 =	vld [tilespmem:s3+$0xFFFFFF80]  }
0x154: {  	v10 =	vld [tilespmem:s3+$0xFFFFFFA0]  }
0x155: {  	v11 =	vld [tilespmem:s3+$0xFFFFFF90]  }
0x156: {  	v12 =	vld [tilespmem:s3+$0xFFFFFFC0]  }
0x157: {  	v3 =	vld [tilespmem:s3+$0x10]  }
0x158: {  	v7 =	vmul.f32 v7, v8;
	v9 =	vmul.f32 v9, v8  }
0x159: {  	v6 =	vmul.f32 v6, v8;
	v10 =	vmul.f32 v10, v8  }
0x15a: {  	v5 =	vmul.f32 v5, v8;
	v11 =	vmul.f32 v11, v8;
	[tilespmem:s3+$0xFFFFFFF0] =	vst v7  }
0x15b: {  	v4 =	vmul.f32 v4, v8;
	[tilespmem:s3+$0xFFFFFF80] =	vst v9;
	v7 =	vmul.f32 v12, v8  }
0x15c: {  	[tilespmem:s3+$0xFFFFFFA0] =	vst v10  }
0x15d: {  	v8 =	vmov s30;
	[tilespmem:s3+$0xFFFFFFB0] =	vst v5  }
.Ltmp2:
0x15e: {  	[tilespmem:s3+$0xFFFFFFD0] =	vst v4;
	(pc) =	sbr.rel @p0 .LBB2_7-.Ltmp2, $4  }
0x15f: {  	[tilespmem:s3+$0xFFFFFF90] =	vst v11  }
0x160: {  	[tilespmem:s3+$0xFFFFFFE0] =	vst v6;
	v6 =	vld [tilespmem:s3+$0x30]  }
0x161: {  	[tilespmem:s3+$0xFFFFFFC0] =	vst v7;
	v5 =	vld [tilespmem:s3+$0x70]  }
0x162: {  	v4 =	vld.idx.msk [tilespmem:v8+s24+$0x0], $0xffff  }
0x163: {  	_ =	sdelay $0x2  }
0x164: {  	v7 =	vld [tilespmem:s18+$0x20]  }
0x165: {  	v8 =	vld [tilespmem:s18+$0x60];
	v2 =	vmul.f32 v2, v4  }
0x166: {  	v9 =	vld [tilespmem:s18+$0x40];
	v6 =	vmul.f32 v6, v4  }
0x167: {  	v10 =	vld [tilespmem:s18+$0x50];
	v3 =	vmul.f32 v3, v4;
	[tilespmem:s18+$0x0] =	vst v2  }
0x168: {  	[tilespmem:s18+$0x30] =	vst v6;
	v2 =	vmul.f32 v5, v4  }
0x169: {  	v5 =	vmul.f32 v7, v4;
	[tilespmem:s18+$0x10] =	vst v3  }
0x16a: {  	v3 =	vmul.f32 v8, v4;
	[tilespmem:s18+$0x70] =	vst v2  }
0x16b: {  	v2 =	vmul.f32 v9, v4;
	[tilespmem:s18+$0x20] =	vst v5  }
0x16c: {  	v4 =	vmul.f32 v10, v4;
	[tilespmem:s18+$0x60] =	vst v3  }
0x16d: {  	[tilespmem:s18+$0x40] =	vst v2  }
0x16e: {  	s0 =	simm.s32 $0x3;
	[tilespmem:s18+$0x50] =	vst v4  }
0x16f: {  	_ =	swait.ge [sflag:s0], $0x50  }
0x170: {  	[sflag:s0] =	ssyncset.done $0x0  }
0x171: {  	[sflag:s0] =	ssyncadd.s32 $0xFFFFFFB0  }
0x172: {  	s3 =	simm.s32 $0xA0;
	s0 =	rddreg [dreg:$0x2]  }
0x173: {  	[spmem:s0] =	stream.indirect.scatter.add.f32 [tilespmem:s24], [sflag:$0x7], $0x10, s3, s29, $0xb8;
	[tilespmem:$0x1D7E0] =	vst v63  }
0x174: {  	s31 =	rddreg [dreg:$0x3]  }
0x175: {  	[spmem:s31] =	stream.indirect.scatter.add.f32 [tilespmem:s26], [sflag:$0x7], $0x80, s3, s29, $0xb8;
	[tilespmem:$0x1D7E0] =	vst v63  }
0x176: {  	_ =	swait.ge [sflag:s20], $0x500  }
0x177: {  	[sflag:s20] =	ssyncset.done $0x0  }
0x178: {  	p0 =	seq.s32 s4, $0x3D;
	s18 =	sshll.u32 s4, $0x1;
	[sflag:s20] =	ssyncadd.s32 $0xFFFFFB00  }
0x179: {  	s30 =	simm.s32 $0x0;
	s18 =	sadd.s32 $0x3, s18;
	_ =	swait.ge [sflag:s20], $0x500  }
0x17a: {  	v2 =	vmov s30;
	s3 =	smul.u32 @!p0 $0x50, s18;
	[sflag:s20] =	ssyncset.done $0x0  }
0x17b: {  	v2 =	vshll.u32 v2, $0x4;
	[sflag:s20] =	ssyncadd.s32 $0xFFFFFB00  }
0x17c: {  	v2 =	vor.u32 v0, v2;
	s0 =	sadd.s32 @!p0 s11, s3;
	_ =	swait.ge [sflag:s20], $0x2800  }
0x17d: {  	s30 =	simm.s32 @!p0 $0x0;
	v2 =	vor.u32 v1, v2;
	s0 =	sshrl.u32 @!p0 s0, $0x3;
	[sflag:s20] =	ssyncset.done $0x0  }
0x17e: {  	s31 =	simm.s32 @!p0 $0x37F0;
	s3 =	sadd.s32 @!p0 s6, s0;
	[sflag:s20] =	ssyncadd.s32 $0xFFFFD800  }
0x17f: {  	[tilespmem:s31], [sflag:$0x2] =	stream.linear.gather @!p0 [hbm4b:s3+s30], $0x50, $0x38;
	[tilespmem:$0x1D7E0] =	vst v63  }
0x180: {  	s0 =	sadd.s32 @!p0 s7, s0;
	s3 =	simm.s32 @!p0 $0x3840  }
0x181: {  	[tilespmem:s3], [sflag:$0x2] =	stream.linear.gather @!p0 [hbm4b:s0+s30], $0x50, $0x38;
	[tilespmem:$0x1D7E0] =	vst v63  }
0x182: {  	v3 =	vld.idx.msk [tilespmem:v2+s15+$0x0], $0xffff  }
0x183: {  	v4 =	vld.idx.msk [tilespmem:v2+s10+$0x0], $0xffff;
	_ =	sdelay $0x4  }
0x184: {  	v3 =	vadd.f32 v4, v3;
	_ =	sdelay $0x1  }
0x185: {  	v4 =	vmul.f32 $2.000000030e-01, v3  }
0x186: {  	vm0 =	vgt.f32 v3, $0.0e+00  }
0x187: {  	v3 =	vsel vm0, v3, v4  }
0x188: {  	v3 =	vmul.f32 $1.442695020e+00, v3;
	_ =	sdelay $0x1  }
0x189: {  	(erf) = vpow2.f32 v3;
	_ =	sdelay $0x1  }
0x18a: {  	s31 =	simm.s32 $0x2  }
0x18b: {  	v3 =	vmov s31  }
0x18c: {  	v3 =	vshll.u32 v3, $0x4  }
0x18d: {  	v3 =	vor.u32 v0, v3  }
0x18e: {  	v3 =	vor.u32 v1, v3;
	_ =	sdelay $0x2  }
0x18f: {  	v4 =	vpop (erf)  }
0x190: {  	[tilespmem:v2+s28+$0x0] =	vst.idx.msk $0xffff, v4  }
0x191: {  	v2 =	vld.idx.msk [tilespmem:v3+s15+$0x0], $0xffff  }
0x192: {  	v4 =	vld.idx.msk [tilespmem:v3+s10+$0x0], $0xffff;
	_ =	sdelay $0x4  }
0x193: {  	v2 =	vadd.f32 v4, v2;
	_ =	sdelay $0x1  }
0x194: {  	v4 =	vmul.f32 $2.000000030e-01, v2  }
0x195: {  	vm13 =	vgt.f32 v2, $0.0e+00  }
0x196: {  	v2 =	vsel vm13, v2, v4  }
0x197: {  	v2 =	vmul.f32 $1.442695020e+00, v2;
	_ =	sdelay $0x1  }
0x198: {  	(erf) = vpow2.f32 v2;
	_ =	sdelay $0x1  }
0x199: {  	s3 =	simm.s32 $0x4  }
0x19a: {  	v2 =	vmov s3  }
0x19b: {  	v2 =	vshll.u32 v2, $0x4  }
0x19c: {  	v2 =	vor.u32 v0, v2  }
0x19d: {  	v4 =	vor.u32 v1, v2;
	_ =	sdelay $0x2  }
0x19e: {  	v2 =	vpop (erf)  }
0x19f: {  	[tilespmem:v3+s28+$0x0] =	vst.idx.msk $0xffff, v2  }
0x1a0: {  	v2 =	vld.idx.msk [tilespmem:v4+s15+$0x0], $0xffff  }
0x1a1: {  	v3 =	vld.idx.msk [tilespmem:v4+s10+$0x0], $0xffff;
	_ =	sdelay $0x4  }
0x1a2: {  	v2 =	vadd.f32 v3, v2;
	_ =	sdelay $0x1  }
0x1a3: {  	v3 =	vmul.f32 $2.000000030e-01, v2  }
0x1a4: {  	vm14 =	vgt.f32 v2, $0.0e+00  }
0x1a5: {  	v2 =	vsel vm14, v2, v3  }
0x1a6: {  	v2 =	vmul.f32 $1.442695020e+00, v2;
	_ =	sdelay $0x1  }
0x1a7: {  	(erf) = vpow2.f32 v2;
	_ =	sdelay $0x1  }
0x1a8: {  	s30 =	simm.s32 $0x6  }
0x1a9: {  	v2 =	vmov s30  }
0x1aa: {  	v2 =	vshll.u32 v2, $0x4  }
0x1ab: {  	v2 =	vor.u32 v0, v2  }
0x1ac: {  	v2 =	vor.u32 v1, v2;
	_ =	sdelay $0x2  }
0x1ad: {  	v3 =	vpop (erf)  }
0x1ae: {  	[tilespmem:v4+s28+$0x0] =	vst.idx.msk $0xffff, v3  }
0x1af: {  	v3 =	vld.idx.msk [tilespmem:v2+s15+$0x0], $0xffff  }
0x1b0: {  	v4 =	vld.idx.msk [tilespmem:v2+s10+$0x0], $0xffff;
	_ =	sdelay $0x4  }
0x1b1: {  	v3 =	vadd.f32 v4, v3;
	_ =	sdelay $0x1  }
0x1b2: {  	v4 =	vmul.f32 $2.000000030e-01, v3  }
0x1b3: {  	vm15 =	vgt.f32 v3, $0.0e+00  }
0x1b4: {  	v3 =	vsel vm15, v3, v4  }
0x1b5: {  	v3 =	vmul.f32 $1.442695020e+00, v3;
	_ =	sdelay $0x1  }
0x1b6: {  	(erf) = vpow2.f32 v3;
	_ =	sdelay $0x1  }
0x1b7: {  	s31 =	simm.s32 $0x8  }
0x1b8: {  	v4 =	vmov s31  }
0x1b9: {  	v4 =	vshll.u32 v4, $0x4  }
0x1ba: {  	s21 =	simm.s32 $0xA0;
	s0 =	simm.s32 $0x4;
	s3 =	simm.s32 $0xE;
	v3 =	vor.u32 v0, v4  }
.LBB2_9:
0x1bb: {  	s0 =	sadd.s32 $0x4, s0;
	v3 =	vor.u32 v1, v3;
	s31 =	simm.s32 $0x4860  }
0x1bc: {  	p1 =	slt.u32 s0, $0x24;
	_ =	sdelay $0x1  }
0x1bd: {  	v4 =	vpop (erf)  }
0x1be: {  	[tilespmem:v2+s28+$0x0] =	vst.idx.msk $0xffff, v4  }
0x1bf: {  	v2 =	vld.idx.msk [tilespmem:v3+s15+$0x0], $0xffff  }
0x1c0: {  	v4 =	vld.idx.msk [tilespmem:v3+s10+$0x0], $0xffff;
	_ =	sdelay $0x5  }
0x1c1: {  	v2 =	vadd.f32 v4, v2;
	_ =	sdelay $0x1  }
0x1c2: {  	vm0 =	vgt.f32 v2, $0.0e+00;
	v4 =	vmul.f32 $2.000000030e-01, v2;
	_ =	sdelay $0x1  }
0x1c3: {  	v2 =	vsel vm0, v2, v4  }
0x1c4: {  	v2 =	vmul.f32 $1.442695020e+00, v2;
	_ =	sdelay $0x1  }
0x1c5: {  	(erf) = vpow2.f32 v2;
	_ =	sdelay $0x1  }
0x1c6: {  	s30 =	sadd.s32 $0xFFFFFFFC, s3  }
0x1c7: {  	v2 =	vmov s30  }
0x1c8: {  	v2 =	vshll.u32 v2, $0x4  }
0x1c9: {  	v2 =	vor.u32 v0, v2  }
0x1ca: {  	v2 =	vor.u32 v1, v2;
	_ =	sdelay $0x2  }
0x1cb: {  	v4 =	vpop (erf)  }
0x1cc: {  	[tilespmem:v3+s28+$0x0] =	vst.idx.msk $0xffff, v4  }
0x1cd: {  	v3 =	vld.idx.msk [tilespmem:v2+s15+$0x0], $0xffff  }
0x1ce: {  	v4 =	vld.idx.msk [tilespmem:v2+s10+$0x0], $0xffff;
	_ =	sdelay $0x5  }
0x1cf: {  	v3 =	vadd.f32 v4, v3;
	_ =	sdelay $0x1  }
0x1d0: {  	vm0 =	vgt.f32 v3, $0.0e+00;
	v4 =	vmul.f32 $2.000000030e-01, v3;
	_ =	sdelay $0x1  }
0x1d1: {  	v3 =	vsel vm0, v3, v4  }
0x1d2: {  	v3 =	vmul.f32 $1.442695020e+00, v3;
	_ =	sdelay $0x1  }
0x1d3: {  	(erf) = vpow2.f32 v3;
	_ =	sdelay $0x1  }
0x1d4: {  	s30 =	sadd.s32 $0xFFFFFFFE, s3  }
0x1d5: {  	v3 =	vmov s30  }
0x1d6: {  	v3 =	vshll.u32 v3, $0x4  }
0x1d7: {  	v3 =	vor.u32 v0, v3  }
0x1d8: {  	v3 =	vor.u32 v1, v3;
	_ =	sdelay $0x2  }
0x1d9: {  	v4 =	vpop (erf)  }
0x1da: {  	[tilespmem:v2+s28+$0x0] =	vst.idx.msk $0xffff, v4  }
0x1db: {  	v2 =	vld.idx.msk [tilespmem:v3+s15+$0x0], $0xffff  }
0x1dc: {  	v4 =	vld.idx.msk [tilespmem:v3+s10+$0x0], $0xffff;
	_ =	sdelay $0x5  }
0x1dd: {  	v2 =	vadd.f32 v4, v2;
	_ =	sdelay $0x1  }
0x1de: {  	vm0 =	vgt.f32 v2, $0.0e+00;
	v4 =	vmul.f32 $2.000000030e-01, v2;
	_ =	sdelay $0x1  }
0x1df: {  	v2 =	vsel vm0, v2, v4  }
0x1e0: {  	v2 =	vmul.f32 $1.442695020e+00, v2;
	_ =	sdelay $0x1  }
0x1e1: {  	(erf) = vpow2.f32 v2;
	_ =	sdelay $0x2  }
0x1e2: {  	v2 =	vmov s3  }
0x1e3: {  	v2 =	vshll.u32 v2, $0x4  }
0x1e4: {  	v2 =	vor.u32 v0, v2  }
0x1e5: {  	v2 =	vor.u32 v1, v2;
	_ =	sdelay $0x2  }
0x1e6: {  	v4 =	vpop (erf)  }
0x1e7: {  	[tilespmem:v3+s28+$0x0] =	vst.idx.msk $0xffff, v4  }
0x1e8: {  	v3 =	vld.idx.msk [tilespmem:v2+s15+$0x0], $0xffff  }
0x1e9: {  	v4 =	vld.idx.msk [tilespmem:v2+s10+$0x0], $0xffff;
	_ =	sdelay $0x5  }
0x1ea: {  	v3 =	vadd.f32 v4, v3;
	_ =	sdelay $0x1  }
0x1eb: {  	vm0 =	vgt.f32 v3, $0.0e+00;
	v4 =	vmul.f32 $2.000000030e-01, v3;
	_ =	sdelay $0x1  }
0x1ec: {  	v3 =	vsel vm0, v3, v4  }
0x1ed: {  	v3 =	vmul.f32 $1.442695020e+00, v3;
	_ =	sdelay $0x1  }
0x1ee: {  	(erf) = vpow2.f32 v3  }
.Ltmp3:
0x1ef: {  	s3 =	sadd.s32 $0x8, s3;
	(pc) =	sbr.rel @p1 .LBB2_9-.Ltmp3, $4  }
0x1f0: {  	s30 =	sadd.s32 $0xFFFFFFFA, s3  }
0x1f1: {  	v3 =	vmov s30  }
0x1f2: {  	v3 =	vshll.u32 v3, $0x4  }
0x1f3: {  	v3 =	vor.u32 v0, v3  }
0x1f4: {  	v3 =	vor.u32 v1, v3;
	_ =	sdelay $0x2  }
0x1f5: {  	v4 =	vpop (erf)  }
0x1f6: {  	[tilespmem:v2+s28+$0x0] =	vst.idx.msk $0xffff, v4  }
0x1f7: {  	v2 =	vld.idx.msk [tilespmem:v3+s15+$0x0], $0xffff  }
0x1f8: {  	v4 =	vld.idx.msk [tilespmem:v3+s10+$0x0], $0xffff;
	_ =	sdelay $0x4  }
0x1f9: {  	v2 =	vadd.f32 v4, v2;
	_ =	sdelay $0x1  }
0x1fa: {  	v4 =	vmul.f32 $2.000000030e-01, v2  }
0x1fb: {  	vm0 =	vgt.f32 v2, $0.0e+00  }
0x1fc: {  	v2 =	vsel vm0, v2, v4  }
0x1fd: {  	v2 =	vmul.f32 $1.442695020e+00, v2;
	_ =	sdelay $0x1  }
0x1fe: {  	(erf) = vpow2.f32 v2;
	_ =	sdelay $0x1  }
0x1ff: {  	s0 =	sadd.s32 $0xFFFFFFFC, s3  }
0x200: {  	v2 =	vmov s0  }
0x201: {  	v2 =	vshll.u32 v2, $0x4  }
0x202: {  	v2 =	vor.u32 v0, v2  }
0x203: {  	v2 =	vor.u32 v1, v2;
	_ =	sdelay $0x2  }
0x204: {  	v4 =	vpop (erf)  }
0x205: {  	[tilespmem:v3+s28+$0x0] =	vst.idx.msk $0xffff, v4  }
0x206: {  	v3 =	vld.idx.msk [tilespmem:v2+s15+$0x0], $0xffff  }
0x207: {  	v4 =	vld.idx.msk [tilespmem:v2+s10+$0x0], $0xffff;
	_ =	sdelay $0x4  }
0x208: {  	v3 =	vadd.f32 v4, v3;
	_ =	sdelay $0x1  }
0x209: {  	v4 =	vmul.f32 $2.000000030e-01, v3  }
0x20a: {  	vm13 =	vgt.f32 v3, $0.0e+00  }
0x20b: {  	v3 =	vsel vm13, v3, v4  }
0x20c: {  	v3 =	vmul.f32 $1.442695020e+00, v3;
	_ =	sdelay $0x1  }
0x20d: {  	(erf) = vpow2.f32 v3;
	_ =	sdelay $0x1  }
0x20e: {  	s30 =	sadd.s32 $0xFFFFFFFE, s3  }
0x20f: {  	v3 =	vmov s30  }
0x210: {  	v3 =	vshll.u32 v3, $0x4  }
0x211: {  	v3 =	vor.u32 v0, v3  }
0x212: {  	v3 =	vor.u32 v1, v3;
	_ =	sdelay $0x2  }
0x213: {  	v4 =	vpop (erf)  }
0x214: {  	[tilespmem:v2+s28+$0x0] =	vst.idx.msk $0xffff, v4  }
0x215: {  	v2 =	vld.idx.msk [tilespmem:v3+s15+$0x0], $0xffff  }
0x216: {  	v4 =	vld.idx.msk [tilespmem:v3+s10+$0x0], $0xffff;
	_ =	sdelay $0x4  }
0x217: {  	v2 =	vadd.f32 v4, v2;
	_ =	sdelay $0x1  }
0x218: {  	v4 =	vmul.f32 $2.000000030e-01, v2  }
0x219: {  	vm14 =	vgt.f32 v2, $0.0e+00  }
0x21a: {  	v2 =	vsel vm14, v2, v4  }
0x21b: {  	v2 =	vmul.f32 $1.442695020e+00, v2;
	_ =	sdelay $0x1  }
0x21c: {  	(erf) = vpow2.f32 v2;
	_ =	sdelay $0x2  }
0x21d: {  	v2 =	vmov s3  }
0x21e: {  	v2 =	vshll.u32 v2, $0x4  }
0x21f: {  	v2 =	vor.u32 v0, v2  }
0x220: {  	v2 =	vor.u32 v1, v2;
	_ =	sdelay $0x2  }
0x221: {  	v4 =	vpop (erf)  }
0x222: {  	[tilespmem:v3+s28+$0x0] =	vst.idx.msk $0xffff, v4  }
0x223: {  	v3 =	vld.idx.msk [tilespmem:v2+s15+$0x0], $0xffff  }
0x224: {  	v4 =	vld.idx.msk [tilespmem:v2+s10+$0x0], $0xffff;
	_ =	sdelay $0x4  }
0x225: {  	v3 =	vadd.f32 v4, v3;
	_ =	sdelay $0x1  }
0x226: {  	v4 =	vmul.f32 $2.000000030e-01, v3  }
0x227: {  	vm15 =	vgt.f32 v3, $0.0e+00  }
0x228: {  	v3 =	vsel vm15, v3, v4  }
0x229: {  	v3 =	vmul.f32 $1.442695020e+00, v3;
	_ =	sdelay $0x1  }
0x22a: {  	(erf) = vpow2.f32 v3;
	_ =	sdelay $0x8  }
0x22b: {  	s3 =	simm.s32 $0x0;
	v3 =	vpop (erf)  }
0x22c: {  	[tilespmem:v2+s28+$0x0] =	vst.idx.msk $0xffff, v3;
	v3 =	vmov s3;
	_ =	sdelay $0x3  }
0x22d: {  	v6 =	vld [tilespmem:s31+$0xFFFFFFF0]  }
0x22e: {  	v7 =	vld.idx.msk [tilespmem:v3+s28+$0x0], $0xffff  }
0x22f: {  	v8 =	vld [tilespmem:s31+$0xFFFFFF80]  }
0x230: {  	v9 =	vld [tilespmem:s31+$0xFFFFFFA0]  }
0x231: {  	v5 =	vld [tilespmem:s31+$0xFFFFFFB0]  }
0x232: {  	v4 =	vld [tilespmem:s31+$0xFFFFFFD0]  }
0x233: {  	v11 =	vld [tilespmem:s31+$0xFFFFFF90];
	v6 =	vmul.f32 v6, v7  }
0x234: {  	v10 =	vld [tilespmem:s31+$0xFFFFFFE0];
	v8 =	vmul.f32 v8, v7  }
0x235: {  	v12 =	vld [tilespmem:s31+$0xFFFFFFC0];
	v9 =	vmul.f32 v9, v7;
	[tilespmem:s31+$0xFFFFFFF0] =	vst v6  }
0x236: {  	v5 =	vmul.f32 v5, v7;
	[tilespmem:s31+$0xFFFFFF80] =	vst v8  }
0x237: {  	s30 =	simm.s32 $0x10;
	v4 =	vmul.f32 v4, v7;
	[tilespmem:s31+$0xFFFFFFA0] =	vst v9  }
0x238: {  	v6 =	vmul.f32 v11, v7;
	[tilespmem:s31+$0xFFFFFFB0] =	vst v5;
	v8 =	vmov s30  }
0x239: {  	v2 =	vld [tilespmem:s31+$0x0];
	v5 =	vmul.f32 v10, v7;
	[tilespmem:s31+$0xFFFFFFD0] =	vst v4  }
0x23a: {  	v3 =	vld [tilespmem:s31+$0x10];
	v4 =	vmul.f32 v12, v7;
	[tilespmem:s31+$0xFFFFFF90] =	vst v6  }
0x23b: {  	[tilespmem:s31+$0xFFFFFFE0] =	vst v5;
	v6 =	vld [tilespmem:s31+$0x30]  }
0x23c: {  	[tilespmem:s31+$0xFFFFFFC0] =	vst v4;
	v5 =	vld [tilespmem:s31+$0x70]  }
0x23d: {  	s0 =	simm.s32 $0x2;
	s3 =	simm.s32 $0x4860;
	v4 =	vld.idx.msk [tilespmem:v8+s28+$0x0], $0xffff  }
.LBB2_11:
0x23e: {  	p1 =	slt.u32 s0, $0x4E  }
0x23f: {  	v7 =	vld [tilespmem:s31+$0x20];
	s3 =	sadd.s32 $0x100, s3;
	s30 =	smov.u32 s0;
	s0 =	sadd.s32 $0x2, s0  }
0x240: {  	v8 =	vld [tilespmem:s31+$0x40]  }
0x241: {  	v9 =	vld [tilespmem:s31+$0x50]  }
0x242: {  	v10 =	vld [tilespmem:s31+$0x60];
	_ =	sdelay $0x1  }
0x243: {  	v2 =	vmul.f32 v2, v4;
	v3 =	vmul.f32 v3, v4  }
0x244: {  	v6 =	vmul.f32 v6, v4;
	v7 =	vmul.f32 v7, v4  }
0x245: {  	v8 =	vmul.f32 v8, v4;
	[tilespmem:s31+$0x0] =	vst v2;
	v9 =	vmul.f32 v9, v4  }
0x246: {  	v2 =	vld [tilespmem:s3+$0x0];
	[tilespmem:s31+$0x30] =	vst v6;
	v6 =	vmul.f32 v10, v4;
	v4 =	vmul.f32 v5, v4  }
0x247: {  	s30 =	sshll.u32 s30, $0x4;
	[tilespmem:s31+$0x10] =	vst v3  }
0x248: {  	v3 =	vmov s30;
	s30 =	sadd.s32 $0x10, s30;
	[tilespmem:s31+$0x70] =	vst v4  }
0x249: {  	v4 =	vld [tilespmem:s3+$0xFFFFFFD0];
	[tilespmem:s31+$0x20] =	vst v7  }
0x24a: {  	v5 =	vld [tilespmem:s3+$0xFFFFFFB0];
	[tilespmem:s31+$0x60] =	vst v6  }
0x24b: {  	v6 =	vld [tilespmem:s3+$0xFFFFFFE0];
	[tilespmem:s31+$0x40] =	vst v8  }
0x24c: {  	v7 =	vld [tilespmem:s3+$0xFFFFFFF0];
	[tilespmem:s31+$0x50] =	vst v9;
	s31 =	smov.u32 s3  }
0x24d: {  	v8 =	vld.idx.msk [tilespmem:v3+s28+$0x0], $0xffff  }
0x24e: {  	v9 =	vld [tilespmem:s3+$0xFFFFFF80]  }
0x24f: {  	v10 =	vld [tilespmem:s3+$0xFFFFFFA0]  }
0x250: {  	v11 =	vld [tilespmem:s3+$0xFFFFFF90]  }
0x251: {  	v12 =	vld [tilespmem:s3+$0xFFFFFFC0]  }
0x252: {  	v3 =	vld [tilespmem:s3+$0x10]  }
0x253: {  	v7 =	vmul.f32 v7, v8;
	v9 =	vmul.f32 v9, v8  }
0x254: {  	v6 =	vmul.f32 v6, v8;
	v10 =	vmul.f32 v10, v8  }
0x255: {  	v5 =	vmul.f32 v5, v8;
	v11 =	vmul.f32 v11, v8;
	[tilespmem:s3+$0xFFFFFFF0] =	vst v7  }
0x256: {  	v4 =	vmul.f32 v4, v8;
	[tilespmem:s3+$0xFFFFFF80] =	vst v9;
	v7 =	vmul.f32 v12, v8  }
0x257: {  	[tilespmem:s3+$0xFFFFFFA0] =	vst v10  }
0x258: {  	v8 =	vmov s30;
	[tilespmem:s3+$0xFFFFFFB0] =	vst v5  }
.Ltmp4:
0x259: {  	[tilespmem:s3+$0xFFFFFFD0] =	vst v4;
	(pc) =	sbr.rel @p1 .LBB2_11-.Ltmp4, $4  }
0x25a: {  	[tilespmem:s3+$0xFFFFFF90] =	vst v11  }
0x25b: {  	[tilespmem:s3+$0xFFFFFFE0] =	vst v6;
	v6 =	vld [tilespmem:s3+$0x30]  }
0x25c: {  	[tilespmem:s3+$0xFFFFFFC0] =	vst v7;
	v5 =	vld [tilespmem:s3+$0x70]  }
0x25d: {  	v4 =	vld.idx.msk [tilespmem:v8+s28+$0x0], $0xffff  }
0x25e: {  	_ =	sdelay $0x1  }
0x25f: {  	v7 =	vld [tilespmem:s31+$0x20]  }
0x260: {  	v10 =	vld [tilespmem:s31+$0x50]  }
0x261: {  	v2 =	vmul.f32 v2, v4  }
0x262: {  	v8 =	vld [tilespmem:s31+$0x60];
	v6 =	vmul.f32 v6, v4  }
0x263: {  	v9 =	vld [tilespmem:s31+$0x40];
	v3 =	vmul.f32 v3, v4;
	[tilespmem:s31+$0x0] =	vst v2  }
0x264: {  	v62 =	vmul.f32 v7, v4;
	[tilespmem:s31+$0x30] =	vst v6  }
0x265: {  	v63 =	vmul.f32 v10, v4;
	[tilespmem:s31+$0x10] =	vst v3  }
0x266: {  	v2 =	vmul.f32 v5, v4;
	[tilespmem:s31+$0x20] =	vst v62  }
0x267: {  	v3 =	vmul.f32 v8, v4;
	[tilespmem:s31+$0x50] =	vst v63  }
0x268: {  	[tilespmem:s31+$0x70] =	vst v2;
	v2 =	vmul.f32 v9, v4  }
0x269: {  	[tilespmem:s31+$0x60] =	vst v3  }
0x26a: {  	s0 =	simm.s32 $0x4;
	[tilespmem:s31+$0x40] =	vst v2  }
0x26b: {  	_ =	swait.ge [sflag:s0], $0x50  }
0x26c: {  	[sflag:s0] =	ssyncset.done $0x0  }
0x26d: {  	[sflag:s0] =	ssyncadd.s32 $0xFFFFFFB0  }
0x26e: {  	s30 =	simm.s32 $0x3890;
	s0 =	rddreg [dreg:$0x2]  }
0x26f: {  	[spmem:s0] =	stream.indirect.scatter.add.f32 [tilespmem:s28], [sflag:$0x8], $0x10, s30, s29, $0xb8;
	[tilespmem:$0x1D7E0] =	vst v63  }
0x270: {  	s31 =	simm.s32 $0x47E0;
	s3 =	rddreg [dreg:$0x3]  }
0x271: {  	[spmem:s3] =	stream.indirect.scatter.add.f32 [tilespmem:s31], [sflag:$0x8], $0x80, s30, s29, $0xb8;
	[tilespmem:$0x1D7E0] =	vst v63  }
0x272: {  	_ =	swait.ge [sflag:s1], $0x500  }
0x273: {  	[sflag:s1] =	ssyncset.done $0x0  }
0x274: {  	[sflag:s1] =	ssyncadd.s32 $0xFFFFFB00  }
0x275: {  	_ =	swait.ge [sflag:s1], $0x2800  }
0x276: {  	[sflag:s1] =	ssyncset.done $0x0  }
0x277: {  	[sflag:s1] =	ssyncadd.s32 $0xFFFFD800  }
0x278: {  	[tilespmem:s21], [sflag:$0x3] =	stream.linear.gather [hbm4b:s16+s5], $0x50, $0x38;
	[tilespmem:$0x1D7E0] =	vst v63  }
0x279: {  	_ =	swait.ge [sflag:s12], $0x50  }
0x27a: {  	[sflag:s12] =	ssyncset.done $0x0  }
0x27b: {  	[sflag:s12] =	ssyncadd.s32 $0xFFFFFFB0  }
0x27c: {  	_ =	swait.ge [sflag:s12], $0x50  }
0x27d: {  	[sflag:s12] =	ssyncset.done $0x0  }
0x27e: {  	[sflag:s12] =	ssyncadd.s32 $0xFFFFFFB0  }
0x27f: {  	[tilespmem:s14], [sflag:$0x5] =	stream.indirect.gather [hbm4b:s8+s29], $0x10, s5, s29, $0xb8;
	[tilespmem:$0x1D7E0] =	vst v63  }
0x280: {  	_ = 	snop  }
0x281: {  	[tilespmem:s17], [sflag:$0x5] =	stream.indirect.gather [hbm4b:s9+s29], $0x10, s29, s29, $0xb8;
	[tilespmem:$0x1D7E0] =	vst v63  }
0x282: {  	s3 =	rddreg [dreg:$0x1]  }
0x283: {  	[tilespmem:s26], [sflag:$0x5] =	stream.indirect.gather [hbm4b:s3+s29], $0x80, s5, s29, $0xb8;
	[tilespmem:$0x1D7E0] =	vst v63  }
0x284: {  	_ =	swait.ge [sflag:s2], $0x500  }
.Ltmp5:
0x285: {  	[sflag:s2] =	ssyncset.done $0x0;
	(pc) =	sbr.rel @p0 .LBB2_14-.Ltmp5, $4  }
0x286: {  	[sflag:s2] =	ssyncadd.s32 $0xFFFFFB00  }
0x287: {  	_ =	swait.ge [sflag:s2], $0x2800  }
0x288: {  	[sflag:s2] =	ssyncset.done $0x0  }
0x289: {  	[sflag:s2] =	ssyncadd.s32 $0xFFFFD800  }
0x28a: {  	s0 =	smul.u32 $0x50, s18;
	_ =	sdelay $0x1  }
0x28b: {  	s0 =	sadd.s32 s11, s0  }
0x28c: {  	s0 =	sshrl.u32 s0, $0x3  }
0x28d: {  	s0 =	sadd.s32 s7, s0  }
0x28e: {  	[tilespmem:s30], [sflag:$0x4] =	stream.linear.gather [hbm4b:s0+s5], $0x50, $0x38;
	[tilespmem:$0x1D7E0] =	vst v63  }
0x28f: {  	_ =	swait.ge [sflag:s13], $0x50  }
0x290: {  	[sflag:s13] =	ssyncset.done $0x0  }
0x291: {  	[sflag:s13] =	ssyncadd.s32 $0xFFFFFFB0  }
0x292: {  	_ =	swait.ge [sflag:s13], $0x50  }
0x293: {  	[sflag:s13] =	ssyncset.done $0x0  }
0x294: {  	s30 =	simm.s32 $0x37F0;
	[sflag:s13] =	ssyncadd.s32 $0xFFFFFFB0  }
0x295: {  	[tilespmem:s15], [sflag:$0x6] =	stream.indirect.gather [hbm4b:s8+s29], $0x10, s30, s29, $0xb8;
	[tilespmem:$0x1D7E0] =	vst v63  }
.Ltmp6:
0x296: {  	_ = 	snop;
	(pc) =	sbr.rel .LBB2_4-.Ltmp6, $4  }
0x297: {  	s16 =	simm.s32 $0x3840  }
0x298: {  	[tilespmem:s10], [sflag:$0x6] =	stream.indirect.gather [hbm4b:s9+s29], $0x10, s16, s29, $0xb8;
	[tilespmem:$0x1D7E0] =	vst v63  }
0x299: {  	s4 =	sadd.s32 $0x1, s4  }
0x29a: {  	[tilespmem:s31], [sflag:$0x6] =	stream.indirect.gather [hbm4b:s3+s29], $0x80, s30, s29, $0xb8;
	[tilespmem:$0x1D7E0] =	vst v63  }
.LBB2_14:
0x29b: {  	_ =	swait.ge [sflag:s22], $0x500;
	s0 =	simm.s32 $0x0  }
0x29c: {  	[sflag:s22] =	ssyncset.done $0x0;
	v2 =	vmov s0  }
0x29d: {  	[sflag:s22] =	ssyncadd.s32 $0xFFFFFB00;
	v2 =	vshll.u32 v2, $0x4  }
0x29e: {  	_ =	swait.ge [sflag:s22], $0x500;
	v2 =	vor.u32 v0, v2  }
0x29f: {  	[sflag:s22] =	ssyncset.done $0x0;
	v2 =	vor.u32 v1, v2  }
0x2a0: {  	[sflag:s22] =	ssyncadd.s32 $0xFFFFFB00  }
0x2a1: {  	_ =	swait.ge [sflag:s22], $0x2800  }
0x2a2: {  	[sflag:s22] =	ssyncset.done $0x0  }
0x2a3: {  	[sflag:s22] =	ssyncadd.s32 $0xFFFFD800  }
0x2a4: {  	v3 =	vld.idx.msk [tilespmem:v2+s14+$0x0], $0xffff  }
0x2a5: {  	v4 =	vld.idx.msk [tilespmem:v2+s17+$0x0], $0xffff;
	_ =	sdelay $0x4  }
0x2a6: {  	v3 =	vadd.f32 v4, v3;
	_ =	sdelay $0x1  }
0x2a7: {  	v4 =	vmul.f32 $2.000000030e-01, v3  }
0x2a8: {  	vm0 =	vgt.f32 v3, $0.0e+00  }
0x2a9: {  	v3 =	vsel vm0, v3, v4  }
0x2aa: {  	v3 =	vmul.f32 $1.442695020e+00, v3;
	_ =	sdelay $0x1  }
0x2ab: {  	(erf) = vpow2.f32 v3;
	_ =	sdelay $0x1  }
0x2ac: {  	s16 =	simm.s32 $0x2  }
0x2ad: {  	v3 =	vmov s16  }
0x2ae: {  	v3 =	vshll.u32 v3, $0x4  }
0x2af: {  	v3 =	vor.u32 v0, v3  }
0x2b0: {  	v3 =	vor.u32 v1, v3;
	_ =	sdelay $0x2  }
0x2b1: {  	v4 =	vpop (erf)  }
0x2b2: {  	[tilespmem:v2+s24+$0x0] =	vst.idx.msk $0xffff, v4  }
0x2b3: {  	v2 =	vld.idx.msk [tilespmem:v3+s14+$0x0], $0xffff  }
0x2b4: {  	v4 =	vld.idx.msk [tilespmem:v3+s17+$0x0], $0xffff;
	_ =	sdelay $0x4  }
0x2b5: {  	v2 =	vadd.f32 v4, v2;
	_ =	sdelay $0x1  }
0x2b6: {  	v4 =	vmul.f32 $2.000000030e-01, v2  }
0x2b7: {  	vm13 =	vgt.f32 v2, $0.0e+00  }
0x2b8: {  	v2 =	vsel vm13, v2, v4  }
0x2b9: {  	v2 =	vmul.f32 $1.442695020e+00, v2;
	_ =	sdelay $0x1  }
0x2ba: {  	(erf) = vpow2.f32 v2;
	_ =	sdelay $0x1  }
0x2bb: {  	s18 =	simm.s32 $0x4  }
0x2bc: {  	v2 =	vmov s18  }
0x2bd: {  	v2 =	vshll.u32 v2, $0x4  }
0x2be: {  	v2 =	vor.u32 v0, v2  }
0x2bf: {  	v4 =	vor.u32 v1, v2;
	_ =	sdelay $0x2  }
0x2c0: {  	v2 =	vpop (erf)  }
0x2c1: {  	[tilespmem:v3+s24+$0x0] =	vst.idx.msk $0xffff, v2  }
0x2c2: {  	v2 =	vld.idx.msk [tilespmem:v4+s14+$0x0], $0xffff  }
0x2c3: {  	v3 =	vld.idx.msk [tilespmem:v4+s17+$0x0], $0xffff;
	_ =	sdelay $0x4  }
0x2c4: {  	v2 =	vadd.f32 v3, v2;
	_ =	sdelay $0x1  }
0x2c5: {  	v3 =	vmul.f32 $2.000000030e-01, v2  }
0x2c6: {  	vm14 =	vgt.f32 v2, $0.0e+00  }
0x2c7: {  	v2 =	vsel vm14, v2, v3  }
0x2c8: {  	v2 =	vmul.f32 $1.442695020e+00, v2;
	_ =	sdelay $0x1  }
0x2c9: {  	(erf) = vpow2.f32 v2;
	_ =	sdelay $0x1  }
0x2ca: {  	s21 =	simm.s32 $0x6  }
0x2cb: {  	v2 =	vmov s21  }
0x2cc: {  	v2 =	vshll.u32 v2, $0x4  }
0x2cd: {  	v2 =	vor.u32 v0, v2  }
0x2ce: {  	v2 =	vor.u32 v1, v2;
	_ =	sdelay $0x2  }
0x2cf: {  	v3 =	vpop (erf)  }
0x2d0: {  	[tilespmem:v4+s24+$0x0] =	vst.idx.msk $0xffff, v3  }
0x2d1: {  	v3 =	vld.idx.msk [tilespmem:v2+s14+$0x0], $0xffff  }
0x2d2: {  	v4 =	vld.idx.msk [tilespmem:v2+s17+$0x0], $0xffff;
	_ =	sdelay $0x4  }
0x2d3: {  	v3 =	vadd.f32 v4, v3;
	_ =	sdelay $0x1  }
0x2d4: {  	v4 =	vmul.f32 $2.000000030e-01, v3  }
0x2d5: {  	vm15 =	vgt.f32 v3, $0.0e+00  }
0x2d6: {  	v3 =	vsel vm15, v3, v4  }
0x2d7: {  	v3 =	vmul.f32 $1.442695020e+00, v3;
	_ =	sdelay $0x1  }
0x2d8: {  	(erf) = vpow2.f32 v3;
	_ =	sdelay $0x1  }
0x2d9: {  	s30 =	simm.s32 $0x8  }
0x2da: {  	v4 =	vmov s30  }
0x2db: {  	v4 =	vshll.u32 v4, $0x4  }
0x2dc: {  	s3 =	simm.s32 $0xE;
	s0 =	simm.s32 $0x4;
	s31 =	rddreg [dreg:$0xd];
	v3 =	vor.u32 v0, v4  }
.LBB2_15:
0x2dd: {  	s0 =	sadd.s32 $0x4, s0;
	v3 =	vor.u32 v1, v3  }
0x2de: {  	p0 =	slt.u32 s0, $0x24;
	_ =	sdelay $0x1  }
0x2df: {  	v4 =	vpop (erf)  }
0x2e0: {  	[tilespmem:v2+s24+$0x0] =	vst.idx.msk $0xffff, v4  }
0x2e1: {  	v2 =	vld.idx.msk [tilespmem:v3+s14+$0x0], $0xffff  }
0x2e2: {  	v4 =	vld.idx.msk [tilespmem:v3+s17+$0x0], $0xffff;
	_ =	sdelay $0x5  }
0x2e3: {  	v2 =	vadd.f32 v4, v2;
	_ =	sdelay $0x1  }
0x2e4: {  	vm0 =	vgt.f32 v2, $0.0e+00;
	v4 =	vmul.f32 $2.000000030e-01, v2;
	_ =	sdelay $0x1  }
0x2e5: {  	v2 =	vsel vm0, v2, v4  }
0x2e6: {  	v2 =	vmul.f32 $1.442695020e+00, v2;
	_ =	sdelay $0x1  }
0x2e7: {  	(erf) = vpow2.f32 v2;
	_ =	sdelay $0x1  }
0x2e8: {  	s4 =	sadd.s32 $0xFFFFFFFC, s3  }
0x2e9: {  	v2 =	vmov s4  }
0x2ea: {  	v2 =	vshll.u32 v2, $0x4  }
0x2eb: {  	v2 =	vor.u32 v0, v2  }
0x2ec: {  	v2 =	vor.u32 v1, v2;
	_ =	sdelay $0x2  }
0x2ed: {  	v4 =	vpop (erf)  }
0x2ee: {  	[tilespmem:v3+s24+$0x0] =	vst.idx.msk $0xffff, v4  }
0x2ef: {  	v3 =	vld.idx.msk [tilespmem:v2+s14+$0x0], $0xffff  }
0x2f0: {  	v4 =	vld.idx.msk [tilespmem:v2+s17+$0x0], $0xffff;
	_ =	sdelay $0x5  }
0x2f1: {  	v3 =	vadd.f32 v4, v3;
	_ =	sdelay $0x1  }
0x2f2: {  	vm0 =	vgt.f32 v3, $0.0e+00;
	v4 =	vmul.f32 $2.000000030e-01, v3;
	_ =	sdelay $0x1  }
0x2f3: {  	v3 =	vsel vm0, v3, v4  }
0x2f4: {  	v3 =	vmul.f32 $1.442695020e+00, v3;
	_ =	sdelay $0x1  }
0x2f5: {  	(erf) = vpow2.f32 v3;
	_ =	sdelay $0x1  }
0x2f6: {  	s4 =	sadd.s32 $0xFFFFFFFE, s3  }
0x2f7: {  	v3 =	vmov s4  }
0x2f8: {  	v3 =	vshll.u32 v3, $0x4  }
0x2f9: {  	v3 =	vor.u32 v0, v3  }
0x2fa: {  	v3 =	vor.u32 v1, v3;
	_ =	sdelay $0x2  }
0x2fb: {  	v4 =	vpop (erf)  }
0x2fc: {  	[tilespmem:v2+s24+$0x0] =	vst.idx.msk $0xffff, v4  }
0x2fd: {  	v2 =	vld.idx.msk [tilespmem:v3+s14+$0x0], $0xffff  }
0x2fe: {  	v4 =	vld.idx.msk [tilespmem:v3+s17+$0x0], $0xffff;
	_ =	sdelay $0x5  }
0x2ff: {  	v2 =	vadd.f32 v4, v2;
	_ =	sdelay $0x1  }
0x300: {  	vm0 =	vgt.f32 v2, $0.0e+00;
	v4 =	vmul.f32 $2.000000030e-01, v2;
	_ =	sdelay $0x1  }
0x301: {  	v2 =	vsel vm0, v2, v4  }
0x302: {  	v2 =	vmul.f32 $1.442695020e+00, v2;
	_ =	sdelay $0x1  }
0x303: {  	(erf) = vpow2.f32 v2;
	_ =	sdelay $0x2  }
0x304: {  	v2 =	vmov s3  }
0x305: {  	v2 =	vshll.u32 v2, $0x4  }
0x306: {  	v2 =	vor.u32 v0, v2  }
0x307: {  	v2 =	vor.u32 v1, v2;
	_ =	sdelay $0x2  }
0x308: {  	v4 =	vpop (erf)  }
0x309: {  	[tilespmem:v3+s24+$0x0] =	vst.idx.msk $0xffff, v4  }
0x30a: {  	v3 =	vld.idx.msk [tilespmem:v2+s14+$0x0], $0xffff  }
0x30b: {  	v4 =	vld.idx.msk [tilespmem:v2+s17+$0x0], $0xffff;
	_ =	sdelay $0x5  }
0x30c: {  	v3 =	vadd.f32 v4, v3;
	_ =	sdelay $0x1  }
0x30d: {  	vm0 =	vgt.f32 v3, $0.0e+00;
	v4 =	vmul.f32 $2.000000030e-01, v3;
	_ =	sdelay $0x1  }
0x30e: {  	v3 =	vsel vm0, v3, v4  }
0x30f: {  	v3 =	vmul.f32 $1.442695020e+00, v3;
	_ =	sdelay $0x1  }
0x310: {  	(erf) = vpow2.f32 v3  }
.Ltmp7:
0x311: {  	s3 =	sadd.s32 $0x8, s3;
	(pc) =	sbr.rel @p0 .LBB2_15-.Ltmp7, $4  }
0x312: {  	s4 =	sadd.s32 $0xFFFFFFFA, s3  }
0x313: {  	v3 =	vmov s4  }
0x314: {  	v3 =	vshll.u32 v3, $0x4  }
0x315: {  	v3 =	vor.u32 v0, v3  }
0x316: {  	v3 =	vor.u32 v1, v3;
	_ =	sdelay $0x2  }
0x317: {  	v4 =	vpop (erf)  }
0x318: {  	[tilespmem:v2+s24+$0x0] =	vst.idx.msk $0xffff, v4  }
0x319: {  	v2 =	vld.idx.msk [tilespmem:v3+s14+$0x0], $0xffff  }
0x31a: {  	v4 =	vld.idx.msk [tilespmem:v3+s17+$0x0], $0xffff;
	_ =	sdelay $0x4  }
0x31b: {  	v2 =	vadd.f32 v4, v2;
	_ =	sdelay $0x1  }
0x31c: {  	v4 =	vmul.f32 $2.000000030e-01, v2  }
0x31d: {  	vm0 =	vgt.f32 v2, $0.0e+00  }
0x31e: {  	v2 =	vsel vm0, v2, v4  }
0x31f: {  	v2 =	vmul.f32 $1.442695020e+00, v2;
	_ =	sdelay $0x1  }
0x320: {  	(erf) = vpow2.f32 v2;
	_ =	sdelay $0x1  }
0x321: {  	s0 =	sadd.s32 $0xFFFFFFFC, s3  }
0x322: {  	v2 =	vmov s0  }
0x323: {  	v2 =	vshll.u32 v2, $0x4  }
0x324: {  	v2 =	vor.u32 v0, v2  }
0x325: {  	v2 =	vor.u32 v1, v2;
	_ =	sdelay $0x2  }
0x326: {  	v4 =	vpop (erf)  }
0x327: {  	[tilespmem:v3+s24+$0x0] =	vst.idx.msk $0xffff, v4  }
0x328: {  	v3 =	vld.idx.msk [tilespmem:v2+s14+$0x0], $0xffff  }
0x329: {  	v4 =	vld.idx.msk [tilespmem:v2+s17+$0x0], $0xffff;
	_ =	sdelay $0x4  }
0x32a: {  	v3 =	vadd.f32 v4, v3;
	_ =	sdelay $0x1  }
0x32b: {  	v4 =	vmul.f32 $2.000000030e-01, v3  }
0x32c: {  	vm13 =	vgt.f32 v3, $0.0e+00  }
0x32d: {  	v3 =	vsel vm13, v3, v4  }
0x32e: {  	v3 =	vmul.f32 $1.442695020e+00, v3;
	_ =	sdelay $0x1  }
0x32f: {  	(erf) = vpow2.f32 v3;
	_ =	sdelay $0x1  }
0x330: {  	s18 =	sadd.s32 $0xFFFFFFFE, s3  }
0x331: {  	v3 =	vmov s18  }
0x332: {  	v3 =	vshll.u32 v3, $0x4  }
0x333: {  	v3 =	vor.u32 v0, v3  }
0x334: {  	v3 =	vor.u32 v1, v3;
	_ =	sdelay $0x2  }
0x335: {  	v4 =	vpop (erf)  }
0x336: {  	[tilespmem:v2+s24+$0x0] =	vst.idx.msk $0xffff, v4  }
0x337: {  	v2 =	vld.idx.msk [tilespmem:v3+s14+$0x0], $0xffff  }
0x338: {  	v4 =	vld.idx.msk [tilespmem:v3+s17+$0x0], $0xffff;
	_ =	sdelay $0x4  }
0x339: {  	v2 =	vadd.f32 v4, v2;
	_ =	sdelay $0x1  }
0x33a: {  	v4 =	vmul.f32 $2.000000030e-01, v2  }
0x33b: {  	vm14 =	vgt.f32 v2, $0.0e+00  }
0x33c: {  	v2 =	vsel vm14, v2, v4  }
0x33d: {  	v2 =	vmul.f32 $1.442695020e+00, v2;
	_ =	sdelay $0x1  }
0x33e: {  	(erf) = vpow2.f32 v2;
	_ =	sdelay $0x2  }
0x33f: {  	v2 =	vmov s3  }
0x340: {  	v2 =	vshll.u32 v2, $0x4  }
0x341: {  	v2 =	vor.u32 v0, v2  }
0x342: {  	v2 =	vor.u32 v1, v2;
	_ =	sdelay $0x2  }
0x343: {  	v4 =	vpop (erf)  }
0x344: {  	[tilespmem:v3+s24+$0x0] =	vst.idx.msk $0xffff, v4  }
0x345: {  	v3 =	vld.idx.msk [tilespmem:v2+s14+$0x0], $0xffff  }
0x346: {  	v4 =	vld.idx.msk [tilespmem:v2+s17+$0x0], $0xffff;
	_ =	sdelay $0x4  }
0x347: {  	v3 =	vadd.f32 v4, v3;
	_ =	sdelay $0x1  }
0x348: {  	v4 =	vmul.f32 $2.000000030e-01, v3  }
0x349: {  	vm15 =	vgt.f32 v3, $0.0e+00  }
0x34a: {  	v3 =	vsel vm15, v3, v4  }
0x34b: {  	v3 =	vmul.f32 $1.442695020e+00, v3;
	_ =	sdelay $0x1  }
0x34c: {  	(erf) = vpow2.f32 v3;
	_ =	sdelay $0x8  }
0x34d: {  	s21 =	simm.s32 $0x0;
	v3 =	vpop (erf)  }
0x34e: {  	[tilespmem:v2+s24+$0x0] =	vst.idx.msk $0xffff, v3;
	v3 =	vmov s21;
	_ =	sdelay $0x2  }
0x34f: {  	s0 =	simm.s32 $0x1070  }
0x350: {  	v6 =	vld [tilespmem:s0+$0xFFFFFFF0]  }
0x351: {  	v7 =	vld.idx.msk [tilespmem:v3+s24+$0x0], $0xffff  }
0x352: {  	v8 =	vld [tilespmem:s0+$0xFFFFFF80]  }
0x353: {  	v9 =	vld [tilespmem:s0+$0xFFFFFFA0]  }
0x354: {  	v5 =	vld [tilespmem:s0+$0xFFFFFFB0]  }
0x355: {  	v4 =	vld [tilespmem:s0+$0xFFFFFFD0]  }
0x356: {  	v11 =	vld [tilespmem:s0+$0xFFFFFF90];
	v6 =	vmul.f32 v6, v7  }
0x357: {  	v10 =	vld [tilespmem:s0+$0xFFFFFFE0];
	v8 =	vmul.f32 v8, v7  }
0x358: {  	v12 =	vld [tilespmem:s0+$0xFFFFFFC0];
	v9 =	vmul.f32 v9, v7;
	[tilespmem:s0+$0xFFFFFFF0] =	vst v6  }
0x359: {  	v5 =	vmul.f32 v5, v7;
	[tilespmem:s0+$0xFFFFFF80] =	vst v8  }
0x35a: {  	s30 =	simm.s32 $0x10;
	v4 =	vmul.f32 v4, v7;
	[tilespmem:s0+$0xFFFFFFA0] =	vst v9  }
0x35b: {  	v6 =	vmul.f32 v11, v7;
	[tilespmem:s0+$0xFFFFFFB0] =	vst v5;
	v8 =	vmov s30  }
0x35c: {  	v2 =	vld [tilespmem:s0+$0x0];
	v5 =	vmul.f32 v10, v7;
	[tilespmem:s0+$0xFFFFFFD0] =	vst v4  }
0x35d: {  	v3 =	vld [tilespmem:s0+$0x10];
	v4 =	vmul.f32 v12, v7;
	[tilespmem:s0+$0xFFFFFF90] =	vst v6  }
0x35e: {  	[tilespmem:s0+$0xFFFFFFE0] =	vst v5;
	v6 =	vld [tilespmem:s0+$0x30]  }
0x35f: {  	[tilespmem:s0+$0xFFFFFFC0] =	vst v4;
	v5 =	vld [tilespmem:s0+$0x70]  }
0x360: {  	s4 =	simm.s32 $0x1070;
	s3 =	simm.s32 $0x2;
	v4 =	vld.idx.msk [tilespmem:v8+s24+$0x0], $0xffff  }
.LBB2_17:
0x361: {  	p0 =	slt.u32 s3, $0x4E  }
0x362: {  	v7 =	vld [tilespmem:s0+$0x20];
	s4 =	sadd.s32 $0x100, s4;
	s16 =	smov.u32 s3;
	s3 =	sadd.s32 $0x2, s3  }
0x363: {  	v8 =	vld [tilespmem:s0+$0x40]  }
0x364: {  	v9 =	vld [tilespmem:s0+$0x50]  }
0x365: {  	v10 =	vld [tilespmem:s0+$0x60];
	_ =	sdelay $0x1  }
0x366: {  	v2 =	vmul.f32 v2, v4;
	v3 =	vmul.f32 v3, v4  }
0x367: {  	v6 =	vmul.f32 v6, v4;
	v7 =	vmul.f32 v7, v4  }
0x368: {  	v8 =	vmul.f32 v8, v4;
	[tilespmem:s0+$0x0] =	vst v2;
	v9 =	vmul.f32 v9, v4  }
0x369: {  	v2 =	vld [tilespmem:s4+$0x0];
	[tilespmem:s0+$0x30] =	vst v6;
	v6 =	vmul.f32 v10, v4;
	v4 =	vmul.f32 v5, v4  }
0x36a: {  	s16 =	sshll.u32 s16, $0x4;
	[tilespmem:s0+$0x10] =	vst v3  }
0x36b: {  	v3 =	vmov s16;
	s16 =	sadd.s32 $0x10, s16;
	[tilespmem:s0+$0x70] =	vst v4  }
0x36c: {  	v4 =	vld [tilespmem:s4+$0xFFFFFFD0];
	[tilespmem:s0+$0x20] =	vst v7  }
0x36d: {  	v5 =	vld [tilespmem:s4+$0xFFFFFFB0];
	[tilespmem:s0+$0x60] =	vst v6  }
0x36e: {  	v6 =	vld [tilespmem:s4+$0xFFFFFFE0];
	[tilespmem:s0+$0x40] =	vst v8  }
0x36f: {  	v7 =	vld [tilespmem:s4+$0xFFFFFFF0];
	[tilespmem:s0+$0x50] =	vst v9;
	s0 =	smov.u32 s4  }
0x370: {  	v8 =	vld.idx.msk [tilespmem:v3+s24+$0x0], $0xffff  }
0x371: {  	v9 =	vld [tilespmem:s4+$0xFFFFFF80]  }
0x372: {  	v10 =	vld [tilespmem:s4+$0xFFFFFFA0]  }
0x373: {  	v11 =	vld [tilespmem:s4+$0xFFFFFF90]  }
0x374: {  	v12 =	vld [tilespmem:s4+$0xFFFFFFC0]  }
0x375: {  	v3 =	vld [tilespmem:s4+$0x10]  }
0x376: {  	v7 =	vmul.f32 v7, v8;
	v9 =	vmul.f32 v9, v8  }
0x377: {  	v6 =	vmul.f32 v6, v8;
	v10 =	vmul.f32 v10, v8  }
0x378: {  	v5 =	vmul.f32 v5, v8;
	v11 =	vmul.f32 v11, v8;
	[tilespmem:s4+$0xFFFFFFF0] =	vst v7  }
0x379: {  	v4 =	vmul.f32 v4, v8;
	[tilespmem:s4+$0xFFFFFF80] =	vst v9;
	v7 =	vmul.f32 v12, v8  }
0x37a: {  	[tilespmem:s4+$0xFFFFFFA0] =	vst v10  }
0x37b: {  	v8 =	vmov s16;
	[tilespmem:s4+$0xFFFFFFB0] =	vst v5  }
.Ltmp8:
0x37c: {  	[tilespmem:s4+$0xFFFFFFD0] =	vst v4;
	(pc) =	sbr.rel @p0 .LBB2_17-.Ltmp8, $4  }
0x37d: {  	[tilespmem:s4+$0xFFFFFF90] =	vst v11  }
0x37e: {  	[tilespmem:s4+$0xFFFFFFE0] =	vst v6;
	v6 =	vld [tilespmem:s4+$0x30]  }
0x37f: {  	[tilespmem:s4+$0xFFFFFFC0] =	vst v7;
	v5 =	vld [tilespmem:s4+$0x70]  }
0x380: {  	v4 =	vld.idx.msk [tilespmem:v8+s24+$0x0], $0xffff  }
0x381: {  	_ =	sdelay $0x1  }
0x382: {  	v7 =	vld [tilespmem:s0+$0x20]  }
0x383: {  	v10 =	vld [tilespmem:s0+$0x50]  }
0x384: {  	v2 =	vmul.f32 v2, v4  }
0x385: {  	v8 =	vld [tilespmem:s0+$0x60];
	v6 =	vmul.f32 v6, v4  }
0x386: {  	v9 =	vld [tilespmem:s0+$0x40];
	v3 =	vmul.f32 v3, v4;
	[tilespmem:s0+$0x0] =	vst v2  }
0x387: {  	v62 =	vmul.f32 v7, v4;
	[tilespmem:s0+$0x30] =	vst v6  }
0x388: {  	v63 =	vmul.f32 v10, v4;
	[tilespmem:s0+$0x10] =	vst v3  }
0x389: {  	v2 =	vmul.f32 v5, v4;
	[tilespmem:s0+$0x20] =	vst v62  }
0x38a: {  	v3 =	vmul.f32 v8, v4;
	[tilespmem:s0+$0x50] =	vst v63  }
0x38b: {  	[tilespmem:s0+$0x70] =	vst v2;
	v2 =	vmul.f32 v9, v4  }
0x38c: {  	[tilespmem:s0+$0x60] =	vst v3  }
0x38d: {  	s4 =	simm.s32 $0x3;
	[tilespmem:s0+$0x40] =	vst v2  }
0x38e: {  	_ =	swait.ge [sflag:s4], $0x50  }
0x38f: {  	[sflag:s4] =	ssyncset.done $0x0  }
0x390: {  	[sflag:s4] =	ssyncadd.s32 $0xFFFFFFB0  }
0x391: {  	s3 =	simm.s32 $0xA0;
	s0 =	rddreg [dreg:$0x2]  }
0x392: {  	[spmem:s0] =	stream.indirect.scatter.add.f32 [tilespmem:s24], [sflag:$0x7], $0x10, s3, s29, $0xb8;
	[tilespmem:$0x1D7E0] =	vst v63  }
0x393: {  	s16 =	rddreg [dreg:$0x3]  }
0x394: {  	[spmem:s16] =	stream.indirect.scatter.add.f32 [tilespmem:s26], [sflag:$0x7], $0x80, s3, s29, $0xb8;
	[tilespmem:$0x1D7E0] =	vst v63  }
0x395: {  	_ =	swait.ge [sflag:s1], $0x500  }
0x396: {  	[sflag:s1] =	ssyncset.done $0x0  }
0x397: {  	[sflag:s1] =	ssyncadd.s32 $0xFFFFFB00  }
0x398: {  	_ =	swait.ge [sflag:s1], $0x2800  }
0x399: {  	[sflag:s1] =	ssyncset.done $0x0  }
0x39a: {  	[sflag:s1] =	ssyncadd.s32 $0xFFFFD800  }
0x39b: {  	[bflag:$0x0] =	sbarrier.arrive $0xFFFF  }
0x39c: {  	s18 =	rddreg [dreg:$0xe]  }
0x39d: {  	[tilespmem:s24], [sflag:$0x9] =	stream.linear.gather [spmem:s18], $0x500, $0x38;
	[tilespmem:$0x1D7E0] =	vst v63  }
0x39e: {  	_ =	swait.ge [sflag:s25], $0x500  }
0x39f: {  	[sflag:s25] =	ssyncset.done $0x0  }
0x3a0: {  	s30 =	sadd.s32 $0x0, s23;
	[sflag:s25] =	ssyncadd.s32 $0xFFFFFB00  }
0x3a1: {  	[hbm4b:s30+s5] =	stream.linear.scatter [tilespmem:s24], [sflag:$0x9], $0x500, $0x38;
	[tilespmem:$0x1D7E0] =	vst v63  }
0x3a2: {  	_ =	swait.ge [sflag:s25], $0x500  }
0x3a3: {  	[sflag:s25] =	ssyncset.done $0x0  }
0x3a4: {  	[sflag:s25] =	ssyncadd.s32 $0xFFFFFB00  }
0x3a5: {  	[tilespmem:s26], [sflag:$0x9] =	stream.linear.gather [spmem:s31], $0x2800, $0x38;
	[tilespmem:$0x1D7E0] =	vst v63  }
0x3a6: {  	_ =	swait.ge [sflag:s25], $0x2800  }
0x3a7: {  	[sflag:s25] =	ssyncset.done $0x0  }
0x3a8: {  	s16 =	rddreg [dreg:$0xf];
	[sflag:s25] =	ssyncadd.s32 $0xFFFFD800  }
0x3a9: {  	[hbm4b:s16+s5] =	stream.linear.scatter [tilespmem:s26], [sflag:$0x9], $0x2800, $0x38;
	[tilespmem:$0x1D7E0] =	vst v63  }
0x3aa: {  	s21 =	simm.s32 $0xA0;
	s4 =	smov.u32 s31;
	_ =	swait.ge [sflag:s25], $0x2800  }
0x3ab: {  	s0 =	simm.s32 $0xA0;
	s3 =	sadd.s32 $0x500, s18;
	[sflag:s25] =	ssyncset.done $0x0  }
.LBB2_19:
0x3ac: {  	[sflag:s25] =	ssyncadd.s32 $0xFFFFD800  }
0x3ad: {  	s4 =	sadd.s32 $0x2800, s4;
	s16 =	sadd.s32 $0x500, s16;
	s18 =	smov.u32 s0  }
0x3ae: {  	[tilespmem:s24], [sflag:$0x9] =	stream.linear.gather [spmem:s3], $0x500, $0x38;
	[tilespmem:$0x1D7E0] =	vst v63  }
0x3af: {  	p0 =	sne.s32 s0, $0x460;
	s0 =	sadd.s32 $0xA0, s0;
	_ =	swait.ge [sflag:s25], $0x500  }
0x3b0: {  	[sflag:s25] =	ssyncset.done $0x0  }
0x3b1: {  	s18 =	sadd.s32 s18, s23;
	[sflag:s25] =	ssyncadd.s32 $0xFFFFFB00  }
0x3b2: {  	[hbm4b:s18+s5] =	stream.linear.scatter [tilespmem:s24], [sflag:$0x9], $0x500, $0x38;
	[tilespmem:$0x1D7E0] =	vst v63  }
0x3b3: {  	_ =	swait.ge [sflag:s25], $0x500  }
0x3b4: {  	[sflag:s25] =	ssyncset.done $0x0  }
0x3b5: {  	[sflag:s25] =	ssyncadd.s32 $0xFFFFFB00  }
0x3b6: {  	[tilespmem:s26], [sflag:$0x9] =	stream.linear.gather [spmem:s4], $0x2800, $0x38;
	[tilespmem:$0x1D7E0] =	vst v63  }
0x3b7: {  	_ =	swait.ge [sflag:s25], $0x2800  }
.Ltmp9:
0x3b8: {  	[sflag:s25] =	ssyncset.done $0x0;
	(pc) =	sbr.rel @p0 .LBB2_19-.Ltmp9, $4  }
0x3b9: {  	[sflag:s25] =	ssyncadd.s32 $0xFFFFD800  }
0x3ba: {  	[hbm4b:s16+s5] =	stream.linear.scatter [tilespmem:s26], [sflag:$0x9], $0x2800, $0x38;
	[tilespmem:$0x1D7E0] =	vst v63  }
0x3bb: {  	_ =	swait.ge [sflag:s25], $0x2800  }
0x3bc: {  	s3 =	sadd.s32 $0x500, s3;
	[sflag:s25] =	ssyncset.done $0x0  }
0x3bd: {  	s3 =	rddreg [dreg:$0x10]  }
0x3be: {  	s0 =	rddreg [dreg:$0xb];
	s3 =	sadd.s32 $0x1, s3  }
0x3bf: {  	p0 =	sne.s32 s3, s0  }
.Ltmp10:
0x3c0: {  	_ = 	snop;
	(pc) =	sbr.rel @p0 .LBB2_1-.Ltmp10, $2  }
0x3c1: {  	_ =	sdelay $0x2  }
0x3c2: {  	[sflag:s25] =	ssyncadd.s32 $0xFFFFD800  }
0x3c3: {  	_ =	sfence.sel $0x180000  }
0x3c4: {  	[bflag:$0x0] =	sbarrier.arrive $0xFFFF  }
0x3c5: {  	_ =	strace $0x9000004A  }
0x3c6: {  	s0 =	stileid.u32;
	[bflag:$0x2] =	sbarrier.arrive $0xFFFF  }
0x3c7: {  	p0 =	sne.s32 s0, $0x0;
	s0 =	rddreg [dreg:$0x4]  }
0x3c8: {  	s0 =	sadd.s32 @!p0 $0x100000, s0  }
0x3c9: {  	[sflag:s0] =	ssyncadd.tile.s32 @!p0 $0x1;
	_ =	shalt  }
.Lfunc_end2:
_tile_overlayer_lowered:
.L_overlay_start_2:
0x3ca: {  	(tag) =	ssettag $0x2  }
0x3cb: {  	s0 =	rddreg [dreg:$0x0];
	s2 =	stileid.u32  }
0x3cc: {  	s1 =	rddreg [dreg:$0x1];
	p0 =	sne.s32 s2, $0x0  }
0x3cd: {  	s3 =	rddreg [dreg:$0x2];
	[bflag:$0x3] =	sbarrier.arrive $0xFFFF;
	s2 =	simm.s32 @!p0 $0x1C09  }
0x3ce: {  	[timem:s3], [sflag:s2] =	dma.local @!p0 [hbm:s0], s1  }
0x3cf: {  	s0 =	simm.s32 @!p0 $0x9  }
0x3d0: {  	_ =	swait.ge @!p0 [sflag:s0], s1  }
0x3d1: {  	s1 =	ssub.s32 @!p0 $0x0, s1;
	[sflag:s0] =	ssyncset.done @!p0 $0x0  }
0x3d2: {  	[sflag:s0] =	ssyncadd.s32 @!p0 s1  }
0x3d3: {  	[bflag:$0x3] =	sbarrier.arrive $0xFFFF  }
0x3d4: {  	_ =	shalt  }

// kernel: kernel.7.cloned.1.call-start
scs
__scs_entry_jumppad:
0x0: {  	(pc) =	sbr.rel $0x88, $3  }
0x1: {  	(tag) =	ssettag $0x0;
	lr =	simm.s32 $0x1  }
0x2: {  	[smem:$0x3F93] =	sst lr;
	_ =	strace $0xD0000000  }
0x3: {  	_ = 	snop  }
0x4: {  	_ = 	snop  }
0x5: {  	_ = 	snop  }
0x6: {  	_ = 	snop  }
0x7: {  	_ = 	snop  }
__scs_overlays_trampoline_lowered:
0x8: {  	[smem:$0x3FA2] =	sst s0  }
0x9: {  	[smem:$0x3FA3] =	sst s1  }
0xa: {  	[smem:$0x3FA4] =	sst s2  }
0xb: {  	[smem:$0x3FA5] =	sst s3  }
0xc: {  	[smem:$0x3FA6] =	sst s4  }
0xd: {  	[smem:$0x3FA7] =	sst s5  }
0xe: {  	[smem:$0x3FA8] =	sst s6  }
0xf: {  	[smem:$0x3FA9] =	sst s7  }
0x10: {  	[smem:$0x3FAA] =	sst s8  }
0x11: {  	[smem:$0x3FAB] =	sst s9;
	s0 =	simm.s32 @!p0 $0x0  }
0x12: {  	s1 =	sld [smem:$0x3F91];
	s0 =	simm.s32 @p0 $0x1  }
0x13: {  	[smem:$0x3FAC] =	sst s0;
	s0 =	simm.s32 @!p1 $0x0  }
0x14: {  	s2 =	sld [smem:$0x3F90];
	s0 =	simm.s32 @p1 $0x1  }
0x15: {  	[smem:$0x3FAD] =	sst s0;
	s0 =	simm.s32 @!p2 $0x0  }
0x16: {  	s3 =	sld [smem:$0x3FDB];
	s0 =	simm.s32 @p2 $0x1  }
0x17: {  	s4 =	simm.s32 $0x1BF5;
	[smem:$0x3FAF] =	sst s0  }
0x18: {  	s0 =	sld [smem:$0x3F92];
	_ =	swait.ge [sflag:s4], $0x0  }
0x19: {  	s7 =	sld [smem:$0x3F93]  }
0x1a: {  	s8 =	sadd.s32 $0xFFFFE003, lr  }
0x1b: {  	s9 =	sadd.s32 $0xFFFFFEF7, lr;
	s5 =	simm.s32 $0xFFFFFFFF;
	p2 =	slt.u32 s8, $0xFFFFF086  }
0x1c: {  	p1 =	slt.u32 s9, $0xF7A;
	s5 =	simm.s32 @!p2 $0x0  }
0x1d: {  	s5 =	simm.s32 @p1 $0x1;
	p0 =	seq.s32 s7, s2  }
0x1e: {  	s7 =	smul.u32 @!p0 $0xF7A, s2;
	p2 =	seq.s32 @!p0 s5, $0x0  }
0x1f: {  	s9 =	smul.u32 $0xF7A, s1;
	s8 =	simm.s32 @!p0 $0x1BF5;
	p2 =	por !p2, p0  }
0x20: {  	[sflag:s8] =	ssyncset.s32 @!p0 $0xFFFFF086;
	s6 =	sadd.s32 @!p0 s3, s7;
	s7 =	simm.s32 @!p0 $0x108  }
0x21: {  	s3 =	sadd.s32 s3, s9;
	s6 =	sadd.s32 @!p0 $0x88, s6;
	s7 =	simm.s32 @p2 $0x1082  }
0x22: {  	[simem:s7], [sflag:s8] =	dma.local @!p0 [hbm:s6], $0xF7A  }
0x23: {  	s9 =	sor.u32 $0xD0000000, s2;
	s6 =	simm.s32 $0x108;
	_ =	swait.ge @!p0 [sflag:s8], $0x0  }
0x24: {  	s3 =	sadd.s32 $0x88, s3;
	s6 =	simm.s32 @!p1 $0x1082;
	[sflag:s4] =	ssyncset.s32 $0xFFFFF086  }
0x25: {  	[simem:s6], [sflag:s4] =	dma.local [hbm:s3], $0xF7A  }
0x26: {  	[smem:$0x3F93] =	sst s1;
	(tag) =	ssettag s2;
	_ =	strace s9  }
0x27: {  	s1 =	sld [smem:$0x3FA3]  }
0x28: {  	s2 =	sld [smem:$0x3FA4]  }
0x29: {  	s4 =	sld [smem:$0x3FA6]  }
0x2a: {  	p0 =	seq.s32 s5, $0x0;
	s5 =	sld [smem:$0x3FA7]  }
0x2b: {  	s6 =	sld [smem:$0x3FA8]  }
0x2c: {  	s7 =	sld [smem:$0x3FA9]  }
0x2d: {  	s3 =	simm.s32 $0x108;
	s8 =	sld [smem:$0x3FAA]  }
0x2e: {  	s3 =	simm.s32 @!p0 $0x1082;
	s9 =	sld [smem:$0x3FAB]  }
0x2f: {  	lr =	sadd.s32 s0, s3;
	s0 =	sld [smem:$0x3FA2]  }
0x30: {  	s3 =	sld [smem:$0x3FA5]  }
0x31: {  	[smem:$0x3FAE] =	sst s10  }
0x32: {  	s10 =	sld [smem:$0x3FAC];
	_ =	sdelay $0x3  }
0x33: {  	p0 =	seq.s32 s10, $0x1;
	s10 =	sld [smem:$0x3FAE];
	_ =	sdelay $0x3  }
0x34: {  	[smem:$0x3FAE] =	sst s10  }
0x35: {  	s10 =	sld [smem:$0x3FAD];
	_ =	sdelay $0x3  }
0x36: {  	p1 =	seq.s32 s10, $0x1;
	s10 =	sld [smem:$0x3FAE];
	_ =	sdelay $0x3  }
0x37: {  	[smem:$0x3FAE] =	sst s10  }
0x38: {  	s10 =	sld [smem:$0x3FAF]  }
0x39: {  	_ = 	snop;
	(pc) =	sbr.ind lr, $3  }
0x3a: {  	_ = 	snop  }
0x3b: {  	_ = 	snop  }
0x3c: {  	p2 =	seq.s32 s10, $0x1;
	s10 =	sld [smem:$0x3FAE]  }
0x3d: {  	_ =	shalt  }
0x3e: {  	_ =	shalt  }
0x3f: {  	_ =	shalt  }
0x40: {  	_ =	shalt  }
0x41: {  	_ =	shalt  }
0x42: {  	_ =	shalt  }
0x43: {  	_ =	shalt  }
0x44: {  	_ =	shalt  }
0x45: {  	_ =	shalt  }
0x46: {  	_ =	shalt  }
0x47: {  	_ =	shalt  }
0x48: {  	_ =	shalt  }
0x49: {  	_ =	shalt  }
0x4a: {  	_ =	shalt  }
0x4b: {  	_ =	shalt  }
0x4c: {  	_ =	shalt  }
0x4d: {  	_ =	shalt  }
0x4e: {  	_ =	shalt  }
0x4f: {  	_ =	shalt  }
0x50: {  	_ =	shalt  }
0x51: {  	_ =	shalt  }
0x52: {  	_ =	shalt  }
0x53: {  	_ =	shalt  }
0x54: {  	_ =	shalt  }
0x55: {  	_ =	shalt  }
0x56: {  	_ =	shalt  }
0x57: {  	_ =	shalt  }
0x58: {  	_ =	shalt  }
0x59: {  	_ =	shalt  }
0x5a: {  	_ =	shalt  }
0x5b: {  	_ =	shalt  }
0x5c: {  	_ =	shalt  }
0x5d: {  	_ =	shalt  }
0x5e: {  	_ =	shalt  }
0x5f: {  	_ =	shalt  }
0x60: {  	_ =	shalt  }
0x61: {  	_ =	shalt  }
0x62: {  	_ =	shalt  }
0x63: {  	_ =	shalt  }
0x64: {  	_ =	shalt  }
0x65: {  	_ =	shalt  }
0x66: {  	_ =	shalt  }
0x67: {  	_ =	shalt  }
0x68: {  	_ =	shalt  }
0x69: {  	_ =	shalt  }
0x6a: {  	_ =	shalt  }
0x6b: {  	_ =	shalt  }
0x6c: {  	_ =	shalt  }
0x6d: {  	_ =	shalt  }
0x6e: {  	_ =	shalt  }
0x6f: {  	_ =	shalt  }
0x70: {  	_ =	shalt  }
0x71: {  	_ =	shalt  }
0x72: {  	_ =	shalt  }
0x73: {  	_ =	shalt  }
0x74: {  	_ =	shalt  }
0x75: {  	_ =	shalt  }
0x76: {  	_ =	shalt  }
0x77: {  	_ =	shalt  }
0x78: {  	_ =	shalt  }
0x79: {  	_ =	shalt  }
0x7a: {  	_ =	shalt  }
0x7b: {  	_ =	shalt  }
0x7c: {  	_ =	shalt  }
0x7d: {  	_ =	shalt  }
0x7e: {  	_ =	shalt  }
0x7f: {  	_ =	shalt  }
0x80: {  	_ =	shalt  }
0x81: {  	_ =	shalt  }
0x82: {  	_ =	shalt  }
0x83: {  	_ =	shalt  }
0x84: {  	_ =	shalt  }
0x85: {  	_ =	shalt  }
0x86: {  	_ =	shalt  }
0x87: {  	_ =	shalt  }
.Lfunc_end0:
.L_simem_size_0:
called_computation_lowered:
.L_overlay_start_0:
0x88: {  	s2 =	sld [smem:$0x3FD9]  }
0x89: {  	s3 =	sld [smem:$0x3FFE];
	_ =	sdelay $0x1  }
0x8a: {  	s1 =	srdreg.scid  }
0x8b: {  	s0 =	sand.u32 $0x1, s1  }
0x8c: {  	s14 =	sshll.u32 s0, $0xA;
	s2 =	sadd.s32 s3, s2  }
0x8d: {  	s2 =	sadd.s32 s2, s14  }
0x8e: {  	[smem:$0x3FBA] =	sst s2  }
0x8f: {  	_ = 	snop  }
0x90: {  	s2 =	sld [smem:$0x3FD0];
	_ =	sdelay $0x2  }
0x91: {  	s15 =	simm.s32 $0xA;
	s4 =	simm.s32 $0x10  }
0x92: {  	[smem:s4], [sflag:s15] =	dma.local [hbm:s2], $0x1  }
0x93: {  	_ =	swait.eq [sflag:s15], $0x1  }
0x94: {  	[sflag:s15] =	ssyncset.done $0x0  }
0x95: {  	[sflag:s15] =	ssyncadd.s32 $0xFFFFFFFF  }
0x96: {  	s16 =	sld [smem:$0x10];
	(tm) =	ssettm $0x1  }
0x97: {  	s17 =	sld [smem:$0x3FFB];
	_ =	sdelay $0x3  }
0x98: {  	_ =	strace s17  }
0x99: {  	s3 =	sld [smem:$0x3FFC];
	_ =	sdelay $0x3  }
0x9a: {  	_ =	strace s3  }
0x9b: {  	s3 =	sld [smem:$0x3FFD];
	_ =	sdelay $0x3  }
0x9c: {  	_ =	strace s3  }
0x9d: {  	_ =	strace $0x8FFFFFFF  }
0x9e: {  	s18 =	sld [smem:$0x3FDB];
	_ =	sdelay $0x1  }
0x9f: {  	s19 =	simm.s32 $_scs_section_size  }
0xa0: {  	s5 =	simm.s32 $_size__tile_overlayer_lowered;
	s6 =	simm.s32 $_tile_overlayer_lowered  }
0xa1: {  	s22 =	simm.s32 $0x1BFF;
	s21 =	sshll.u32 s6, $0x1;
	s3 =	sadd.s32 s19, s18  }
0xa2: {  	s7 =	simm.s32 $0x0;
	s20 =	sshll.u32 s5, $0x1;
	s5 =	sadd.s32 s21, s3  }
0xa3: {  	[timem:s7], [sflag:s22] =	dma.local [hbm:s5], s20  }
0xa4: {  	_ =	swait.ge [sflag:s22], s20  }
0xa5: {  	s4 =	ssub.s32 $0x0, s20;
	[sflag:s22] =	ssyncset.done $0x0  }
0xa6: {  	[sflag:s22] =	ssyncadd.s32 s4;
	_ =	sdelay $0x1  }
0xa7: {  	s23 =	simm.s32 $0x1B8B  }
0xa8: {  	_ =	swait.ge [sflag:s23], $0x1  }
0xa9: {  	[sflag:s23] =	ssyncset.done $0x0  }
0xaa: {  	s25 =	simm.s32 $0x1B8E;
	s24 =	sld [smem:$0x3FFE];
	[sflag:s23] =	ssyncadd.s32 $0xFFFFFFFF  }
0xab: {  	s26 =	simm.s32 $execute0_lowered;
	[smem:$0x3FD2] =	sst s25  }
0xac: {  	s5 =	sshll.u32 s26, $0x1;
	_ =	strace $0x80000046;
	[dreg:$0x1] =	wrdreg $0xFFFFFFFF  }
0xad: {  	s28 =	simm.s32 $_size_execute0_lowered;
	s3 =	sadd.s32 s3, s5;
	[dreg:$0x0] =	wrdreg $0x0  }
0xae: {  	s5 =	sshll.u32 s28, $0x1;
	[dreg:$0x2] =	wrdreg s3  }
0xaf: {  	[dreg:$0x3] =	wrdreg s5  }
0xb0: {  	[dreg:$0x4] =	wrdreg $0xC0  }
0xb1: {  	_ =	task [dreg:s7], $0x5FFFF  }
0xb2: {  	[dreg:$0x1] =	wrdreg $0xFFFFFFFF  }
0xb3: {  	[dreg:$0x0] =	wrdreg $0x60  }
0xb4: {  	[dreg:$0x2] =	wrdreg s24  }
0xb5: {  	[dreg:$0x3] =	wrdreg s16  }
0xb6: {  	[dreg:$0x4] =	wrdreg $0x6FE00  }
0xb7: {  	[dreg:$0x5] =	wrdreg $0x97E00  }
0xb8: {  	[dreg:$0x6] =	wrdreg $0x9  }
0xb9: {  	_ =	task.clear_ibuf [dreg:s7], $0x7FFFF;
	_ =	strace $0x90000046  }
0xba: {  	s29 =	simm.s32 $0x9;
	_ =	strace $0x80000048  }
0xbb: {  	_ =	swait.ge [sflag:s29], $0x1  }
0xbc: {  	[sflag:s29] =	ssyncadd.s32 $0xFFFFFFFF  }
0xbd: {  	_ =	strace $0x90000048  }
0xbe: {  	_ =	sfence  }
0xbf: {  	s30 =	sld [smem:$0x0];
	_ =	sdelay $0x2  }
0xc0: {  	s31 =	sshll.u32 s1, $0xD;
	s1 =	sshrl.u32 s1, $0x2  }
0xc1: {  	s3 =	sand.u32 $0x4000, s31;
	s1 =	sadd.s32 s1, s30  }
0xc2: {  	s0 =	sor.u32 s3, s0;
	s1 =	sshll.u32 s1, $0x11  }
0xc3: {  	s0 =	sor.u32 s1, s0  }
0xc4: {  	s0 =	sadd.s32 $0x8F2B, s0  }
0xc5: {  	[sflag:s0] =	ssyncadd.remote.s32 $0x1  }
0xc6: {  	_ =	sfence.sel $0xFFFF  }
0xc7: {  	[dreg:$0x0] =	wrdreg $0xFFFFFFFF;
	(pc) =	sbr.abs _section_cstart, $3  }
0xc8: {  	[dreg:$0x1] =	wrdreg $0xFFFFFFFF  }
0xc9: {  	_ =	task.clear_ibuf [dreg:s7], $0x2FFFF;
	_ =	strace $0x9FFFFFFF  }
0xca: {  	(tm) =	ssettm $0x7FFFFFFF  }
0xcb: {  	_ =	shalt  }
tec
execute0_lowered:
.L_overlay_start_1:
0x0: {  	(tag) =	ssettag $0x1  }
0x1: {  	s0 =	rddreg [dreg:$0x0]  }
0x2: {  	s13 =	rddreg [dreg:$0x2];
	s14 =	stileid.u32  }
0x3: {  	s15 =	rddreg [dreg:$0x3];
	s5 =	simm.s32 $0x0;
	s2 =	smul.u32 $0x2800, s14  }
0x4: {  	s1 =	srdreg.scid;
	s28 =	simm.s32 $0x42E0;
	s10 =	smul.u32 $0x14000, s14  }
0x5: {  	s29 =	simm.s32 $0x50;
	[smem:$0x7FF] =	sst s5;
	s19 =	smul.u32 $0x500, s14  }
0x6: {  	s1 =	sand.u32 $0x1, s1;
	s6 =	sadd.s32 $0x16C00, s0;
	s21 =	smul.u32 $0x50000, s14  }
0x7: {  	s7 =	sadd.s32 $0xCE00, s0;
	s8 =	sadd.s32 $0x7E00, s0;
	s22 =	smul.u32 $0xA000, s14  }
0x8: {  	s9 =	sadd.s32 $0x2E00, s0;
	s16 =	sadd.s32 $0x48A00, s0;
	s3 =	smul.u32 $0x28000, s1  }
0x9: {  	_ =	strace $0x80000047;
	s4 =	smul.u32 $0x140000, s1;
	s11 =	sshll.u32 s1, $0x4  }
0xa: {  	s1 =	ssub.s32 $0x2, s1;
	[dreg:$0x5] =	wrdreg s16;
	s12 =	sadd.s32 s2, s0  }
0xb: {  	s30 =	sor.u32 s14, s11;
	s19 =	sadd.s32 s19, s16;
	s25 =	sshrl.u32 s21, $0x2  }
0xc: {  	s26 =	sshrl.u32 s22, $0x2;
	s21 =	simm.s32 $0xA0;
	s14 =	simm.s32 $0xF0  }
0xd: {  	s22 =	simm.s32 $0x5;
	s2 =	sadd.s32 s2, s3;
	s4 =	sadd.s32 s10, s4  }
0xe: {  	s11 =	smul.u32 $0x2710, s30;
	s10 =	sshrl.u32 s1, $0x1;
	s24 =	sadd.s32 $0x20A00, s12  }
0xf: {  	s31 =	sadd.s32 s25, s15;
	s30 =	sadd.s32 s26, s13;
	s25 =	simm.s32 $0x9  }
0x10: {  	s26 =	simm.s32 $0xFF0;
	s12 =	simm.s32 $0x1;
	s13 =	simm.s32 $0x2  }
0x11: {  	s15 =	simm.s32 $0x38E0;
	s3 =	simm.s32 $0x0;
	[dreg:$0xc] =	wrdreg s24  }
0x12: {  	s2 =	sshrl.u32 s2, $0x3;
	s4 =	sshrl.u32 s4, $0x3;
	[dreg:$0xe] =	wrdreg s30  }
0x13: {  	s1 =	ssub.s32 s1, s10;
	s24 =	simm.s32 $0xAF0;
	[dreg:$0xd] =	wrdreg s31  }
0x14: {  	s2 =	sadd.s32 s2, s0;
	s0 =	sadd.s32 s4, s0;
	s23 =	sadd.s32 $0xA0, s11  }
0x15: {  	s17 =	sshrl.u32 s11, $0x3;
	s1 =	smax.u32 s1, $0x1;
	[dreg:$0xa] =	wrdreg s23  }
0x16: {  	s18 =	sadd.s32 s6, s17;
	s20 =	sadd.s32 s7, s17;
	[dreg:$0xb] =	wrdreg s1  }
0x17: {  	s4 =	sadd.s32 $0xA, s17;
	s0 =	sadd.s32 $0x57A00, s0;
	[dreg:$0x6] =	wrdreg s18  }
0x18: {  	v1 =	vlaneseq.u32;
	v2 =	vimm.s32 $0x0;
	v3 =	vimm.s32 $0x1;
	s23 =	sadd.s32 $0x4DA00, s2;
	s1 =	simm.s32 $0x7;
	[dreg:$0x7] =	wrdreg s20  }
0x19: {  	v4 =	vimm.s32 $0x2;
	v5 =	vimm.s32 $0x3;
	v6 =	vimm.s32 $0x4;
	s2 =	simm.s32 $0x8;
	s17 =	sadd.s32 s6, s4;
	[dreg:$0xf] =	wrdreg s0  }
0x1a: {  	v7 =	vimm.s32 $0x5;
	v8 =	vimm.s32 $0x6;
	v0 =	vshrl.u32 v1, $0x3;
	s4 =	sadd.s32 s7, s4;
	s18 =	simm.s32 $0x3DE0;
	[dreg:$0x8] =	wrdreg s17  }
0x1b: {  	v9 =	vimm.s32 $0x7;
	v1 =	vand.u32 $0x7, v1;
	v0 =	vmul.u32 $0x10, v0;
	s20 =	simm.s32 $0x6;
	[dreg:$0x9] =	wrdreg s4;
	s17 =	simm.s32 $0x5F0  }
.LBB2_1:
0x1c: {  	[dreg:$0x10] =	wrdreg s3;
	s0 =	sadd.s32 $0x0, s19  }
0x1d: {  	[tilespmem:s24], [sflag:$0x9] =	stream.linear.gather [hbm4b:s0+s5], $0x500, $0x38;
	[tilespmem:$0x1D7E0] =	vst v63  }
0x1e: {  	_ =	swait.ge [sflag:s25], $0x500  }
0x1f: {  	[sflag:s25] =	ssyncset.done $0x0  }
0x20: {  	s4 =	rddreg [dreg:$0xe];
	[sflag:s25] =	ssyncadd.s32 $0xFFFFFB00  }
0x21: {  	[spmem:s4] =	stream.linear.scatter [tilespmem:s24], [sflag:$0x9], $0x500, $0x38;
	[tilespmem:$0x1D7E0] =	vst v63  }
0x22: {  	_ =	swait.ge [sflag:s25], $0x500  }
0x23: {  	[sflag:s25] =	ssyncset.done $0x0  }
0x24: {  	s30 =	rddreg [dreg:$0xc];
	[sflag:s25] =	ssyncadd.s32 $0xFFFFFB00  }
0x25: {  	[tilespmem:s26], [sflag:$0x9] =	stream.linear.gather [hbm4b:s30+s5], $0x2800, $0x38;
	[tilespmem:$0x1D7E0] =	vst v63  }
0x26: {  	_ =	swait.ge [sflag:s25], $0x2800  }
0x27: {  	[sflag:s25] =	ssyncset.done $0x0  }
0x28: {  	s10 =	simm.s32 $0xA0;
	[sflag:s25] =	ssyncadd.s32 $0xFFFFD800  }
0x29: {  	[spmem:s31] =	stream.linear.scatter [tilespmem:s26], [sflag:$0x9], $0x2800, $0x38;
	[tilespmem:$0x1D7E0] =	vst v63  }
0x2a: {  	s16 =	simm.s32 $0x140;
	s0 =	sadd.s32 $0x2800, s31;
	_ =	swait.ge [sflag:s25], $0x2800  }
0x2b: {  	s4 =	sadd.s32 $0x500, s4;
	s3 =	sadd.s32 $0x500, s30;
	[sflag:s25] =	ssyncset.done $0x0  }
.LBB2_2:
0x2c: {  	s30 =	sadd.s32 s10, s19  }
0x2d: {  	[sflag:s25] =	ssyncadd.s32 $0xFFFFD800;
	s10 =	smov.u32 s16;
	s31 =	sadd.s32 $0xA0, s16  }
0x2e: {  	[tilespmem:s24], [sflag:$0x9] =	stream.linear.gather [hbm4b:s30+s5], $0x500, $0x38;
	[tilespmem:$0x1D7E0] =	vst v63  }
0x2f: {  	p0 =	sne.s32 s16, $0x460;
	_ =	swait.ge [sflag:s25], $0x500  }
0x30: {  	[sflag:s25] =	ssyncset.done $0x0  }
0x31: {  	[sflag:s25] =	ssyncadd.s32 $0xFFFFFB00  }
0x32: {  	[spmem:s4] =	stream.linear.scatter [tilespmem:s24], [sflag:$0x9], $0x500, $0x38;
	[tilespmem:$0x1D7E0] =	vst v63  }
0x33: {  	_ =	swait.ge [sflag:s25], $0x500  }
0x34: {  	[sflag:s25] =	ssyncset.done $0x0  }
0x35: {  	[sflag:s25] =	ssyncadd.s32 $0xFFFFFB00  }
0x36: {  	[tilespmem:s26], [sflag:$0x9] =	stream.linear.gather [hbm4b:s3+s5], $0x2800, $0x38;
	[tilespmem:$0x1D7E0] =	vst v63  }
0x37: {  	_ =	swait.ge [sflag:s25], $0x2800  }
.Ltmp0:
0x38: {  	[sflag:s25] =	ssyncset.done $0x0;
	(pc) =	sbr.rel @p0 .LBB2_2-.Ltmp0, $4  }
0x39: {  	[sflag:s25] =	ssyncadd.s32 $0xFFFFD800  }
0x3a: {  	[spmem:s0] =	stream.linear.scatter [tilespmem:s26], [sflag:$0x9], $0x2800, $0x38;
	[tilespmem:$0x1D7E0] =	vst v63  }
0x3b: {  	s16 =	smov.u32 s31;
	s4 =	sadd.s32 $0x500, s4;
	_ =	swait.ge [sflag:s25], $0x2800  }
0x3c: {  	s3 =	sadd.s32 $0x500, s3;
	s0 =	sadd.s32 $0x2800, s0;
	[sflag:s25] =	ssyncset.done $0x0  }
0x3d: {  	s10 =	sadd.s32 s10, s19;
	[sflag:s25] =	ssyncadd.s32 $0xFFFFD800  }
0x3e: {  	[tilespmem:s24], [sflag:$0x9] =	stream.linear.gather [hbm4b:s10+s5], $0x500, $0x38;
	[tilespmem:$0x1D7E0] =	vst v63  }
0x3f: {  	_ =	swait.ge [sflag:s25], $0x500  }
0x40: {  	[sflag:s25] =	ssyncset.done $0x0  }
0x41: {  	[sflag:s25] =	ssyncadd.s32 $0xFFFFFB00  }
0x42: {  	[spmem:s4] =	stream.linear.scatter [tilespmem:s24], [sflag:$0x9], $0x500, $0x38;
	[tilespmem:$0x1D7E0] =	vst v63  }
0x43: {  	_ =	swait.ge [sflag:s25], $0x500  }
0x44: {  	[sflag:s25] =	ssyncset.done $0x0  }
0x45: {  	[sflag:s25] =	ssyncadd.s32 $0xFFFFFB00  }
0x46: {  	[tilespmem:s26], [sflag:$0x9] =	stream.linear.gather [hbm4b:s3+s5], $0x2800, $0x38;
	[tilespmem:$0x1D7E0] =	vst v63  }
0x47: {  	_ =	swait.ge [sflag:s25], $0x2800  }
0x48: {  	[sflag:s25] =	ssyncset.done $0x0  }
0x49: {  	[sflag:s25] =	ssyncadd.s32 $0xFFFFD800  }
0x4a: {  	[spmem:s0] =	stream.linear.scatter [tilespmem:s26], [sflag:$0x9], $0x2800, $0x38;
	[tilespmem:$0x1D7E0] =	vst v63  }
0x4b: {  	_ =	swait.ge [sflag:s25], $0x2800  }
0x4c: {  	[sflag:s25] =	ssyncset.done $0x0  }
0x4d: {  	s4 =	simm.s32 $0x0;
	s10 =	rddreg [dreg:$0x5];
	[sflag:s25] =	ssyncadd.s32 $0xFFFFD800  }
0x4e: {  	[tilespmem:s24], [sflag:$0x9] =	stream.linear.gather [hbm4b:s10+s4], $0x500, $0x38;
	[tilespmem:$0x1D7E0] =	vst v63  }
0x4f: {  	_ =	swait.ge [sflag:s25], $0x500  }
0x50: {  	[sflag:s25] =	ssyncset.done $0x0  }
0x51: {  	[sflag:s25] =	ssyncadd.s32 $0xFFFFFB00  }
0x52: {  	[tilespmem:s28], [sflag:$0x9] =	stream.linear.gather [hbm4b:s10+s4], $0x500, $0x38;
	[tilespmem:$0x1D7E0] =	vst v63  }
0x53: {  	_ =	swait.ge [sflag:s25], $0x500  }
0x54: {  	[sflag:s25] =	ssyncset.done $0x0  }
0x55: {  	[sflag:s25] =	ssyncadd.s32 $0xFFFFFB00  }
0x56: {  	[bflag:$0x0] =	sbarrier.arrive $0xFFFF  }
0x57: {  	s16 =	rddreg [dreg:$0x6]  }
0x58: {  	[tilespmem:s4], [sflag:$0x1] =	stream.linear.gather [hbm4b:s16+s4], $0x50, $0x38;
	[tilespmem:$0x1D7E0] =	vst v63  }
0x59: {  	s30 =	rddreg [dreg:$0x7]  }
0x5a: {  	[tilespmem:s29], [sflag:$0x1] =	stream.linear.gather [hbm4b:s30+s4], $0x50, $0x38;
	[tilespmem:$0x1D7E0] =	vst v63  }
0x5b: {  	_ = 	snop  }
0x5c: {  	[tilespmem:s21], [sflag:$0x3] =	stream.linear.gather [hbm4b:s30+s4], $0x50, $0x38;
	[tilespmem:$0x1D7E0] =	vst v63  }
0x5d: {  	s3 =	simm.s32 $0x37F0;
	s31 =	rddreg [dreg:$0x8]  }
0x5e: {  	[tilespmem:s3], [sflag:$0x2] =	stream.linear.gather [hbm4b:s31+s4], $0x50, $0x38;
	[tilespmem:$0x1D7E0] =	vst v63  }
0x5f: {  	s10 =	rddreg [dreg:$0x9];
	s21 =	simm.s32 $0x3840  }
0x60: {  	[tilespmem:s21], [sflag:$0x2] =	stream.linear.gather [hbm4b:s10+s4], $0x50, $0x38;
	[tilespmem:$0x1D7E0] =	vst v63  }
0x61: {  	s16 =	simm.s32 $0x3890  }
0x62: {  	[tilespmem:s16], [sflag:$0x4] =	stream.linear.gather [hbm4b:s10+s4], $0x50, $0x38;
	[tilespmem:$0x1D7E0] =	vst v63  }
0x63: {  	_ =	swait.ge [sflag:s12], $0x50  }
0x64: {  	[sflag:s12] =	ssyncset.done $0x0  }
0x65: {  	[sflag:s12] =	ssyncadd.s32 $0xFFFFFFB0  }
0x66: {  	_ =	swait.ge [sflag:s12], $0x50  }
0x67: {  	[sflag:s12] =	ssyncset.done $0x0  }
0x68: {  	[sflag:s12] =	ssyncadd.s32 $0xFFFFFFB0  }
0x69: {  	[tilespmem:s14], [sflag:$0x5] =	stream.indirect.gather [hbm4b:s8+s29], $0x10, s4, s29, $0xb8;
	[tilespmem:$0x1D7E0] =	vst v63  }
0x6a: {  	_ = 	snop  }
0x6b: {  	[tilespmem:s17], [sflag:$0x5] =	stream.indirect.gather [hbm4b:s9+s29], $0x10, s29, s29, $0xb8;
	[tilespmem:$0x1D7E0] =	vst v63  }
0x6c: {  	s30 =	rddreg [dreg:$0x1]  }
0x6d: {  	[tilespmem:s26], [sflag:$0x5] =	stream.indirect.gather [hbm4b:s30+s29], $0x80, s4, s29, $0xb8;
	[tilespmem:$0x1D7E0] =	vst v63  }
0x6e: {  	_ =	swait.ge [sflag:s13], $0x50  }
0x6f: {  	[sflag:s13] =	ssyncset.done $0x0  }
0x70: {  	[sflag:s13] =	ssyncadd.s32 $0xFFFFFFB0  }
0x71: {  	_ =	swait.ge [sflag:s13], $0x50  }
0x72: {  	[sflag:s13] =	ssyncset.done $0x0  }
0x73: {  	[sflag:s13] =	ssyncadd.s32 $0xFFFFFFB0  }
0x74: {  	[tilespmem:s15], [sflag:$0x6] =	stream.indirect.gather [hbm4b:s8+s29], $0x10, s3, s29, $0xb8;
	[tilespmem:$0x1D7E0] =	vst v63  }
0x75: {  	_ = 	snop  }
0x76: {  	[tilespmem:s18], [sflag:$0x6] =	stream.indirect.gather [hbm4b:s9+s29], $0x10, s21, s29, $0xb8;
	[tilespmem:$0x1D7E0] =	vst v63  }
0x77: {  	s31 =	simm.s32 $0x47E0  }
0x78: {  	[tilespmem:s31], [sflag:$0x6] =	stream.indirect.gather [hbm4b:s30+s29], $0x80, s3, s29, $0xb8;
	[tilespmem:$0x1D7E0] =	vst v63  }
.LBB2_4:
0x79: {  	_ =	swait.ge [sflag:s22], $0x500  }
0x7a: {  	[sflag:s22] =	ssyncset.done $0x0  }
0x7b: {  	[sflag:s22] =	ssyncadd.s32 $0xFFFFFB00  }
0x7c: {  	_ =	swait.ge [sflag:s22], $0x500  }
0x7d: {  	[sflag:s22] =	ssyncset.done $0x0  }
0x7e: {  	s0 =	simm.s32 $0x0;
	[sflag:s22] =	ssyncadd.s32 $0xFFFFFB00  }
0x7f: {  	s3 =	smul.u32 $0xA0, s4;
	v10 =	vmov s0;
	_ =	swait.ge [sflag:s22], $0x2800  }
0x80: {  	v10 =	vshll.u32 v10, $0x4;
	s21 =	rddreg [dreg:$0xa]  }
0x81: {  	v10 =	vor.u32 v0, v10;
	s0 =	sadd.s32 s3, s21  }
0x82: {  	v10 =	vor.u32 v1, v10;
	[sflag:s22] =	ssyncset.done $0x0;
	s0 =	sshrl.u32 s0, $0x3  }
0x83: {  	[sflag:s22] =	ssyncadd.s32 $0xFFFFD800;
	s30 =	sadd.s32 s6, s0  }
0x84: {  	[tilespmem:s5], [sflag:$0x1] =	stream.linear.gather [hbm4b:s30+s5], $0x50, $0x38;
	[tilespmem:$0x1D7E0] =	vst v63  }
0x85: {  	s16 =	sadd.s32 s7, s0  }
0x86: {  	[tilespmem:s29], [sflag:$0x1] =	stream.linear.gather [hbm4b:s16+s5], $0x50, $0x38;
	[tilespmem:$0x1D7E0] =	vst v63  }
0x87: {  	v11 =	vld.idx.msk [tilespmem:v10+s14+$0x0], $0xffff  }
0x88: {  	v12 =	vld.idx.msk [tilespmem:v10+s17+$0x0], $0xffff;
	_ =	sdelay $0x4  }
0x89: {  	v11 =	vadd.f32 v12, v11;
	_ =	sdelay $0x1  }
0x8a: {  	v12 =	vmul.f32 $2.000000030e-01, v11  }
0x8b: {  	vm0 =	vgt.f32 v11, $0.0e+00  }
0x8c: {  	v11 =	vsel vm0, v11, v12  }
0x8d: {  	v11 =	vmul.f32 $1.442695020e+00, v11;
	_ =	sdelay $0x1  }
0x8e: {  	(erf) = vpow2.f32 v11;
	_ =	sdelay $0x1  }
0x8f: {  	s3 =	simm.s32 $0x2  }
0x90: {  	v11 =	vmov s3  }
0x91: {  	v11 =	vshll.u32 v11, $0x4  }
0x92: {  	v11 =	vor.u32 v0, v11  }
0x93: {  	v11 =	vor.u32 v1, v11;
	_ =	sdelay $0x2  }
0x94: {  	v61 =	vpop (erf)  }
0x95: {  	[tilespmem:v10+s24+$0x0] =	vst.idx.msk $0xffff, v61  }
0x96: {  	v10 =	vld.idx.msk [tilespmem:v11+s14+$0x0], $0xffff  }
0x97: {  	v12 =	vld.idx.msk [tilespmem:v11+s17+$0x0], $0xffff;
	_ =	sdelay $0x4  }
0x98: {  	v10 =	vadd.f32 v12, v10;
	_ =	sdelay $0x1  }
0x99: {  	v12 =	vmul.f32 $2.000000030e-01, v10  }
0x9a: {  	vm13 =	vgt.f32 v10, $0.0e+00  }
0x9b: {  	v10 =	vsel vm13, v10, v12  }
0x9c: {  	v10 =	vmul.f32 $1.442695020e+00, v10;
	_ =	sdelay $0x1  }
0x9d: {  	(erf) = vpow2.f32 v10;
	_ =	sdelay $0x1  }
0x9e: {  	s10 =	simm.s32 $0x4  }
0x9f: {  	v10 =	vmov s10  }
0xa0: {  	v10 =	vshll.u32 v10, $0x4  }
0xa1: {  	v10 =	vor.u32 v0, v10  }
0xa2: {  	v62 =	vor.u32 v1, v10;
	_ =	sdelay $0x2  }
0xa3: {  	v10 =	vpop (erf)  }
0xa4: {  	[tilespmem:v11+s24+$0x0] =	vst.idx.msk $0xffff, v10  }
0xa5: {  	v10 =	vld.idx.msk [tilespmem:v62+s14+$0x0], $0xffff  }
0xa6: {  	v11 =	vld.idx.msk [tilespmem:v62+s17+$0x0], $0xffff;
	_ =	sdelay $0x4  }
0xa7: {  	v10 =	vadd.f32 v11, v10;
	_ =	sdelay $0x1  }
0xa8: {  	v11 =	vmul.f32 $2.000000030e-01, v10  }
0xa9: {  	vm14 =	vgt.f32 v10, $0.0e+00  }
0xaa: {  	v10 =	vsel vm14, v10, v11  }
0xab: {  	v10 =	vmul.f32 $1.442695020e+00, v10;
	_ =	sdelay $0x1  }
0xac: {  	(erf) = vpow2.f32 v10;
	_ =	sdelay $0x1  }
0xad: {  	s21 =	simm.s32 $0x6  }
0xae: {  	v10 =	vmov s21  }
0xaf: {  	v10 =	vshll.u32 v10, $0x4  }
0xb0: {  	v10 =	vor.u32 v0, v10  }
0xb1: {  	v10 =	vor.u32 v1, v10;
	_ =	sdelay $0x2  }
0xb2: {  	v11 =	vpop (erf)  }
0xb3: {  	[tilespmem:v62+s24+$0x0] =	vst.idx.msk $0xffff, v11  }
0xb4: {  	v11 =	vld.idx.msk [tilespmem:v10+s14+$0x0], $0xffff  }
0xb5: {  	v12 =	vld.idx.msk [tilespmem:v10+s17+$0x0], $0xffff;
	_ =	sdelay $0x4  }
0xb6: {  	v11 =	vadd.f32 v12, v11;
	_ =	sdelay $0x1  }
0xb7: {  	v12 =	vmul.f32 $2.000000030e-01, v11  }
0xb8: {  	vm15 =	vgt.f32 v11, $0.0e+00  }
0xb9: {  	v11 =	vsel vm15, v11, v12  }
0xba: {  	v11 =	vmul.f32 $1.442695020e+00, v11;
	_ =	sdelay $0x1  }
0xbb: {  	(erf) = vpow2.f32 v11;
	_ =	sdelay $0x1  }
0xbc: {  	s30 =	simm.s32 $0x8  }
0xbd: {  	v63 =	vmov s30  }
0xbe: {  	v12 =	vshll.u32 v63, $0x4  }
0xbf: {  	s31 =	simm.s32 $0xE;
	s3 =	simm.s32 $0x4;
	v11 =	vor.u32 v0, v12  }
.LBB2_5:
0xc0: {  	s3 =	sadd.s32 $0x4, s3;
	v11 =	vor.u32 v1, v11;
	s10 =	simm.s32 $0x1070  }
0xc1: {  	p0 =	slt.u32 s3, $0x24;
	_ =	sdelay $0x1  }
0xc2: {  	v12 =	vpop (erf)  }
0xc3: {  	[tilespmem:v10+s24+$0x0] =	vst.idx.msk $0xffff, v12  }
0xc4: {  	v10 =	vld.idx.msk [tilespmem:v11+s14+$0x0], $0xffff  }
0xc5: {  	v12 =	vld.idx.msk [tilespmem:v11+s17+$0x0], $0xffff;
	_ =	sdelay $0x5  }
0xc6: {  	v10 =	vadd.f32 v12, v10;
	_ =	sdelay $0x1  }
0xc7: {  	vm0 =	vgt.f32 v10, $0.0e+00;
	v12 =	vmul.f32 $2.000000030e-01, v10;
	_ =	sdelay $0x1  }
0xc8: {  	v10 =	vsel vm0, v10, v12  }
0xc9: {  	v10 =	vmul.f32 $1.442695020e+00, v10;
	_ =	sdelay $0x1  }
0xca: {  	(erf) = vpow2.f32 v10;
	_ =	sdelay $0x1  }
0xcb: {  	s0 =	sadd.s32 $0xFFFFFFFC, s31  }
0xcc: {  	v10 =	vmov s0  }
0xcd: {  	v10 =	vshll.u32 v10, $0x4  }
0xce: {  	v10 =	vor.u32 v0, v10  }
0xcf: {  	v10 =	vor.u32 v1, v10;
	_ =	sdelay $0x2  }
0xd0: {  	v12 =	vpop (erf)  }
0xd1: {  	[tilespmem:v11+s24+$0x0] =	vst.idx.msk $0xffff, v12  }
0xd2: {  	v11 =	vld.idx.msk [tilespmem:v10+s14+$0x0], $0xffff  }
0xd3: {  	v12 =	vld.idx.msk [tilespmem:v10+s17+$0x0], $0xffff;
	_ =	sdelay $0x5  }
0xd4: {  	v11 =	vadd.f32 v12, v11;
	_ =	sdelay $0x1  }
0xd5: {  	vm0 =	vgt.f32 v11, $0.0e+00;
	v12 =	vmul.f32 $2.000000030e-01, v11;
	_ =	sdelay $0x1  }
0xd6: {  	v11 =	vsel vm0, v11, v12  }
0xd7: {  	v11 =	vmul.f32 $1.442695020e+00, v11;
	_ =	sdelay $0x1  }
0xd8: {  	(erf) = vpow2.f32 v11;
	_ =	sdelay $0x1  }
0xd9: {  	s0 =	sadd.s32 $0xFFFFFFFE, s31  }
0xda: {  	v11 =	vmov s0  }
0xdb: {  	v11 =	vshll.u32 v11, $0x4  }
0xdc: {  	v11 =	vor.u32 v0, v11  }
0xdd: {  	v11 =	vor.u32 v1, v11;
	_ =	sdelay $0x2  }
0xde: {  	v12 =	vpop (erf)  }
0xdf: {  	[tilespmem:v10+s24+$0x0] =	vst.idx.msk $0xffff, v12  }
0xe0: {  	v10 =	vld.idx.msk [tilespmem:v11+s14+$0x0], $0xffff  }
0xe1: {  	v12 =	vld.idx.msk [tilespmem:v11+s17+$0x0], $0xffff;
	_ =	sdelay $0x5  }
0xe2: {  	v10 =	vadd.f32 v12, v10;
	_ =	sdelay $0x1  }
0xe3: {  	vm0 =	vgt.f32 v10, $0.0e+00;
	v12 =	vmul.f32 $2.000000030e-01, v10;
	_ =	sdelay $0x1  }
0xe4: {  	v10 =	vsel vm0, v10, v12  }
0xe5: {  	v10 =	vmul.f32 $1.442695020e+00, v10;
	_ =	sdelay $0x1  }
0xe6: {  	(erf) = vpow2.f32 v10;
	_ =	sdelay $0x2  }
0xe7: {  	v10 =	vmov s31  }
0xe8: {  	v10 =	vshll.u32 v10, $0x4  }
0xe9: {  	v10 =	vor.u32 v0, v10  }
0xea: {  	v10 =	vor.u32 v1, v10;
	_ =	sdelay $0x2  }
0xeb: {  	v12 =	vpop (erf)  }
0xec: {  	[tilespmem:v11+s24+$0x0] =	vst.idx.msk $0xffff, v12  }
0xed: {  	v11 =	vld.idx.msk [tilespmem:v10+s14+$0x0], $0xffff  }
0xee: {  	v12 =	vld.idx.msk [tilespmem:v10+s17+$0x0], $0xffff;
	_ =	sdelay $0x5  }
0xef: {  	v11 =	vadd.f32 v12, v11;
	_ =	sdelay $0x1  }
0xf0: {  	vm0 =	vgt.f32 v11, $0.0e+00;
	v12 =	vmul.f32 $2.000000030e-01, v11;
	_ =	sdelay $0x1  }
0xf1: {  	v11 =	vsel vm0, v11, v12  }
0xf2: {  	v11 =	vmul.f32 $1.442695020e+00, v11;
	_ =	sdelay $0x1  }
0xf3: {  	(erf) = vpow2.f32 v11  }
.Ltmp1:
0xf4: {  	s31 =	sadd.s32 $0x8, s31;
	(pc) =	sbr.rel @p0 .LBB2_5-.Ltmp1, $4  }
0xf5: {  	s0 =	sadd.s32 $0xFFFFFFFA, s31  }
0xf6: {  	v11 =	vmov s0  }
0xf7: {  	v11 =	vshll.u32 v11, $0x4  }
0xf8: {  	v11 =	vor.u32 v0, v11  }
0xf9: {  	v11 =	vor.u32 v1, v11;
	_ =	sdelay $0x2  }
0xfa: {  	v12 =	vpop (erf)  }
0xfb: {  	[tilespmem:v10+s24+$0x0] =	vst.idx.msk $0xffff, v12  }
0xfc: {  	v10 =	vld.idx.msk [tilespmem:v11+s14+$0x0], $0xffff  }
0xfd: {  	v12 =	vld.idx.msk [tilespmem:v11+s17+$0x0], $0xffff;
	_ =	sdelay $0x4  }
0xfe: {  	v10 =	vadd.f32 v12, v10;
	_ =	sdelay $0x1  }
0xff: {  	v12 =	vmul.f32 $2.000000030e-01, v10  }
0x100: {  	vm0 =	vgt.f32 v10, $0.0e+00  }
0x101: {  	v10 =	vsel vm0, v10, v12  }
0x102: {  	v10 =	vmul.f32 $1.442695020e+00, v10;
	_ =	sdelay $0x1  }
0x103: {  	(erf) = vpow2.f32 v10;
	_ =	sdelay $0x1  }
0x104: {  	s0 =	sadd.s32 $0xFFFFFFFC, s31  }
0x105: {  	v10 =	vmov s0  }
0x106: {  	v10 =	vshll.u32 v10, $0x4  }
0x107: {  	v10 =	vor.u32 v0, v10  }
0x108: {  	v10 =	vor.u32 v1, v10;
	_ =	sdelay $0x2  }
0x109: {  	v56 =	vpop (erf)  }
0x10a: {  	[tilespmem:v11+s24+$0x0] =	vst.idx.msk $0xffff, v56  }
0x10b: {  	v11 =	vld.idx.msk [tilespmem:v10+s14+$0x0], $0xffff  }
0x10c: {  	v12 =	vld.idx.msk [tilespmem:v10+s17+$0x0], $0xffff;
	_ =	sdelay $0x4  }
0x10d: {  	v11 =	vadd.f32 v12, v11;
	_ =	sdelay $0x1  }
0x10e: {  	v12 =	vmul.f32 $2.000000030e-01, v11  }
0x10f: {  	vm13 =	vgt.f32 v11, $0.0e+00  }
0x110: {  	v11 =	vsel vm13, v11, v12  }
0x111: {  	v11 =	vmul.f32 $1.442695020e+00, v11;
	_ =	sdelay $0x1  }
0x112: {  	(erf) = vpow2.f32 v11;
	_ =	sdelay $0x1  }
0x113: {  	s21 =	sadd.s32 $0xFFFFFFFE, s31  }
0x114: {  	v11 =	vmov s21  }
0x115: {  	v11 =	vshll.u32 v11, $0x4  }
0x116: {  	v11 =	vor.u32 v0, v11  }
0x117: {  	v11 =	vor.u32 v1, v11;
	_ =	sdelay $0x2  }
0x118: {  	v57 =	vpop (erf)  }
0x119: {  	[tilespmem:v10+s24+$0x0] =	vst.idx.msk $0xffff, v57  }
0x11a: {  	v10 =	vld.idx.msk [tilespmem:v11+s14+$0x0], $0xffff  }
0x11b: {  	v12 =	vld.idx.msk [tilespmem:v11+s17+$0x0], $0xffff;
	_ =	sdelay $0x4  }
0x11c: {  	v10 =	vadd.f32 v12, v10;
	_ =	sdelay $0x1  }
0x11d: {  	v12 =	vmul.f32 $2.000000030e-01, v10  }
0x11e: {  	vm14 =	vgt.f32 v10, $0.0e+00  }
0x11f: {  	v10 =	vsel vm14, v10, v12  }
0x120: {  	v10 =	vmul.f32 $1.442695020e+00, v10;
	_ =	sdelay $0x1  }
0x121: {  	(erf) = vpow2.f32 v10;
	_ =	sdelay $0x2  }
0x122: {  	v10 =	vmov s31  }
0x123: {  	v10 =	vshll.u32 v10, $0x4  }
0x124: {  	v10 =	vor.u32 v0, v10  }
0x125: {  	v10 =	vor.u32 v1, v10;
	_ =	sdelay $0x2  }
0x126: {  	v58 =	vpop (erf)  }
0x127: {  	[tilespmem:v11+s24+$0x0] =	vst.idx.msk $0xffff, v58  }
0x128: {  	v11 =	vld.idx.msk [tilespmem:v10+s14+$0x0], $0xffff  }
0x129: {  	v12 =	vld.idx.msk [tilespmem:v10+s17+$0x0], $0xffff;
	_ =	sdelay $0x4  }
0x12a: {  	v11 =	vadd.f32 v12, v11;
	_ =	sdelay $0x1  }
0x12b: {  	v12 =	vmul.f32 $2.000000030e-01, v11  }
0x12c: {  	vm15 =	vgt.f32 v11, $0.0e+00  }
0x12d: {  	v11 =	vsel vm15, v11, v12  }
0x12e: {  	v11 =	vmul.f32 $1.442695020e+00, v11;
	_ =	sdelay $0x1  }
0x12f: {  	(erf) = vpow2.f32 v11;
	_ =	sdelay $0x4  }
0x130: {  	s30 =	simm.s32 $0x0  }
0x131: {  	v11 =	vor.u32 s30, v1;
	_ =	sdelay $0x2  }
0x132: {  	v59 =	vpop (erf)  }
0x133: {  	[tilespmem:v10+s24+$0x0] =	vst.idx.msk $0xffff, v59  }
0x134: {  	v10 =	vld.idx.msk [tilespmem:v11+s24+$0x0], $0xffff;
	_ =	sdelay $0x1  }
0x135: {  	v11 =	vld [tilespmem:s10+$0xFFFFFFE0]  }
0x136: {  	v12 =	vld [tilespmem:s10+$0xFFFFFFC0]  }
0x137: {  	v13 =	vld [tilespmem:s10+$0xFFFFFFB0]  }
0x138: {  	v14 =	vld [tilespmem:s10+$0xFFFFFF80];
	v15 =	vperm.xlane v10, v8  }
0x139: {  	v16 =	vld [tilespmem:s10+$0xFFFFFFA0];
	v17 =	vperm.xlane v10, v6  }
0x13a: {  	v60 =	vld [tilespmem:s10+$0xFFFFFFF0];
	v18 =	vperm.xlane v10, v5;
	v11 =	vmul.f32 v11, v15  }
0x13b: {  	v19 =	vld [tilespmem:s10+$0xFFFFFFD0];
	v20 =	vperm.xlane v10, v2;
	v12 =	vmul.f32 v12, v17  }
0x13c: {  	v61 =	vld [tilespmem:s10+$0xFFFFFF90];
	v21 =	vperm.xlane v10, v4;
	v13 =	vmul.f32 v13, v18;
	[tilespmem:s10+$0xFFFFFFE0] =	vst v11  }
0x13d: {  	v62 =	vperm.xlane v10, v9;
	v14 =	vmul.f32 v14, v20;
	[tilespmem:s10+$0xFFFFFFC0] =	vst v12  }
0x13e: {  	s31 =	simm.s32 $0x10;
	v16 =	vmul.f32 v16, v21;
	v11 =	vperm.xlane v10, v7;
	[tilespmem:s10+$0xFFFFFFB0] =	vst v13  }
0x13f: {  	v63 =	vor.u32 s31, v1;
	v10 =	vperm.xlane v10, v3;
	[tilespmem:s10+$0xFFFFFF80] =	vst v14;
	v12 =	vmul.f32 v60, v62  }
0x140: {  	[tilespmem:s10+$0xFFFFFFA0] =	vst v16;
	v11 =	vmul.f32 v19, v11  }
0x141: {  	v10 =	vmul.f32 v61, v10;
	[tilespmem:s10+$0xFFFFFFF0] =	vst v12  }
0x142: {  	[tilespmem:s10+$0xFFFFFFD0] =	vst v11  }
0x143: {  	[tilespmem:s10+$0xFFFFFF90] =	vst v10  }
0x144: {  	s3 =	simm.s32 $0x1070;
	s0 =	simm.s32 $0x2;
	v10 =	vld.idx.msk [tilespmem:v63+s24+$0x0], $0xffff  }
.LBB2_7:
0x145: {  	p0 =	slt.u32 s0, $0x4E  }
0x146: {  	v11 =	vld [tilespmem:s10+$0x70];
	s3 =	sadd.s32 $0x100, s3;
	s30 =	smov.u32 s0;
	s0 =	sadd.s32 $0x2, s0  }
0x147: {  	v12 =	vld [tilespmem:s10+$0x20]  }
0x148: {  	v13 =	vld [tilespmem:s10+$0x50]  }
0x149: {  	v14 =	vld [tilespmem:s10+$0x10]  }
0x14a: {  	v15 =	vld [tilespmem:s10+$0x30]  }
0x14b: {  	v16 =	vperm.xlane v10, v2;
	v17 =	vperm.xlane v10, v7;
	v18 =	vld [tilespmem:s10+$0x60]  }
0x14c: {  	v20 =	vperm.xlane v10, v3;
	v21 =	vperm.xlane v10, v4;
	v19 =	vld [tilespmem:s10+$0x0]  }
0x14d: {  	v22 =	vperm.xlane v10, v5;
	v23 =	vld [tilespmem:s10+$0x40];
	v13 =	vmul.f32 v13, v17  }
0x14e: {  	v12 =	vmul.f32 v12, v21;
	v14 =	vmul.f32 v14, v20  }
0x14f: {  	s30 =	sshll.u32 s30, $0x4;
	v15 =	vmul.f32 v15, v22;
	[tilespmem:s10+$0x50] =	vst v13;
	v13 =	vperm.xlane v10, v8  }
0x150: {  	s31 =	sadd.s32 $0x10, s30;
	v17 =	vor.u32 s30, v1;
	[tilespmem:s10+$0x10] =	vst v14;
	v14 =	vperm.xlane v10, v6;
	v10 =	vperm.xlane v10, v9  }
0x151: {  	v16 =	vmul.f32 v19, v16;
	[tilespmem:s10+$0x20] =	vst v12;
	v12 =	vmul.f32 v18, v13  }
0x152: {  	[tilespmem:s10+$0x30] =	vst v15;
	v13 =	vmul.f32 v23, v14;
	v10 =	vmul.f32 v11, v10  }
0x153: {  	[tilespmem:s10+$0x60] =	vst v12  }
0x154: {  	[tilespmem:s10+$0x70] =	vst v10  }
0x155: {  	[tilespmem:s10+$0x40] =	vst v13  }
0x156: {  	[tilespmem:s10+$0x0] =	vst v16;
	s10 =	smov.u32 s3  }
0x157: {  	v10 =	vld.idx.msk [tilespmem:v17+s24+$0x0], $0xffff  }
0x158: {  	v11 =	vld [tilespmem:s3+$0xFFFFFFF0]  }
0x159: {  	v12 =	vld [tilespmem:s3+$0xFFFFFFA0]  }
0x15a: {  	v13 =	vld [tilespmem:s3+$0xFFFFFFE0]  }
0x15b: {  	v14 =	vld [tilespmem:s3+$0xFFFFFFC0]  }
0x15c: {  	v15 =	vld [tilespmem:s3+$0xFFFFFFB0]  }
0x15d: {  	v17 =	vperm.xlane v10, v6;
	v18 =	vperm.xlane v10, v8;
	v16 =	vld [tilespmem:s3+$0xFFFFFF80]  }
0x15e: {  	v20 =	vperm.xlane v10, v4;
	v21 =	vperm.xlane v10, v5;
	v19 =	vld [tilespmem:s3+$0xFFFFFF90]  }
0x15f: {  	v22 =	vperm.xlane v10, v2;
	v23 =	vld [tilespmem:s3+$0xFFFFFFD0];
	v13 =	vmul.f32 v13, v18  }
0x160: {  	v14 =	vmul.f32 v14, v17;
	v17 =	vperm.xlane v10, v7  }
0x161: {  	v18 =	vperm.xlane v10, v3;
	v15 =	vmul.f32 v15, v21;
	[tilespmem:s3+$0xFFFFFFE0] =	vst v13  }
0x162: {  	v10 =	vperm.xlane v10, v9;
	v13 =	vmul.f32 v16, v22;
	[tilespmem:s3+$0xFFFFFFC0] =	vst v14  }
0x163: {  	v12 =	vmul.f32 v12, v20;
	v14 =	vmul.f32 v19, v18;
	[tilespmem:s3+$0xFFFFFFB0] =	vst v15  }
0x164: {  	v10 =	vmul.f32 v11, v10;
	v11 =	vor.u32 s31, v1;
	[tilespmem:s3+$0xFFFFFF80] =	vst v13;
	v13 =	vmul.f32 v23, v17  }
.Ltmp2:
0x165: {  	[tilespmem:s3+$0xFFFFFFA0] =	vst v12;
	(pc) =	sbr.rel @p0 .LBB2_7-.Ltmp2, $4  }
0x166: {  	[tilespmem:s3+$0xFFFFFFD0] =	vst v13  }
0x167: {  	[tilespmem:s3+$0xFFFFFFF0] =	vst v10  }
0x168: {  	[tilespmem:s3+$0xFFFFFF90] =	vst v14  }
0x169: {  	v10 =	vld.idx.msk [tilespmem:v11+s24+$0x0], $0xffff  }
0x16a: {  	_ = 	snop  }
0x16b: {  	v11 =	vld [tilespmem:s10+$0x50]  }
0x16c: {  	v12 =	vld [tilespmem:s10+$0x10]  }
0x16d: {  	v13 =	vld [tilespmem:s10+$0x20]  }
0x16e: {  	v14 =	vld [tilespmem:s10+$0x30];
	v15 =	vperm.xlane v10, v7  }
0x16f: {  	v20 =	vld [tilespmem:s10+$0x40];
	v17 =	vperm.xlane v10, v3  }
0x170: {  	v18 =	vld [tilespmem:s10+$0x70];
	v19 =	vperm.xlane v10, v4;
	v11 =	vmul.f32 v11, v15  }
0x171: {  	v16 =	vld [tilespmem:s10+$0x60];
	v55 =	vperm.xlane v10, v5;
	v12 =	vmul.f32 v12, v17  }
0x172: {  	v56 =	vld [tilespmem:s10+$0x0];
	v58 =	vperm.xlane v10, v6;
	v13 =	vmul.f32 v13, v19;
	[tilespmem:s10+$0x50] =	vst v11  }
0x173: {  	v57 =	vperm.xlane v10, v9;
	v14 =	vmul.f32 v14, v55;
	[tilespmem:s10+$0x10] =	vst v12  }
0x174: {  	v59 =	vmul.f32 v20, v58;
	v11 =	vperm.xlane v10, v8;
	[tilespmem:s10+$0x20] =	vst v13  }
0x175: {  	v10 =	vperm.xlane v10, v2;
	[tilespmem:s10+$0x30] =	vst v14;
	v12 =	vmul.f32 v18, v57  }
0x176: {  	[tilespmem:s10+$0x40] =	vst v59;
	v11 =	vmul.f32 v16, v11  }
0x177: {  	v10 =	vmul.f32 v56, v10;
	[tilespmem:s10+$0x70] =	vst v12  }
0x178: {  	[tilespmem:s10+$0x60] =	vst v11  }
0x179: {  	s0 =	simm.s32 $0x3;
	[tilespmem:s10+$0x0] =	vst v10  }
0x17a: {  	_ =	swait.ge [sflag:s0], $0x50  }
0x17b: {  	[sflag:s0] =	ssyncset.done $0x0  }
0x17c: {  	[sflag:s0] =	ssyncadd.s32 $0xFFFFFFB0  }
0x17d: {  	s3 =	simm.s32 $0xA0;
	s0 =	rddreg [dreg:$0x2]  }
0x17e: {  	[spmem:s0] =	stream.indirect.scatter.add.f32 [tilespmem:s24], [sflag:$0x7], $0x10, s3, s29, $0xb8;
	[tilespmem:$0x1D7E0] =	vst v63  }
0x17f: {  	s31 =	rddreg [dreg:$0x3]  }
0x180: {  	[spmem:s31] =	stream.indirect.scatter.add.f32 [tilespmem:s26], [sflag:$0x7], $0x80, s3, s29, $0xb8;
	[tilespmem:$0x1D7E0] =	vst v63  }
0x181: {  	_ =	swait.ge [sflag:s20], $0x500  }
0x182: {  	[sflag:s20] =	ssyncset.done $0x0  }
0x183: {  	p0 =	seq.s32 s4, $0x3D;
	s10 =	sshll.u32 s4, $0x1;
	[sflag:s20] =	ssyncadd.s32 $0xFFFFFB00  }
0x184: {  	s30 =	simm.s32 $0x0;
	s10 =	sadd.s32 $0x3, s10;
	_ =	swait.ge [sflag:s20], $0x500  }
0x185: {  	v10 =	vmov s30;
	s3 =	smul.u32 @!p0 $0x50, s10;
	[sflag:s20] =	ssyncset.done $0x0  }
0x186: {  	v10 =	vshll.u32 v10, $0x4;
	[sflag:s20] =	ssyncadd.s32 $0xFFFFFB00  }
0x187: {  	v10 =	vor.u32 v0, v10;
	s0 =	sadd.s32 @!p0 s11, s3;
	_ =	swait.ge [sflag:s20], $0x2800  }
0x188: {  	s30 =	simm.s32 @!p0 $0x0;
	v10 =	vor.u32 v1, v10;
	s0 =	sshrl.u32 @!p0 s0, $0x3;
	[sflag:s20] =	ssyncset.done $0x0  }
0x189: {  	s31 =	simm.s32 @!p0 $0x37F0;
	s3 =	sadd.s32 @!p0 s6, s0;
	[sflag:s20] =	ssyncadd.s32 $0xFFFFD800  }
0x18a: {  	[tilespmem:s31], [sflag:$0x2] =	stream.linear.gather @!p0 [hbm4b:s3+s30], $0x50, $0x38;
	[tilespmem:$0x1D7E0] =	vst v63  }
0x18b: {  	s0 =	sadd.s32 @!p0 s7, s0;
	s3 =	simm.s32 @!p0 $0x3840  }
0x18c: {  	[tilespmem:s3], [sflag:$0x2] =	stream.linear.gather @!p0 [hbm4b:s0+s30], $0x50, $0x38;
	[tilespmem:$0x1D7E0] =	vst v63  }
0x18d: {  	v11 =	vld.idx.msk [tilespmem:v10+s15+$0x0], $0xffff  }
0x18e: {  	v60 =	vld.idx.msk [tilespmem:v10+s18+$0x0], $0xffff;
	_ =	sdelay $0x4  }
0x18f: {  	v11 =	vadd.f32 v60, v11;
	_ =	sdelay $0x1  }
0x190: {  	v12 =	vmul.f32 $2.000000030e-01, v11  }
0x191: {  	vm0 =	vgt.f32 v11, $0.0e+00  }
0x192: {  	v11 =	vsel vm0, v11, v12  }
0x193: {  	v11 =	vmul.f32 $1.442695020e+00, v11;
	_ =	sdelay $0x1  }
0x194: {  	(erf) = vpow2.f32 v11;
	_ =	sdelay $0x1  }
0x195: {  	s31 =	simm.s32 $0x2  }
0x196: {  	v11 =	vmov s31  }
0x197: {  	v11 =	vshll.u32 v11, $0x4  }
0x198: {  	v11 =	vor.u32 v0, v11  }
0x199: {  	v11 =	vor.u32 v1, v11;
	_ =	sdelay $0x2  }
0x19a: {  	v61 =	vpop (erf)  }
0x19b: {  	[tilespmem:v10+s28+$0x0] =	vst.idx.msk $0xffff, v61  }
0x19c: {  	v10 =	vld.idx.msk [tilespmem:v11+s15+$0x0], $0xffff  }
0x19d: {  	v12 =	vld.idx.msk [tilespmem:v11+s18+$0x0], $0xffff;
	_ =	sdelay $0x4  }
0x19e: {  	v10 =	vadd.f32 v12, v10;
	_ =	sdelay $0x1  }
0x19f: {  	v12 =	vmul.f32 $2.000000030e-01, v10  }
0x1a0: {  	vm13 =	vgt.f32 v10, $0.0e+00  }
0x1a1: {  	v10 =	vsel vm13, v10, v12  }
0x1a2: {  	v10 =	vmul.f32 $1.442695020e+00, v10;
	_ =	sdelay $0x1  }
0x1a3: {  	(erf) = vpow2.f32 v10;
	_ =	sdelay $0x1  }
0x1a4: {  	s3 =	simm.s32 $0x4  }
0x1a5: {  	v10 =	vmov s3  }
0x1a6: {  	v10 =	vshll.u32 v10, $0x4  }
0x1a7: {  	v10 =	vor.u32 v0, v10  }
0x1a8: {  	v62 =	vor.u32 v1, v10;
	_ =	sdelay $0x2  }
0x1a9: {  	v10 =	vpop (erf)  }
0x1aa: {  	[tilespmem:v11+s28+$0x0] =	vst.idx.msk $0xffff, v10  }
0x1ab: {  	v10 =	vld.idx.msk [tilespmem:v62+s15+$0x0], $0xffff  }
0x1ac: {  	v11 =	vld.idx.msk [tilespmem:v62+s18+$0x0], $0xffff;
	_ =	sdelay $0x4  }
0x1ad: {  	v10 =	vadd.f32 v11, v10;
	_ =	sdelay $0x1  }
0x1ae: {  	v11 =	vmul.f32 $2.000000030e-01, v10  }
0x1af: {  	vm14 =	vgt.f32 v10, $0.0e+00  }
0x1b0: {  	v10 =	vsel vm14, v10, v11  }
0x1b1: {  	v10 =	vmul.f32 $1.442695020e+00, v10;
	_ =	sdelay $0x1  }
0x1b2: {  	(erf) = vpow2.f32 v10;
	_ =	sdelay $0x1  }
0x1b3: {  	s30 =	simm.s32 $0x6  }
0x1b4: {  	v10 =	vmov s30  }
0x1b5: {  	v10 =	vshll.u32 v10, $0x4  }
0x1b6: {  	v10 =	vor.u32 v0, v10  }
0x1b7: {  	v10 =	vor.u32 v1, v10;
	_ =	sdelay $0x2  }
0x1b8: {  	v11 =	vpop (erf)  }
0x1b9: {  	[tilespmem:v62+s28+$0x0] =	vst.idx.msk $0xffff, v11  }
0x1ba: {  	v11 =	vld.idx.msk [tilespmem:v10+s15+$0x0], $0xffff  }
0x1bb: {  	v12 =	vld.idx.msk [tilespmem:v10+s18+$0x0], $0xffff;
	_ =	sdelay $0x4  }
0x1bc: {  	v11 =	vadd.f32 v12, v11;
	_ =	sdelay $0x1  }
0x1bd: {  	v12 =	vmul.f32 $2.000000030e-01, v11  }
0x1be: {  	vm15 =	vgt.f32 v11, $0.0e+00  }
0x1bf: {  	v11 =	vsel vm15, v11, v12  }
0x1c0: {  	v11 =	vmul.f32 $1.442695020e+00, v11;
	_ =	sdelay $0x1  }
0x1c1: {  	(erf) = vpow2.f32 v11;
	_ =	sdelay $0x1  }
0x1c2: {  	s31 =	simm.s32 $0x8  }
0x1c3: {  	v63 =	vmov s31  }
0x1c4: {  	v12 =	vshll.u32 v63, $0x4  }
0x1c5: {  	s21 =	simm.s32 $0xA0;
	s0 =	simm.s32 $0x4;
	s3 =	simm.s32 $0xE;
	v11 =	vor.u32 v0, v12  }
.LBB2_9:
0x1c6: {  	s0 =	sadd.s32 $0x4, s0;
	v11 =	vor.u32 v1, v11;
	s31 =	simm.s32 $0x4860  }
0x1c7: {  	p1 =	slt.u32 s0, $0x24;
	_ =	sdelay $0x1  }
0x1c8: {  	v12 =	vpop (erf)  }
0x1c9: {  	[tilespmem:v10+s28+$0x0] =	vst.idx.msk $0xffff, v12  }
0x1ca: {  	v10 =	vld.idx.msk [tilespmem:v11+s15+$0x0], $0xffff  }
0x1cb: {  	v12 =	vld.idx.msk [tilespmem:v11+s18+$0x0], $0xffff;
	_ =	sdelay $0x5  }
0x1cc: {  	v10 =	vadd.f32 v12, v10;
	_ =	sdelay $0x1  }
0x1cd: {  	vm0 =	vgt.f32 v10, $0.0e+00;
	v12 =	vmul.f32 $2.000000030e-01, v10;
	_ =	sdelay $0x1  }
0x1ce: {  	v10 =	vsel vm0, v10, v12  }
0x1cf: {  	v10 =	vmul.f32 $1.442695020e+00, v10;
	_ =	sdelay $0x1  }
0x1d0: {  	(erf) = vpow2.f32 v10;
	_ =	sdelay $0x1  }
0x1d1: {  	s30 =	sadd.s32 $0xFFFFFFFC, s3  }
0x1d2: {  	v10 =	vmov s30  }
0x1d3: {  	v10 =	vshll.u32 v10, $0x4  }
0x1d4: {  	v10 =	vor.u32 v0, v10  }
0x1d5: {  	v10 =	vor.u32 v1, v10;
	_ =	sdelay $0x2  }
0x1d6: {  	v12 =	vpop (erf)  }
0x1d7: {  	[tilespmem:v11+s28+$0x0] =	vst.idx.msk $0xffff, v12  }
0x1d8: {  	v11 =	vld.idx.msk [tilespmem:v10+s15+$0x0], $0xffff  }
0x1d9: {  	v12 =	vld.idx.msk [tilespmem:v10+s18+$0x0], $0xffff;
	_ =	sdelay $0x5  }
0x1da: {  	v11 =	vadd.f32 v12, v11;
	_ =	sdelay $0x1  }
0x1db: {  	vm0 =	vgt.f32 v11, $0.0e+00;
	v12 =	vmul.f32 $2.000000030e-01, v11;
	_ =	sdelay $0x1  }
0x1dc: {  	v11 =	vsel vm0, v11, v12  }
0x1dd: {  	v11 =	vmul.f32 $1.442695020e+00, v11;
	_ =	sdelay $0x1  }
0x1de: {  	(erf) = vpow2.f32 v11;
	_ =	sdelay $0x1  }
0x1df: {  	s30 =	sadd.s32 $0xFFFFFFFE, s3  }
0x1e0: {  	v11 =	vmov s30  }
0x1e1: {  	v11 =	vshll.u32 v11, $0x4  }
0x1e2: {  	v11 =	vor.u32 v0, v11  }
0x1e3: {  	v11 =	vor.u32 v1, v11;
	_ =	sdelay $0x2  }
0x1e4: {  	v12 =	vpop (erf)  }
0x1e5: {  	[tilespmem:v10+s28+$0x0] =	vst.idx.msk $0xffff, v12  }
0x1e6: {  	v10 =	vld.idx.msk [tilespmem:v11+s15+$0x0], $0xffff  }
0x1e7: {  	v12 =	vld.idx.msk [tilespmem:v11+s18+$0x0], $0xffff;
	_ =	sdelay $0x5  }
0x1e8: {  	v10 =	vadd.f32 v12, v10;
	_ =	sdelay $0x1  }
0x1e9: {  	vm0 =	vgt.f32 v10, $0.0e+00;
	v12 =	vmul.f32 $2.000000030e-01, v10;
	_ =	sdelay $0x1  }
0x1ea: {  	v10 =	vsel vm0, v10, v12  }
0x1eb: {  	v10 =	vmul.f32 $1.442695020e+00, v10;
	_ =	sdelay $0x1  }
0x1ec: {  	(erf) = vpow2.f32 v10;
	_ =	sdelay $0x2  }
0x1ed: {  	v10 =	vmov s3  }
0x1ee: {  	v10 =	vshll.u32 v10, $0x4  }
0x1ef: {  	v10 =	vor.u32 v0, v10  }
0x1f0: {  	v10 =	vor.u32 v1, v10;
	_ =	sdelay $0x2  }
0x1f1: {  	v12 =	vpop (erf)  }
0x1f2: {  	[tilespmem:v11+s28+$0x0] =	vst.idx.msk $0xffff, v12  }
0x1f3: {  	v11 =	vld.idx.msk [tilespmem:v10+s15+$0x0], $0xffff  }
0x1f4: {  	v12 =	vld.idx.msk [tilespmem:v10+s18+$0x0], $0xffff;
	_ =	sdelay $0x5  }
0x1f5: {  	v11 =	vadd.f32 v12, v11;
	_ =	sdelay $0x1  }
0x1f6: {  	vm0 =	vgt.f32 v11, $0.0e+00;
	v12 =	vmul.f32 $2.000000030e-01, v11;
	_ =	sdelay $0x1  }
0x1f7: {  	v11 =	vsel vm0, v11, v12  }
0x1f8: {  	v11 =	vmul.f32 $1.442695020e+00, v11;
	_ =	sdelay $0x1  }
0x1f9: {  	(erf) = vpow2.f32 v11  }
.Ltmp3:
0x1fa: {  	s3 =	sadd.s32 $0x8, s3;
	(pc) =	sbr.rel @p1 .LBB2_9-.Ltmp3, $4  }
0x1fb: {  	s30 =	sadd.s32 $0xFFFFFFFA, s3  }
0x1fc: {  	v11 =	vmov s30  }
0x1fd: {  	v11 =	vshll.u32 v11, $0x4  }
0x1fe: {  	v11 =	vor.u32 v0, v11  }
0x1ff: {  	v11 =	vor.u32 v1, v11;
	_ =	sdelay $0x2  }
0x200: {  	v12 =	vpop (erf)  }
0x201: {  	[tilespmem:v10+s28+$0x0] =	vst.idx.msk $0xffff, v12  }
0x202: {  	v10 =	vld.idx.msk [tilespmem:v11+s15+$0x0], $0xffff  }
0x203: {  	v12 =	vld.idx.msk [tilespmem:v11+s18+$0x0], $0xffff;
	_ =	sdelay $0x4  }
0x204: {  	v10 =	vadd.f32 v12, v10;
	_ =	sdelay $0x1  }
0x205: {  	v12 =	vmul.f32 $2.000000030e-01, v10  }
0x206: {  	vm0 =	vgt.f32 v10, $0.0e+00  }
0x207: {  	v10 =	vsel vm0, v10, v12  }
0x208: {  	v10 =	vmul.f32 $1.442695020e+00, v10;
	_ =	sdelay $0x1  }
0x209: {  	(erf) = vpow2.f32 v10;
	_ =	sdelay $0x1  }
0x20a: {  	s0 =	sadd.s32 $0xFFFFFFFC, s3  }
0x20b: {  	v10 =	vmov s0  }
0x20c: {  	v10 =	vshll.u32 v10, $0x4  }
0x20d: {  	v10 =	vor.u32 v0, v10  }
0x20e: {  	v10 =	vor.u32 v1, v10;
	_ =	sdelay $0x2  }
0x20f: {  	v56 =	vpop (erf)  }
0x210: {  	[tilespmem:v11+s28+$0x0] =	vst.idx.msk $0xffff, v56  }
0x211: {  	v11 =	vld.idx.msk [tilespmem:v10+s15+$0x0], $0xffff  }
0x212: {  	v12 =	vld.idx.msk [tilespmem:v10+s18+$0x0], $0xffff;
	_ =	sdelay $0x4  }
0x213: {  	v11 =	vadd.f32 v12, v11;
	_ =	sdelay $0x1  }
0x214: {  	v12 =	vmul.f32 $2.000000030e-01, v11  }
0x215: {  	vm13 =	vgt.f32 v11, $0.0e+00  }
0x216: {  	v11 =	vsel vm13, v11, v12  }
0x217: {  	v11 =	vmul.f32 $1.442695020e+00, v11;
	_ =	sdelay $0x1  }
0x218: {  	(erf) = vpow2.f32 v11;
	_ =	sdelay $0x1  }
0x219: {  	s30 =	sadd.s32 $0xFFFFFFFE, s3  }
0x21a: {  	v11 =	vmov s30  }
0x21b: {  	v11 =	vshll.u32 v11, $0x4  }
0x21c: {  	v11 =	vor.u32 v0, v11  }
0x21d: {  	v11 =	vor.u32 v1, v11;
	_ =	sdelay $0x2  }
0x21e: {  	v57 =	vpop (erf)  }
0x21f: {  	[tilespmem:v10+s28+$0x0] =	vst.idx.msk $0xffff, v57  }
0x220: {  	v10 =	vld.idx.msk [tilespmem:v11+s15+$0x0], $0xffff  }
0x221: {  	v12 =	vld.idx.msk [tilespmem:v11+s18+$0x0], $0xffff;
	_ =	sdelay $0x4  }
0x222: {  	v10 =	vadd.f32 v12, v10;
	_ =	sdelay $0x1  }
0x223: {  	v12 =	vmul.f32 $2.000000030e-01, v10  }
0x224: {  	vm14 =	vgt.f32 v10, $0.0e+00  }
0x225: {  	v10 =	vsel vm14, v10, v12  }
0x226: {  	v10 =	vmul.f32 $1.442695020e+00, v10;
	_ =	sdelay $0x1  }
0x227: {  	(erf) = vpow2.f32 v10;
	_ =	sdelay $0x2  }
0x228: {  	v10 =	vmov s3  }
0x229: {  	v10 =	vshll.u32 v10, $0x4  }
0x22a: {  	v10 =	vor.u32 v0, v10  }
0x22b: {  	v10 =	vor.u32 v1, v10;
	_ =	sdelay $0x2  }
0x22c: {  	v58 =	vpop (erf)  }
0x22d: {  	[tilespmem:v11+s28+$0x0] =	vst.idx.msk $0xffff, v58  }
0x22e: {  	v11 =	vld.idx.msk [tilespmem:v10+s15+$0x0], $0xffff  }
0x22f: {  	v12 =	vld.idx.msk [tilespmem:v10+s18+$0x0], $0xffff;
	_ =	sdelay $0x4  }
0x230: {  	v11 =	vadd.f32 v12, v11;
	_ =	sdelay $0x1  }
0x231: {  	v12 =	vmul.f32 $2.000000030e-01, v11  }
0x232: {  	vm15 =	vgt.f32 v11, $0.0e+00  }
0x233: {  	v11 =	vsel vm15, v11, v12  }
0x234: {  	v11 =	vmul.f32 $1.442695020e+00, v11;
	_ =	sdelay $0x1  }
0x235: {  	(erf) = vpow2.f32 v11;
	_ =	sdelay $0x4  }
0x236: {  	s3 =	simm.s32 $0x0  }
0x237: {  	v11 =	vor.u32 s3, v1;
	_ =	sdelay $0x2  }
0x238: {  	v59 =	vpop (erf)  }
0x239: {  	[tilespmem:v10+s28+$0x0] =	vst.idx.msk $0xffff, v59  }
0x23a: {  	v10 =	vld.idx.msk [tilespmem:v11+s28+$0x0], $0xffff;
	_ =	sdelay $0x1  }
0x23b: {  	v11 =	vld [tilespmem:s31+$0xFFFFFFE0]  }
0x23c: {  	v12 =	vld [tilespmem:s31+$0xFFFFFFC0]  }
0x23d: {  	v13 =	vld [tilespmem:s31+$0xFFFFFFB0]  }
0x23e: {  	v14 =	vld [tilespmem:s31+$0xFFFFFF80];
	v15 =	vperm.xlane v10, v8  }
0x23f: {  	v16 =	vld [tilespmem:s31+$0xFFFFFFA0];
	v17 =	vperm.xlane v10, v6  }
0x240: {  	v60 =	vld [tilespmem:s31+$0xFFFFFFF0];
	v18 =	vperm.xlane v10, v5;
	v11 =	vmul.f32 v11, v15  }
0x241: {  	v19 =	vld [tilespmem:s31+$0xFFFFFFD0];
	v20 =	vperm.xlane v10, v2;
	v12 =	vmul.f32 v12, v17  }
0x242: {  	v61 =	vld [tilespmem:s31+$0xFFFFFF90];
	v21 =	vperm.xlane v10, v4;
	v13 =	vmul.f32 v13, v18;
	[tilespmem:s31+$0xFFFFFFE0] =	vst v11  }
0x243: {  	v62 =	vperm.xlane v10, v9;
	v14 =	vmul.f32 v14, v20;
	[tilespmem:s31+$0xFFFFFFC0] =	vst v12  }
0x244: {  	s30 =	simm.s32 $0x10;
	v16 =	vmul.f32 v16, v21;
	v11 =	vperm.xlane v10, v7;
	[tilespmem:s31+$0xFFFFFFB0] =	vst v13  }
0x245: {  	v63 =	vor.u32 s30, v1;
	v10 =	vperm.xlane v10, v3;
	[tilespmem:s31+$0xFFFFFF80] =	vst v14;
	v12 =	vmul.f32 v60, v62  }
0x246: {  	[tilespmem:s31+$0xFFFFFFA0] =	vst v16;
	v11 =	vmul.f32 v19, v11  }
0x247: {  	v10 =	vmul.f32 v61, v10;
	[tilespmem:s31+$0xFFFFFFF0] =	vst v12  }
0x248: {  	[tilespmem:s31+$0xFFFFFFD0] =	vst v11  }
0x249: {  	[tilespmem:s31+$0xFFFFFF90] =	vst v10  }
0x24a: {  	s0 =	simm.s32 $0x2;
	s3 =	simm.s32 $0x4860;
	v10 =	vld.idx.msk [tilespmem:v63+s28+$0x0], $0xffff  }
.LBB2_11:
0x24b: {  	p1 =	slt.u32 s0, $0x4E  }
0x24c: {  	v11 =	vld [tilespmem:s31+$0x70];
	s3 =	sadd.s32 $0x100, s3;
	s30 =	smov.u32 s0;
	s0 =	sadd.s32 $0x2, s0  }
0x24d: {  	v12 =	vld [tilespmem:s31+$0x20]  }
0x24e: {  	v13 =	vld [tilespmem:s31+$0x50]  }
0x24f: {  	v14 =	vld [tilespmem:s31+$0x10]  }
0x250: {  	v15 =	vld [tilespmem:s31+$0x30]  }
0x251: {  	v16 =	vperm.xlane v10, v2;
	v17 =	vperm.xlane v10, v7;
	v18 =	vld [tilespmem:s31+$0x60]  }
0x252: {  	v20 =	vperm.xlane v10, v3;
	v21 =	vperm.xlane v10, v4;
	v19 =	vld [tilespmem:s31+$0x0]  }
0x253: {  	v22 =	vperm.xlane v10, v5;
	v23 =	vld [tilespmem:s31+$0x40];
	v13 =	vmul.f32 v13, v17  }
0x254: {  	v12 =	vmul.f32 v12, v21;
	v14 =	vmul.f32 v14, v20  }
0x255: {  	s30 =	sshll.u32 s30, $0x4;
	v15 =	vmul.f32 v15, v22;
	[tilespmem:s31+$0x50] =	vst v13;
	v13 =	vperm.xlane v10, v8  }
0x256: {  	v17 =	vor.u32 s30, v1;
	s30 =	sadd.s32 $0x10, s30;
	[tilespmem:s31+$0x10] =	vst v14;
	v14 =	vperm.xlane v10, v6;
	v10 =	vperm.xlane v10, v9  }
0x257: {  	v16 =	vmul.f32 v19, v16;
	[tilespmem:s31+$0x20] =	vst v12;
	v12 =	vmul.f32 v18, v13  }
0x258: {  	[tilespmem:s31+$0x30] =	vst v15;
	v13 =	vmul.f32 v23, v14;
	v10 =	vmul.f32 v11, v10  }
0x259: {  	[tilespmem:s31+$0x60] =	vst v12  }
0x25a: {  	[tilespmem:s31+$0x70] =	vst v10  }
0x25b: {  	[tilespmem:s31+$0x40] =	vst v13  }
0x25c: {  	[tilespmem:s31+$0x0] =	vst v16;
	s31 =	smov.u32 s3  }
0x25d: {  	v10 =	vld.idx.msk [tilespmem:v17+s28+$0x0], $0xffff  }
0x25e: {  	v11 =	vld [tilespmem:s3+$0xFFFFFFF0]  }
0x25f: {  	v12 =	vld [tilespmem:s3+$0xFFFFFFA0]  }
0x260: {  	v13 =	vld [tilespmem:s3+$0xFFFFFFE0]  }
0x261: {  	v14 =	vld [tilespmem:s3+$0xFFFFFFC0]  }
0x262: {  	v15 =	vld [tilespmem:s3+$0xFFFFFFB0]  }
0x263: {  	v17 =	vperm.xlane v10, v6;
	v18 =	vperm.xlane v10, v8;
	v16 =	vld [tilespmem:s3+$0xFFFFFF80]  }
0x264: {  	v20 =	vperm.xlane v10, v4;
	v21 =	vperm.xlane v10, v5;
	v19 =	vld [tilespmem:s3+$0xFFFFFF90]  }
0x265: {  	v22 =	vperm.xlane v10, v2;
	v23 =	vld [tilespmem:s3+$0xFFFFFFD0];
	v13 =	vmul.f32 v13, v18  }
0x266: {  	v14 =	vmul.f32 v14, v17;
	v17 =	vperm.xlane v10, v7  }
0x267: {  	v18 =	vperm.xlane v10, v3;
	v15 =	vmul.f32 v15, v21;
	[tilespmem:s3+$0xFFFFFFE0] =	vst v13  }
0x268: {  	v10 =	vperm.xlane v10, v9;
	v13 =	vmul.f32 v16, v22;
	[tilespmem:s3+$0xFFFFFFC0] =	vst v14  }
0x269: {  	v12 =	vmul.f32 v12, v20;
	v14 =	vmul.f32 v19, v18;
	[tilespmem:s3+$0xFFFFFFB0] =	vst v15  }
0x26a: {  	v10 =	vmul.f32 v11, v10;
	v11 =	vor.u32 s30, v1;
	[tilespmem:s3+$0xFFFFFF80] =	vst v13;
	v13 =	vmul.f32 v23, v17  }
.Ltmp4:
0x26b: {  	[tilespmem:s3+$0xFFFFFFA0] =	vst v12;
	(pc) =	sbr.rel @p1 .LBB2_11-.Ltmp4, $4  }
0x26c: {  	[tilespmem:s3+$0xFFFFFFD0] =	vst v13  }
0x26d: {  	[tilespmem:s3+$0xFFFFFFF0] =	vst v10  }
0x26e: {  	[tilespmem:s3+$0xFFFFFF90] =	vst v14  }
0x26f: {  	v10 =	vld.idx.msk [tilespmem:v11+s28+$0x0], $0xffff  }
0x270: {  	_ = 	snop  }
0x271: {  	v11 =	vld [tilespmem:s31+$0x50]  }
0x272: {  	v12 =	vld [tilespmem:s31+$0x10]  }
0x273: {  	v13 =	vld [tilespmem:s31+$0x20]  }
0x274: {  	v14 =	vld [tilespmem:s31+$0x30];
	v15 =	vperm.xlane v10, v7  }
0x275: {  	v20 =	vld [tilespmem:s31+$0x40];
	v17 =	vperm.xlane v10, v3  }
0x276: {  	v18 =	vld [tilespmem:s31+$0x70];
	v19 =	vperm.xlane v10, v4;
	v11 =	vmul.f32 v11, v15  }
0x277: {  	v16 =	vld [tilespmem:s31+$0x60];
	v59 =	vperm.xlane v10, v5;
	v12 =	vmul.f32 v12, v17  }
0x278: {  	v60 =	vld [tilespmem:s31+$0x0];
	v62 =	vperm.xlane v10, v6;
	v13 =	vmul.f32 v13, v19;
	[tilespmem:s31+$0x50] =	vst v11  }
0x279: {  	v61 =	vperm.xlane v10, v9;
	v14 =	vmul.f32 v14, v59;
	[tilespmem:s31+$0x10] =	vst v12  }
0x27a: {  	v63 =	vmul.f32 v20, v62;
	v11 =	vperm.xlane v10, v8;
	[tilespmem:s31+$0x20] =	vst v13  }
0x27b: {  	v10 =	vperm.xlane v10, v2;
	[tilespmem:s31+$0x30] =	vst v14;
	v12 =	vmul.f32 v18, v61  }
0x27c: {  	[tilespmem:s31+$0x40] =	vst v63;
	v11 =	vmul.f32 v16, v11  }
0x27d: {  	v10 =	vmul.f32 v60, v10;
	[tilespmem:s31+$0x70] =	vst v12  }
0x27e: {  	[tilespmem:s31+$0x60] =	vst v11  }
0x27f: {  	s0 =	simm.s32 $0x4;
	[tilespmem:s31+$0x0] =	vst v10  }
0x280: {  	_ =	swait.ge [sflag:s0], $0x50  }
0x281: {  	[sflag:s0] =	ssyncset.done $0x0  }
0x282: {  	[sflag:s0] =	ssyncadd.s32 $0xFFFFFFB0  }
0x283: {  	s30 =	simm.s32 $0x3890;
	s0 =	rddreg [dreg:$0x2]  }
0x284: {  	[spmem:s0] =	stream.indirect.scatter.add.f32 [tilespmem:s28], [sflag:$0x8], $0x10, s30, s29, $0xb8;
	[tilespmem:$0x1D7E0] =	vst v63  }
0x285: {  	s31 =	simm.s32 $0x47E0;
	s3 =	rddreg [dreg:$0x3]  }
0x286: {  	[spmem:s3] =	stream.indirect.scatter.add.f32 [tilespmem:s31], [sflag:$0x8], $0x80, s30, s29, $0xb8;
	[tilespmem:$0x1D7E0] =	vst v63  }
0x287: {  	_ =	swait.ge [sflag:s1], $0x500  }
0x288: {  	[sflag:s1] =	ssyncset.done $0x0  }
0x289: {  	[sflag:s1] =	ssyncadd.s32 $0xFFFFFB00  }
0x28a: {  	_ =	swait.ge [sflag:s1], $0x2800  }
0x28b: {  	[sflag:s1] =	ssyncset.done $0x0  }
0x28c: {  	[sflag:s1] =	ssyncadd.s32 $0xFFFFD800  }
0x28d: {  	[tilespmem:s21], [sflag:$0x3] =	stream.linear.gather [hbm4b:s16+s5], $0x50, $0x38;
	[tilespmem:$0x1D7E0] =	vst v63  }
0x28e: {  	_ =	swait.ge [sflag:s12], $0x50  }
0x28f: {  	[sflag:s12] =	ssyncset.done $0x0  }
0x290: {  	[sflag:s12] =	ssyncadd.s32 $0xFFFFFFB0  }
0x291: {  	_ =	swait.ge [sflag:s12], $0x50  }
0x292: {  	[sflag:s12] =	ssyncset.done $0x0  }
0x293: {  	[sflag:s12] =	ssyncadd.s32 $0xFFFFFFB0  }
0x294: {  	[tilespmem:s14], [sflag:$0x5] =	stream.indirect.gather [hbm4b:s8+s29], $0x10, s5, s29, $0xb8;
	[tilespmem:$0x1D7E0] =	vst v63  }
0x295: {  	_ = 	snop  }
0x296: {  	[tilespmem:s17], [sflag:$0x5] =	stream.indirect.gather [hbm4b:s9+s29], $0x10, s29, s29, $0xb8;
	[tilespmem:$0x1D7E0] =	vst v63  }
0x297: {  	s3 =	rddreg [dreg:$0x1]  }
0x298: {  	[tilespmem:s26], [sflag:$0x5] =	stream.indirect.gather [hbm4b:s3+s29], $0x80, s5, s29, $0xb8;
	[tilespmem:$0x1D7E0] =	vst v63  }
0x299: {  	_ =	swait.ge [sflag:s2], $0x500  }
.Ltmp5:
0x29a: {  	[sflag:s2] =	ssyncset.done $0x0;
	(pc) =	sbr.rel @p0 .LBB2_14-.Ltmp5, $4  }
0x29b: {  	[sflag:s2] =	ssyncadd.s32 $0xFFFFFB00  }
0x29c: {  	_ =	swait.ge [sflag:s2], $0x2800  }
0x29d: {  	[sflag:s2] =	ssyncset.done $0x0  }
0x29e: {  	[sflag:s2] =	ssyncadd.s32 $0xFFFFD800  }
0x29f: {  	s0 =	smul.u32 $0x50, s10;
	_ =	sdelay $0x1  }
0x2a0: {  	s0 =	sadd.s32 s11, s0  }
0x2a1: {  	s0 =	sshrl.u32 s0, $0x3  }
0x2a2: {  	s0 =	sadd.s32 s7, s0  }
0x2a3: {  	[tilespmem:s30], [sflag:$0x4] =	stream.linear.gather [hbm4b:s0+s5], $0x50, $0x38;
	[tilespmem:$0x1D7E0] =	vst v63  }
0x2a4: {  	_ =	swait.ge [sflag:s13], $0x50  }
0x2a5: {  	[sflag:s13] =	ssyncset.done $0x0  }
0x2a6: {  	[sflag:s13] =	ssyncadd.s32 $0xFFFFFFB0  }
0x2a7: {  	_ =	swait.ge [sflag:s13], $0x50  }
0x2a8: {  	[sflag:s13] =	ssyncset.done $0x0  }
0x2a9: {  	s21 =	simm.s32 $0x37F0;
	[sflag:s13] =	ssyncadd.s32 $0xFFFFFFB0  }
0x2aa: {  	[tilespmem:s15], [sflag:$0x6] =	stream.indirect.gather [hbm4b:s8+s29], $0x10, s21, s29, $0xb8;
	[tilespmem:$0x1D7E0] =	vst v63  }
.Ltmp6:
0x2ab: {  	_ = 	snop;
	(pc) =	sbr.rel .LBB2_4-.Ltmp6, $4  }
0x2ac: {  	s30 =	simm.s32 $0x3840  }
0x2ad: {  	[tilespmem:s18], [sflag:$0x6] =	stream.indirect.gather [hbm4b:s9+s29], $0x10, s30, s29, $0xb8;
	[tilespmem:$0x1D7E0] =	vst v63  }
0x2ae: {  	s4 =	sadd.s32 $0x1, s4  }
0x2af: {  	[tilespmem:s31], [sflag:$0x6] =	stream.indirect.gather [hbm4b:s3+s29], $0x80, s21, s29, $0xb8;
	[tilespmem:$0x1D7E0] =	vst v63  }
.LBB2_14:
0x2b0: {  	_ =	swait.ge [sflag:s22], $0x500;
	s0 =	simm.s32 $0x0  }
0x2b1: {  	[sflag:s22] =	ssyncset.done $0x0;
	v10 =	vmov s0  }
0x2b2: {  	[sflag:s22] =	ssyncadd.s32 $0xFFFFFB00;
	v10 =	vshll.u32 v10, $0x4  }
0x2b3: {  	_ =	swait.ge [sflag:s22], $0x500;
	v10 =	vor.u32 v0, v10  }
0x2b4: {  	[sflag:s22] =	ssyncset.done $0x0;
	v10 =	vor.u32 v1, v10  }
0x2b5: {  	[sflag:s22] =	ssyncadd.s32 $0xFFFFFB00  }
0x2b6: {  	_ =	swait.ge [sflag:s22], $0x2800  }
0x2b7: {  	[sflag:s22] =	ssyncset.done $0x0  }
0x2b8: {  	[sflag:s22] =	ssyncadd.s32 $0xFFFFD800  }
0x2b9: {  	v11 =	vld.idx.msk [tilespmem:v10+s14+$0x0], $0xffff  }
0x2ba: {  	v12 =	vld.idx.msk [tilespmem:v10+s17+$0x0], $0xffff;
	_ =	sdelay $0x4  }
0x2bb: {  	v11 =	vadd.f32 v12, v11;
	_ =	sdelay $0x1  }
0x2bc: {  	v12 =	vmul.f32 $2.000000030e-01, v11  }
0x2bd: {  	vm0 =	vgt.f32 v11, $0.0e+00  }
0x2be: {  	v11 =	vsel vm0, v11, v12  }
0x2bf: {  	v11 =	vmul.f32 $1.442695020e+00, v11;
	_ =	sdelay $0x1  }
0x2c0: {  	(erf) = vpow2.f32 v11;
	_ =	sdelay $0x1  }
0x2c1: {  	s10 =	simm.s32 $0x2  }
0x2c2: {  	v11 =	vmov s10  }
0x2c3: {  	v11 =	vshll.u32 v11, $0x4  }
0x2c4: {  	v11 =	vor.u32 v0, v11  }
0x2c5: {  	v11 =	vor.u32 v1, v11;
	_ =	sdelay $0x2  }
0x2c6: {  	v61 =	vpop (erf)  }
0x2c7: {  	[tilespmem:v10+s24+$0x0] =	vst.idx.msk $0xffff, v61  }
0x2c8: {  	v10 =	vld.idx.msk [tilespmem:v11+s14+$0x0], $0xffff  }
0x2c9: {  	v12 =	vld.idx.msk [tilespmem:v11+s17+$0x0], $0xffff;
	_ =	sdelay $0x4  }
0x2ca: {  	v10 =	vadd.f32 v12, v10;
	_ =	sdelay $0x1  }
0x2cb: {  	v12 =	vmul.f32 $2.000000030e-01, v10  }
0x2cc: {  	vm13 =	vgt.f32 v10, $0.0e+00  }
0x2cd: {  	v10 =	vsel vm13, v10, v12  }
0x2ce: {  	v10 =	vmul.f32 $1.442695020e+00, v10;
	_ =	sdelay $0x1  }
0x2cf: {  	(erf) = vpow2.f32 v10;
	_ =	sdelay $0x1  }
0x2d0: {  	s16 =	simm.s32 $0x4  }
0x2d1: {  	v10 =	vmov s16  }
0x2d2: {  	v10 =	vshll.u32 v10, $0x4  }
0x2d3: {  	v10 =	vor.u32 v0, v10  }
0x2d4: {  	v62 =	vor.u32 v1, v10;
	_ =	sdelay $0x2  }
0x2d5: {  	v10 =	vpop (erf)  }
0x2d6: {  	[tilespmem:v11+s24+$0x0] =	vst.idx.msk $0xffff, v10  }
0x2d7: {  	v10 =	vld.idx.msk [tilespmem:v62+s14+$0x0], $0xffff  }
0x2d8: {  	v11 =	vld.idx.msk [tilespmem:v62+s17+$0x0], $0xffff;
	_ =	sdelay $0x4  }
0x2d9: {  	v10 =	vadd.f32 v11, v10;
	_ =	sdelay $0x1  }
0x2da: {  	v11 =	vmul.f32 $2.000000030e-01, v10  }
0x2db: {  	vm14 =	vgt.f32 v10, $0.0e+00  }
0x2dc: {  	v10 =	vsel vm14, v10, v11  }
0x2dd: {  	v10 =	vmul.f32 $1.442695020e+00, v10;
	_ =	sdelay $0x1  }
0x2de: {  	(erf) = vpow2.f32 v10;
	_ =	sdelay $0x1  }
0x2df: {  	s21 =	simm.s32 $0x6  }
0x2e0: {  	v10 =	vmov s21  }
0x2e1: {  	v10 =	vshll.u32 v10, $0x4  }
0x2e2: {  	v10 =	vor.u32 v0, v10  }
0x2e3: {  	v10 =	vor.u32 v1, v10;
	_ =	sdelay $0x2  }
0x2e4: {  	v11 =	vpop (erf)  }
0x2e5: {  	[tilespmem:v62+s24+$0x0] =	vst.idx.msk $0xffff, v11  }
0x2e6: {  	v11 =	vld.idx.msk [tilespmem:v10+s14+$0x0], $0xffff  }
0x2e7: {  	v12 =	vld.idx.msk [tilespmem:v10+s17+$0x0], $0xffff;
	_ =	sdelay $0x4  }
0x2e8: {  	v11 =	vadd.f32 v12, v11;
	_ =	sdelay $0x1  }
0x2e9: {  	v12 =	vmul.f32 $2.000000030e-01, v11  }
0x2ea: {  	vm15 =	vgt.f32 v11, $0.0e+00  }
0x2eb: {  	v11 =	vsel vm15, v11, v12  }
0x2ec: {  	v11 =	vmul.f32 $1.442695020e+00, v11;
	_ =	sdelay $0x1  }
0x2ed: {  	(erf) = vpow2.f32 v11;
	_ =	sdelay $0x1  }
0x2ee: {  	s30 =	simm.s32 $0x8  }
0x2ef: {  	v63 =	vmov s30  }
0x2f0: {  	v12 =	vshll.u32 v63, $0x4  }
0x2f1: {  	s3 =	simm.s32 $0xE;
	s0 =	simm.s32 $0x4;
	s31 =	rddreg [dreg:$0xd];
	v11 =	vor.u32 v0, v12  }
.LBB2_15:
0x2f2: {  	s0 =	sadd.s32 $0x4, s0;
	v11 =	vor.u32 v1, v11  }
0x2f3: {  	p0 =	slt.u32 s0, $0x24;
	_ =	sdelay $0x1  }
0x2f4: {  	v12 =	vpop (erf)  }
0x2f5: {  	[tilespmem:v10+s24+$0x0] =	vst.idx.msk $0xffff, v12  }
0x2f6: {  	v10 =	vld.idx.msk [tilespmem:v11+s14+$0x0], $0xffff  }
0x2f7: {  	v12 =	vld.idx.msk [tilespmem:v11+s17+$0x0], $0xffff;
	_ =	sdelay $0x5  }
0x2f8: {  	v10 =	vadd.f32 v12, v10;
	_ =	sdelay $0x1  }
0x2f9: {  	vm0 =	vgt.f32 v10, $0.0e+00;
	v12 =	vmul.f32 $2.000000030e-01, v10;
	_ =	sdelay $0x1  }
0x2fa: {  	v10 =	vsel vm0, v10, v12  }
0x2fb: {  	v10 =	vmul.f32 $1.442695020e+00, v10;
	_ =	sdelay $0x1  }
0x2fc: {  	(erf) = vpow2.f32 v10;
	_ =	sdelay $0x1  }
0x2fd: {  	s4 =	sadd.s32 $0xFFFFFFFC, s3  }
0x2fe: {  	v10 =	vmov s4  }
0x2ff: {  	v10 =	vshll.u32 v10, $0x4  }
0x300: {  	v10 =	vor.u32 v0, v10  }
0x301: {  	v10 =	vor.u32 v1, v10;
	_ =	sdelay $0x2  }
0x302: {  	v12 =	vpop (erf)  }
0x303: {  	[tilespmem:v11+s24+$0x0] =	vst.idx.msk $0xffff, v12  }
0x304: {  	v11 =	vld.idx.msk [tilespmem:v10+s14+$0x0], $0xffff  }
0x305: {  	v12 =	vld.idx.msk [tilespmem:v10+s17+$0x0], $0xffff;
	_ =	sdelay $0x5  }
0x306: {  	v11 =	vadd.f32 v12, v11;
	_ =	sdelay $0x1  }
0x307: {  	vm0 =	vgt.f32 v11, $0.0e+00;
	v12 =	vmul.f32 $2.000000030e-01, v11;
	_ =	sdelay $0x1  }
0x308: {  	v11 =	vsel vm0, v11, v12  }
0x309: {  	v11 =	vmul.f32 $1.442695020e+00, v11;
	_ =	sdelay $0x1  }
0x30a: {  	(erf) = vpow2.f32 v11;
	_ =	sdelay $0x1  }
0x30b: {  	s4 =	sadd.s32 $0xFFFFFFFE, s3  }
0x30c: {  	v11 =	vmov s4  }
0x30d: {  	v11 =	vshll.u32 v11, $0x4  }
0x30e: {  	v11 =	vor.u32 v0, v11  }
0x30f: {  	v11 =	vor.u32 v1, v11;
	_ =	sdelay $0x2  }
0x310: {  	v12 =	vpop (erf)  }
0x311: {  	[tilespmem:v10+s24+$0x0] =	vst.idx.msk $0xffff, v12  }
0x312: {  	v10 =	vld.idx.msk [tilespmem:v11+s14+$0x0], $0xffff  }
0x313: {  	v12 =	vld.idx.msk [tilespmem:v11+s17+$0x0], $0xffff;
	_ =	sdelay $0x5  }
0x314: {  	v10 =	vadd.f32 v12, v10;
	_ =	sdelay $0x1  }
0x315: {  	vm0 =	vgt.f32 v10, $0.0e+00;
	v12 =	vmul.f32 $2.000000030e-01, v10;
	_ =	sdelay $0x1  }
0x316: {  	v10 =	vsel vm0, v10, v12  }
0x317: {  	v10 =	vmul.f32 $1.442695020e+00, v10;
	_ =	sdelay $0x1  }
0x318: {  	(erf) = vpow2.f32 v10;
	_ =	sdelay $0x2  }
0x319: {  	v10 =	vmov s3  }
0x31a: {  	v10 =	vshll.u32 v10, $0x4  }
0x31b: {  	v10 =	vor.u32 v0, v10  }
0x31c: {  	v10 =	vor.u32 v1, v10;
	_ =	sdelay $0x2  }
0x31d: {  	v12 =	vpop (erf)  }
0x31e: {  	[tilespmem:v11+s24+$0x0] =	vst.idx.msk $0xffff, v12  }
0x31f: {  	v11 =	vld.idx.msk [tilespmem:v10+s14+$0x0], $0xffff  }
0x320: {  	v12 =	vld.idx.msk [tilespmem:v10+s17+$0x0], $0xffff;
	_ =	sdelay $0x5  }
0x321: {  	v11 =	vadd.f32 v12, v11;
	_ =	sdelay $0x1  }
0x322: {  	vm0 =	vgt.f32 v11, $0.0e+00;
	v12 =	vmul.f32 $2.000000030e-01, v11;
	_ =	sdelay $0x1  }
0x323: {  	v11 =	vsel vm0, v11, v12  }
0x324: {  	v11 =	vmul.f32 $1.442695020e+00, v11;
	_ =	sdelay $0x1  }
0x325: {  	(erf) = vpow2.f32 v11  }
.Ltmp7:
0x326: {  	s3 =	sadd.s32 $0x8, s3;
	(pc) =	sbr.rel @p0 .LBB2_15-.Ltmp7, $4  }
0x327: {  	s4 =	sadd.s32 $0xFFFFFFFA, s3  }
0x328: {  	v11 =	vmov s4  }
0x329: {  	v11 =	vshll.u32 v11, $0x4  }
0x32a: {  	v11 =	vor.u32 v0, v11  }
0x32b: {  	v11 =	vor.u32 v1, v11;
	_ =	sdelay $0x2  }
0x32c: {  	v12 =	vpop (erf)  }
0x32d: {  	[tilespmem:v10+s24+$0x0] =	vst.idx.msk $0xffff, v12  }
0x32e: {  	v10 =	vld.idx.msk [tilespmem:v11+s14+$0x0], $0xffff  }
0x32f: {  	v12 =	vld.idx.msk [tilespmem:v11+s17+$0x0], $0xffff;
	_ =	sdelay $0x4  }
0x330: {  	v10 =	vadd.f32 v12, v10;
	_ =	sdelay $0x1  }
0x331: {  	v12 =	vmul.f32 $2.000000030e-01, v10  }
0x332: {  	vm0 =	vgt.f32 v10, $0.0e+00  }
0x333: {  	v10 =	vsel vm0, v10, v12  }
0x334: {  	v10 =	vmul.f32 $1.442695020e+00, v10;
	_ =	sdelay $0x1  }
0x335: {  	(erf) = vpow2.f32 v10;
	_ =	sdelay $0x1  }
0x336: {  	s0 =	sadd.s32 $0xFFFFFFFC, s3  }
0x337: {  	v10 =	vmov s0  }
0x338: {  	v10 =	vshll.u32 v10, $0x4  }
0x339: {  	v10 =	vor.u32 v0, v10  }
0x33a: {  	v10 =	vor.u32 v1, v10;
	_ =	sdelay $0x2  }
0x33b: {  	v56 =	vpop (erf)  }
0x33c: {  	[tilespmem:v11+s24+$0x0] =	vst.idx.msk $0xffff, v56  }
0x33d: {  	v11 =	vld.idx.msk [tilespmem:v10+s14+$0x0], $0xffff  }
0x33e: {  	v12 =	vld.idx.msk [tilespmem:v10+s17+$0x0], $0xffff;
	_ =	sdelay $0x4  }
0x33f: {  	v11 =	vadd.f32 v12, v11;
	_ =	sdelay $0x1  }
0x340: {  	v12 =	vmul.f32 $2.000000030e-01, v11  }
0x341: {  	vm13 =	vgt.f32 v11, $0.0e+00  }
0x342: {  	v11 =	vsel vm13, v11, v12  }
0x343: {  	v11 =	vmul.f32 $1.442695020e+00, v11;
	_ =	sdelay $0x1  }
0x344: {  	(erf) = vpow2.f32 v11;
	_ =	sdelay $0x1  }
0x345: {  	s16 =	sadd.s32 $0xFFFFFFFE, s3  }
0x346: {  	v11 =	vmov s16  }
0x347: {  	v11 =	vshll.u32 v11, $0x4  }
0x348: {  	v11 =	vor.u32 v0, v11  }
0x349: {  	v11 =	vor.u32 v1, v11;
	_ =	sdelay $0x2  }
0x34a: {  	v57 =	vpop (erf)  }
0x34b: {  	[tilespmem:v10+s24+$0x0] =	vst.idx.msk $0xffff, v57  }
0x34c: {  	v10 =	vld.idx.msk [tilespmem:v11+s14+$0x0], $0xffff  }
0x34d: {  	v12 =	vld.idx.msk [tilespmem:v11+s17+$0x0], $0xffff;
	_ =	sdelay $0x4  }
0x34e: {  	v10 =	vadd.f32 v12, v10;
	_ =	sdelay $0x1  }
0x34f: {  	v12 =	vmul.f32 $2.000000030e-01, v10  }
0x350: {  	vm14 =	vgt.f32 v10, $0.0e+00  }
0x351: {  	v10 =	vsel vm14, v10, v12  }
0x352: {  	v10 =	vmul.f32 $1.442695020e+00, v10;
	_ =	sdelay $0x1  }
0x353: {  	(erf) = vpow2.f32 v10;
	_ =	sdelay $0x2  }
0x354: {  	v10 =	vmov s3  }
0x355: {  	v10 =	vshll.u32 v10, $0x4  }
0x356: {  	v10 =	vor.u32 v0, v10  }
0x357: {  	v10 =	vor.u32 v1, v10;
	_ =	sdelay $0x2  }
0x358: {  	v58 =	vpop (erf)  }
0x359: {  	[tilespmem:v11+s24+$0x0] =	vst.idx.msk $0xffff, v58  }
0x35a: {  	v11 =	vld.idx.msk [tilespmem:v10+s14+$0x0], $0xffff  }
0x35b: {  	v12 =	vld.idx.msk [tilespmem:v10+s17+$0x0], $0xffff;
	_ =	sdelay $0x4  }
0x35c: {  	v11 =	vadd.f32 v12, v11;
	_ =	sdelay $0x1  }
0x35d: {  	v12 =	vmul.f32 $2.000000030e-01, v11  }
0x35e: {  	vm15 =	vgt.f32 v11, $0.0e+00  }
0x35f: {  	v11 =	vsel vm15, v11, v12  }
0x360: {  	v11 =	vmul.f32 $1.442695020e+00, v11;
	_ =	sdelay $0x1  }
0x361: {  	(erf) = vpow2.f32 v11;
	_ =	sdelay $0x4  }
0x362: {  	s21 =	simm.s32 $0x0  }
0x363: {  	v11 =	vor.u32 s21, v1;
	_ =	sdelay $0x2  }
0x364: {  	v59 =	vpop (erf)  }
0x365: {  	[tilespmem:v10+s24+$0x0] =	vst.idx.msk $0xffff, v59  }
0x366: {  	v10 =	vld.idx.msk [tilespmem:v11+s24+$0x0], $0xffff  }
0x367: {  	s3 =	simm.s32 $0x1070  }
0x368: {  	v11 =	vld [tilespmem:s3+$0xFFFFFFE0]  }
0x369: {  	v12 =	vld [tilespmem:s3+$0xFFFFFFC0]  }
0x36a: {  	v13 =	vld [tilespmem:s3+$0xFFFFFFB0]  }
0x36b: {  	v14 =	vld [tilespmem:s3+$0xFFFFFF80];
	v15 =	vperm.xlane v10, v8  }
0x36c: {  	v16 =	vld [tilespmem:s3+$0xFFFFFFA0];
	v17 =	vperm.xlane v10, v6  }
0x36d: {  	v60 =	vld [tilespmem:s3+$0xFFFFFFF0];
	v18 =	vperm.xlane v10, v5;
	v11 =	vmul.f32 v11, v15  }
0x36e: {  	v19 =	vld [tilespmem:s3+$0xFFFFFFD0];
	v20 =	vperm.xlane v10, v2;
	v12 =	vmul.f32 v12, v17  }
0x36f: {  	v61 =	vld [tilespmem:s3+$0xFFFFFF90];
	v21 =	vperm.xlane v10, v4;
	v13 =	vmul.f32 v13, v18;
	[tilespmem:s3+$0xFFFFFFE0] =	vst v11  }
0x370: {  	v62 =	vperm.xlane v10, v9;
	v14 =	vmul.f32 v14, v20;
	[tilespmem:s3+$0xFFFFFFC0] =	vst v12  }
0x371: {  	s30 =	simm.s32 $0x10;
	v16 =	vmul.f32 v16, v21;
	v11 =	vperm.xlane v10, v7;
	[tilespmem:s3+$0xFFFFFFB0] =	vst v13  }
0x372: {  	v63 =	vor.u32 s30, v1;
	v10 =	vperm.xlane v10, v3;
	[tilespmem:s3+$0xFFFFFF80] =	vst v14;
	v12 =	vmul.f32 v60, v62  }
0x373: {  	[tilespmem:s3+$0xFFFFFFA0] =	vst v16;
	v11 =	vmul.f32 v19, v11  }
0x374: {  	v10 =	vmul.f32 v61, v10;
	[tilespmem:s3+$0xFFFFFFF0] =	vst v12  }
0x375: {  	[tilespmem:s3+$0xFFFFFFD0] =	vst v11  }
0x376: {  	[tilespmem:s3+$0xFFFFFF90] =	vst v10  }
0x377: {  	s4 =	simm.s32 $0x1070;
	s0 =	simm.s32 $0x2;
	v10 =	vld.idx.msk [tilespmem:v63+s24+$0x0], $0xffff  }
.LBB2_17:
0x378: {  	p0 =	slt.u32 s0, $0x4E  }
0x379: {  	v11 =	vld [tilespmem:s3+$0x70];
	s4 =	sadd.s32 $0x100, s4;
	s10 =	smov.u32 s0;
	s0 =	sadd.s32 $0x2, s0  }
0x37a: {  	v12 =	vld [tilespmem:s3+$0x20]  }
0x37b: {  	v13 =	vld [tilespmem:s3+$0x50]  }
0x37c: {  	v14 =	vld [tilespmem:s3+$0x10]  }
0x37d: {  	v15 =	vld [tilespmem:s3+$0x30]  }
0x37e: {  	v16 =	vperm.xlane v10, v2;
	v17 =	vperm.xlane v10, v7;
	v18 =	vld [tilespmem:s3+$0x60]  }
0x37f: {  	v20 =	vperm.xlane v10, v3;
	v21 =	vperm.xlane v10, v4;
	v19 =	vld [tilespmem:s3+$0x0]  }
0x380: {  	v22 =	vperm.xlane v10, v5;
	v23 =	vld [tilespmem:s3+$0x40];
	v13 =	vmul.f32 v13, v17  }
0x381: {  	v12 =	vmul.f32 v12, v21;
	v14 =	vmul.f32 v14, v20  }
0x382: {  	s10 =	sshll.u32 s10, $0x4;
	v15 =	vmul.f32 v15, v22;
	[tilespmem:s3+$0x50] =	vst v13;
	v13 =	vperm.xlane v10, v8  }
0x383: {  	v17 =	vor.u32 s10, v1;
	s10 =	sadd.s32 $0x10, s10;
	[tilespmem:s3+$0x10] =	vst v14;
	v14 =	vperm.xlane v10, v6;
	v10 =	vperm.xlane v10, v9  }
0x384: {  	v16 =	vmul.f32 v19, v16;
	[tilespmem:s3+$0x20] =	vst v12;
	v12 =	vmul.f32 v18, v13  }
0x385: {  	[tilespmem:s3+$0x30] =	vst v15;
	v13 =	vmul.f32 v23, v14;
	v10 =	vmul.f32 v11, v10  }
0x386: {  	[tilespmem:s3+$0x60] =	vst v12  }
0x387: {  	[tilespmem:s3+$0x70] =	vst v10  }
0x388: {  	[tilespmem:s3+$0x40] =	vst v13  }
0x389: {  	[tilespmem:s3+$0x0] =	vst v16;
	s3 =	smov.u32 s4  }
0x38a: {  	v10 =	vld.idx.msk [tilespmem:v17+s24+$0x0], $0xffff  }
0x38b: {  	v11 =	vld [tilespmem:s4+$0xFFFFFFF0]  }
0x38c: {  	v12 =	vld [tilespmem:s4+$0xFFFFFFA0]  }
0x38d: {  	v13 =	vld [tilespmem:s4+$0xFFFFFFE0]  }
0x38e: {  	v14 =	vld [tilespmem:s4+$0xFFFFFFC0]  }
0x38f: {  	v15 =	vld [tilespmem:s4+$0xFFFFFFB0]  }
0x390: {  	v17 =	vperm.xlane v10, v6;
	v18 =	vperm.xlane v10, v8;
	v16 =	vld [tilespmem:s4+$0xFFFFFF80]  }
0x391: {  	v20 =	vperm.xlane v10, v4;
	v21 =	vperm.xlane v10, v5;
	v19 =	vld [tilespmem:s4+$0xFFFFFF90]  }
0x392: {  	v22 =	vperm.xlane v10, v2;
	v23 =	vld [tilespmem:s4+$0xFFFFFFD0];
	v13 =	vmul.f32 v13, v18  }
0x393: {  	v14 =	vmul.f32 v14, v17;
	v17 =	vperm.xlane v10, v7  }
0x394: {  	v18 =	vperm.xlane v10, v3;
	v15 =	vmul.f32 v15, v21;
	[tilespmem:s4+$0xFFFFFFE0] =	vst v13  }
0x395: {  	v10 =	vperm.xlane v10, v9;
	v13 =	vmul.f32 v16, v22;
	[tilespmem:s4+$0xFFFFFFC0] =	vst v14  }
0x396: {  	v12 =	vmul.f32 v12, v20;
	v14 =	vmul.f32 v19, v18;
	[tilespmem:s4+$0xFFFFFFB0] =	vst v15  }
0x397: {  	v10 =	vmul.f32 v11, v10;
	v11 =	vor.u32 s10, v1;
	[tilespmem:s4+$0xFFFFFF80] =	vst v13;
	v13 =	vmul.f32 v23, v17  }
.Ltmp8:
0x398: {  	[tilespmem:s4+$0xFFFFFFA0] =	vst v12;
	(pc) =	sbr.rel @p0 .LBB2_17-.Ltmp8, $4  }
0x399: {  	[tilespmem:s4+$0xFFFFFFD0] =	vst v13  }
0x39a: {  	[tilespmem:s4+$0xFFFFFFF0] =	vst v10  }
0x39b: {  	[tilespmem:s4+$0xFFFFFF90] =	vst v14  }
0x39c: {  	v10 =	vld.idx.msk [tilespmem:v11+s24+$0x0], $0xffff  }
0x39d: {  	_ = 	snop  }
0x39e: {  	v11 =	vld [tilespmem:s3+$0x50]  }
0x39f: {  	v12 =	vld [tilespmem:s3+$0x10]  }
0x3a0: {  	v13 =	vld [tilespmem:s3+$0x20]  }
0x3a1: {  	v14 =	vld [tilespmem:s3+$0x30];
	v15 =	vperm.xlane v10, v7  }
0x3a2: {  	v20 =	vld [tilespmem:s3+$0x40];
	v17 =	vperm.xlane v10, v3  }
0x3a3: {  	v18 =	vld [tilespmem:s3+$0x70];
	v19 =	vperm.xlane v10, v4;
	v11 =	vmul.f32 v11, v15  }
0x3a4: {  	v16 =	vld [tilespmem:s3+$0x60];
	v59 =	vperm.xlane v10, v5;
	v12 =	vmul.f32 v12, v17  }
0x3a5: {  	v60 =	vld [tilespmem:s3+$0x0];
	v62 =	vperm.xlane v10, v6;
	v13 =	vmul.f32 v13, v19;
	[tilespmem:s3+$0x50] =	vst v11  }
0x3a6: {  	v61 =	vperm.xlane v10, v9;
	v14 =	vmul.f32 v14, v59;
	[tilespmem:s3+$0x10] =	vst v12  }
0x3a7: {  	v63 =	vmul.f32 v20, v62;
	v11 =	vperm.xlane v10, v8;
	[tilespmem:s3+$0x20] =	vst v13  }
0x3a8: {  	v10 =	vperm.xlane v10, v2;
	[tilespmem:s3+$0x30] =	vst v14;
	v12 =	vmul.f32 v18, v61  }
0x3a9: {  	[tilespmem:s3+$0x40] =	vst v63;
	v11 =	vmul.f32 v16, v11  }
0x3aa: {  	v10 =	vmul.f32 v60, v10;
	[tilespmem:s3+$0x70] =	vst v12  }
0x3ab: {  	[tilespmem:s3+$0x60] =	vst v11  }
0x3ac: {  	s0 =	simm.s32 $0x3;
	[tilespmem:s3+$0x0] =	vst v10  }
0x3ad: {  	_ =	swait.ge [sflag:s0], $0x50  }
0x3ae: {  	[sflag:s0] =	ssyncset.done $0x0  }
0x3af: {  	[sflag:s0] =	ssyncadd.s32 $0xFFFFFFB0  }
0x3b0: {  	s4 =	simm.s32 $0xA0;
	s0 =	rddreg [dreg:$0x2]  }
0x3b1: {  	[spmem:s0] =	stream.indirect.scatter.add.f32 [tilespmem:s24], [sflag:$0x7], $0x10, s4, s29, $0xb8;
	[tilespmem:$0x1D7E0] =	vst v63  }
0x3b2: {  	s10 =	rddreg [dreg:$0x3]  }
0x3b3: {  	[spmem:s10] =	stream.indirect.scatter.add.f32 [tilespmem:s26], [sflag:$0x7], $0x80, s4, s29, $0xb8;
	[tilespmem:$0x1D7E0] =	vst v63  }
0x3b4: {  	_ =	swait.ge [sflag:s1], $0x500  }
0x3b5: {  	[sflag:s1] =	ssyncset.done $0x0  }
0x3b6: {  	[sflag:s1] =	ssyncadd.s32 $0xFFFFFB00  }
0x3b7: {  	_ =	swait.ge [sflag:s1], $0x2800  }
0x3b8: {  	[sflag:s1] =	ssyncset.done $0x0  }
0x3b9: {  	[sflag:s1] =	ssyncadd.s32 $0xFFFFD800  }
0x3ba: {  	[bflag:$0x0] =	sbarrier.arrive $0xFFFF  }
0x3bb: {  	s16 =	rddreg [dreg:$0xe]  }
0x3bc: {  	[tilespmem:s24], [sflag:$0x9] =	stream.linear.gather [spmem:s16], $0x500, $0x38;
	[tilespmem:$0x1D7E0] =	vst v63  }
0x3bd: {  	_ =	swait.ge [sflag:s25], $0x500  }
0x3be: {  	[sflag:s25] =	ssyncset.done $0x0  }
0x3bf: {  	s30 =	sadd.s32 $0x0, s23;
	[sflag:s25] =	ssyncadd.s32 $0xFFFFFB00  }
0x3c0: {  	[hbm4b:s30+s5] =	stream.linear.scatter [tilespmem:s24], [sflag:$0x9], $0x500, $0x38;
	[tilespmem:$0x1D7E0] =	vst v63  }
0x3c1: {  	_ =	swait.ge [sflag:s25], $0x500  }
0x3c2: {  	[sflag:s25] =	ssyncset.done $0x0  }
0x3c3: {  	[sflag:s25] =	ssyncadd.s32 $0xFFFFFB00  }
0x3c4: {  	[tilespmem:s26], [sflag:$0x9] =	stream.linear.gather [spmem:s31], $0x2800, $0x38;
	[tilespmem:$0x1D7E0] =	vst v63  }
0x3c5: {  	_ =	swait.ge [sflag:s25], $0x2800  }
0x3c6: {  	[sflag:s25] =	ssyncset.done $0x0  }
0x3c7: {  	s10 =	rddreg [dreg:$0xf];
	[sflag:s25] =	ssyncadd.s32 $0xFFFFD800  }
0x3c8: {  	[hbm4b:s10+s5] =	stream.linear.scatter [tilespmem:s26], [sflag:$0x9], $0x2800, $0x38;
	[tilespmem:$0x1D7E0] =	vst v63  }
0x3c9: {  	s21 =	simm.s32 $0xA0;
	s0 =	simm.s32 $0xA0;
	_ =	swait.ge [sflag:s25], $0x2800  }
0x3ca: {  	s4 =	smov.u32 s31;
	s3 =	sadd.s32 $0x500, s16;
	[sflag:s25] =	ssyncset.done $0x0  }
.LBB2_19:
0x3cb: {  	[sflag:s25] =	ssyncadd.s32 $0xFFFFD800  }
0x3cc: {  	s4 =	sadd.s32 $0x2800, s4;
	s10 =	sadd.s32 $0x500, s10;
	s16 =	smov.u32 s0  }
0x3cd: {  	[tilespmem:s24], [sflag:$0x9] =	stream.linear.gather [spmem:s3], $0x500, $0x38;
	[tilespmem:$0x1D7E0] =	vst v63  }
0x3ce: {  	p0 =	sne.s32 s0, $0x460;
	s0 =	sadd.s32 $0xA0, s0;
	_ =	swait.ge [sflag:s25], $0x500  }
0x3cf: {  	[sflag:s25] =	ssyncset.done $0x0  }
0x3d0: {  	s16 =	sadd.s32 s16, s23;
	[sflag:s25] =	ssyncadd.s32 $0xFFFFFB00  }
0x3d1: {  	[hbm4b:s16+s5] =	stream.linear.scatter [tilespmem:s24], [sflag:$0x9], $0x500, $0x38;
	[tilespmem:$0x1D7E0] =	vst v63  }
0x3d2: {  	_ =	swait.ge [sflag:s25], $0x500  }
0x3d3: {  	[sflag:s25] =	ssyncset.done $0x0  }
0x3d4: {  	[sflag:s25] =	ssyncadd.s32 $0xFFFFFB00  }
0x3d5: {  	[tilespmem:s26], [sflag:$0x9] =	stream.linear.gather [spmem:s4], $0x2800, $0x38;
	[tilespmem:$0x1D7E0] =	vst v63  }
0x3d6: {  	_ =	swait.ge [sflag:s25], $0x2800  }
.Ltmp9:
0x3d7: {  	[sflag:s25] =	ssyncset.done $0x0;
	(pc) =	sbr.rel @p0 .LBB2_19-.Ltmp9, $4  }
0x3d8: {  	[sflag:s25] =	ssyncadd.s32 $0xFFFFD800  }
0x3d9: {  	[hbm4b:s10+s5] =	stream.linear.scatter [tilespmem:s26], [sflag:$0x9], $0x2800, $0x38;
	[tilespmem:$0x1D7E0] =	vst v63  }
0x3da: {  	_ =	swait.ge [sflag:s25], $0x2800  }
0x3db: {  	s3 =	sadd.s32 $0x500, s3;
	[sflag:s25] =	ssyncset.done $0x0  }
0x3dc: {  	s3 =	rddreg [dreg:$0x10]  }
0x3dd: {  	s0 =	rddreg [dreg:$0xb];
	s3 =	sadd.s32 $0x1, s3  }
0x3de: {  	p0 =	sne.s32 s3, s0  }
.Ltmp10:
0x3df: {  	_ = 	snop;
	(pc) =	sbr.rel @p0 .LBB2_1-.Ltmp10, $2  }
0x3e0: {  	_ =	sdelay $0x2  }
0x3e1: {  	[sflag:s25] =	ssyncadd.s32 $0xFFFFD800  }
0x3e2: {  	_ =	sfence.sel $0x180000  }
0x3e3: {  	[bflag:$0x0] =	sbarrier.arrive $0xFFFF  }
0x3e4: {  	_ =	strace $0x90000047  }
0x3e5: {  	s0 =	stileid.u32;
	[bflag:$0x2] =	sbarrier.arrive $0xFFFF  }
0x3e6: {  	p0 =	sne.s32 s0, $0x0;
	s0 =	rddreg [dreg:$0x4]  }
0x3e7: {  	s0 =	sadd.s32 @!p0 $0x100000, s0  }
0x3e8: {  	[sflag:s0] =	ssyncadd.tile.s32 @!p0 $0x1;
	_ =	shalt  }
.Lfunc_end2:
_tile_overlayer_lowered:
.L_overlay_start_2:
0x3e9: {  	(tag) =	ssettag $0x2  }
0x3ea: {  	s0 =	rddreg [dreg:$0x0];
	s2 =	stileid.u32  }
0x3eb: {  	s1 =	rddreg [dreg:$0x1];
	p0 =	sne.s32 s2, $0x0  }
0x3ec: {  	s3 =	rddreg [dreg:$0x2];
	[bflag:$0x3] =	sbarrier.arrive $0xFFFF;
	s2 =	simm.s32 @!p0 $0x1C09  }
0x3ed: {  	[timem:s3], [sflag:s2] =	dma.local @!p0 [hbm:s0], s1  }
0x3ee: {  	s0 =	simm.s32 @!p0 $0x9  }
0x3ef: {  	_ =	swait.ge @!p0 [sflag:s0], s1  }
0x3f0: {  	s1 =	ssub.s32 @!p0 $0x0, s1;
	[sflag:s0] =	ssyncset.done @!p0 $0x0  }
0x3f1: {  	[sflag:s0] =	ssyncadd.s32 @!p0 s1  }
0x3f2: {  	[bflag:$0x3] =	sbarrier.arrive $0xFFFF  }
0x3f3: {  	_ =	shalt  }

</sc_bundles>
